<compile_context>
chip_gen: v7x
topology: tpu7x:2x2x1
jax: 0.10.2.dev20260603
libtpu: 0.0.44.dev20260713+nightly
codegen_flags: <defaults>
</compile_context>

<pallas_src>
import functools

import jax
import jax.numpy as jnp
from jax import lax
from jax.experimental import pallas as pl
from jax.experimental.pallas import tpu as pltpu
from jax.experimental.pallas import tpu_sc as plsc

N = 10000
E = 320000
D = 128
L = 2
T = 2
M = 10240
RPS = M // 16
BLK = 128
NBLK = E // BLK
NW = 32
QB = 80
NBLKP = NW * QB
EPAD = NBLKP * BLK - E
INNER = 10

@functools.cache
def _mesh():
    return plsc.VectorSubcoreMesh(core_axis_name="c", subcore_axis_name="s")



def _conv_body(y_hbm, src_hbm, dst_hbm, out_hbm, acc, sidx_all, didx_all,
               dblk, rows_a, rows_b, sem_a, sem_b, sem_i):
    c = lax.axis_index("c")
    s = lax.axis_index("s")
    wid = c * 16 + s
    base_e = wid * QB * BLK

    nch = RPS // BLK
    for k in range(nch):
        r0 = s * RPS + k * BLK
        pltpu.sync_copy(y_hbm.at[pl.ds(r0, BLK)], rows_a)
        pltpu.sync_copy(rows_a, acc.at[pl.ds(r0, BLK)])
    plsc.subcore_barrier()

    HQ = QB // 2
    HE = HQ * BLK

    def blk(b, carry):
        for i in range(BLK // 16):
            dblk[pl.ds(i * 16, 16)] = didx_all[pl.ds(b * BLK + i * 16, 16)]
        g = pltpu.async_copy(
            y_hbm.at[sidx_all.at[pl.ds(b * BLK, BLK)]], rows_a, sem_a)
        g.wait()
        pltpu.sync_copy(rows_a, acc.at[dblk], add=True)
        return carry

    for half in range(2):
        pltpu.sync_copy(src_hbm.at[pl.ds(base_e + half * HE, HE)], sidx_all)
        pltpu.sync_copy(dst_hbm.at[pl.ds(base_e + half * HE, HE)], didx_all)
        lax.fori_loop(0, HQ, blk, 0)
    plsc.subcore_barrier()

    for k in range(nch):
        r0 = s * RPS + k * BLK
        pltpu.sync_copy(acc.at[pl.ds(r0, BLK)], rows_a)
        pltpu.sync_copy(rows_a, out_hbm.at[c, pl.ds(r0, BLK)])


@jax.jit
def _conv_sc(y, src_blk, dst_blk):
    return pl.kernel(
        _conv_body,
        out_type=jax.ShapeDtypeStruct((2, M, D), jnp.float32),
        mesh=_mesh(),
        scratch_types=[
            pltpu.VMEM_SHARED((M, D), jnp.float32),
            pltpu.VMEM((QB // 2 * BLK,), jnp.int32),
            pltpu.VMEM((QB // 2 * BLK,), jnp.int32),
            pltpu.VMEM((BLK,), jnp.int32),
            pltpu.VMEM((BLK, D), jnp.float32),
            pltpu.VMEM((BLK, D), jnp.float32),
            pltpu.SemaphoreType.DMA,
            pltpu.SemaphoreType.DMA,
            pltpu.SemaphoreType.DMA,
        ],
    )(y, src_blk, dst_blk)



def _deg_body(dst0_hbm, dst1_hbm, out_hbm, acc0, acc1, ones_v, didx, iov,
              d0_all, d1_all):
    c = lax.axis_index("c")
    s = lax.axis_index("s")
    wid = c * 16 + s
    base_e = wid * QB * BLK

    for i in range(BLK):
        ones_v[i] = jnp.ones((16,), jnp.float32)
        iov[i] = jnp.zeros((16,), jnp.float32)
    for k in range(RPS // BLK):
        r0 = s * RPS + k * BLK
        pltpu.sync_copy(iov, acc0.at[pl.ds(r0, BLK)])
        pltpu.sync_copy(iov, acc1.at[pl.ds(r0, BLK)])
    pltpu.sync_copy(dst0_hbm.at[pl.ds(base_e, QB * BLK)], d0_all)
    pltpu.sync_copy(dst1_hbm.at[pl.ds(base_e, QB * BLK)], d1_all)
    plsc.subcore_barrier()

    def blk(b, carry):
        for i in range(BLK // 16):
            didx[pl.ds(i * 16, 16)] = d0_all[pl.ds(b * BLK + i * 16, 16)]
        pltpu.sync_copy(ones_v, acc0.at[didx], add=True)
        for i in range(BLK // 16):
            didx[pl.ds(i * 16, 16)] = d1_all[pl.ds(b * BLK + i * 16, 16)]
        pltpu.sync_copy(ones_v, acc1.at[didx], add=True)
        return carry

    lax.fori_loop(0, QB, blk, 0)
    plsc.subcore_barrier()

    for k in range(RPS // BLK):
        r0 = s * RPS + k * BLK
        pltpu.sync_copy(acc0.at[pl.ds(r0, BLK)], iov)
        pltpu.sync_copy(iov, out_hbm.at[c, 0, pl.ds(r0, BLK)])
        pltpu.sync_copy(acc1.at[pl.ds(r0, BLK)], iov)
        pltpu.sync_copy(iov, out_hbm.at[c, 1, pl.ds(r0, BLK)])


@jax.jit
def _deg_sc(dst0, dst1):
    return pl.kernel(
        _deg_body,
        out_type=jax.ShapeDtypeStruct((2, 2, M, 16), jnp.float32),
        mesh=_mesh(),
        scratch_types=[
            pltpu.VMEM_SHARED((M, 16), jnp.float32),
            pltpu.VMEM_SHARED((M, 16), jnp.float32),
            pltpu.VMEM((BLK, 16), jnp.float32),
            pltpu.VMEM((BLK,), jnp.int32),
            pltpu.VMEM((BLK, 16), jnp.float32),
            pltpu.VMEM((QB * BLK,), jnp.int32),
            pltpu.VMEM((QB * BLK,), jnp.int32),
        ],
    )(dst0, dst1)



def _dinv_body(da_ref, out_ref):
    d0 = da_ref[0, 0] + da_ref[1, 0]
    out_ref[0] = lax.rsqrt(jnp.sum(d0, axis=1, keepdims=True) + 1.0)
    d1 = da_ref[0, 1] + da_ref[1, 1]
    out_ref[1] = lax.rsqrt(jnp.sum(d1, axis=1, keepdims=True) + 1.0)


@jax.jit
def _dinv_tc(degacc):
    return pl.pallas_call(
        _dinv_body,
        out_shape=jax.ShapeDtypeStruct((2, M, 1), jnp.float32),
    )(degacc)



MR = M // BLK


def _row_of(I128, col):
    return jnp.sum(I128 * col, axis=0, keepdims=True)


def _col_of(I128, row):
    return jnp.sum(I128 * row, axis=1, keepdims=True)


def _dense_common(h, dinvc, p_col, Wl, wih, whh, bih, bhh, wout_ref, yout_ref):
    f32 = jnp.float32
    i32 = jnp.int32
    K = jnp.float32(D)

    inv = lax.rsqrt(jnp.sum(p_col * p_col))
    scol = jnp.dot(h, p_col, preferred_element_type=f32) * inv

    bcol = lax.bitcast_convert_type(scol, i32)
    skey = bcol ^ ((bcol >> 31) & jnp.int32(0x7FFFFFFF))
    ridc = lax.broadcasted_iota(i32, (M, 1), 0)
    skey = jnp.where(ridc < N, skey, jnp.int32(-2**31))
    ucol = lax.bitcast_convert_type(skey ^ jnp.int32(-2**31), jnp.uint32)

    u2 = ucol.reshape(MR, BLK)

    t = jnp.uint32(0)
    for k in range(15, -1, -1):
        b1 = jnp.uint32(1 << (2 * k + 1))
        b2 = jnp.uint32(1 << (2 * k))
        n1 = jnp.sum((u2 >= (t | b1)).astype(f32))
        n2 = jnp.sum((u2 >= (t | b2)).astype(f32))
        n3 = jnp.sum((u2 >= (t | b1 | b2)).astype(f32))
        t = jnp.where(n1 >= K, t | b1, t)
        nn = jnp.where(n1 >= K, n3, n2)
        t = jnp.where(nn >= K, t | b2, t)

    gt = (u2 > t).astype(f32)
    eq = (u2 == t).astype(f32)
    need = K - jnp.sum(gt)

    iA = lax.broadcasted_iota(i32, (BLK, BLK), 0)
    iB = lax.broadcasted_iota(i32, (BLK, BLK), 1)
    U = (iA <= iB).astype(f32)
    I128 = (iA == iB).astype(f32)
    rA = lax.broadcasted_iota(i32, (MR, MR), 0)
    rB = lax.broadcasted_iota(i32, (MR, MR), 1)
    Ls = (rB < rA).astype(f32)
    ones_col = jnp.ones((BLK, 1), f32)

    eq_in = jnp.dot(eq, U, preferred_element_type=f32)
    eq_off = jnp.dot(Ls, jnp.dot(eq, ones_col, preferred_element_type=f32),
                     preferred_element_type=f32)
    eq_ex = eq_off + eq_in - eq
    sel = gt + eq * (eq_ex < need).astype(f32)

    s_in = jnp.dot(sel, U, preferred_element_type=f32)
    s_off = jnp.dot(Ls, jnp.dot(sel, ones_col, preferred_element_type=f32),
                    preferred_element_type=f32)
    slot = s_off + s_in - 1.0

    khiM = (ucol >> jnp.uint32(16)).astype(f32)
    kloM = (ucol & jnp.uint32(0xFFFF)).astype(f32)
    gixM = ridc.astype(f32)

    slot_f = slot.reshape(1, M)
    sel_f = sel.reshape(1, M)
    sS = lax.broadcasted_iota(i32, (BLK, M), 0).astype(f32)
    P = (sS == slot_f).astype(f32) * sel_f

    A = jnp.concatenate([h, khiM, kloM, gixM], axis=1)
    Xa = jnp.dot(P, A, preferred_element_type=f32)

    h_sel = Xa[:, :D]
    kh = Xa[:, D:D + 1]
    kl = Xa[:, D + 1:D + 2]
    gx = Xa[:, D + 2:D + 3]
    kh_r = _row_of(I128, kh)
    kl_r = _row_of(I128, kl)
    gx_r = _row_of(I128, gx)

    beats = jnp.logical_or(kh_r > kh, jnp.logical_and(kh_r == kh, kl_r > kl))
    eqk = jnp.logical_and(kh_r == kh, kl_r == kl)
    tie = jnp.logical_and(eqk, gx_r < gx)
    rank = jnp.sum(beats.astype(f32) + tie.astype(f32), axis=1, keepdims=True)

    rank_r = _row_of(I128, rank)
    sQ = lax.broadcasted_iota(i32, (BLK, BLK), 0).astype(f32)
    Q = (sQ == rank_r).astype(f32)
    Xs = jnp.dot(Q, Xa, preferred_element_type=f32)

    ui = (Xs[:, D:D + 1].astype(i32) << 16) | Xs[:, D + 1:D + 2].astype(i32)
    sk = ui ^ jnp.int32(-2**31)
    sb = jnp.where(sk < 0, sk ^ jnp.int32(0x7FFFFFFF), sk)
    vals = lax.bitcast_convert_type(sb, f32)
    X_tilde = Xs[:, :D] * jnp.tanh(vals)

    gi = jnp.dot(X_tilde, wih.T, preferred_element_type=f32) + bih
    gh = jnp.dot(Wl, whh.T, preferred_element_type=f32) + bhh
    r_ = jax.nn.sigmoid(gi[:, :D] + gh[:, :D])
    z_ = jax.nn.sigmoid(gi[:, D:2 * D] + gh[:, D:2 * D])
    n_ = jnp.tanh(gi[:, 2 * D:] + r_ * gh[:, 2 * D:])
    w_new = (1.0 - z_) * n_ + z_ * Wl

    wout_ref[...] = w_new
    yout_ref[...] = jnp.dot(h, w_new, preferred_element_type=f32) * dinvc


def _dense_a_body(h_ref, dinvc_ref, W_ref, p_ref, wih_ref, whh_ref,
                  bih_ref, bhh_ref, wout_ref, yout_ref):
    _dense_common(h_ref[...], dinvc_ref[...], p_ref[...], W_ref[...],
                  wih_ref[...], whh_ref[...], bih_ref[...], bhh_ref[...],
                  wout_ref, yout_ref)


def _dense_b_body(acc_ref, yprev_ref, dinvp_ref, dinvc_ref, W_ref, p_ref,
                  wih_ref, whh_ref, bih_ref, bhh_ref, wout_ref, yout_ref):
    h = dinvp_ref[...] * (acc_ref[0] + acc_ref[1] - yprev_ref[...])
    _dense_common(h, dinvc_ref[...], p_ref[...], W_ref[...],
                  wih_ref[...], whh_ref[...], bih_ref[...], bhh_ref[...],
                  wout_ref, yout_ref)


_dense_out = (jax.ShapeDtypeStruct((D, D), jnp.float32),
              jax.ShapeDtypeStruct((M, D), jnp.float32))


def _dense_a(h, dinvc, Wl, p_l, wih, whh, bih, bhh):
    return pl.pallas_call(_dense_a_body, out_shape=_dense_out)(
        h, dinvc, Wl, p_l.reshape(D, 1), wih, whh,
        bih.reshape(1, 3 * D), bhh.reshape(1, 3 * D))


def _dense_b(acc, yprev, dinvp, dinvc, Wl, p_l, wih, whh, bih, bhh):
    return pl.pallas_call(_dense_b_body, out_shape=_dense_out)(
        acc, yprev, dinvp, dinvc, Wl, p_l.reshape(D, 1), wih, whh,
        bih.reshape(1, 3 * D), bhh.reshape(1, 3 * D))


def _post_body(acc_ref, y_ref, dinv_ref, out_ref):
    out_ref[...] = dinv_ref[...] * (acc_ref[0] + acc_ref[1] - y_ref[...])


def _post_tc(acc, y, dinv):
    return pl.pallas_call(
        _post_body,
        out_shape=jax.ShapeDtypeStruct((M, D), jnp.float32),
    )(acc, y, dinv)



def kernel(x_t0, x_t1, edge_index_t0, edge_index_t1, W_init, p, w_ih, w_hh, b_ih, b_hh):
    pad = ((0, M - N), (0, 0))
    xs = [jnp.pad(x_t0, pad), jnp.pad(x_t1, pad)]
    padv = (N + jnp.arange(EPAD, dtype=jnp.int32) % (M - N))

    def _blockify(v):
        return jnp.concatenate([v, padv])

    srcs = [_blockify(edge_index_t0[0]), _blockify(edge_index_t1[0])]
    dsts = [_blockify(edge_index_t0[1]), _blockify(edge_index_t1[1])]

    degacc = _deg_sc(dsts[0], dsts[1])
    dinv = _dinv_tc(degacc)

    Ws = [W_init[l] for l in range(L)]
    for t in range(T):
        Ws[0], Y = _dense_a(xs[t], dinv[t], Ws[0], p[0],
                            w_ih[0], w_hh[0], b_ih[0], b_hh[0])
        acc = _conv_sc(Y, srcs[t], dsts[t])
        Ws[1], Y = _dense_b(acc, Y, dinv[t], dinv[t], Ws[1], p[1],
                            w_ih[1], w_hh[1], b_ih[1], b_hh[1])
        if t == T - 1:
            acc = _conv_sc(Y, srcs[t], dsts[t])
    out = _post_tc(acc, Y, dinv[T - 1])
    return out[:N]

# --- scband reference (transcript-rebuilt; emitter-appended) ---
"""Pipeline reference for scband-evolve-gcn-h-model-26809185862158 (READ-ONLY COPY).

The authoritative reference and input builder live on the scoring server;
editing this copy changes nothing except your own understanding.
"""

import jax, jax.numpy as jnp
import numpy as np

N = 10000
E = 320000
D = 128
L = 2
T = 2


def topk_pool(X, p, k):
    # TopKPooling: score = X @ p / ||p||, select top-k nodes, gate by tanh(score)
    score = X @ p / jnp.linalg.norm(p)
    vals, idx = jax.lax.top_k(score, k)
    return X[idx] * jnp.tanh(vals)[:, None]


def gru_step(x, h, w_ih, w_hh, b_ih, b_hh):
    # single-step PyTorch-style GRU cell; batch dim = rows of the evolved weight
    gi = x @ w_ih.T + b_ih
    gh = h @ w_hh.T + b_hh
    i_r, i_z, i_n = jnp.split(gi, 3, axis=1)
    h_r, h_z, h_n = jnp.split(gh, 3, axis=1)
    r = jax.nn.sigmoid(i_r + h_r)
    z = jax.nn.sigmoid(i_z + h_z)
    n = jnp.tanh(i_n + r * h_n)
    return (1.0 - z) * n + z * h


def gcn_conv_fixed_w(X, W, edge_index):
    # GCN with externally-supplied (evolved) weight: D^{-1/2}(A+I)D^{-1/2} (X W)
    Xp = X @ W
    n = X.shape[0]
    loop = jnp.arange(n, dtype=edge_index.dtype)
    src = jnp.concatenate([edge_index[0], loop])
    dst = jnp.concatenate([edge_index[1], loop])
    deg = jnp.zeros((n,), Xp.dtype).at[dst].add(1.0)
    dinv = jax.lax.rsqrt(jnp.maximum(deg, 1.0))
    norm = dinv[src] * dinv[dst]
    msg = Xp[src] * norm[:, None]
    return jnp.zeros_like(Xp).at[dst].add(msg)


def setup_inputs(seed: int = 0):
    key = jax.random.key(seed)
    ks = jax.random.split(key, 10)
    s = 1.0 / np.sqrt(D)
    inp = {}
    inp["x_t0"] = jax.random.normal(ks[0], (N, D), dtype=jnp.float32)
    inp["x_t1"] = jax.random.normal(ks[1], (N, D), dtype=jnp.float32)
    inp["edge_index_t0"] = jax.random.randint(ks[2], (2, E), 0, N).astype(jnp.int32)
    inp["edge_index_t1"] = jax.random.randint(ks[3], (2, E), 0, N).astype(jnp.int32)
    # learned params (per EvolveGCNH layer, stacked over L layers)
    inp["W_init"] = jax.random.normal(ks[4], (L, D, D), dtype=jnp.float32) * s
    inp["p"] = jax.random.normal(ks[5], (L, D), dtype=jnp.float32)
    inp["w_ih"] = jax.random.uniform(ks[6], (L, 3 * D, D), minval=-s, maxval=s, dtype=jnp.float32)
    inp["w_hh"] = jax.random.uniform(ks[7], (L, 3 * D, D), minval=-s, maxval=s, dtype=jnp.float32)
    inp["b_ih"] = jax.random.uniform(ks[8], (L, 3 * D), minval=-s, maxval=s, dtype=jnp.float32)
    inp["b_hh"] = jax.random.uniform(ks[9], (L, 3 * D), minval=-s, maxval=s, dtype=jnp.float32)
    return inp


def reference(x_t0, x_t1, edge_index_t0, edge_index_t1, W_init, p, w_ih, w_hh, b_ih, b_hh):
    xs = [x_t0, x_t1]
    eis = [edge_index_t0, edge_index_t1]
    Ws = [W_init[l] for l in range(L)]
    out = None
    for t in range(T):
        h = xs[t]
        for l in range(L):
            X_tilde = topk_pool(h, p[l], D)
            Ws[l] = gru_step(X_tilde, Ws[l], w_ih[l], w_hh[l], b_ih[l], b_hh[l])
            h = gcn_conv_fixed_w(h, Ws[l], eis[t])
        out = h  # dropout p=0.0 -> identity
    return out

if __name__ == "__main__":
    import jax
    _d = setup_inputs()
    print(jax.jit(kernel)(*tuple(_d.values())))

</pallas_src>

<mosaic_0001>
#map = affine_map<(d0, d1) -> (0)>
#map1 = affine_map<(d0, d1) -> (0, 0, 0, 0)>
module attributes {stable_mosaic.version = 14 : i64} {
  func.func @_deg_body(%arg0: i32, %arg1: i32, %arg2: memref<327680xi32, #tpu.memory_space<hbm>>, %arg3: memref<327680xi32, #tpu.memory_space<hbm>>, %arg4: memref<2x2x10240x16xf32, #tpu.memory_space<hbm>>, %arg5: memref<10240x16xf32, #tpu.memory_space<vmem_shared>>, %arg6: memref<10240x16xf32, #tpu.memory_space<vmem_shared>>, %arg7: memref<128x16xf32, #tpu.memory_space<vmem>>, %arg8: memref<128xi32, #tpu.memory_space<vmem>>, %arg9: memref<128x16xf32, #tpu.memory_space<vmem>>, %arg10: memref<10240xi32, #tpu.memory_space<vmem>>, %arg11: memref<10240xi32, #tpu.memory_space<vmem>>) attributes {dimension_semantics = [#tpu.dimension_semantics<core_parallel>, #tpu.dimension_semantics<subcore_parallel>], iteration_bounds = array<i64: 2, 16>, scalar_prefetch = 0 : i64, scratch_operands = 7 : i64, tpu.core_type = #tpu.core_type<sc_vector_subcore>, window_params = [{transform_indices = #map}, {transform_indices = #map}, {transform_indices = #map1}]} {
    %mul3A = arith.constant 16 : i32
    %mul3A_0 = arith.muli %arg0, %mul3A : i32
    %add3A = arith.addi %mul3A_0, %arg1 : i32
    %mul3A_1 = arith.constant 80 : i32
    %mul3A_2 = arith.muli %add3A, %mul3A_1 : i32
    %mul3A_3 = arith.constant 128 : i32
    %mul3A_4 = arith.muli %mul3A_2, %mul3A_3 : i32
    %broadcast_in_dim3A = arith.constant 1.000000e+00 : f32
    %broadcast_in_dim3A_5 = vector.broadcast %broadcast_in_dim3A : f32 to vector<16xf32>
    %swap3A = arith.constant 0 : i32
    %swap3A_6 = arith.index_cast %swap3A : i32 to index
    %swap3A_7 = arith.constant 0 : index
    %swap3A_8 = tpu.vector_load %arg7[%swap3A_6, %swap3A_7] {strides = array<i32>} : memref<128x16xf32, #tpu.memory_space<vmem>>, vector<1x16xf32>,
    %swap3A_9 = vector.shape_cast %swap3A_8 : vector<1x16xf32> to vector<16xf32>
    %swap3A_10 = vector.shape_cast %broadcast_in_dim3A_5 : vector<16xf32> to vector<1x16xf32>
    tpu.vector_store %arg7[%swap3A_6, %swap3A_7], %swap3A_10 {strides = array<i32>} : memref<128x16xf32, #tpu.memory_space<vmem>>, vector<1x16xf32>,
    %broadcast_in_dim3A_11 = arith.constant 0.000000e+00 : f32
    %broadcast_in_dim3A_12 = vector.broadcast %broadcast_in_dim3A_11 : f32 to vector<16xf32>
    %swap3A_13 = arith.constant 0 : i32
    %swap3A_14 = arith.index_cast %swap3A_13 : i32 to index
    %swap3A_15 = arith.constant 0 : index
    %swap3A_16 = tpu.vector_load %arg9[%swap3A_14, %swap3A_15] {strides = array<i32>} : memref<128x16xf32, #tpu.memory_space<vmem>>, vector<1x16xf32>,
    %swap3A_17 = vector.shape_cast %swap3A_16 : vector<1x16xf32> to vector<16xf32>
    %swap3A_18 = vector.shape_cast %broadcast_in_dim3A_12 : vector<16xf32> to vector<1x16xf32>
    tpu.vector_store %arg9[%swap3A_14, %swap3A_15], %swap3A_18 {strides = array<i32>} : memref<128x16xf32, #tpu.memory_space<vmem>>, vector<1x16xf32>,
    %broadcast_in_dim3A_19 = arith.constant 1.000000e+00 : f32
    %broadcast_in_dim3A_20 = vector.broadcast %broadcast_in_dim3A_19 : f32 to vector<16xf32>
    %swap3A_21 = arith.constant 1 : i32
    %swap3A_22 = arith.index_cast %swap3A_21 : i32 to index
    %swap3A_23 = arith.constant 0 : index
    %swap3A_24 = tpu.vector_load %arg7[%swap3A_22, %swap3A_23] {strides = array<i32>} : memref<128x16xf32, #tpu.memory_space<vmem>>, vector<1x16xf32>,
    %swap3A_25 = vector.shape_cast %swap3A_24 : vector<1x16xf32> to vector<16xf32>
    %swap3A_26 = vector.shape_cast %broadcast_in_dim3A_20 : vector<16xf32> to vector<1x16xf32>
    tpu.vector_store %arg7[%swap3A_22, %swap3A_23], %swap3A_26 {strides = array<i32>} : memref<128x16xf32, #tpu.memory_space<vmem>>, vector<1x16xf32>,
    %broadcast_in_dim3A_27 = arith.constant 0.000000e+00 : f32
    %broadcast_in_dim3A_28 = vector.broadcast %broadcast_in_dim3A_27 : f32 to vector<16xf32>
    %swap3A_29 = arith.constant 1 : i32
    %swap3A_30 = arith.index_cast %swap3A_29 : i32 to index
    %swap3A_31 = arith.constant 0 : index
    %swap3A_32 = tpu.vector_load %arg9[%swap3A_30, %swap3A_31] {strides = array<i32>} : memref<128x16xf32, #tpu.memory_space<vmem>>, vector<1x16xf32>,
    %swap3A_33 = vector.shape_cast %swap3A_32 : vector<1x16xf32> to vector<16xf32>
    %swap3A_34 = vector.shape_cast %broadcast_in_dim3A_28 : vector<16xf32> to vector<1x16xf32>
    tpu.vector_store %arg9[%swap3A_30, %swap3A_31], %swap3A_34 {strides = array<i32>} : memref<128x16xf32, #tpu.memory_space<vmem>>, vector<1x16xf32>,
    %broadcast_in_dim3A_35 = arith.constant 1.000000e+00 : f32
    %broadcast_in_dim3A_36 = vector.broadcast %broadcast_in_dim3A_35 : f32 to vector<16xf32>
    %swap3A_37 = arith.constant 2 : i32
    %swap3A_38 = arith.index_cast %swap3A_37 : i32 to index
    %swap3A_39 = arith.constant 0 : index
    %swap3A_40 = tpu.vector_load %arg7[%swap3A_38, %swap3A_39] {strides = array<i32>} : memref<128x16xf32, #tpu.memory_space<vmem>>, vector<1x16xf32>,
    %swap3A_41 = vector.shape_cast %swap3A_40 : vector<1x16xf32> to vector<16xf32>
    %swap3A_42 = vector.shape_cast %broadcast_in_dim3A_36 : vector<16xf32> to vector<1x16xf32>
    tpu.vector_store %arg7[%swap3A_38, %swap3A_39], %swap3A_42 {strides = array<i32>} : memref<128x16xf32, #tpu.memory_space<vmem>>, vector<1x16xf32>,
    %broadcast_in_dim3A_43 = arith.constant 0.000000e+00 : f32
    %broadcast_in_dim3A_44 = vector.broadcast %broadcast_in_dim3A_43 : f32 to vector<16xf32>
    %swap3A_45 = arith.constant 2 : i32
    %swap3A_46 = arith.index_cast %swap3A_45 : i32 to index
    %swap3A_47 = arith.constant 0 : index
    %swap3A_48 = tpu.vector_load %arg9[%swap3A_46, %swap3A_47] {strides = array<i32>} : memref<128x16xf32, #tpu.memory_space<vmem>>, vector<1x16xf32>,
    %swap3A_49 = vector.shape_cast %swap3A_48 : vector<1x16xf32> to vector<16xf32>
    %swap3A_50 = vector.shape_cast %broadcast_in_dim3A_44 : vector<16xf32> to vector<1x16xf32>
    tpu.vector_store %arg9[%swap3A_46, %swap3A_47], %swap3A_50 {strides = array<i32>} : memref<128x16xf32, #tpu.memory_space<vmem>>, vector<1x16xf32>,
    %broadcast_in_dim3A_51 = arith.constant 1.000000e+00 : f32
    %broadcast_in_dim3A_52 = vector.broadcast %broadcast_in_dim3A_51 : f32 to vector<16xf32>
    %swap3A_53 = arith.constant 3 : i32
    %swap3A_54 = arith.index_cast %swap3A_53 : i32 to index
    %swap3A_55 = arith.constant 0 : index
    %swap3A_56 = tpu.vector_load %arg7[%swap3A_54, %swap3A_55] {strides = array<i32>} : memref<128x16xf32, #tpu.memory_space<vmem>>, vector<1x16xf32>,
    %swap3A_57 = vector.shape_cast %swap3A_56 : vector<1x16xf32> to vector<16xf32>
    %swap3A_58 = vector.shape_cast %broadcast_in_dim3A_52 : vector<16xf32> to vector<1x16xf32>
    tpu.vector_store %arg7[%swap3A_54, %swap3A_55], %swap3A_58 {strides = array<i32>} : memref<128x16xf32, #tpu.memory_space<vmem>>, vector<1x16xf32>,
    %broadcast_in_dim3A_59 = arith.constant 0.000000e+00 : f32
    %broadcast_in_dim3A_60 = vector.broadcast %broadcast_in_dim3A_59 : f32 to vector<16xf32>
    %swap3A_61 = arith.constant 3 : i32
    %swap3A_62 = arith.index_cast %swap3A_61 : i32 to index
    %swap3A_63 = arith.constant 0 : index
    %swap3A_64 = tpu.vector_load %arg9[%swap3A_62, %swap3A_63] {strides = array<i32>} : memref<128x16xf32, #tpu.memory_space<vmem>>, vector<1x16xf32>,
    %swap3A_65 = vector.shape_cast %swap3A_64 : vector<1x16xf32> to vector<16xf32>
    %swap3A_66 = vector.shape_cast %broadcast_in_dim3A_60 : vector<16xf32> to vector<1x16xf32>
    tpu.vector_store %arg9[%swap3A_62, %swap3A_63], %swap3A_66 {strides = array<i32>} : memref<128x16xf32, #tpu.memory_space<vmem>>, vector<1x16xf32>,
    %broadcast_in_dim3A_67 = arith.constant 1.000000e+00 : f32
    %broadcast_in_dim3A_68 = vector.broadcast %broadcast_in_dim3A_67 : f32 to vector<16xf32>
    %swap3A_69 = arith.constant 4 : i32
    %swap3A_70 = arith.index_cast %swap3A_69 : i32 to index
    %swap3A_71 = arith.constant 0 : index
    %swap3A_72 = tpu.vector_load %arg7[%swap3A_70, %swap3A_71] {strides = array<i32>} : memref<128x16xf32, #tpu.memory_space<vmem>>, vector<1x16xf32>,
    %swap3A_73 = vector.shape_cast %swap3A_72 : vector<1x16xf32> to vector<16xf32>
    %swap3A_74 = vector.shape_cast %broadcast_in_dim3A_68 : vector<16xf32> to vector<1x16xf32>
    tpu.vector_store %arg7[%swap3A_70, %swap3A_71], %swap3A_74 {strides = array<i32>} : memref<128x16xf32, #tpu.memory_space<vmem>>, vector<1x16xf32>,
    %broadcast_in_dim3A_75 = arith.constant 0.000000e+00 : f32
    %broadcast_in_dim3A_76 = vector.broadcast %broadcast_in_dim3A_75 : f32 to vector<16xf32>
    %swap3A_77 = arith.constant 4 : i32
    %swap3A_78 = arith.index_cast %swap3A_77 : i32 to index
    %swap3A_79 = arith.constant 0 : index
    %swap3A_80 = tpu.vector_load %arg9[%swap3A_78, %swap3A_79] {strides = array<i32>} : memref<128x16xf32, #tpu.memory_space<vmem>>, vector<1x16xf32>,
    %swap3A_81 = vector.shape_cast %swap3A_80 : vector<1x16xf32> to vector<16xf32>
    %swap3A_82 = vector.shape_cast %broadcast_in_dim3A_76 : vector<16xf32> to vector<1x16xf32>
    tpu.vector_store %arg9[%swap3A_78, %swap3A_79], %swap3A_82 {strides = array<i32>} : memref<128x16xf32, #tpu.memory_space<vmem>>, vector<1x16xf32>,
    %broadcast_in_dim3A_83 = arith.constant 1.000000e+00 : f32
    %broadcast_in_dim3A_84 = vector.broadcast %broadcast_in_dim3A_83 : f32 to vector<16xf32>
    %swap3A_85 = arith.constant 5 : i32
    %swap3A_86 = arith.index_cast %swap3A_85 : i32 to index
    %swap3A_87 = arith.constant 0 : index
    %swap3A_88 = tpu.vector_load %arg7[%swap3A_86, %swap3A_87] {strides = array<i32>} : memref<128x16xf32, #tpu.memory_space<vmem>>, vector<1x16xf32>,
    %swap3A_89 = vector.shape_cast %swap3A_88 : vector<1x16xf32> to vector<16xf32>
    %swap3A_90 = vector.shape_cast %broadcast_in_dim3A_84 : vector<16xf32> to vector<1x16xf32>
    tpu.vector_store %arg7[%swap3A_86, %swap3A_87], %swap3A_90 {strides = array<i32>} : memref<128x16xf32, #tpu.memory_space<vmem>>, vector<1x16xf32>,
    %broadcast_in_dim3A_91 = arith.constant 0.000000e+00 : f32
    %broadcast_in_dim3A_92 = vector.broadcast %broadcast_in_dim3A_91 : f32 to vector<16xf32>
    %swap3A_93 = arith.constant 5 : i32
    %swap3A_94 = arith.index_cast %swap3A_93 : i32 to index
    %swap3A_95 = arith.constant 0 : index
    %swap3A_96 = tpu.vector_load %arg9[%swap3A_94, %swap3A_95] {strides = array<i32>} : memref<128x16xf32, #tpu.memory_space<vmem>>, vector<1x16xf32>,
    %swap3A_97 = vector.shape_cast %swap3A_96 : vector<1x16xf32> to vector<16xf32>
    %swap3A_98 = vector.shape_cast %broadcast_in_dim3A_92 : vector<16xf32> to vector<1x16xf32>
    tpu.vector_store %arg9[%swap3A_94, %swap3A_95], %swap3A_98 {strides = array<i32>} : memref<128x16xf32, #tpu.memory_space<vmem>>, vector<1x16xf32>,
    %broadcast_in_dim3A_99 = arith.constant 1.000000e+00 : f32
    %broadcast_in_dim3A_100 = vector.broadcast %broadcast_in_dim3A_99 : f32 to vector<16xf32>
    %swap3A_101 = arith.constant 6 : i32
    %swap3A_102 = arith.index_cast %swap3A_101 : i32 to index
    %swap3A_103 = arith.constant 0 : index
    %swap3A_104 = tpu.vector_load %arg7[%swap3A_102, %swap3A_103] {strides = array<i32>} : memref<128x16xf32, #tpu.memory_space<vmem>>, vector<1x16xf32>,
    %swap3A_105 = vector.shape_cast %swap3A_104 : vector<1x16xf32> to vector<16xf32>
    %swap3A_106 = vector.shape_cast %broadcast_in_dim3A_100 : vector<16xf32> to vector<1x16xf32>
    tpu.vector_store %arg7[%swap3A_102, %swap3A_103], %swap3A_106 {strides = array<i32>} : memref<128x16xf32, #tpu.memory_space<vmem>>, vector<1x16xf32>,
    %broadcast_in_dim3A_107 = arith.constant 0.000000e+00 : f32
    %broadcast_in_dim3A_108 = vector.broadcast %broadcast_in_dim3A_107 : f32 to vector<16xf32>
    %swap3A_109 = arith.constant 6 : i32
    %swap3A_110 = arith.index_cast %swap3A_109 : i32 to index
    %swap3A_111 = arith.constant 0 : index
    %swap3A_112 = tpu.vector_load %arg9[%swap3A_110, %swap3A_111] {strides = array<i32>} : memref<128x16xf32, #tpu.memory_space<vmem>>, vector<1x16xf32>,
    %swap3A_113 = vector.shape_cast %swap3A_112 : vector<1x16xf32> to vector<16xf32>
    %swap3A_114 = vector.shape_cast %broadcast_in_dim3A_108 : vector<16xf32> to vector<1x16xf32>
    tpu.vector_store %arg9[%swap3A_110, %swap3A_111], %swap3A_114 {strides = array<i32>} : memref<128x16xf32, #tpu.memory_space<vmem>>, vector<1x16xf32>,
    %broadcast_in_dim3A_115 = arith.constant 1.000000e+00 : f32
    %broadcast_in_dim3A_116 = vector.broadcast %broadcast_in_dim3A_115 : f32 to vector<16xf32>
    %swap3A_117 = arith.constant 7 : i32
    %swap3A_118 = arith.index_cast %swap3A_117 : i32 to index
    %swap3A_119 = arith.constant 0 : index
    %swap3A_120 = tpu.vector_load %arg7[%swap3A_118, %swap3A_119] {strides = array<i32>} : memref<128x16xf32, #tpu.memory_space<vmem>>, vector<1x16xf32>,
    %swap3A_121 = vector.shape_cast %swap3A_120 : vector<1x16xf32> to vector<16xf32>
    %swap3A_122 = vector.shape_cast %broadcast_in_dim3A_116 : vector<16xf32> to vector<1x16xf32>
    tpu.vector_store %arg7[%swap3A_118, %swap3A_119], %swap3A_122 {strides = array<i32>} : memref<128x16xf32, #tpu.memory_space<vmem>>, vector<1x16xf32>,
    %broadcast_in_dim3A_123 = arith.constant 0.000000e+00 : f32
    %broadcast_in_dim3A_124 = vector.broadcast %broadcast_in_dim3A_123 : f32 to vector<16xf32>
    %swap3A_125 = arith.constant 7 : i32
    %swap3A_126 = arith.index_cast %swap3A_125 : i32 to index
    %swap3A_127 = arith.constant 0 : index
    %swap3A_128 = tpu.vector_load %arg9[%swap3A_126, %swap3A_127] {strides = array<i32>} : memref<128x16xf32, #tpu.memory_space<vmem>>, vector<1x16xf32>,
    %swap3A_129 = vector.shape_cast %swap3A_128 : vector<1x16xf32> to vector<16xf32>
    %swap3A_130 = vector.shape_cast %broadcast_in_dim3A_124 : vector<16xf32> to vector<1x16xf32>
    tpu.vector_store %arg9[%swap3A_126, %swap3A_127], %swap3A_130 {strides = array<i32>} : memref<128x16xf32, #tpu.memory_space<vmem>>, vector<1x16xf32>,
    %broadcast_in_dim3A_131 = arith.constant 1.000000e+00 : f32
    %broadcast_in_dim3A_132 = vector.broadcast %broadcast_in_dim3A_131 : f32 to vector<16xf32>
    %swap3A_133 = arith.constant 8 : i32
    %swap3A_134 = arith.index_cast %swap3A_133 : i32 to index
    %swap3A_135 = arith.constant 0 : index
    %swap3A_136 = tpu.vector_load %arg7[%swap3A_134, %swap3A_135] {strides = array<i32>} : memref<128x16xf32, #tpu.memory_space<vmem>>, vector<1x16xf32>,
    %swap3A_137 = vector.shape_cast %swap3A_136 : vector<1x16xf32> to vector<16xf32>
    %swap3A_138 = vector.shape_cast %broadcast_in_dim3A_132 : vector<16xf32> to vector<1x16xf32>
    tpu.vector_store %arg7[%swap3A_134, %swap3A_135], %swap3A_138 {strides = array<i32>} : memref<128x16xf32, #tpu.memory_space<vmem>>, vector<1x16xf32>,
    %broadcast_in_dim3A_139 = arith.constant 0.000000e+00 : f32
    %broadcast_in_dim3A_140 = vector.broadcast %broadcast_in_dim3A_139 : f32 to vector<16xf32>
    %swap3A_141 = arith.constant 8 : i32
    %swap3A_142 = arith.index_cast %swap3A_141 : i32 to index
    %swap3A_143 = arith.constant 0 : index
    %swap3A_144 = tpu.vector_load %arg9[%swap3A_142, %swap3A_143] {strides = array<i32>} : memref<128x16xf32, #tpu.memory_space<vmem>>, vector<1x16xf32>,
    %swap3A_145 = vector.shape_cast %swap3A_144 : vector<1x16xf32> to vector<16xf32>
    %swap3A_146 = vector.shape_cast %broadcast_in_dim3A_140 : vector<16xf32> to vector<1x16xf32>
    tpu.vector_store %arg9[%swap3A_142, %swap3A_143], %swap3A_146 {strides = array<i32>} : memref<128x16xf32, #tpu.memory_space<vmem>>, vector<1x16xf32>,
    %broadcast_in_dim3A_147 = arith.constant 1.000000e+00 : f32
    %broadcast_in_dim3A_148 = vector.broadcast %broadcast_in_dim3A_147 : f32 to vector<16xf32>
    %swap3A_149 = arith.constant 9 : i32
    %swap3A_150 = arith.index_cast %swap3A_149 : i32 to index
    %swap3A_151 = arith.constant 0 : index
    %swap3A_152 = tpu.vector_load %arg7[%swap3A_150, %swap3A_151] {strides = array<i32>} : memref<128x16xf32, #tpu.memory_space<vmem>>, vector<1x16xf32>,
    %swap3A_153 = vector.shape_cast %swap3A_152 : vector<1x16xf32> to vector<16xf32>
    %swap3A_154 = vector.shape_cast %broadcast_in_dim3A_148 : vector<16xf32> to vector<1x16xf32>
    tpu.vector_store %arg7[%swap3A_150, %swap3A_151], %swap3A_154 {strides = array<i32>} : memref<128x16xf32, #tpu.memory_space<vmem>>, vector<1x16xf32>,
    %broadcast_in_dim3A_155 = arith.constant 0.000000e+00 : f32
    %broadcast_in_dim3A_156 = vector.broadcast %broadcast_in_dim3A_155 : f32 to vector<16xf32>
    %swap3A_157 = arith.constant 9 : i32
    %swap3A_158 = arith.index_cast %swap3A_157 : i32 to index
    %swap3A_159 = arith.constant 0 : index
    %swap3A_160 = tpu.vector_load %arg9[%swap3A_158, %swap3A_159] {strides = array<i32>} : memref<128x16xf32, #tpu.memory_space<vmem>>, vector<1x16xf32>,
    %swap3A_161 = vector.shape_cast %swap3A_160 : vector<1x16xf32> to vector<16xf32>
    %swap3A_162 = vector.shape_cast %broadcast_in_dim3A_156 : vector<16xf32> to vector<1x16xf32>
    tpu.vector_store %arg9[%swap3A_158, %swap3A_159], %swap3A_162 {strides = array<i32>} : memref<128x16xf32, #tpu.memory_space<vmem>>, vector<1x16xf32>,
    %broadcast_in_dim3A_163 = arith.constant 1.000000e+00 : f32
    %broadcast_in_dim3A_164 = vector.broadcast %broadcast_in_dim3A_163 : f32 to vector<16xf32>
    %swap3A_165 = arith.constant 10 : i32
    %swap3A_166 = arith.index_cast %swap3A_165 : i32 to index
    %swap3A_167 = arith.constant 0 : index
    %swap3A_168 = tpu.vector_load %arg7[%swap3A_166, %swap3A_167] {strides = array<i32>} : memref<128x16xf32, #tpu.memory_space<vmem>>, vector<1x16xf32>,
    %swap3A_169 = vector.shape_cast %swap3A_168 : vector<1x16xf32> to vector<16xf32>
    %swap3A_170 = vector.shape_cast %broadcast_in_dim3A_164 : vector<16xf32> to vector<1x16xf32>
    tpu.vector_store %arg7[%swap3A_166, %swap3A_167], %swap3A_170 {strides = array<i32>} : memref<128x16xf32, #tpu.memory_space<vmem>>, vector<1x16xf32>,
    %broadcast_in_dim3A_171 = arith.constant 0.000000e+00 : f32
    %broadcast_in_dim3A_172 = vector.broadcast %broadcast_in_dim3A_171 : f32 to vector<16xf32>
    %swap3A_173 = arith.constant 10 : i32
    %swap3A_174 = arith.index_cast %swap3A_173 : i32 to index
    %swap3A_175 = arith.constant 0 : index
    %swap3A_176 = tpu.vector_load %arg9[%swap3A_174, %swap3A_175] {strides = array<i32>} : memref<128x16xf32, #tpu.memory_space<vmem>>, vector<1x16xf32>,
    %swap3A_177 = vector.shape_cast %swap3A_176 : vector<1x16xf32> to vector<16xf32>
    %swap3A_178 = vector.shape_cast %broadcast_in_dim3A_172 : vector<16xf32> to vector<1x16xf32>
    tpu.vector_store %arg9[%swap3A_174, %swap3A_175], %swap3A_178 {strides = array<i32>} : memref<128x16xf32, #tpu.memory_space<vmem>>, vector<1x16xf32>,
    %broadcast_in_dim3A_179 = arith.constant 1.000000e+00 : f32
    %broadcast_in_dim3A_180 = vector.broadcast %broadcast_in_dim3A_179 : f32 to vector<16xf32>
    %swap3A_181 = arith.constant 11 : i32
    %swap3A_182 = arith.index_cast %swap3A_181 : i32 to index
    %swap3A_183 = arith.constant 0 : index
    %swap3A_184 = tpu.vector_load %arg7[%swap3A_182, %swap3A_183] {strides = array<i32>} : memref<128x16xf32, #tpu.memory_space<vmem>>, vector<1x16xf32>,
    %swap3A_185 = vector.shape_cast %swap3A_184 : vector<1x16xf32> to vector<16xf32>
    %swap3A_186 = vector.shape_cast %broadcast_in_dim3A_180 : vector<16xf32> to vector<1x16xf32>
    tpu.vector_store %arg7[%swap3A_182, %swap3A_183], %swap3A_186 {strides = array<i32>} : memref<128x16xf32, #tpu.memory_space<vmem>>, vector<1x16xf32>,
    %broadcast_in_dim3A_187 = arith.constant 0.000000e+00 : f32
    %broadcast_in_dim3A_188 = vector.broadcast %broadcast_in_dim3A_187 : f32 to vector<16xf32>
    %swap3A_189 = arith.constant 11 : i32
    %swap3A_190 = arith.index_cast %swap3A_189 : i32 to index
    %swap3A_191 = arith.constant 0 : index
    %swap3A_192 = tpu.vector_load %arg9[%swap3A_190, %swap3A_191] {strides = array<i32>} : memref<128x16xf32, #tpu.memory_space<vmem>>, vector<1x16xf32>,
    %swap3A_193 = vector.shape_cast %swap3A_192 : vector<1x16xf32> to vector<16xf32>
    %swap3A_194 = vector.shape_cast %broadcast_in_dim3A_188 : vector<16xf32> to vector<1x16xf32>
    tpu.vector_store %arg9[%swap3A_190, %swap3A_191], %swap3A_194 {strides = array<i32>} : memref<128x16xf32, #tpu.memory_space<vmem>>, vector<1x16xf32>,
    %broadcast_in_dim3A_195 = arith.constant 1.000000e+00 : f32
    %broadcast_in_dim3A_196 = vector.broadcast %broadcast_in_dim3A_195 : f32 to vector<16xf32>
    %swap3A_197 = arith.constant 12 : i32
    %swap3A_198 = arith.index_cast %swap3A_197 : i32 to index
    %swap3A_199 = arith.constant 0 : index
    %swap3A_200 = tpu.vector_load %arg7[%swap3A_198, %swap3A_199] {strides = array<i32>} : memref<128x16xf32, #tpu.memory_space<vmem>>, vector<1x16xf32>,
    %swap3A_201 = vector.shape_cast %swap3A_200 : vector<1x16xf32> to vector<16xf32>
    %swap3A_202 = vector.shape_cast %broadcast_in_dim3A_196 : vector<16xf32> to vector<1x16xf32>
    tpu.vector_store %arg7[%swap3A_198, %swap3A_199], %swap3A_202 {strides = array<i32>} : memref<128x16xf32, #tpu.memory_space<vmem>>, vector<1x16xf32>,
    %broadcast_in_dim3A_203 = arith.constant 0.000000e+00 : f32
    %broadcast_in_dim3A_204 = vector.broadcast %broadcast_in_dim3A_203 : f32 to vector<16xf32>
    %swap3A_205 = arith.constant 12 : i32
    %swap3A_206 = arith.index_cast %swap3A_205 : i32 to index
    %swap3A_207 = arith.constant 0 : index
    %swap3A_208 = tpu.vector_load %arg9[%swap3A_206, %swap3A_207] {strides = array<i32>} : memref<128x16xf32, #tpu.memory_space<vmem>>, vector<1x16xf32>,
    %swap3A_209 = vector.shape_cast %swap3A_208 : vector<1x16xf32> to vector<16xf32>
    %swap3A_210 = vector.shape_cast %broadcast_in_dim3A_204 : vector<16xf32> to vector<1x16xf32>
    tpu.vector_store %arg9[%swap3A_206, %swap3A_207], %swap3A_210 {strides = array<i32>} : memref<128x16xf32, #tpu.memory_space<vmem>>, vector<1x16xf32>,
    %broadcast_in_dim3A_211 = arith.constant 1.000000e+00 : f32
    %broadcast_in_dim3A_212 = vector.broadcast %broadcast_in_dim3A_211 : f32 to vector<16xf32>
    %swap3A_213 = arith.constant 13 : i32
    %swap3A_214 = arith.index_cast %swap3A_213 : i32 to index
    %swap3A_215 = arith.constant 0 : index
    %swap3A_216 = tpu.vector_load %arg7[%swap3A_214, %swap3A_215] {strides = array<i32>} : memref<128x16xf32, #tpu.memory_space<vmem>>, vector<1x16xf32>,
    %swap3A_217 = vector.shape_cast %swap3A_216 : vector<1x16xf32> to vector<16xf32>
    %swap3A_218 = vector.shape_cast %broadcast_in_dim3A_212 : vector<16xf32> to vector<1x16xf32>
    tpu.vector_store %arg7[%swap3A_214, %swap3A_215], %swap3A_218 {strides = array<i32>} : memref<128x16xf32, #tpu.memory_space<vmem>>, vector<1x16xf32>,
    %broadcast_in_dim3A_219 = arith.constant 0.000000e+00 : f32
    %broadcast_in_dim3A_220 = vector.broadcast %broadcast_in_dim3A_219 : f32 to vector<16xf32>
    %swap3A_221 = arith.constant 13 : i32
    %swap3A_222 = arith.index_cast %swap3A_221 : i32 to index
    %swap3A_223 = arith.constant 0 : index
    %swap3A_224 = tpu.vector_load %arg9[%swap3A_222, %swap3A_223] {strides = array<i32>} : memref<128x16xf32, #tpu.memory_space<vmem>>, vector<1x16xf32>,
    %swap3A_225 = vector.shape_cast %swap3A_224 : vector<1x16xf32> to vector<16xf32>
    %swap3A_226 = vector.shape_cast %broadcast_in_dim3A_220 : vector<16xf32> to vector<1x16xf32>
    tpu.vector_store %arg9[%swap3A_222, %swap3A_223], %swap3A_226 {strides = array<i32>} : memref<128x16xf32, #tpu.memory_space<vmem>>, vector<1x16xf32>,
    %broadcast_in_dim3A_227 = arith.constant 1.000000e+00 : f32
    %broadcast_in_dim3A_228 = vector.broadcast %broadcast_in_dim3A_227 : f32 to vector<16xf32>
    %swap3A_229 = arith.constant 14 : i32
    %swap3A_230 = arith.index_cast %swap3A_229 : i32 to index
    %swap3A_231 = arith.constant 0 : index
    %swap3A_232 = tpu.vector_load %arg7[%swap3A_230, %swap3A_231] {strides = array<i32>} : memref<128x16xf32, #tpu.memory_space<vmem>>, vector<1x16xf32>,
    %swap3A_233 = vector.shape_cast %swap3A_232 : vector<1x16xf32> to vector<16xf32>
    %swap3A_234 = vector.shape_cast %broadcast_in_dim3A_228 : vector<16xf32> to vector<1x16xf32>
    tpu.vector_store %arg7[%swap3A_230, %swap3A_231], %swap3A_234 {strides = array<i32>} : memref<128x16xf32, #tpu.memory_space<vmem>>, vector<1x16xf32>,
    %broadcast_in_dim3A_235 = arith.constant 0.000000e+00 : f32
    %broadcast_in_dim3A_236 = vector.broadcast %broadcast_in_dim3A_235 : f32 to vector<16xf32>
    %swap3A_237 = arith.constant 14 : i32
    %swap3A_238 = arith.index_cast %swap3A_237 : i32 to index
    %swap3A_239 = arith.constant 0 : index
    %swap3A_240 = tpu.vector_load %arg9[%swap3A_238, %swap3A_239] {strides = array<i32>} : memref<128x16xf32, #tpu.memory_space<vmem>>, vector<1x16xf32>,
    %swap3A_241 = vector.shape_cast %swap3A_240 : vector<1x16xf32> to vector<16xf32>
    %swap3A_242 = vector.shape_cast %broadcast_in_dim3A_236 : vector<16xf32> to vector<1x16xf32>
    tpu.vector_store %arg9[%swap3A_238, %swap3A_239], %swap3A_242 {strides = array<i32>} : memref<128x16xf32, #tpu.memory_space<vmem>>, vector<1x16xf32>,
    %broadcast_in_dim3A_243 = arith.constant 1.000000e+00 : f32
    %broadcast_in_dim3A_244 = vector.broadcast %broadcast_in_dim3A_243 : f32 to vector<16xf32>
    %swap3A_245 = arith.constant 15 : i32
    %swap3A_246 = arith.index_cast %swap3A_245 : i32 to index
    %swap3A_247 = arith.constant 0 : index
    %swap3A_248 = tpu.vector_load %arg7[%swap3A_246, %swap3A_247] {strides = array<i32>} : memref<128x16xf32, #tpu.memory_space<vmem>>, vector<1x16xf32>,
    %swap3A_249 = vector.shape_cast %swap3A_248 : vector<1x16xf32> to vector<16xf32>
    %swap3A_250 = vector.shape_cast %broadcast_in_dim3A_244 : vector<16xf32> to vector<1x16xf32>
    tpu.vector_store %arg7[%swap3A_246, %swap3A_247], %swap3A_250 {strides = array<i32>} : memref<128x16xf32, #tpu.memory_space<vmem>>, vector<1x16xf32>,
    %broadcast_in_dim3A_251 = arith.constant 0.000000e+00 : f32
    %broadcast_in_dim3A_252 = vector.broadcast %broadcast_in_dim3A_251 : f32 to vector<16xf32>
    %swap3A_253 = arith.constant 15 : i32
    %swap3A_254 = arith.index_cast %swap3A_253 : i32 to index
    %swap3A_255 = arith.constant 0 : index
    %swap3A_256 = tpu.vector_load %arg9[%swap3A_254, %swap3A_255] {strides = array<i32>} : memref<128x16xf32, #tpu.memory_space<vmem>>, vector<1x16xf32>,
    %swap3A_257 = vector.shape_cast %swap3A_256 : vector<1x16xf32> to vector<16xf32>
    %swap3A_258 = vector.shape_cast %broadcast_in_dim3A_252 : vector<16xf32> to vector<1x16xf32>
    tpu.vector_store %arg9[%swap3A_254, %swap3A_255], %swap3A_258 {strides = array<i32>} : memref<128x16xf32, #tpu.memory_space<vmem>>, vector<1x16xf32>,
    %broadcast_in_dim3A_259 = arith.constant 1.000000e+00 : f32
    %broadcast_in_dim3A_260 = vector.broadcast %broadcast_in_dim3A_259 : f32 to vector<16xf32>
    %swap3A_261 = arith.constant 16 : i32
    %swap3A_262 = arith.index_cast %swap3A_261 : i32 to index
    %swap3A_263 = arith.constant 0 : index
    %swap3A_264 = tpu.vector_load %arg7[%swap3A_262, %swap3A_263] {strides = array<i32>} : memref<128x16xf32, #tpu.memory_space<vmem>>, vector<1x16xf32>,
    %swap3A_265 = vector.shape_cast %swap3A_264 : vector<1x16xf32> to vector<16xf32>
    %swap3A_266 = vector.shape_cast %broadcast_in_dim3A_260 : vector<16xf32> to vector<1x16xf32>
    tpu.vector_store %arg7[%swap3A_262, %swap3A_263], %swap3A_266 {strides = array<i32>} : memref<128x16xf32, #tpu.memory_space<vmem>>, vector<1x16xf32>,
    %broadcast_in_dim3A_267 = arith.constant 0.000000e+00 : f32
    %broadcast_in_dim3A_268 = vector.broadcast %broadcast_in_dim3A_267 : f32 to vector<16xf32>
    %swap3A_269 = arith.constant 16 : i32
    %swap3A_270 = arith.index_cast %swap3A_269 : i32 to index
    %swap3A_271 = arith.constant 0 : index
    %swap3A_272 = tpu.vector_load %arg9[%swap3A_270, %swap3A_271] {strides = array<i32>} : memref<128x16xf32, #tpu.memory_space<vmem>>, vector<1x16xf32>,
    %swap3A_273 = vector.shape_cast %swap3A_272 : vector<1x16xf32> to vector<16xf32>
    %swap3A_274 = vector.shape_cast %broadcast_in_dim3A_268 : vector<16xf32> to vector<1x16xf32>
    tpu.vector_store %arg9[%swap3A_270, %swap3A_271], %swap3A_274 {strides = array<i32>} : memref<128x16xf32, #tpu.memory_space<vmem>>, vector<1x16xf32>,
    %broadcast_in_dim3A_275 = arith.constant 1.000000e+00 : f32
    %broadcast_in_dim3A_276 = vector.broadcast %broadcast_in_dim3A_275 : f32 to vector<16xf32>
    %swap3A_277 = arith.constant 17 : i32
    %swap3A_278 = arith.index_cast %swap3A_277 : i32 to index
    %swap3A_279 = arith.constant 0 : index
    %swap3A_280 = tpu.vector_load %arg7[%swap3A_278, %swap3A_279] {strides = array<i32>} : memref<128x16xf32, #tpu.memory_space<vmem>>, vector<1x16xf32>,
    %swap3A_281 = vector.shape_cast %swap3A_280 : vector<1x16xf32> to vector<16xf32>
    %swap3A_282 = vector.shape_cast %broadcast_in_dim3A_276 : vector<16xf32> to vector<1x16xf32>
    tpu.vector_store %arg7[%swap3A_278, %swap3A_279], %swap3A_282 {strides = array<i32>} : memref<128x16xf32, #tpu.memory_space<vmem>>, vector<1x16xf32>,
    %broadcast_in_dim3A_283 = arith.constant 0.000000e+00 : f32
    %broadcast_in_dim3A_284 = vector.broadcast %broadcast_in_dim3A_283 : f32 to vector<16xf32>
    %swap3A_285 = arith.constant 17 : i32
    %swap3A_286 = arith.index_cast %swap3A_285 : i32 to index
    %swap3A_287 = arith.constant 0 : index
    %swap3A_288 = tpu.vector_load %arg9[%swap3A_286, %swap3A_287] {strides = array<i32>} : memref<128x16xf32, #tpu.memory_space<vmem>>, vector<1x16xf32>,
    %swap3A_289 = vector.shape_cast %swap3A_288 : vector<1x16xf32> to vector<16xf32>
    %swap3A_290 = vector.shape_cast %broadcast_in_dim3A_284 : vector<16xf32> to vector<1x16xf32>
    tpu.vector_store %arg9[%swap3A_286, %swap3A_287], %swap3A_290 {strides = array<i32>} : memref<128x16xf32, #tpu.memory_space<vmem>>, vector<1x16xf32>,
    %broadcast_in_dim3A_291 = arith.constant 1.000000e+00 : f32
    %broadcast_in_dim3A_292 = vector.broadcast %broadcast_in_dim3A_291 : f32 to vector<16xf32>
    %swap3A_293 = arith.constant 18 : i32
    %swap3A_294 = arith.index_cast %swap3A_293 : i32 to index
    %swap3A_295 = arith.constant 0 : index
    %swap3A_296 = tpu.vector_load %arg7[%swap3A_294, %swap3A_295] {strides = array<i32>} : memref<128x16xf32, #tpu.memory_space<vmem>>, vector<1x16xf32>,
    %swap3A_297 = vector.shape_cast %swap3A_296 : vector<1x16xf32> to vector<16xf32>
    %swap3A_298 = vector.shape_cast %broadcast_in_dim3A_292 : vector<16xf32> to vector<1x16xf32>
    tpu.vector_store %arg7[%swap3A_294, %swap3A_295], %swap3A_298 {strides = array<i32>} : memref<128x16xf32, #tpu.memory_space<vmem>>, vector<1x16xf32>,
    %broadcast_in_dim3A_299 = arith.constant 0.000000e+00 : f32
    %broadcast_in_dim3A_300 = vector.broadcast %broadcast_in_dim3A_299 : f32 to vector<16xf32>
    %swap3A_301 = arith.constant 18 : i32
    %swap3A_302 = arith.index_cast %swap3A_301 : i32 to index
    %swap3A_303 = arith.constant 0 : index
    %swap3A_304 = tpu.vector_load %arg9[%swap3A_302, %swap3A_303] {strides = array<i32>} : memref<128x16xf32, #tpu.memory_space<vmem>>, vector<1x16xf32>,
    %swap3A_305 = vector.shape_cast %swap3A_304 : vector<1x16xf32> to vector<16xf32>
    %swap3A_306 = vector.shape_cast %broadcast_in_dim3A_300 : vector<16xf32> to vector<1x16xf32>
    tpu.vector_store %arg9[%swap3A_302, %swap3A_303], %swap3A_306 {strides = array<i32>} : memref<128x16xf32, #tpu.memory_space<vmem>>, vector<1x16xf32>,
    %broadcast_in_dim3A_307 = arith.constant 1.000000e+00 : f32
    %broadcast_in_dim3A_308 = vector.broadcast %broadcast_in_dim3A_307 : f32 to vector<16xf32>
    %swap3A_309 = arith.constant 19 : i32
    %swap3A_310 = arith.index_cast %swap3A_309 : i32 to index
    %swap3A_311 = arith.constant 0 : index
    %swap3A_312 = tpu.vector_load %arg7[%swap3A_310, %swap3A_311] {strides = array<i32>} : memref<128x16xf32, #tpu.memory_space<vmem>>, vector<1x16xf32>,
    %swap3A_313 = vector.shape_cast %swap3A_312 : vector<1x16xf32> to vector<16xf32>
    %swap3A_314 = vector.shape_cast %broadcast_in_dim3A_308 : vector<16xf32> to vector<1x16xf32>
    tpu.vector_store %arg7[%swap3A_310, %swap3A_311], %swap3A_314 {strides = array<i32>} : memref<128x16xf32, #tpu.memory_space<vmem>>, vector<1x16xf32>,
    %broadcast_in_dim3A_315 = arith.constant 0.000000e+00 : f32
    %broadcast_in_dim3A_316 = vector.broadcast %broadcast_in_dim3A_315 : f32 to vector<16xf32>
    %swap3A_317 = arith.constant 19 : i32
    %swap3A_318 = arith.index_cast %swap3A_317 : i32 to index
    %swap3A_319 = arith.constant 0 : index
    %swap3A_320 = tpu.vector_load %arg9[%swap3A_318, %swap3A_319] {strides = array<i32>} : memref<128x16xf32, #tpu.memory_space<vmem>>, vector<1x16xf32>,
    %swap3A_321 = vector.shape_cast %swap3A_320 : vector<1x16xf32> to vector<16xf32>
    %swap3A_322 = vector.shape_cast %broadcast_in_dim3A_316 : vector<16xf32> to vector<1x16xf32>
    tpu.vector_store %arg9[%swap3A_318, %swap3A_319], %swap3A_322 {strides = array<i32>} : memref<128x16xf32, #tpu.memory_space<vmem>>, vector<1x16xf32>,
    %broadcast_in_dim3A_323 = arith.constant 1.000000e+00 : f32
    %broadcast_in_dim3A_324 = vector.broadcast %broadcast_in_dim3A_323 : f32 to vector<16xf32>
    %swap3A_325 = arith.constant 20 : i32
    %swap3A_326 = arith.index_cast %swap3A_325 : i32 to index
    %swap3A_327 = arith.constant 0 : index
    %swap3A_328 = tpu.vector_load %arg7[%swap3A_326, %swap3A_327] {strides = array<i32>} : memref<128x16xf32, #tpu.memory_space<vmem>>, vector<1x16xf32>,
    %swap3A_329 = vector.shape_cast %swap3A_328 : vector<1x16xf32> to vector<16xf32>
    %swap3A_330 = vector.shape_cast %broadcast_in_dim3A_324 : vector<16xf32> to vector<1x16xf32>
    tpu.vector_store %arg7[%swap3A_326, %swap3A_327], %swap3A_330 {strides = array<i32>} : memref<128x16xf32, #tpu.memory_space<vmem>>, vector<1x16xf32>,
    %broadcast_in_dim3A_331 = arith.constant 0.000000e+00 : f32
    %broadcast_in_dim3A_332 = vector.broadcast %broadcast_in_dim3A_331 : f32 to vector<16xf32>
    %swap3A_333 = arith.constant 20 : i32
    %swap3A_334 = arith.index_cast %swap3A_333 : i32 to index
    %swap3A_335 = arith.constant 0 : index
    %swap3A_336 = tpu.vector_load %arg9[%swap3A_334, %swap3A_335] {strides = array<i32>} : memref<128x16xf32, #tpu.memory_space<vmem>>, vector<1x16xf32>,
    %swap3A_337 = vector.shape_cast %swap3A_336 : vector<1x16xf32> to vector<16xf32>
    %swap3A_338 = vector.shape_cast %broadcast_in_dim3A_332 : vector<16xf32> to vector<1x16xf32>
    tpu.vector_store %arg9[%swap3A_334, %swap3A_335], %swap3A_338 {strides = array<i32>} : memref<128x16xf32, #tpu.memory_space<vmem>>, vector<1x16xf32>,
    %broadcast_in_dim3A_339 = arith.constant 1.000000e+00 : f32
    %broadcast_in_dim3A_340 = vector.broadcast %broadcast_in_dim3A_339 : f32 to vector<16xf32>
    %swap3A_341 = arith.constant 21 : i32
    %swap3A_342 = arith.index_cast %swap3A_341 : i32 to index
    %swap3A_343 = arith.constant 0 : index
    %swap3A_344 = tpu.vector_load %arg7[%swap3A_342, %swap3A_343] {strides = array<i32>} : memref<128x16xf32, #tpu.memory_space<vmem>>, vector<1x16xf32>,
    %swap3A_345 = vector.shape_cast %swap3A_344 : vector<1x16xf32> to vector<16xf32>
    %swap3A_346 = vector.shape_cast %broadcast_in_dim3A_340 : vector<16xf32> to vector<1x16xf32>
    tpu.vector_store %arg7[%swap3A_342, %swap3A_343], %swap3A_346 {strides = array<i32>} : memref<128x16xf32, #tpu.memory_space<vmem>>, vector<1x16xf32>,
    %broadcast_in_dim3A_347 = arith.constant 0.000000e+00 : f32
    %broadcast_in_dim3A_348 = vector.broadcast %broadcast_in_dim3A_347 : f32 to vector<16xf32>
    %swap3A_349 = arith.constant 21 : i32
    %swap3A_350 = arith.index_cast %swap3A_349 : i32 to index
    %swap3A_351 = arith.constant 0 : index
    %swap3A_352 = tpu.vector_load %arg9[%swap3A_350, %swap3A_351] {strides = array<i32>} : memref<128x16xf32, #tpu.memory_space<vmem>>, vector<1x16xf32>,
    %swap3A_353 = vector.shape_cast %swap3A_352 : vector<1x16xf32> to vector<16xf32>
    %swap3A_354 = vector.shape_cast %broadcast_in_dim3A_348 : vector<16xf32> to vector<1x16xf32>
    tpu.vector_store %arg9[%swap3A_350, %swap3A_351], %swap3A_354 {strides = array<i32>} : memref<128x16xf32, #tpu.memory_space<vmem>>, vector<1x16xf32>,
    %broadcast_in_dim3A_355 = arith.constant 1.000000e+00 : f32
    %broadcast_in_dim3A_356 = vector.broadcast %broadcast_in_dim3A_355 : f32 to vector<16xf32>
    %swap3A_357 = arith.constant 22 : i32
    %swap3A_358 = arith.index_cast %swap3A_357 : i32 to index
    %swap3A_359 = arith.constant 0 : index
    %swap3A_360 = tpu.vector_load %arg7[%swap3A_358, %swap3A_359] {strides = array<i32>} : memref<128x16xf32, #tpu.memory_space<vmem>>, vector<1x16xf32>,
    %swap3A_361 = vector.shape_cast %swap3A_360 : vector<1x16xf32> to vector<16xf32>
    %swap3A_362 = vector.shape_cast %broadcast_in_dim3A_356 : vector<16xf32> to vector<1x16xf32>
    tpu.vector_store %arg7[%swap3A_358, %swap3A_359], %swap3A_362 {strides = array<i32>} : memref<128x16xf32, #tpu.memory_space<vmem>>, vector<1x16xf32>,
    %broadcast_in_dim3A_363 = arith.constant 0.000000e+00 : f32
    %broadcast_in_dim3A_364 = vector.broadcast %broadcast_in_dim3A_363 : f32 to vector<16xf32>
    %swap3A_365 = arith.constant 22 : i32
    %swap3A_366 = arith.index_cast %swap3A_365 : i32 to index
    %swap3A_367 = arith.constant 0 : index
    %swap3A_368 = tpu.vector_load %arg9[%swap3A_366, %swap3A_367] {strides = array<i32>} : memref<128x16xf32, #tpu.memory_space<vmem>>, vector<1x16xf32>,
    %swap3A_369 = vector.shape_cast %swap3A_368 : vector<1x16xf32> to vector<16xf32>
    %swap3A_370 = vector.shape_cast %broadcast_in_dim3A_364 : vector<16xf32> to vector<1x16xf32>
    tpu.vector_store %arg9[%swap3A_366, %swap3A_367], %swap3A_370 {strides = array<i32>} : memref<128x16xf32, #tpu.memory_space<vmem>>, vector<1x16xf32>,
    %broadcast_in_dim3A_371 = arith.constant 1.000000e+00 : f32
    %broadcast_in_dim3A_372 = vector.broadcast %broadcast_in_dim3A_371 : f32 to vector<16xf32>
    %swap3A_373 = arith.constant 23 : i32
    %swap3A_374 = arith.index_cast %swap3A_373 : i32 to index
    %swap3A_375 = arith.constant 0 : index
    %swap3A_376 = tpu.vector_load %arg7[%swap3A_374, %swap3A_375] {strides = array<i32>} : memref<128x16xf32, #tpu.memory_space<vmem>>, vector<1x16xf32>,
    %swap3A_377 = vector.shape_cast %swap3A_376 : vector<1x16xf32> to vector<16xf32>
    %swap3A_378 = vector.shape_cast %broadcast_in_dim3A_372 : vector<16xf32> to vector<1x16xf32>
    tpu.vector_store %arg7[%swap3A_374, %swap3A_375], %swap3A_378 {strides = array<i32>} : memref<128x16xf32, #tpu.memory_space<vmem>>, vector<1x16xf32>,
    %broadcast_in_dim3A_379 = arith.constant 0.000000e+00 : f32
    %broadcast_in_dim3A_380 = vector.broadcast %broadcast_in_dim3A_379 : f32 to vector<16xf32>
    %swap3A_381 = arith.constant 23 : i32
    %swap3A_382 = arith.index_cast %swap3A_381 : i32 to index
    %swap3A_383 = arith.constant 0 : index
    %swap3A_384 = tpu.vector_load %arg9[%swap3A_382, %swap3A_383] {strides = array<i32>} : memref<128x16xf32, #tpu.memory_space<vmem>>, vector<1x16xf32>,
    %swap3A_385 = vector.shape_cast %swap3A_384 : vector<1x16xf32> to vector<16xf32>
    %swap3A_386 = vector.shape_cast %broadcast_in_dim3A_380 : vector<16xf32> to vector<1x16xf32>
    tpu.vector_store %arg9[%swap3A_382, %swap3A_383], %swap3A_386 {strides = array<i32>} : memref<128x16xf32, #tpu.memory_space<vmem>>, vector<1x16xf32>,
    %broadcast_in_dim3A_387 = arith.constant 1.000000e+00 : f32
    %broadcast_in_dim3A_388 = vector.broadcast %broadcast_in_dim3A_387 : f32 to vector<16xf32>
    %swap3A_389 = arith.constant 24 : i32
    %swap3A_390 = arith.index_cast %swap3A_389 : i32 to index
    %swap3A_391 = arith.constant 0 : index
    %swap3A_392 = tpu.vector_load %arg7[%swap3A_390, %swap3A_391] {strides = array<i32>} : memref<128x16xf32, #tpu.memory_space<vmem>>, vector<1x16xf32>,
    %swap3A_393 = vector.shape_cast %swap3A_392 : vector<1x16xf32> to vector<16xf32>
    %swap3A_394 = vector.shape_cast %broadcast_in_dim3A_388 : vector<16xf32> to vector<1x16xf32>
    tpu.vector_store %arg7[%swap3A_390, %swap3A_391], %swap3A_394 {strides = array<i32>} : memref<128x16xf32, #tpu.memory_space<vmem>>, vector<1x16xf32>,
    %broadcast_in_dim3A_395 = arith.constant 0.000000e+00 : f32
    %broadcast_in_dim3A_396 = vector.broadcast %broadcast_in_dim3A_395 : f32 to vector<16xf32>
    %swap3A_397 = arith.constant 24 : i32
    %swap3A_398 = arith.index_cast %swap3A_397 : i32 to index
    %swap3A_399 = arith.constant 0 : index
    %swap3A_400 = tpu.vector_load %arg9[%swap3A_398, %swap3A_399] {strides = array<i32>} : memref<128x16xf32, #tpu.memory_space<vmem>>, vector<1x16xf32>,
    %swap3A_401 = vector.shape_cast %swap3A_400 : vector<1x16xf32> to vector<16xf32>
    %swap3A_402 = vector.shape_cast %broadcast_in_dim3A_396 : vector<16xf32> to vector<1x16xf32>
    tpu.vector_store %arg9[%swap3A_398, %swap3A_399], %swap3A_402 {strides = array<i32>} : memref<128x16xf32, #tpu.memory_space<vmem>>, vector<1x16xf32>,
    %broadcast_in_dim3A_403 = arith.constant 1.000000e+00 : f32
    %broadcast_in_dim3A_404 = vector.broadcast %broadcast_in_dim3A_403 : f32 to vector<16xf32>
    %swap3A_405 = arith.constant 25 : i32
    %swap3A_406 = arith.index_cast %swap3A_405 : i32 to index
    %swap3A_407 = arith.constant 0 : index
    %swap3A_408 = tpu.vector_load %arg7[%swap3A_406, %swap3A_407] {strides = array<i32>} : memref<128x16xf32, #tpu.memory_space<vmem>>, vector<1x16xf32>,
    %swap3A_409 = vector.shape_cast %swap3A_408 : vector<1x16xf32> to vector<16xf32>
    %swap3A_410 = vector.shape_cast %broadcast_in_dim3A_404 : vector<16xf32> to vector<1x16xf32>
    tpu.vector_store %arg7[%swap3A_406, %swap3A_407], %swap3A_410 {strides = array<i32>} : memref<128x16xf32, #tpu.memory_space<vmem>>, vector<1x16xf32>,
    %broadcast_in_dim3A_411 = arith.constant 0.000000e+00 : f32
    %broadcast_in_dim3A_412 = vector.broadcast %broadcast_in_dim3A_411 : f32 to vector<16xf32>
    %swap3A_413 = arith.constant 25 : i32
    %swap3A_414 = arith.index_cast %swap3A_413 : i32 to index
    %swap3A_415 = arith.constant 0 : index
    %swap3A_416 = tpu.vector_load %arg9[%swap3A_414, %swap3A_415] {strides = array<i32>} : memref<128x16xf32, #tpu.memory_space<vmem>>, vector<1x16xf32>,
    %swap3A_417 = vector.shape_cast %swap3A_416 : vector<1x16xf32> to vector<16xf32>
    %swap3A_418 = vector.shape_cast %broadcast_in_dim3A_412 : vector<16xf32> to vector<1x16xf32>
    tpu.vector_store %arg9[%swap3A_414, %swap3A_415], %swap3A_418 {strides = array<i32>} : memref<128x16xf32, #tpu.memory_space<vmem>>, vector<1x16xf32>,
    %broadcast_in_dim3A_419 = arith.constant 1.000000e+00 : f32
    %broadcast_in_dim3A_420 = vector.broadcast %broadcast_in_dim3A_419 : f32 to vector<16xf32>
    %swap3A_421 = arith.constant 26 : i32
    %swap3A_422 = arith.index_cast %swap3A_421 : i32 to index
    %swap3A_423 = arith.constant 0 : index
    %swap3A_424 = tpu.vector_load %arg7[%swap3A_422, %swap3A_423] {strides = array<i32>} : memref<128x16xf32, #tpu.memory_space<vmem>>, vector<1x16xf32>,
    %swap3A_425 = vector.shape_cast %swap3A_424 : vector<1x16xf32> to vector<16xf32>
    %swap3A_426 = vector.shape_cast %broadcast_in_dim3A_420 : vector<16xf32> to vector<1x16xf32>
    tpu.vector_store %arg7[%swap3A_422, %swap3A_423], %swap3A_426 {strides = array<i32>} : memref<128x16xf32, #tpu.memory_space<vmem>>, vector<1x16xf32>,
    %broadcast_in_dim3A_427 = arith.constant 0.000000e+00 : f32
    %broadcast_in_dim3A_428 = vector.broadcast %broadcast_in_dim3A_427 : f32 to vector<16xf32>
    %swap3A_429 = arith.constant 26 : i32
    %swap3A_430 = arith.index_cast %swap3A_429 : i32 to index
    %swap3A_431 = arith.constant 0 : index
    %swap3A_432 = tpu.vector_load %arg9[%swap3A_430, %swap3A_431] {strides = array<i32>} : memref<128x16xf32, #tpu.memory_space<vmem>>, vector<1x16xf32>,
    %swap3A_433 = vector.shape_cast %swap3A_432 : vector<1x16xf32> to vector<16xf32>
    %swap3A_434 = vector.shape_cast %broadcast_in_dim3A_428 : vector<16xf32> to vector<1x16xf32>
    tpu.vector_store %arg9[%swap3A_430, %swap3A_431], %swap3A_434 {strides = array<i32>} : memref<128x16xf32, #tpu.memory_space<vmem>>, vector<1x16xf32>,
    %broadcast_in_dim3A_435 = arith.constant 1.000000e+00 : f32
    %broadcast_in_dim3A_436 = vector.broadcast %broadcast_in_dim3A_435 : f32 to vector<16xf32>
    %swap3A_437 = arith.constant 27 : i32
    %swap3A_438 = arith.index_cast %swap3A_437 : i32 to index
    %swap3A_439 = arith.constant 0 : index
    %swap3A_440 = tpu.vector_load %arg7[%swap3A_438, %swap3A_439] {strides = array<i32>} : memref<128x16xf32, #tpu.memory_space<vmem>>, vector<1x16xf32>,
    %swap3A_441 = vector.shape_cast %swap3A_440 : vector<1x16xf32> to vector<16xf32>
    %swap3A_442 = vector.shape_cast %broadcast_in_dim3A_436 : vector<16xf32> to vector<1x16xf32>
    tpu.vector_store %arg7[%swap3A_438, %swap3A_439], %swap3A_442 {strides = array<i32>} : memref<128x16xf32, #tpu.memory_space<vmem>>, vector<1x16xf32>,
    %broadcast_in_dim3A_443 = arith.constant 0.000000e+00 : f32
    %broadcast_in_dim3A_444 = vector.broadcast %broadcast_in_dim3A_443 : f32 to vector<16xf32>
    %swap3A_445 = arith.constant 27 : i32
    %swap3A_446 = arith.index_cast %swap3A_445 : i32 to index
    %swap3A_447 = arith.constant 0 : index
    %swap3A_448 = tpu.vector_load %arg9[%swap3A_446, %swap3A_447] {strides = array<i32>} : memref<128x16xf32, #tpu.memory_space<vmem>>, vector<1x16xf32>,
    %swap3A_449 = vector.shape_cast %swap3A_448 : vector<1x16xf32> to vector<16xf32>
    %swap3A_450 = vector.shape_cast %broadcast_in_dim3A_444 : vector<16xf32> to vector<1x16xf32>
    tpu.vector_store %arg9[%swap3A_446, %swap3A_447], %swap3A_450 {strides = array<i32>} : memref<128x16xf32, #tpu.memory_space<vmem>>, vector<1x16xf32>,
    %broadcast_in_dim3A_451 = arith.constant 1.000000e+00 : f32
    %broadcast_in_dim3A_452 = vector.broadcast %broadcast_in_dim3A_451 : f32 to vector<16xf32>
    %swap3A_453 = arith.constant 28 : i32
    %swap3A_454 = arith.index_cast %swap3A_453 : i32 to index
    %swap3A_455 = arith.constant 0 : index
    %swap3A_456 = tpu.vector_load %arg7[%swap3A_454, %swap3A_455] {strides = array<i32>} : memref<128x16xf32, #tpu.memory_space<vmem>>, vector<1x16xf32>,
    %swap3A_457 = vector.shape_cast %swap3A_456 : vector<1x16xf32> to vector<16xf32>
    %swap3A_458 = vector.shape_cast %broadcast_in_dim3A_452 : vector<16xf32> to vector<1x16xf32>
    tpu.vector_store %arg7[%swap3A_454, %swap3A_455], %swap3A_458 {strides = array<i32>} : memref<128x16xf32, #tpu.memory_space<vmem>>, vector<1x16xf32>,
    %broadcast_in_dim3A_459 = arith.constant 0.000000e+00 : f32
    %broadcast_in_dim3A_460 = vector.broadcast %broadcast_in_dim3A_459 : f32 to vector<16xf32>
    %swap3A_461 = arith.constant 28 : i32
    %swap3A_462 = arith.index_cast %swap3A_461 : i32 to index
    %swap3A_463 = arith.constant 0 : index
    %swap3A_464 = tpu.vector_load %arg9[%swap3A_462, %swap3A_463] {strides = array<i32>} : memref<128x16xf32, #tpu.memory_space<vmem>>, vector<1x16xf32>,
    %swap3A_465 = vector.shape_cast %swap3A_464 : vector<1x16xf32> to vector<16xf32>
    %swap3A_466 = vector.shape_cast %broadcast_in_dim3A_460 : vector<16xf32> to vector<1x16xf32>
    tpu.vector_store %arg9[%swap3A_462, %swap3A_463], %swap3A_466 {strides = array<i32>} : memref<128x16xf32, #tpu.memory_space<vmem>>, vector<1x16xf32>,
    %broadcast_in_dim3A_467 = arith.constant 1.000000e+00 : f32
    %broadcast_in_dim3A_468 = vector.broadcast %broadcast_in_dim3A_467 : f32 to vector<16xf32>
    %swap3A_469 = arith.constant 29 : i32
    %swap3A_470 = arith.index_cast %swap3A_469 : i32 to index
    %swap3A_471 = arith.constant 0 : index
    %swap3A_472 = tpu.vector_load %arg7[%swap3A_470, %swap3A_471] {strides = array<i32>} : memref<128x16xf32, #tpu.memory_space<vmem>>, vector<1x16xf32>,
    %swap3A_473 = vector.shape_cast %swap3A_472 : vector<1x16xf32> to vector<16xf32>
    %swap3A_474 = vector.shape_cast %broadcast_in_dim3A_468 : vector<16xf32> to vector<1x16xf32>
    tpu.vector_store %arg7[%swap3A_470, %swap3A_471], %swap3A_474 {strides = array<i32>} : memref<128x16xf32, #tpu.memory_space<vmem>>, vector<1x16xf32>,
    %broadcast_in_dim3A_475 = arith.constant 0.000000e+00 : f32
    %broadcast_in_dim3A_476 = vector.broadcast %broadcast_in_dim3A_475 : f32 to vector<16xf32>
    %swap3A_477 = arith.constant 29 : i32
    %swap3A_478 = arith.index_cast %swap3A_477 : i32 to index
    %swap3A_479 = arith.constant 0 : index
    %swap3A_480 = tpu.vector_load %arg9[%swap3A_478, %swap3A_479] {strides = array<i32>} : memref<128x16xf32, #tpu.memory_space<vmem>>, vector<1x16xf32>,
    %swap3A_481 = vector.shape_cast %swap3A_480 : vector<1x16xf32> to vector<16xf32>
    %swap3A_482 = vector.shape_cast %broadcast_in_dim3A_476 : vector<16xf32> to vector<1x16xf32>
    tpu.vector_store %arg9[%swap3A_478, %swap3A_479], %swap3A_482 {strides = array<i32>} : memref<128x16xf32, #tpu.memory_space<vmem>>, vector<1x16xf32>,
    %broadcast_in_dim3A_483 = arith.constant 1.000000e+00 : f32
    %broadcast_in_dim3A_484 = vector.broadcast %broadcast_in_dim3A_483 : f32 to vector<16xf32>
    %swap3A_485 = arith.constant 30 : i32
    %swap3A_486 = arith.index_cast %swap3A_485 : i32 to index
    %swap3A_487 = arith.constant 0 : index
    %swap3A_488 = tpu.vector_load %arg7[%swap3A_486, %swap3A_487] {strides = array<i32>} : memref<128x16xf32, #tpu.memory_space<vmem>>, vector<1x16xf32>,
    %swap3A_489 = vector.shape_cast %swap3A_488 : vector<1x16xf32> to vector<16xf32>
    %swap3A_490 = vector.shape_cast %broadcast_in_dim3A_484 : vector<16xf32> to vector<1x16xf32>
    tpu.vector_store %arg7[%swap3A_486, %swap3A_487], %swap3A_490 {strides = array<i32>} : memref<128x16xf32, #tpu.memory_space<vmem>>, vector<1x16xf32>,
    %broadcast_in_dim3A_491 = arith.constant 0.000000e+00 : f32
    %broadcast_in_dim3A_492 = vector.broadcast %broadcast_in_dim3A_491 : f32 to vector<16xf32>
    %swap3A_493 = arith.constant 30 : i32
    %swap3A_494 = arith.index_cast %swap3A_493 : i32 to index
    %swap3A_495 = arith.constant 0 : index
    %swap3A_496 = tpu.vector_load %arg9[%swap3A_494, %swap3A_495] {strides = array<i32>} : memref<128x16xf32, #tpu.memory_space<vmem>>, vector<1x16xf32>,
    %swap3A_497 = vector.shape_cast %swap3A_496 : vector<1x16xf32> to vector<16xf32>
    %swap3A_498 = vector.shape_cast %broadcast_in_dim3A_492 : vector<16xf32> to vector<1x16xf32>
    tpu.vector_store %arg9[%swap3A_494, %swap3A_495], %swap3A_498 {strides = array<i32>} : memref<128x16xf32, #tpu.memory_space<vmem>>, vector<1x16xf32>,
    %broadcast_in_dim3A_499 = arith.constant 1.000000e+00 : f32
    %broadcast_in_dim3A_500 = vector.broadcast %broadcast_in_dim3A_499 : f32 to vector<16xf32>
    %swap3A_501 = arith.constant 31 : i32
    %swap3A_502 = arith.index_cast %swap3A_501 : i32 to index
    %swap3A_503 = arith.constant 0 : index
    %swap3A_504 = tpu.vector_load %arg7[%swap3A_502, %swap3A_503] {strides = array<i32>} : memref<128x16xf32, #tpu.memory_space<vmem>>, vector<1x16xf32>,
    %swap3A_505 = vector.shape_cast %swap3A_504 : vector<1x16xf32> to vector<16xf32>
    %swap3A_506 = vector.shape_cast %broadcast_in_dim3A_500 : vector<16xf32> to vector<1x16xf32>
    tpu.vector_store %arg7[%swap3A_502, %swap3A_503], %swap3A_506 {strides = array<i32>} : memref<128x16xf32, #tpu.memory_space<vmem>>, vector<1x16xf32>,
    %broadcast_in_dim3A_507 = arith.constant 0.000000e+00 : f32
    %broadcast_in_dim3A_508 = vector.broadcast %broadcast_in_dim3A_507 : f32 to vector<16xf32>
    %swap3A_509 = arith.constant 31 : i32
    %swap3A_510 = arith.index_cast %swap3A_509 : i32 to index
    %swap3A_511 = arith.constant 0 : index
    %swap3A_512 = tpu.vector_load %arg9[%swap3A_510, %swap3A_511] {strides = array<i32>} : memref<128x16xf32, #tpu.memory_space<vmem>>, vector<1x16xf32>,
    %swap3A_513 = vector.shape_cast %swap3A_512 : vector<1x16xf32> to vector<16xf32>
    %swap3A_514 = vector.shape_cast %broadcast_in_dim3A_508 : vector<16xf32> to vector<1x16xf32>
    tpu.vector_store %arg9[%swap3A_510, %swap3A_511], %swap3A_514 {strides = array<i32>} : memref<128x16xf32, #tpu.memory_space<vmem>>, vector<1x16xf32>,
    %broadcast_in_dim3A_515 = arith.constant 1.000000e+00 : f32
    %broadcast_in_dim3A_516 = vector.broadcast %broadcast_in_dim3A_515 : f32 to vector<16xf32>
    %swap3A_517 = arith.constant 32 : i32
    %swap3A_518 = arith.index_cast %swap3A_517 : i32 to index
    %swap3A_519 = arith.constant 0 : index
    %swap3A_520 = tpu.vector_load %arg7[%swap3A_518, %swap3A_519] {strides = array<i32>} : memref<128x16xf32, #tpu.memory_space<vmem>>, vector<1x16xf32>,
    %swap3A_521 = vector.shape_cast %swap3A_520 : vector<1x16xf32> to vector<16xf32>
    %swap3A_522 = vector.shape_cast %broadcast_in_dim3A_516 : vector<16xf32> to vector<1x16xf32>
    tpu.vector_store %arg7[%swap3A_518, %swap3A_519], %swap3A_522 {strides = array<i32>} : memref<128x16xf32, #tpu.memory_space<vmem>>, vector<1x16xf32>,
    %broadcast_in_dim3A_523 = arith.constant 0.000000e+00 : f32
    %broadcast_in_dim3A_524 = vector.broadcast %broadcast_in_dim3A_523 : f32 to vector<16xf32>
    %swap3A_525 = arith.constant 32 : i32
    %swap3A_526 = arith.index_cast %swap3A_525 : i32 to index
    %swap3A_527 = arith.constant 0 : index
    %swap3A_528 = tpu.vector_load %arg9[%swap3A_526, %swap3A_527] {strides = array<i32>} : memref<128x16xf32, #tpu.memory_space<vmem>>, vector<1x16xf32>,
    %swap3A_529 = vector.shape_cast %swap3A_528 : vector<1x16xf32> to vector<16xf32>
    %swap3A_530 = vector.shape_cast %broadcast_in_dim3A_524 : vector<16xf32> to vector<1x16xf32>
    tpu.vector_store %arg9[%swap3A_526, %swap3A_527], %swap3A_530 {strides = array<i32>} : memref<128x16xf32, #tpu.memory_space<vmem>>, vector<1x16xf32>,
    %broadcast_in_dim3A_531 = arith.constant 1.000000e+00 : f32
    %broadcast_in_dim3A_532 = vector.broadcast %broadcast_in_dim3A_531 : f32 to vector<16xf32>
    %swap3A_533 = arith.constant 33 : i32
    %swap3A_534 = arith.index_cast %swap3A_533 : i32 to index
    %swap3A_535 = arith.constant 0 : index
    %swap3A_536 = tpu.vector_load %arg7[%swap3A_534, %swap3A_535] {strides = array<i32>} : memref<128x16xf32, #tpu.memory_space<vmem>>, vector<1x16xf32>,
    %swap3A_537 = vector.shape_cast %swap3A_536 : vector<1x16xf32> to vector<16xf32>
    %swap3A_538 = vector.shape_cast %broadcast_in_dim3A_532 : vector<16xf32> to vector<1x16xf32>
    tpu.vector_store %arg7[%swap3A_534, %swap3A_535], %swap3A_538 {strides = array<i32>} : memref<128x16xf32, #tpu.memory_space<vmem>>, vector<1x16xf32>,
    %broadcast_in_dim3A_539 = arith.constant 0.000000e+00 : f32
    %broadcast_in_dim3A_540 = vector.broadcast %broadcast_in_dim3A_539 : f32 to vector<16xf32>
    %swap3A_541 = arith.constant 33 : i32
    %swap3A_542 = arith.index_cast %swap3A_541 : i32 to index
    %swap3A_543 = arith.constant 0 : index
    %swap3A_544 = tpu.vector_load %arg9[%swap3A_542, %swap3A_543] {strides = array<i32>} : memref<128x16xf32, #tpu.memory_space<vmem>>, vector<1x16xf32>,
    %swap3A_545 = vector.shape_cast %swap3A_544 : vector<1x16xf32> to vector<16xf32>
    %swap3A_546 = vector.shape_cast %broadcast_in_dim3A_540 : vector<16xf32> to vector<1x16xf32>
    tpu.vector_store %arg9[%swap3A_542, %swap3A_543], %swap3A_546 {strides = array<i32>} : memref<128x16xf32, #tpu.memory_space<vmem>>, vector<1x16xf32>,
    %broadcast_in_dim3A_547 = arith.constant 1.000000e+00 : f32
    %broadcast_in_dim3A_548 = vector.broadcast %broadcast_in_dim3A_547 : f32 to vector<16xf32>
    %swap3A_549 = arith.constant 34 : i32
    %swap3A_550 = arith.index_cast %swap3A_549 : i32 to index
    %swap3A_551 = arith.constant 0 : index
    %swap3A_552 = tpu.vector_load %arg7[%swap3A_550, %swap3A_551] {strides = array<i32>} : memref<128x16xf32, #tpu.memory_space<vmem>>, vector<1x16xf32>,
    %swap3A_553 = vector.shape_cast %swap3A_552 : vector<1x16xf32> to vector<16xf32>
    %swap3A_554 = vector.shape_cast %broadcast_in_dim3A_548 : vector<16xf32> to vector<1x16xf32>
    tpu.vector_store %arg7[%swap3A_550, %swap3A_551], %swap3A_554 {strides = array<i32>} : memref<128x16xf32, #tpu.memory_space<vmem>>, vector<1x16xf32>,
    %broadcast_in_dim3A_555 = arith.constant 0.000000e+00 : f32
    %broadcast_in_dim3A_556 = vector.broadcast %broadcast_in_dim3A_555 : f32 to vector<16xf32>
    %swap3A_557 = arith.constant 34 : i32
    %swap3A_558 = arith.index_cast %swap3A_557 : i32 to index
    %swap3A_559 = arith.constant 0 : index
    %swap3A_560 = tpu.vector_load %arg9[%swap3A_558, %swap3A_559] {strides = array<i32>} : memref<128x16xf32, #tpu.memory_space<vmem>>, vector<1x16xf32>,
    %swap3A_561 = vector.shape_cast %swap3A_560 : vector<1x16xf32> to vector<16xf32>
    %swap3A_562 = vector.shape_cast %broadcast_in_dim3A_556 : vector<16xf32> to vector<1x16xf32>
    tpu.vector_store %arg9[%swap3A_558, %swap3A_559], %swap3A_562 {strides = array<i32>} : memref<128x16xf32, #tpu.memory_space<vmem>>, vector<1x16xf32>,
    %broadcast_in_dim3A_563 = arith.constant 1.000000e+00 : f32
    %broadcast_in_dim3A_564 = vector.broadcast %broadcast_in_dim3A_563 : f32 to vector<16xf32>
    %swap3A_565 = arith.constant 35 : i32
    %swap3A_566 = arith.index_cast %swap3A_565 : i32 to index
    %swap3A_567 = arith.constant 0 : index
    %swap3A_568 = tpu.vector_load %arg7[%swap3A_566, %swap3A_567] {strides = array<i32>} : memref<128x16xf32, #tpu.memory_space<vmem>>, vector<1x16xf32>,
    %swap3A_569 = vector.shape_cast %swap3A_568 : vector<1x16xf32> to vector<16xf32>
    %swap3A_570 = vector.shape_cast %broadcast_in_dim3A_564 : vector<16xf32> to vector<1x16xf32>
    tpu.vector_store %arg7[%swap3A_566, %swap3A_567], %swap3A_570 {strides = array<i32>} : memref<128x16xf32, #tpu.memory_space<vmem>>, vector<1x16xf32>,
    %broadcast_in_dim3A_571 = arith.constant 0.000000e+00 : f32
    %broadcast_in_dim3A_572 = vector.broadcast %broadcast_in_dim3A_571 : f32 to vector<16xf32>
    %swap3A_573 = arith.constant 35 : i32
    %swap3A_574 = arith.index_cast %swap3A_573 : i32 to index
    %swap3A_575 = arith.constant 0 : index
    %swap3A_576 = tpu.vector_load %arg9[%swap3A_574, %swap3A_575] {strides = array<i32>} : memref<128x16xf32, #tpu.memory_space<vmem>>, vector<1x16xf32>,
    %swap3A_577 = vector.shape_cast %swap3A_576 : vector<1x16xf32> to vector<16xf32>
    %swap3A_578 = vector.shape_cast %broadcast_in_dim3A_572 : vector<16xf32> to vector<1x16xf32>
    tpu.vector_store %arg9[%swap3A_574, %swap3A_575], %swap3A_578 {strides = array<i32>} : memref<128x16xf32, #tpu.memory_space<vmem>>, vector<1x16xf32>,
    %broadcast_in_dim3A_579 = arith.constant 1.000000e+00 : f32
    %broadcast_in_dim3A_580 = vector.broadcast %broadcast_in_dim3A_579 : f32 to vector<16xf32>
    %swap3A_581 = arith.constant 36 : i32
    %swap3A_582 = arith.index_cast %swap3A_581 : i32 to index
    %swap3A_583 = arith.constant 0 : index
    %swap3A_584 = tpu.vector_load %arg7[%swap3A_582, %swap3A_583] {strides = array<i32>} : memref<128x16xf32, #tpu.memory_space<vmem>>, vector<1x16xf32>,
    %swap3A_585 = vector.shape_cast %swap3A_584 : vector<1x16xf32> to vector<16xf32>
    %swap3A_586 = vector.shape_cast %broadcast_in_dim3A_580 : vector<16xf32> to vector<1x16xf32>
    tpu.vector_store %arg7[%swap3A_582, %swap3A_583], %swap3A_586 {strides = array<i32>} : memref<128x16xf32, #tpu.memory_space<vmem>>, vector<1x16xf32>,
    %broadcast_in_dim3A_587 = arith.constant 0.000000e+00 : f32
    %broadcast_in_dim3A_588 = vector.broadcast %broadcast_in_dim3A_587 : f32 to vector<16xf32>
    %swap3A_589 = arith.constant 36 : i32
    %swap3A_590 = arith.index_cast %swap3A_589 : i32 to index
    %swap3A_591 = arith.constant 0 : index
    %swap3A_592 = tpu.vector_load %arg9[%swap3A_590, %swap3A_591] {strides = array<i32>} : memref<128x16xf32, #tpu.memory_space<vmem>>, vector<1x16xf32>,
    %swap3A_593 = vector.shape_cast %swap3A_592 : vector<1x16xf32> to vector<16xf32>
    %swap3A_594 = vector.shape_cast %broadcast_in_dim3A_588 : vector<16xf32> to vector<1x16xf32>
    tpu.vector_store %arg9[%swap3A_590, %swap3A_591], %swap3A_594 {strides = array<i32>} : memref<128x16xf32, #tpu.memory_space<vmem>>, vector<1x16xf32>,
    %broadcast_in_dim3A_595 = arith.constant 1.000000e+00 : f32
    %broadcast_in_dim3A_596 = vector.broadcast %broadcast_in_dim3A_595 : f32 to vector<16xf32>
    %swap3A_597 = arith.constant 37 : i32
    %swap3A_598 = arith.index_cast %swap3A_597 : i32 to index
    %swap3A_599 = arith.constant 0 : index
    %swap3A_600 = tpu.vector_load %arg7[%swap3A_598, %swap3A_599] {strides = array<i32>} : memref<128x16xf32, #tpu.memory_space<vmem>>, vector<1x16xf32>,
    %swap3A_601 = vector.shape_cast %swap3A_600 : vector<1x16xf32> to vector<16xf32>
    %swap3A_602 = vector.shape_cast %broadcast_in_dim3A_596 : vector<16xf32> to vector<1x16xf32>
    tpu.vector_store %arg7[%swap3A_598, %swap3A_599], %swap3A_602 {strides = array<i32>} : memref<128x16xf32, #tpu.memory_space<vmem>>, vector<1x16xf32>,
    %broadcast_in_dim3A_603 = arith.constant 0.000000e+00 : f32
    %broadcast_in_dim3A_604 = vector.broadcast %broadcast_in_dim3A_603 : f32 to vector<16xf32>
    %swap3A_605 = arith.constant 37 : i32
    %swap3A_606 = arith.index_cast %swap3A_605 : i32 to index
    %swap3A_607 = arith.constant 0 : index
    %swap3A_608 = tpu.vector_load %arg9[%swap3A_606, %swap3A_607] {strides = array<i32>} : memref<128x16xf32, #tpu.memory_space<vmem>>, vector<1x16xf32>,
    %swap3A_609 = vector.shape_cast %swap3A_608 : vector<1x16xf32> to vector<16xf32>
    %swap3A_610 = vector.shape_cast %broadcast_in_dim3A_604 : vector<16xf32> to vector<1x16xf32>
    tpu.vector_store %arg9[%swap3A_606, %swap3A_607], %swap3A_610 {strides = array<i32>} : memref<128x16xf32, #tpu.memory_space<vmem>>, vector<1x16xf32>,
    %broadcast_in_dim3A_611 = arith.constant 1.000000e+00 : f32
    %broadcast_in_dim3A_612 = vector.broadcast %broadcast_in_dim3A_611 : f32 to vector<16xf32>
    %swap3A_613 = arith.constant 38 : i32
    %swap3A_614 = arith.index_cast %swap3A_613 : i32 to index
    %swap3A_615 = arith.constant 0 : index
    %swap3A_616 = tpu.vector_load %arg7[%swap3A_614, %swap3A_615] {strides = array<i32>} : memref<128x16xf32, #tpu.memory_space<vmem>>, vector<1x16xf32>,
    %swap3A_617 = vector.shape_cast %swap3A_616 : vector<1x16xf32> to vector<16xf32>
    %swap3A_618 = vector.shape_cast %broadcast_in_dim3A_612 : vector<16xf32> to vector<1x16xf32>
    tpu.vector_store %arg7[%swap3A_614, %swap3A_615], %swap3A_618 {strides = array<i32>} : memref<128x16xf32, #tpu.memory_space<vmem>>, vector<1x16xf32>,
    %broadcast_in_dim3A_619 = arith.constant 0.000000e+00 : f32
    %broadcast_in_dim3A_620 = vector.broadcast %broadcast_in_dim3A_619 : f32 to vector<16xf32>
    %swap3A_621 = arith.constant 38 : i32
    %swap3A_622 = arith.index_cast %swap3A_621 : i32 to index
    %swap3A_623 = arith.constant 0 : index
    %swap3A_624 = tpu.vector_load %arg9[%swap3A_622, %swap3A_623] {strides = array<i32>} : memref<128x16xf32, #tpu.memory_space<vmem>>, vector<1x16xf32>,
    %swap3A_625 = vector.shape_cast %swap3A_624 : vector<1x16xf32> to vector<16xf32>
    %swap3A_626 = vector.shape_cast %broadcast_in_dim3A_620 : vector<16xf32> to vector<1x16xf32>
    tpu.vector_store %arg9[%swap3A_622, %swap3A_623], %swap3A_626 {strides = array<i32>} : memref<128x16xf32, #tpu.memory_space<vmem>>, vector<1x16xf32>,
    %broadcast_in_dim3A_627 = arith.constant 1.000000e+00 : f32
    %broadcast_in_dim3A_628 = vector.broadcast %broadcast_in_dim3A_627 : f32 to vector<16xf32>
    %swap3A_629 = arith.constant 39 : i32
    %swap3A_630 = arith.index_cast %swap3A_629 : i32 to index
    %swap3A_631 = arith.constant 0 : index
    %swap3A_632 = tpu.vector_load %arg7[%swap3A_630, %swap3A_631] {strides = array<i32>} : memref<128x16xf32, #tpu.memory_space<vmem>>, vector<1x16xf32>,
    %swap3A_633 = vector.shape_cast %swap3A_632 : vector<1x16xf32> to vector<16xf32>
    %swap3A_634 = vector.shape_cast %broadcast_in_dim3A_628 : vector<16xf32> to vector<1x16xf32>
    tpu.vector_store %arg7[%swap3A_630, %swap3A_631], %swap3A_634 {strides = array<i32>} : memref<128x16xf32, #tpu.memory_space<vmem>>, vector<1x16xf32>,
    %broadcast_in_dim3A_635 = arith.constant 0.000000e+00 : f32
    %broadcast_in_dim3A_636 = vector.broadcast %broadcast_in_dim3A_635 : f32 to vector<16xf32>
    %swap3A_637 = arith.constant 39 : i32
    %swap3A_638 = arith.index_cast %swap3A_637 : i32 to index
    %swap3A_639 = arith.constant 0 : index
    %swap3A_640 = tpu.vector_load %arg9[%swap3A_638, %swap3A_639] {strides = array<i32>} : memref<128x16xf32, #tpu.memory_space<vmem>>, vector<1x16xf32>,
    %swap3A_641 = vector.shape_cast %swap3A_640 : vector<1x16xf32> to vector<16xf32>
    %swap3A_642 = vector.shape_cast %broadcast_in_dim3A_636 : vector<16xf32> to vector<1x16xf32>
    tpu.vector_store %arg9[%swap3A_638, %swap3A_639], %swap3A_642 {strides = array<i32>} : memref<128x16xf32, #tpu.memory_space<vmem>>, vector<1x16xf32>,
    %broadcast_in_dim3A_643 = arith.constant 1.000000e+00 : f32
    %broadcast_in_dim3A_644 = vector.broadcast %broadcast_in_dim3A_643 : f32 to vector<16xf32>
    %swap3A_645 = arith.constant 40 : i32
    %swap3A_646 = arith.index_cast %swap3A_645 : i32 to index
    %swap3A_647 = arith.constant 0 : index
    %swap3A_648 = tpu.vector_load %arg7[%swap3A_646, %swap3A_647] {strides = array<i32>} : memref<128x16xf32, #tpu.memory_space<vmem>>, vector<1x16xf32>,
    %swap3A_649 = vector.shape_cast %swap3A_648 : vector<1x16xf32> to vector<16xf32>
    %swap3A_650 = vector.shape_cast %broadcast_in_dim3A_644 : vector<16xf32> to vector<1x16xf32>
    tpu.vector_store %arg7[%swap3A_646, %swap3A_647], %swap3A_650 {strides = array<i32>} : memref<128x16xf32, #tpu.memory_space<vmem>>, vector<1x16xf32>,
    %broadcast_in_dim3A_651 = arith.constant 0.000000e+00 : f32
    %broadcast_in_dim3A_652 = vector.broadcast %broadcast_in_dim3A_651 : f32 to vector<16xf32>
    %swap3A_653 = arith.constant 40 : i32
    %swap3A_654 = arith.index_cast %swap3A_653 : i32 to index
    %swap3A_655 = arith.constant 0 : index
    %swap3A_656 = tpu.vector_load %arg9[%swap3A_654, %swap3A_655] {strides = array<i32>} : memref<128x16xf32, #tpu.memory_space<vmem>>, vector<1x16xf32>,
    %swap3A_657 = vector.shape_cast %swap3A_656 : vector<1x16xf32> to vector<16xf32>
    %swap3A_658 = vector.shape_cast %broadcast_in_dim3A_652 : vector<16xf32> to vector<1x16xf32>
    tpu.vector_store %arg9[%swap3A_654, %swap3A_655], %swap3A_658 {strides = array<i32>} : memref<128x16xf32, #tpu.memory_space<vmem>>, vector<1x16xf32>,
    %broadcast_in_dim3A_659 = arith.constant 1.000000e+00 : f32
    %broadcast_in_dim3A_660 = vector.broadcast %broadcast_in_dim3A_659 : f32 to vector<16xf32>
    %swap3A_661 = arith.constant 41 : i32
    %swap3A_662 = arith.index_cast %swap3A_661 : i32 to index
    %swap3A_663 = arith.constant 0 : index
    %swap3A_664 = tpu.vector_load %arg7[%swap3A_662, %swap3A_663] {strides = array<i32>} : memref<128x16xf32, #tpu.memory_space<vmem>>, vector<1x16xf32>,
    %swap3A_665 = vector.shape_cast %swap3A_664 : vector<1x16xf32> to vector<16xf32>
    %swap3A_666 = vector.shape_cast %broadcast_in_dim3A_660 : vector<16xf32> to vector<1x16xf32>
    tpu.vector_store %arg7[%swap3A_662, %swap3A_663], %swap3A_666 {strides = array<i32>} : memref<128x16xf32, #tpu.memory_space<vmem>>, vector<1x16xf32>,
    %broadcast_in_dim3A_667 = arith.constant 0.000000e+00 : f32
    %broadcast_in_dim3A_668 = vector.broadcast %broadcast_in_dim3A_667 : f32 to vector<16xf32>
    %swap3A_669 = arith.constant 41 : i32
    %swap3A_670 = arith.index_cast %swap3A_669 : i32 to index
    %swap3A_671 = arith.constant 0 : index
    %swap3A_672 = tpu.vector_load %arg9[%swap3A_670, %swap3A_671] {strides = array<i32>} : memref<128x16xf32, #tpu.memory_space<vmem>>, vector<1x16xf32>,
    %swap3A_673 = vector.shape_cast %swap3A_672 : vector<1x16xf32> to vector<16xf32>
    %swap3A_674 = vector.shape_cast %broadcast_in_dim3A_668 : vector<16xf32> to vector<1x16xf32>
    tpu.vector_store %arg9[%swap3A_670, %swap3A_671], %swap3A_674 {strides = array<i32>} : memref<128x16xf32, #tpu.memory_space<vmem>>, vector<1x16xf32>,
    %broadcast_in_dim3A_675 = arith.constant 1.000000e+00 : f32
    %broadcast_in_dim3A_676 = vector.broadcast %broadcast_in_dim3A_675 : f32 to vector<16xf32>
    %swap3A_677 = arith.constant 42 : i32
    %swap3A_678 = arith.index_cast %swap3A_677 : i32 to index
    %swap3A_679 = arith.constant 0 : index
    %swap3A_680 = tpu.vector_load %arg7[%swap3A_678, %swap3A_679] {strides = array<i32>} : memref<128x16xf32, #tpu.memory_space<vmem>>, vector<1x16xf32>,
    %swap3A_681 = vector.shape_cast %swap3A_680 : vector<1x16xf32> to vector<16xf32>
    %swap3A_682 = vector.shape_cast %broadcast_in_dim3A_676 : vector<16xf32> to vector<1x16xf32>
    tpu.vector_store %arg7[%swap3A_678, %swap3A_679], %swap3A_682 {strides = array<i32>} : memref<128x16xf32, #tpu.memory_space<vmem>>, vector<1x16xf32>,
    %broadcast_in_dim3A_683 = arith.constant 0.000000e+00 : f32
    %broadcast_in_dim3A_684 = vector.broadcast %broadcast_in_dim3A_683 : f32 to vector<16xf32>
    %swap3A_685 = arith.constant 42 : i32
    %swap3A_686 = arith.index_cast %swap3A_685 : i32 to index
    %swap3A_687 = arith.constant 0 : index
    %swap3A_688 = tpu.vector_load %arg9[%swap3A_686, %swap3A_687] {strides = array<i32>} : memref<128x16xf32, #tpu.memory_space<vmem>>, vector<1x16xf32>,
    %swap3A_689 = vector.shape_cast %swap3A_688 : vector<1x16xf32> to vector<16xf32>
    %swap3A_690 = vector.shape_cast %broadcast_in_dim3A_684 : vector<16xf32> to vector<1x16xf32>
    tpu.vector_store %arg9[%swap3A_686, %swap3A_687], %swap3A_690 {strides = array<i32>} : memref<128x16xf32, #tpu.memory_space<vmem>>, vector<1x16xf32>,
    %broadcast_in_dim3A_691 = arith.constant 1.000000e+00 : f32
    %broadcast_in_dim3A_692 = vector.broadcast %broadcast_in_dim3A_691 : f32 to vector<16xf32>
    %swap3A_693 = arith.constant 43 : i32
    %swap3A_694 = arith.index_cast %swap3A_693 : i32 to index
    %swap3A_695 = arith.constant 0 : index
    %swap3A_696 = tpu.vector_load %arg7[%swap3A_694, %swap3A_695] {strides = array<i32>} : memref<128x16xf32, #tpu.memory_space<vmem>>, vector<1x16xf32>,
    %swap3A_697 = vector.shape_cast %swap3A_696 : vector<1x16xf32> to vector<16xf32>
    %swap3A_698 = vector.shape_cast %broadcast_in_dim3A_692 : vector<16xf32> to vector<1x16xf32>
    tpu.vector_store %arg7[%swap3A_694, %swap3A_695], %swap3A_698 {strides = array<i32>} : memref<128x16xf32, #tpu.memory_space<vmem>>, vector<1x16xf32>,
    %broadcast_in_dim3A_699 = arith.constant 0.000000e+00 : f32
    %broadcast_in_dim3A_700 = vector.broadcast %broadcast_in_dim3A_699 : f32 to vector<16xf32>
    %swap3A_701 = arith.constant 43 : i32
    %swap3A_702 = arith.index_cast %swap3A_701 : i32 to index
    %swap3A_703 = arith.constant 0 : index
    %swap3A_704 = tpu.vector_load %arg9[%swap3A_702, %swap3A_703] {strides = array<i32>} : memref<128x16xf32, #tpu.memory_space<vmem>>, vector<1x16xf32>,
    %swap3A_705 = vector.shape_cast %swap3A_704 : vector<1x16xf32> to vector<16xf32>
    %swap3A_706 = vector.shape_cast %broadcast_in_dim3A_700 : vector<16xf32> to vector<1x16xf32>
    tpu.vector_store %arg9[%swap3A_702, %swap3A_703], %swap3A_706 {strides = array<i32>} : memref<128x16xf32, #tpu.memory_space<vmem>>, vector<1x16xf32>,
    %broadcast_in_dim3A_707 = arith.constant 1.000000e+00 : f32
    %broadcast_in_dim3A_708 = vector.broadcast %broadcast_in_dim3A_707 : f32 to vector<16xf32>
    %swap3A_709 = arith.constant 44 : i32
    %swap3A_710 = arith.index_cast %swap3A_709 : i32 to index
    %swap3A_711 = arith.constant 0 : index
    %swap3A_712 = tpu.vector_load %arg7[%swap3A_710, %swap3A_711] {strides = array<i32>} : memref<128x16xf32, #tpu.memory_space<vmem>>, vector<1x16xf32>,
    %swap3A_713 = vector.shape_cast %swap3A_712 : vector<1x16xf32> to vector<16xf32>
    %swap3A_714 = vector.shape_cast %broadcast_in_dim3A_708 : vector<16xf32> to vector<1x16xf32>
    tpu.vector_store %arg7[%swap3A_710, %swap3A_711], %swap3A_714 {strides = array<i32>} : memref<128x16xf32, #tpu.memory_space<vmem>>, vector<1x16xf32>,
    %broadcast_in_dim3A_715 = arith.constant 0.000000e+00 : f32
    %broadcast_in_dim3A_716 = vector.broadcast %broadcast_in_dim3A_715 : f32 to vector<16xf32>
    %swap3A_717 = arith.constant 44 : i32
    %swap3A_718 = arith.index_cast %swap3A_717 : i32 to index
    %swap3A_719 = arith.constant 0 : index
    %swap3A_720 = tpu.vector_load %arg9[%swap3A_718, %swap3A_719] {strides = array<i32>} : memref<128x16xf32, #tpu.memory_space<vmem>>, vector<1x16xf32>,
    %swap3A_721 = vector.shape_cast %swap3A_720 : vector<1x16xf32> to vector<16xf32>
    %swap3A_722 = vector.shape_cast %broadcast_in_dim3A_716 : vector<16xf32> to vector<1x16xf32>
    tpu.vector_store %arg9[%swap3A_718, %swap3A_719], %swap3A_722 {strides = array<i32>} : memref<128x16xf32, #tpu.memory_space<vmem>>, vector<1x16xf32>,
    %broadcast_in_dim3A_723 = arith.constant 1.000000e+00 : f32
    %broadcast_in_dim3A_724 = vector.broadcast %broadcast_in_dim3A_723 : f32 to vector<16xf32>
    %swap3A_725 = arith.constant 45 : i32
    %swap3A_726 = arith.index_cast %swap3A_725 : i32 to index
    %swap3A_727 = arith.constant 0 : index
    %swap3A_728 = tpu.vector_load %arg7[%swap3A_726, %swap3A_727] {strides = array<i32>} : memref<128x16xf32, #tpu.memory_space<vmem>>, vector<1x16xf32>,
    %swap3A_729 = vector.shape_cast %swap3A_728 : vector<1x16xf32> to vector<16xf32>
    %swap3A_730 = vector.shape_cast %broadcast_in_dim3A_724 : vector<16xf32> to vector<1x16xf32>
    tpu.vector_store %arg7[%swap3A_726, %swap3A_727], %swap3A_730 {strides = array<i32>} : memref<128x16xf32, #tpu.memory_space<vmem>>, vector<1x16xf32>,
    %broadcast_in_dim3A_731 = arith.constant 0.000000e+00 : f32
    %broadcast_in_dim3A_732 = vector.broadcast %broadcast_in_dim3A_731 : f32 to vector<16xf32>
    %swap3A_733 = arith.constant 45 : i32
    %swap3A_734 = arith.index_cast %swap3A_733 : i32 to index
    %swap3A_735 = arith.constant 0 : index
    %swap3A_736 = tpu.vector_load %arg9[%swap3A_734, %swap3A_735] {strides = array<i32>} : memref<128x16xf32, #tpu.memory_space<vmem>>, vector<1x16xf32>,
    %swap3A_737 = vector.shape_cast %swap3A_736 : vector<1x16xf32> to vector<16xf32>
    %swap3A_738 = vector.shape_cast %broadcast_in_dim3A_732 : vector<16xf32> to vector<1x16xf32>
    tpu.vector_store %arg9[%swap3A_734, %swap3A_735], %swap3A_738 {strides = array<i32>} : memref<128x16xf32, #tpu.memory_space<vmem>>, vector<1x16xf32>,
    %broadcast_in_dim3A_739 = arith.constant 1.000000e+00 : f32
    %broadcast_in_dim3A_740 = vector.broadcast %broadcast_in_dim3A_739 : f32 to vector<16xf32>
    %swap3A_741 = arith.constant 46 : i32
    %swap3A_742 = arith.index_cast %swap3A_741 : i32 to index
    %swap3A_743 = arith.constant 0 : index
    %swap3A_744 = tpu.vector_load %arg7[%swap3A_742, %swap3A_743] {strides = array<i32>} : memref<128x16xf32, #tpu.memory_space<vmem>>, vector<1x16xf32>,
    %swap3A_745 = vector.shape_cast %swap3A_744 : vector<1x16xf32> to vector<16xf32>
    %swap3A_746 = vector.shape_cast %broadcast_in_dim3A_740 : vector<16xf32> to vector<1x16xf32>
    tpu.vector_store %arg7[%swap3A_742, %swap3A_743], %swap3A_746 {strides = array<i32>} : memref<128x16xf32, #tpu.memory_space<vmem>>, vector<1x16xf32>,
    %broadcast_in_dim3A_747 = arith.constant 0.000000e+00 : f32
    %broadcast_in_dim3A_748 = vector.broadcast %broadcast_in_dim3A_747 : f32 to vector<16xf32>
    %swap3A_749 = arith.constant 46 : i32
    %swap3A_750 = arith.index_cast %swap3A_749 : i32 to index
    %swap3A_751 = arith.constant 0 : index
    %swap3A_752 = tpu.vector_load %arg9[%swap3A_750, %swap3A_751] {strides = array<i32>} : memref<128x16xf32, #tpu.memory_space<vmem>>, vector<1x16xf32>,
    %swap3A_753 = vector.shape_cast %swap3A_752 : vector<1x16xf32> to vector<16xf32>
    %swap3A_754 = vector.shape_cast %broadcast_in_dim3A_748 : vector<16xf32> to vector<1x16xf32>
    tpu.vector_store %arg9[%swap3A_750, %swap3A_751], %swap3A_754 {strides = array<i32>} : memref<128x16xf32, #tpu.memory_space<vmem>>, vector<1x16xf32>,
    %broadcast_in_dim3A_755 = arith.constant 1.000000e+00 : f32
    %broadcast_in_dim3A_756 = vector.broadcast %broadcast_in_dim3A_755 : f32 to vector<16xf32>
    %swap3A_757 = arith.constant 47 : i32
    %swap3A_758 = arith.index_cast %swap3A_757 : i32 to index
    %swap3A_759 = arith.constant 0 : index
    %swap3A_760 = tpu.vector_load %arg7[%swap3A_758, %swap3A_759] {strides = array<i32>} : memref<128x16xf32, #tpu.memory_space<vmem>>, vector<1x16xf32>,
    %swap3A_761 = vector.shape_cast %swap3A_760 : vector<1x16xf32> to vector<16xf32>
    %swap3A_762 = vector.shape_cast %broadcast_in_dim3A_756 : vector<16xf32> to vector<1x16xf32>
    tpu.vector_store %arg7[%swap3A_758, %swap3A_759], %swap3A_762 {strides = array<i32>} : memref<128x16xf32, #tpu.memory_space<vmem>>, vector<1x16xf32>,
    %broadcast_in_dim3A_763 = arith.constant 0.000000e+00 : f32
    %broadcast_in_dim3A_764 = vector.broadcast %broadcast_in_dim3A_763 : f32 to vector<16xf32>
    %swap3A_765 = arith.constant 47 : i32
    %swap3A_766 = arith.index_cast %swap3A_765 : i32 to index
    %swap3A_767 = arith.constant 0 : index
    %swap3A_768 = tpu.vector_load %arg9[%swap3A_766, %swap3A_767] {strides = array<i32>} : memref<128x16xf32, #tpu.memory_space<vmem>>, vector<1x16xf32>,
    %swap3A_769 = vector.shape_cast %swap3A_768 : vector<1x16xf32> to vector<16xf32>
    %swap3A_770 = vector.shape_cast %broadcast_in_dim3A_764 : vector<16xf32> to vector<1x16xf32>
    tpu.vector_store %arg9[%swap3A_766, %swap3A_767], %swap3A_770 {strides = array<i32>} : memref<128x16xf32, #tpu.memory_space<vmem>>, vector<1x16xf32>,
    %broadcast_in_dim3A_771 = arith.constant 1.000000e+00 : f32
    %broadcast_in_dim3A_772 = vector.broadcast %broadcast_in_dim3A_771 : f32 to vector<16xf32>
    %swap3A_773 = arith.constant 48 : i32
    %swap3A_774 = arith.index_cast %swap3A_773 : i32 to index
    %swap3A_775 = arith.constant 0 : index
    %swap3A_776 = tpu.vector_load %arg7[%swap3A_774, %swap3A_775] {strides = array<i32>} : memref<128x16xf32, #tpu.memory_space<vmem>>, vector<1x16xf32>,
    %swap3A_777 = vector.shape_cast %swap3A_776 : vector<1x16xf32> to vector<16xf32>
    %swap3A_778 = vector.shape_cast %broadcast_in_dim3A_772 : vector<16xf32> to vector<1x16xf32>
    tpu.vector_store %arg7[%swap3A_774, %swap3A_775], %swap3A_778 {strides = array<i32>} : memref<128x16xf32, #tpu.memory_space<vmem>>, vector<1x16xf32>,
    %broadcast_in_dim3A_779 = arith.constant 0.000000e+00 : f32
    %broadcast_in_dim3A_780 = vector.broadcast %broadcast_in_dim3A_779 : f32 to vector<16xf32>
    %swap3A_781 = arith.constant 48 : i32
    %swap3A_782 = arith.index_cast %swap3A_781 : i32 to index
    %swap3A_783 = arith.constant 0 : index
    %swap3A_784 = tpu.vector_load %arg9[%swap3A_782, %swap3A_783] {strides = array<i32>} : memref<128x16xf32, #tpu.memory_space<vmem>>, vector<1x16xf32>,
    %swap3A_785 = vector.shape_cast %swap3A_784 : vector<1x16xf32> to vector<16xf32>
    %swap3A_786 = vector.shape_cast %broadcast_in_dim3A_780 : vector<16xf32> to vector<1x16xf32>
    tpu.vector_store %arg9[%swap3A_782, %swap3A_783], %swap3A_786 {strides = array<i32>} : memref<128x16xf32, #tpu.memory_space<vmem>>, vector<1x16xf32>,
    %broadcast_in_dim3A_787 = arith.constant 1.000000e+00 : f32
    %broadcast_in_dim3A_788 = vector.broadcast %broadcast_in_dim3A_787 : f32 to vector<16xf32>
    %swap3A_789 = arith.constant 49 : i32
    %swap3A_790 = arith.index_cast %swap3A_789 : i32 to index
    %swap3A_791 = arith.constant 0 : index
    %swap3A_792 = tpu.vector_load %arg7[%swap3A_790, %swap3A_791] {strides = array<i32>} : memref<128x16xf32, #tpu.memory_space<vmem>>, vector<1x16xf32>,
    %swap3A_793 = vector.shape_cast %swap3A_792 : vector<1x16xf32> to vector<16xf32>
    %swap3A_794 = vector.shape_cast %broadcast_in_dim3A_788 : vector<16xf32> to vector<1x16xf32>
    tpu.vector_store %arg7[%swap3A_790, %swap3A_791], %swap3A_794 {strides = array<i32>} : memref<128x16xf32, #tpu.memory_space<vmem>>, vector<1x16xf32>,
    %broadcast_in_dim3A_795 = arith.constant 0.000000e+00 : f32
    %broadcast_in_dim3A_796 = vector.broadcast %broadcast_in_dim3A_795 : f32 to vector<16xf32>
    %swap3A_797 = arith.constant 49 : i32
    %swap3A_798 = arith.index_cast %swap3A_797 : i32 to index
    %swap3A_799 = arith.constant 0 : index
    %swap3A_800 = tpu.vector_load %arg9[%swap3A_798, %swap3A_799] {strides = array<i32>} : memref<128x16xf32, #tpu.memory_space<vmem>>, vector<1x16xf32>,
    %swap3A_801 = vector.shape_cast %swap3A_800 : vector<1x16xf32> to vector<16xf32>
    %swap3A_802 = vector.shape_cast %broadcast_in_dim3A_796 : vector<16xf32> to vector<1x16xf32>
    tpu.vector_store %arg9[%swap3A_798, %swap3A_799], %swap3A_802 {strides = array<i32>} : memref<128x16xf32, #tpu.memory_space<vmem>>, vector<1x16xf32>,
    %broadcast_in_dim3A_803 = arith.constant 1.000000e+00 : f32
    %broadcast_in_dim3A_804 = vector.broadcast %broadcast_in_dim3A_803 : f32 to vector<16xf32>
    %swap3A_805 = arith.constant 50 : i32
    %swap3A_806 = arith.index_cast %swap3A_805 : i32 to index
    %swap3A_807 = arith.constant 0 : index
    %swap3A_808 = tpu.vector_load %arg7[%swap3A_806, %swap3A_807] {strides = array<i32>} : memref<128x16xf32, #tpu.memory_space<vmem>>, vector<1x16xf32>,
    %swap3A_809 = vector.shape_cast %swap3A_808 : vector<1x16xf32> to vector<16xf32>
    %swap3A_810 = vector.shape_cast %broadcast_in_dim3A_804 : vector<16xf32> to vector<1x16xf32>
    tpu.vector_store %arg7[%swap3A_806, %swap3A_807], %swap3A_810 {strides = array<i32>} : memref<128x16xf32, #tpu.memory_space<vmem>>, vector<1x16xf32>,
    %broadcast_in_dim3A_811 = arith.constant 0.000000e+00 : f32
    %broadcast_in_dim3A_812 = vector.broadcast %broadcast_in_dim3A_811 : f32 to vector<16xf32>
    %swap3A_813 = arith.constant 50 : i32
    %swap3A_814 = arith.index_cast %swap3A_813 : i32 to index
    %swap3A_815 = arith.constant 0 : index
    %swap3A_816 = tpu.vector_load %arg9[%swap3A_814, %swap3A_815] {strides = array<i32>} : memref<128x16xf32, #tpu.memory_space<vmem>>, vector<1x16xf32>,
    %swap3A_817 = vector.shape_cast %swap3A_816 : vector<1x16xf32> to vector<16xf32>
    %swap3A_818 = vector.shape_cast %broadcast_in_dim3A_812 : vector<16xf32> to vector<1x16xf32>
    tpu.vector_store %arg9[%swap3A_814, %swap3A_815], %swap3A_818 {strides = array<i32>} : memref<128x16xf32, #tpu.memory_space<vmem>>, vector<1x16xf32>,
    %broadcast_in_dim3A_819 = arith.constant 1.000000e+00 : f32
    %broadcast_in_dim3A_820 = vector.broadcast %broadcast_in_dim3A_819 : f32 to vector<16xf32>
    %swap3A_821 = arith.constant 51 : i32
    %swap3A_822 = arith.index_cast %swap3A_821 : i32 to index
    %swap3A_823 = arith.constant 0 : index
    %swap3A_824 = tpu.vector_load %arg7[%swap3A_822, %swap3A_823] {strides = array<i32>} : memref<128x16xf32, #tpu.memory_space<vmem>>, vector<1x16xf32>,
    %swap3A_825 = vector.shape_cast %swap3A_824 : vector<1x16xf32> to vector<16xf32>
    %swap3A_826 = vector.shape_cast %broadcast_in_dim3A_820 : vector<16xf32> to vector<1x16xf32>
    tpu.vector_store %arg7[%swap3A_822, %swap3A_823], %swap3A_826 {strides = array<i32>} : memref<128x16xf32, #tpu.memory_space<vmem>>, vector<1x16xf32>,
    %broadcast_in_dim3A_827 = arith.constant 0.000000e+00 : f32
    %broadcast_in_dim3A_828 = vector.broadcast %broadcast_in_dim3A_827 : f32 to vector<16xf32>
    %swap3A_829 = arith.constant 51 : i32
    %swap3A_830 = arith.index_cast %swap3A_829 : i32 to index
    %swap3A_831 = arith.constant 0 : index
    %swap3A_832 = tpu.vector_load %arg9[%swap3A_830, %swap3A_831] {strides = array<i32>} : memref<128x16xf32, #tpu.memory_space<vmem>>, vector<1x16xf32>,
    %swap3A_833 = vector.shape_cast %swap3A_832 : vector<1x16xf32> to vector<16xf32>
    %swap3A_834 = vector.shape_cast %broadcast_in_dim3A_828 : vector<16xf32> to vector<1x16xf32>
    tpu.vector_store %arg9[%swap3A_830, %swap3A_831], %swap3A_834 {strides = array<i32>} : memref<128x16xf32, #tpu.memory_space<vmem>>, vector<1x16xf32>,
    %broadcast_in_dim3A_835 = arith.constant 1.000000e+00 : f32
    %broadcast_in_dim3A_836 = vector.broadcast %broadcast_in_dim3A_835 : f32 to vector<16xf32>
    %swap3A_837 = arith.constant 52 : i32
    %swap3A_838 = arith.index_cast %swap3A_837 : i32 to index
    %swap3A_839 = arith.constant 0 : index
    %swap3A_840 = tpu.vector_load %arg7[%swap3A_838, %swap3A_839] {strides = array<i32>} : memref<128x16xf32, #tpu.memory_space<vmem>>, vector<1x16xf32>,
    %swap3A_841 = vector.shape_cast %swap3A_840 : vector<1x16xf32> to vector<16xf32>
    %swap3A_842 = vector.shape_cast %broadcast_in_dim3A_836 : vector<16xf32> to vector<1x16xf32>
    tpu.vector_store %arg7[%swap3A_838, %swap3A_839], %swap3A_842 {strides = array<i32>} : memref<128x16xf32, #tpu.memory_space<vmem>>, vector<1x16xf32>,
    %broadcast_in_dim3A_843 = arith.constant 0.000000e+00 : f32
    %broadcast_in_dim3A_844 = vector.broadcast %broadcast_in_dim3A_843 : f32 to vector<16xf32>
    %swap3A_845 = arith.constant 52 : i32
    %swap3A_846 = arith.index_cast %swap3A_845 : i32 to index
    %swap3A_847 = arith.constant 0 : index
    %swap3A_848 = tpu.vector_load %arg9[%swap3A_846, %swap3A_847] {strides = array<i32>} : memref<128x16xf32, #tpu.memory_space<vmem>>, vector<1x16xf32>,
    %swap3A_849 = vector.shape_cast %swap3A_848 : vector<1x16xf32> to vector<16xf32>
    %swap3A_850 = vector.shape_cast %broadcast_in_dim3A_844 : vector<16xf32> to vector<1x16xf32>
    tpu.vector_store %arg9[%swap3A_846, %swap3A_847], %swap3A_850 {strides = array<i32>} : memref<128x16xf32, #tpu.memory_space<vmem>>, vector<1x16xf32>,
    %broadcast_in_dim3A_851 = arith.constant 1.000000e+00 : f32
    %broadcast_in_dim3A_852 = vector.broadcast %broadcast_in_dim3A_851 : f32 to vector<16xf32>
    %swap3A_853 = arith.constant 53 : i32
    %swap3A_854 = arith.index_cast %swap3A_853 : i32 to index
    %swap3A_855 = arith.constant 0 : index
    %swap3A_856 = tpu.vector_load %arg7[%swap3A_854, %swap3A_855] {strides = array<i32>} : memref<128x16xf32, #tpu.memory_space<vmem>>, vector<1x16xf32>,
    %swap3A_857 = vector.shape_cast %swap3A_856 : vector<1x16xf32> to vector<16xf32>
    %swap3A_858 = vector.shape_cast %broadcast_in_dim3A_852 : vector<16xf32> to vector<1x16xf32>
    tpu.vector_store %arg7[%swap3A_854, %swap3A_855], %swap3A_858 {strides = array<i32>} : memref<128x16xf32, #tpu.memory_space<vmem>>, vector<1x16xf32>,
    %broadcast_in_dim3A_859 = arith.constant 0.000000e+00 : f32
    %broadcast_in_dim3A_860 = vector.broadcast %broadcast_in_dim3A_859 : f32 to vector<16xf32>
    %swap3A_861 = arith.constant 53 : i32
    %swap3A_862 = arith.index_cast %swap3A_861 : i32 to index
    %swap3A_863 = arith.constant 0 : index
    %swap3A_864 = tpu.vector_load %arg9[%swap3A_862, %swap3A_863] {strides = array<i32>} : memref<128x16xf32, #tpu.memory_space<vmem>>, vector<1x16xf32>,
    %swap3A_865 = vector.shape_cast %swap3A_864 : vector<1x16xf32> to vector<16xf32>
    %swap3A_866 = vector.shape_cast %broadcast_in_dim3A_860 : vector<16xf32> to vector<1x16xf32>
    tpu.vector_store %arg9[%swap3A_862, %swap3A_863], %swap3A_866 {strides = array<i32>} : memref<128x16xf32, #tpu.memory_space<vmem>>, vector<1x16xf32>,
    %broadcast_in_dim3A_867 = arith.constant 1.000000e+00 : f32
    %broadcast_in_dim3A_868 = vector.broadcast %broadcast_in_dim3A_867 : f32 to vector<16xf32>
    %swap3A_869 = arith.constant 54 : i32
    %swap3A_870 = arith.index_cast %swap3A_869 : i32 to index
    %swap3A_871 = arith.constant 0 : index
    %swap3A_872 = tpu.vector_load %arg7[%swap3A_870, %swap3A_871] {strides = array<i32>} : memref<128x16xf32, #tpu.memory_space<vmem>>, vector<1x16xf32>,
    %swap3A_873 = vector.shape_cast %swap3A_872 : vector<1x16xf32> to vector<16xf32>
    %swap3A_874 = vector.shape_cast %broadcast_in_dim3A_868 : vector<16xf32> to vector<1x16xf32>
    tpu.vector_store %arg7[%swap3A_870, %swap3A_871], %swap3A_874 {strides = array<i32>} : memref<128x16xf32, #tpu.memory_space<vmem>>, vector<1x16xf32>,
    %broadcast_in_dim3A_875 = arith.constant 0.000000e+00 : f32
    %broadcast_in_dim3A_876 = vector.broadcast %broadcast_in_dim3A_875 : f32 to vector<16xf32>
    %swap3A_877 = arith.constant 54 : i32
    %swap3A_878 = arith.index_cast %swap3A_877 : i32 to index
    %swap3A_879 = arith.constant 0 : index
    %swap3A_880 = tpu.vector_load %arg9[%swap3A_878, %swap3A_879] {strides = array<i32>} : memref<128x16xf32, #tpu.memory_space<vmem>>, vector<1x16xf32>,
    %swap3A_881 = vector.shape_cast %swap3A_880 : vector<1x16xf32> to vector<16xf32>
    %swap3A_882 = vector.shape_cast %broadcast_in_dim3A_876 : vector<16xf32> to vector<1x16xf32>
    tpu.vector_store %arg9[%swap3A_878, %swap3A_879], %swap3A_882 {strides = array<i32>} : memref<128x16xf32, #tpu.memory_space<vmem>>, vector<1x16xf32>,
    %broadcast_in_dim3A_883 = arith.constant 1.000000e+00 : f32
    %broadcast_in_dim3A_884 = vector.broadcast %broadcast_in_dim3A_883 : f32 to vector<16xf32>
    %swap3A_885 = arith.constant 55 : i32
    %swap3A_886 = arith.index_cast %swap3A_885 : i32 to index
    %swap3A_887 = arith.constant 0 : index
    %swap3A_888 = tpu.vector_load %arg7[%swap3A_886, %swap3A_887] {strides = array<i32>} : memref<128x16xf32, #tpu.memory_space<vmem>>, vector<1x16xf32>,
    %swap3A_889 = vector.shape_cast %swap3A_888 : vector<1x16xf32> to vector<16xf32>
    %swap3A_890 = vector.shape_cast %broadcast_in_dim3A_884 : vector<16xf32> to vector<1x16xf32>
    tpu.vector_store %arg7[%swap3A_886, %swap3A_887], %swap3A_890 {strides = array<i32>} : memref<128x16xf32, #tpu.memory_space<vmem>>, vector<1x16xf32>,
    %broadcast_in_dim3A_891 = arith.constant 0.000000e+00 : f32
    %broadcast_in_dim3A_892 = vector.broadcast %broadcast_in_dim3A_891 : f32 to vector<16xf32>
    %swap3A_893 = arith.constant 55 : i32
    %swap3A_894 = arith.index_cast %swap3A_893 : i32 to index
    %swap3A_895 = arith.constant 0 : index
    %swap3A_896 = tpu.vector_load %arg9[%swap3A_894, %swap3A_895] {strides = array<i32>} : memref<128x16xf32, #tpu.memory_space<vmem>>, vector<1x16xf32>,
    %swap3A_897 = vector.shape_cast %swap3A_896 : vector<1x16xf32> to vector<16xf32>
    %swap3A_898 = vector.shape_cast %broadcast_in_dim3A_892 : vector<16xf32> to vector<1x16xf32>
    tpu.vector_store %arg9[%swap3A_894, %swap3A_895], %swap3A_898 {strides = array<i32>} : memref<128x16xf32, #tpu.memory_space<vmem>>, vector<1x16xf32>,
    %broadcast_in_dim3A_899 = arith.constant 1.000000e+00 : f32
    %broadcast_in_dim3A_900 = vector.broadcast %broadcast_in_dim3A_899 : f32 to vector<16xf32>
    %swap3A_901 = arith.constant 56 : i32
    %swap3A_902 = arith.index_cast %swap3A_901 : i32 to index
    %swap3A_903 = arith.constant 0 : index
    %swap3A_904 = tpu.vector_load %arg7[%swap3A_902, %swap3A_903] {strides = array<i32>} : memref<128x16xf32, #tpu.memory_space<vmem>>, vector<1x16xf32>,
    %swap3A_905 = vector.shape_cast %swap3A_904 : vector<1x16xf32> to vector<16xf32>
    %swap3A_906 = vector.shape_cast %broadcast_in_dim3A_900 : vector<16xf32> to vector<1x16xf32>
    tpu.vector_store %arg7[%swap3A_902, %swap3A_903], %swap3A_906 {strides = array<i32>} : memref<128x16xf32, #tpu.memory_space<vmem>>, vector<1x16xf32>,
    %broadcast_in_dim3A_907 = arith.constant 0.000000e+00 : f32
    %broadcast_in_dim3A_908 = vector.broadcast %broadcast_in_dim3A_907 : f32 to vector<16xf32>
    %swap3A_909 = arith.constant 56 : i32
    %swap3A_910 = arith.index_cast %swap3A_909 : i32 to index
    %swap3A_911 = arith.constant 0 : index
    %swap3A_912 = tpu.vector_load %arg9[%swap3A_910, %swap3A_911] {strides = array<i32>} : memref<128x16xf32, #tpu.memory_space<vmem>>, vector<1x16xf32>,
    %swap3A_913 = vector.shape_cast %swap3A_912 : vector<1x16xf32> to vector<16xf32>
    %swap3A_914 = vector.shape_cast %broadcast_in_dim3A_908 : vector<16xf32> to vector<1x16xf32>
    tpu.vector_store %arg9[%swap3A_910, %swap3A_911], %swap3A_914 {strides = array<i32>} : memref<128x16xf32, #tpu.memory_space<vmem>>, vector<1x16xf32>,
    %broadcast_in_dim3A_915 = arith.constant 1.000000e+00 : f32
    %broadcast_in_dim3A_916 = vector.broadcast %broadcast_in_dim3A_915 : f32 to vector<16xf32>
    %swap3A_917 = arith.constant 57 : i32
    %swap3A_918 = arith.index_cast %swap3A_917 : i32 to index
    %swap3A_919 = arith.constant 0 : index
    %swap3A_920 = tpu.vector_load %arg7[%swap3A_918, %swap3A_919] {strides = array<i32>} : memref<128x16xf32, #tpu.memory_space<vmem>>, vector<1x16xf32>,
    %swap3A_921 = vector.shape_cast %swap3A_920 : vector<1x16xf32> to vector<16xf32>
    %swap3A_922 = vector.shape_cast %broadcast_in_dim3A_916 : vector<16xf32> to vector<1x16xf32>
    tpu.vector_store %arg7[%swap3A_918, %swap3A_919], %swap3A_922 {strides = array<i32>} : memref<128x16xf32, #tpu.memory_space<vmem>>, vector<1x16xf32>,
    %broadcast_in_dim3A_923 = arith.constant 0.000000e+00 : f32
    %broadcast_in_dim3A_924 = vector.broadcast %broadcast_in_dim3A_923 : f32 to vector<16xf32>
    %swap3A_925 = arith.constant 57 : i32
    %swap3A_926 = arith.index_cast %swap3A_925 : i32 to index
    %swap3A_927 = arith.constant 0 : index
    %swap3A_928 = tpu.vector_load %arg9[%swap3A_926, %swap3A_927] {strides = array<i32>} : memref<128x16xf32, #tpu.memory_space<vmem>>, vector<1x16xf32>,
    %swap3A_929 = vector.shape_cast %swap3A_928 : vector<1x16xf32> to vector<16xf32>
    %swap3A_930 = vector.shape_cast %broadcast_in_dim3A_924 : vector<16xf32> to vector<1x16xf32>
    tpu.vector_store %arg9[%swap3A_926, %swap3A_927], %swap3A_930 {strides = array<i32>} : memref<128x16xf32, #tpu.memory_space<vmem>>, vector<1x16xf32>,
    %broadcast_in_dim3A_931 = arith.constant 1.000000e+00 : f32
    %broadcast_in_dim3A_932 = vector.broadcast %broadcast_in_dim3A_931 : f32 to vector<16xf32>
    %swap3A_933 = arith.constant 58 : i32
    %swap3A_934 = arith.index_cast %swap3A_933 : i32 to index
    %swap3A_935 = arith.constant 0 : index
    %swap3A_936 = tpu.vector_load %arg7[%swap3A_934, %swap3A_935] {strides = array<i32>} : memref<128x16xf32, #tpu.memory_space<vmem>>, vector<1x16xf32>,
    %swap3A_937 = vector.shape_cast %swap3A_936 : vector<1x16xf32> to vector<16xf32>
    %swap3A_938 = vector.shape_cast %broadcast_in_dim3A_932 : vector<16xf32> to vector<1x16xf32>
    tpu.vector_store %arg7[%swap3A_934, %swap3A_935], %swap3A_938 {strides = array<i32>} : memref<128x16xf32, #tpu.memory_space<vmem>>, vector<1x16xf32>,
    %broadcast_in_dim3A_939 = arith.constant 0.000000e+00 : f32
    %broadcast_in_dim3A_940 = vector.broadcast %broadcast_in_dim3A_939 : f32 to vector<16xf32>
    %swap3A_941 = arith.constant 58 : i32
    %swap3A_942 = arith.index_cast %swap3A_941 : i32 to index
    %swap3A_943 = arith.constant 0 : index
    %swap3A_944 = tpu.vector_load %arg9[%swap3A_942, %swap3A_943] {strides = array<i32>} : memref<128x16xf32, #tpu.memory_space<vmem>>, vector<1x16xf32>,
    %swap3A_945 = vector.shape_cast %swap3A_944 : vector<1x16xf32> to vector<16xf32>
    %swap3A_946 = vector.shape_cast %broadcast_in_dim3A_940 : vector<16xf32> to vector<1x16xf32>
    tpu.vector_store %arg9[%swap3A_942, %swap3A_943], %swap3A_946 {strides = array<i32>} : memref<128x16xf32, #tpu.memory_space<vmem>>, vector<1x16xf32>,
    %broadcast_in_dim3A_947 = arith.constant 1.000000e+00 : f32
    %broadcast_in_dim3A_948 = vector.broadcast %broadcast_in_dim3A_947 : f32 to vector<16xf32>
    %swap3A_949 = arith.constant 59 : i32
    %swap3A_950 = arith.index_cast %swap3A_949 : i32 to index
    %swap3A_951 = arith.constant 0 : index
    %swap3A_952 = tpu.vector_load %arg7[%swap3A_950, %swap3A_951] {strides = array<i32>} : memref<128x16xf32, #tpu.memory_space<vmem>>, vector<1x16xf32>,
    %swap3A_953 = vector.shape_cast %swap3A_952 : vector<1x16xf32> to vector<16xf32>
    %swap3A_954 = vector.shape_cast %broadcast_in_dim3A_948 : vector<16xf32> to vector<1x16xf32>
    tpu.vector_store %arg7[%swap3A_950, %swap3A_951], %swap3A_954 {strides = array<i32>} : memref<128x16xf32, #tpu.memory_space<vmem>>, vector<1x16xf32>,
    %broadcast_in_dim3A_955 = arith.constant 0.000000e+00 : f32
    %broadcast_in_dim3A_956 = vector.broadcast %broadcast_in_dim3A_955 : f32 to vector<16xf32>
    %swap3A_957 = arith.constant 59 : i32
    %swap3A_958 = arith.index_cast %swap3A_957 : i32 to index
    %swap3A_959 = arith.constant 0 : index
    %swap3A_960 = tpu.vector_load %arg9[%swap3A_958, %swap3A_959] {strides = array<i32>} : memref<128x16xf32, #tpu.memory_space<vmem>>, vector<1x16xf32>,
    %swap3A_961 = vector.shape_cast %swap3A_960 : vector<1x16xf32> to vector<16xf32>
    %swap3A_962 = vector.shape_cast %broadcast_in_dim3A_956 : vector<16xf32> to vector<1x16xf32>
    tpu.vector_store %arg9[%swap3A_958, %swap3A_959], %swap3A_962 {strides = array<i32>} : memref<128x16xf32, #tpu.memory_space<vmem>>, vector<1x16xf32>,
    %broadcast_in_dim3A_963 = arith.constant 1.000000e+00 : f32
    %broadcast_in_dim3A_964 = vector.broadcast %broadcast_in_dim3A_963 : f32 to vector<16xf32>
    %swap3A_965 = arith.constant 60 : i32
    %swap3A_966 = arith.index_cast %swap3A_965 : i32 to index
    %swap3A_967 = arith.constant 0 : index
    %swap3A_968 = tpu.vector_load %arg7[%swap3A_966, %swap3A_967] {strides = array<i32>} : memref<128x16xf32, #tpu.memory_space<vmem>>, vector<1x16xf32>,
    %swap3A_969 = vector.shape_cast %swap3A_968 : vector<1x16xf32> to vector<16xf32>
    %swap3A_970 = vector.shape_cast %broadcast_in_dim3A_964 : vector<16xf32> to vector<1x16xf32>
    tpu.vector_store %arg7[%swap3A_966, %swap3A_967], %swap3A_970 {strides = array<i32>} : memref<128x16xf32, #tpu.memory_space<vmem>>, vector<1x16xf32>,
    %broadcast_in_dim3A_971 = arith.constant 0.000000e+00 : f32
    %broadcast_in_dim3A_972 = vector.broadcast %broadcast_in_dim3A_971 : f32 to vector<16xf32>
    %swap3A_973 = arith.constant 60 : i32
    %swap3A_974 = arith.index_cast %swap3A_973 : i32 to index
    %swap3A_975 = arith.constant 0 : index
    %swap3A_976 = tpu.vector_load %arg9[%swap3A_974, %swap3A_975] {strides = array<i32>} : memref<128x16xf32, #tpu.memory_space<vmem>>, vector<1x16xf32>,
    %swap3A_977 = vector.shape_cast %swap3A_976 : vector<1x16xf32> to vector<16xf32>
    %swap3A_978 = vector.shape_cast %broadcast_in_dim3A_972 : vector<16xf32> to vector<1x16xf32>
    tpu.vector_store %arg9[%swap3A_974, %swap3A_975], %swap3A_978 {strides = array<i32>} : memref<128x16xf32, #tpu.memory_space<vmem>>, vector<1x16xf32>,
    %broadcast_in_dim3A_979 = arith.constant 1.000000e+00 : f32
    %broadcast_in_dim3A_980 = vector.broadcast %broadcast_in_dim3A_979 : f32 to vector<16xf32>
    %swap3A_981 = arith.constant 61 : i32
    %swap3A_982 = arith.index_cast %swap3A_981 : i32 to index
    %swap3A_983 = arith.constant 0 : index
    %swap3A_984 = tpu.vector_load %arg7[%swap3A_982, %swap3A_983] {strides = array<i32>} : memref<128x16xf32, #tpu.memory_space<vmem>>, vector<1x16xf32>,
    %swap3A_985 = vector.shape_cast %swap3A_984 : vector<1x16xf32> to vector<16xf32>
    %swap3A_986 = vector.shape_cast %broadcast_in_dim3A_980 : vector<16xf32> to vector<1x16xf32>
    tpu.vector_store %arg7[%swap3A_982, %swap3A_983], %swap3A_986 {strides = array<i32>} : memref<128x16xf32, #tpu.memory_space<vmem>>, vector<1x16xf32>,
    %broadcast_in_dim3A_987 = arith.constant 0.000000e+00 : f32
    %broadcast_in_dim3A_988 = vector.broadcast %broadcast_in_dim3A_987 : f32 to vector<16xf32>
    %swap3A_989 = arith.constant 61 : i32
    %swap3A_990 = arith.index_cast %swap3A_989 : i32 to index
    %swap3A_991 = arith.constant 0 : index
    %swap3A_992 = tpu.vector_load %arg9[%swap3A_990, %swap3A_991] {strides = array<i32>} : memref<128x16xf32, #tpu.memory_space<vmem>>, vector<1x16xf32>,
    %swap3A_993 = vector.shape_cast %swap3A_992 : vector<1x16xf32> to vector<16xf32>
    %swap3A_994 = vector.shape_cast %broadcast_in_dim3A_988 : vector<16xf32> to vector<1x16xf32>
    tpu.vector_store %arg9[%swap3A_990, %swap3A_991], %swap3A_994 {strides = array<i32>} : memref<128x16xf32, #tpu.memory_space<vmem>>, vector<1x16xf32>,
    %broadcast_in_dim3A_995 = arith.constant 1.000000e+00 : f32
    %broadcast_in_dim3A_996 = vector.broadcast %broadcast_in_dim3A_995 : f32 to vector<16xf32>
    %swap3A_997 = arith.constant 62 : i32
    %swap3A_998 = arith.index_cast %swap3A_997 : i32 to index
    %swap3A_999 = arith.constant 0 : index
    %swap3A_1000 = tpu.vector_load %arg7[%swap3A_998, %swap3A_999] {strides = array<i32>} : memref<128x16xf32, #tpu.memory_space<vmem>>, vector<1x16xf32>,
    %swap3A_1001 = vector.shape_cast %swap3A_1000 : vector<1x16xf32> to vector<16xf32>
    %swap3A_1002 = vector.shape_cast %broadcast_in_dim3A_996 : vector<16xf32> to vector<1x16xf32>
    tpu.vector_store %arg7[%swap3A_998, %swap3A_999], %swap3A_1002 {strides = array<i32>} : memref<128x16xf32, #tpu.memory_space<vmem>>, vector<1x16xf32>,
    %broadcast_in_dim3A_1003 = arith.constant 0.000000e+00 : f32
    %broadcast_in_dim3A_1004 = vector.broadcast %broadcast_in_dim3A_1003 : f32 to vector<16xf32>
    %swap3A_1005 = arith.constant 62 : i32
    %swap3A_1006 = arith.index_cast %swap3A_1005 : i32 to index
    %swap3A_1007 = arith.constant 0 : index
    %swap3A_1008 = tpu.vector_load %arg9[%swap3A_1006, %swap3A_1007] {strides = array<i32>} : memref<128x16xf32, #tpu.memory_space<vmem>>, vector<1x16xf32>,
    %swap3A_1009 = vector.shape_cast %swap3A_1008 : vector<1x16xf32> to vector<16xf32>
    %swap3A_1010 = vector.shape_cast %broadcast_in_dim3A_1004 : vector<16xf32> to vector<1x16xf32>
    tpu.vector_store %arg9[%swap3A_1006, %swap3A_1007], %swap3A_1010 {strides = array<i32>} : memref<128x16xf32, #tpu.memory_space<vmem>>, vector<1x16xf32>,
    %broadcast_in_dim3A_1011 = arith.constant 1.000000e+00 : f32
    %broadcast_in_dim3A_1012 = vector.broadcast %broadcast_in_dim3A_1011 : f32 to vector<16xf32>
    %swap3A_1013 = arith.constant 63 : i32
    %swap3A_1014 = arith.index_cast %swap3A_1013 : i32 to index
    %swap3A_1015 = arith.constant 0 : index
    %swap3A_1016 = tpu.vector_load %arg7[%swap3A_1014, %swap3A_1015] {strides = array<i32>} : memref<128x16xf32, #tpu.memory_space<vmem>>, vector<1x16xf32>,
    %swap3A_1017 = vector.shape_cast %swap3A_1016 : vector<1x16xf32> to vector<16xf32>
    %swap3A_1018 = vector.shape_cast %broadcast_in_dim3A_1012 : vector<16xf32> to vector<1x16xf32>
    tpu.vector_store %arg7[%swap3A_1014, %swap3A_1015], %swap3A_1018 {strides = array<i32>} : memref<128x16xf32, #tpu.memory_space<vmem>>, vector<1x16xf32>,
    %broadcast_in_dim3A_1019 = arith.constant 0.000000e+00 : f32
    %broadcast_in_dim3A_1020 = vector.broadcast %broadcast_in_dim3A_1019 : f32 to vector<16xf32>
    %swap3A_1021 = arith.constant 63 : i32
    %swap3A_1022 = arith.index_cast %swap3A_1021 : i32 to index
    %swap3A_1023 = arith.constant 0 : index
    %swap3A_1024 = tpu.vector_load %arg9[%swap3A_1022, %swap3A_1023] {strides = array<i32>} : memref<128x16xf32, #tpu.memory_space<vmem>>, vector<1x16xf32>,
    %swap3A_1025 = vector.shape_cast %swap3A_1024 : vector<1x16xf32> to vector<16xf32>
    %swap3A_1026 = vector.shape_cast %broadcast_in_dim3A_1020 : vector<16xf32> to vector<1x16xf32>
    tpu.vector_store %arg9[%swap3A_1022, %swap3A_1023], %swap3A_1026 {strides = array<i32>} : memref<128x16xf32, #tpu.memory_space<vmem>>, vector<1x16xf32>,
    %broadcast_in_dim3A_1027 = arith.constant 1.000000e+00 : f32
    %broadcast_in_dim3A_1028 = vector.broadcast %broadcast_in_dim3A_1027 : f32 to vector<16xf32>
    %swap3A_1029 = arith.constant 64 : i32
    %swap3A_1030 = arith.index_cast %swap3A_1029 : i32 to index
    %swap3A_1031 = arith.constant 0 : index
    %swap3A_1032 = tpu.vector_load %arg7[%swap3A_1030, %swap3A_1031] {strides = array<i32>} : memref<128x16xf32, #tpu.memory_space<vmem>>, vector<1x16xf32>,
    %swap3A_1033 = vector.shape_cast %swap3A_1032 : vector<1x16xf32> to vector<16xf32>
    %swap3A_1034 = vector.shape_cast %broadcast_in_dim3A_1028 : vector<16xf32> to vector<1x16xf32>
    tpu.vector_store %arg7[%swap3A_1030, %swap3A_1031], %swap3A_1034 {strides = array<i32>} : memref<128x16xf32, #tpu.memory_space<vmem>>, vector<1x16xf32>,
    %broadcast_in_dim3A_1035 = arith.constant 0.000000e+00 : f32
    %broadcast_in_dim3A_1036 = vector.broadcast %broadcast_in_dim3A_1035 : f32 to vector<16xf32>
    %swap3A_1037 = arith.constant 64 : i32
    %swap3A_1038 = arith.index_cast %swap3A_1037 : i32 to index
    %swap3A_1039 = arith.constant 0 : index
    %swap3A_1040 = tpu.vector_load %arg9[%swap3A_1038, %swap3A_1039] {strides = array<i32>} : memref<128x16xf32, #tpu.memory_space<vmem>>, vector<1x16xf32>,
    %swap3A_1041 = vector.shape_cast %swap3A_1040 : vector<1x16xf32> to vector<16xf32>
    %swap3A_1042 = vector.shape_cast %broadcast_in_dim3A_1036 : vector<16xf32> to vector<1x16xf32>
    tpu.vector_store %arg9[%swap3A_1038, %swap3A_1039], %swap3A_1042 {strides = array<i32>} : memref<128x16xf32, #tpu.memory_space<vmem>>, vector<1x16xf32>,
    %broadcast_in_dim3A_1043 = arith.constant 1.000000e+00 : f32
    %broadcast_in_dim3A_1044 = vector.broadcast %broadcast_in_dim3A_1043 : f32 to vector<16xf32>
    %swap3A_1045 = arith.constant 65 : i32
    %swap3A_1046 = arith.index_cast %swap3A_1045 : i32 to index
    %swap3A_1047 = arith.constant 0 : index
    %swap3A_1048 = tpu.vector_load %arg7[%swap3A_1046, %swap3A_1047] {strides = array<i32>} : memref<128x16xf32, #tpu.memory_space<vmem>>, vector<1x16xf32>,
    %swap3A_1049 = vector.shape_cast %swap3A_1048 : vector<1x16xf32> to vector<16xf32>
    %swap3A_1050 = vector.shape_cast %broadcast_in_dim3A_1044 : vector<16xf32> to vector<1x16xf32>
    tpu.vector_store %arg7[%swap3A_1046, %swap3A_1047], %swap3A_1050 {strides = array<i32>} : memref<128x16xf32, #tpu.memory_space<vmem>>, vector<1x16xf32>,
    %broadcast_in_dim3A_1051 = arith.constant 0.000000e+00 : f32
    %broadcast_in_dim3A_1052 = vector.broadcast %broadcast_in_dim3A_1051 : f32 to vector<16xf32>
    %swap3A_1053 = arith.constant 65 : i32
    %swap3A_1054 = arith.index_cast %swap3A_1053 : i32 to index
    %swap3A_1055 = arith.constant 0 : index
    %swap3A_1056 = tpu.vector_load %arg9[%swap3A_1054, %swap3A_1055] {strides = array<i32>} : memref<128x16xf32, #tpu.memory_space<vmem>>, vector<1x16xf32>,
    %swap3A_1057 = vector.shape_cast %swap3A_1056 : vector<1x16xf32> to vector<16xf32>
    %swap3A_1058 = vector.shape_cast %broadcast_in_dim3A_1052 : vector<16xf32> to vector<1x16xf32>
    tpu.vector_store %arg9[%swap3A_1054, %swap3A_1055], %swap3A_1058 {strides = array<i32>} : memref<128x16xf32, #tpu.memory_space<vmem>>, vector<1x16xf32>,
    %broadcast_in_dim3A_1059 = arith.constant 1.000000e+00 : f32
    %broadcast_in_dim3A_1060 = vector.broadcast %broadcast_in_dim3A_1059 : f32 to vector<16xf32>
    %swap3A_1061 = arith.constant 66 : i32
    %swap3A_1062 = arith.index_cast %swap3A_1061 : i32 to index
    %swap3A_1063 = arith.constant 0 : index
    %swap3A_1064 = tpu.vector_load %arg7[%swap3A_1062, %swap3A_1063] {strides = array<i32>} : memref<128x16xf32, #tpu.memory_space<vmem>>, vector<1x16xf32>,
    %swap3A_1065 = vector.shape_cast %swap3A_1064 : vector<1x16xf32> to vector<16xf32>
    %swap3A_1066 = vector.shape_cast %broadcast_in_dim3A_1060 : vector<16xf32> to vector<1x16xf32>
    tpu.vector_store %arg7[%swap3A_1062, %swap3A_1063], %swap3A_1066 {strides = array<i32>} : memref<128x16xf32, #tpu.memory_space<vmem>>, vector<1x16xf32>,
    %broadcast_in_dim3A_1067 = arith.constant 0.000000e+00 : f32
    %broadcast_in_dim3A_1068 = vector.broadcast %broadcast_in_dim3A_1067 : f32 to vector<16xf32>
    %swap3A_1069 = arith.constant 66 : i32
    %swap3A_1070 = arith.index_cast %swap3A_1069 : i32 to index
    %swap3A_1071 = arith.constant 0 : index
    %swap3A_1072 = tpu.vector_load %arg9[%swap3A_1070, %swap3A_1071] {strides = array<i32>} : memref<128x16xf32, #tpu.memory_space<vmem>>, vector<1x16xf32>,
    %swap3A_1073 = vector.shape_cast %swap3A_1072 : vector<1x16xf32> to vector<16xf32>
    %swap3A_1074 = vector.shape_cast %broadcast_in_dim3A_1068 : vector<16xf32> to vector<1x16xf32>
    tpu.vector_store %arg9[%swap3A_1070, %swap3A_1071], %swap3A_1074 {strides = array<i32>} : memref<128x16xf32, #tpu.memory_space<vmem>>, vector<1x16xf32>,
    %broadcast_in_dim3A_1075 = arith.constant 1.000000e+00 : f32
    %broadcast_in_dim3A_1076 = vector.broadcast %broadcast_in_dim3A_1075 : f32 to vector<16xf32>
    %swap3A_1077 = arith.constant 67 : i32
    %swap3A_1078 = arith.index_cast %swap3A_1077 : i32 to index
    %swap3A_1079 = arith.constant 0 : index
    %swap3A_1080 = tpu.vector_load %arg7[%swap3A_1078, %swap3A_1079] {strides = array<i32>} : memref<128x16xf32, #tpu.memory_space<vmem>>, vector<1x16xf32>,
    %swap3A_1081 = vector.shape_cast %swap3A_1080 : vector<1x16xf32> to vector<16xf32>
    %swap3A_1082 = vector.shape_cast %broadcast_in_dim3A_1076 : vector<16xf32> to vector<1x16xf32>
    tpu.vector_store %arg7[%swap3A_1078, %swap3A_1079], %swap3A_1082 {strides = array<i32>} : memref<128x16xf32, #tpu.memory_space<vmem>>, vector<1x16xf32>,
    %broadcast_in_dim3A_1083 = arith.constant 0.000000e+00 : f32
    %broadcast_in_dim3A_1084 = vector.broadcast %broadcast_in_dim3A_1083 : f32 to vector<16xf32>
    %swap3A_1085 = arith.constant 67 : i32
    %swap3A_1086 = arith.index_cast %swap3A_1085 : i32 to index
    %swap3A_1087 = arith.constant 0 : index
    %swap3A_1088 = tpu.vector_load %arg9[%swap3A_1086, %swap3A_1087] {strides = array<i32>} : memref<128x16xf32, #tpu.memory_space<vmem>>, vector<1x16xf32>,
    %swap3A_1089 = vector.shape_cast %swap3A_1088 : vector<1x16xf32> to vector<16xf32>
    %swap3A_1090 = vector.shape_cast %broadcast_in_dim3A_1084 : vector<16xf32> to vector<1x16xf32>
    tpu.vector_store %arg9[%swap3A_1086, %swap3A_1087], %swap3A_1090 {strides = array<i32>} : memref<128x16xf32, #tpu.memory_space<vmem>>, vector<1x16xf32>,
    %broadcast_in_dim3A_1091 = arith.constant 1.000000e+00 : f32
    %broadcast_in_dim3A_1092 = vector.broadcast %broadcast_in_dim3A_1091 : f32 to vector<16xf32>
    %swap3A_1093 = arith.constant 68 : i32
    %swap3A_1094 = arith.index_cast %swap3A_1093 : i32 to index
    %swap3A_1095 = arith.constant 0 : index
    %swap3A_1096 = tpu.vector_load %arg7[%swap3A_1094, %swap3A_1095] {strides = array<i32>} : memref<128x16xf32, #tpu.memory_space<vmem>>, vector<1x16xf32>,
    %swap3A_1097 = vector.shape_cast %swap3A_1096 : vector<1x16xf32> to vector<16xf32>
    %swap3A_1098 = vector.shape_cast %broadcast_in_dim3A_1092 : vector<16xf32> to vector<1x16xf32>
    tpu.vector_store %arg7[%swap3A_1094, %swap3A_1095], %swap3A_1098 {strides = array<i32>} : memref<128x16xf32, #tpu.memory_space<vmem>>, vector<1x16xf32>,
    %broadcast_in_dim3A_1099 = arith.constant 0.000000e+00 : f32
    %broadcast_in_dim3A_1100 = vector.broadcast %broadcast_in_dim3A_1099 : f32 to vector<16xf32>
    %swap3A_1101 = arith.constant 68 : i32
    %swap3A_1102 = arith.index_cast %swap3A_1101 : i32 to index
    %swap3A_1103 = arith.constant 0 : index
    %swap3A_1104 = tpu.vector_load %arg9[%swap3A_1102, %swap3A_1103] {strides = array<i32>} : memref<128x16xf32, #tpu.memory_space<vmem>>, vector<1x16xf32>,
    %swap3A_1105 = vector.shape_cast %swap3A_1104 : vector<1x16xf32> to vector<16xf32>
    %swap3A_1106 = vector.shape_cast %broadcast_in_dim3A_1100 : vector<16xf32> to vector<1x16xf32>
    tpu.vector_store %arg9[%swap3A_1102, %swap3A_1103], %swap3A_1106 {strides = array<i32>} : memref<128x16xf32, #tpu.memory_space<vmem>>, vector<1x16xf32>,
    %broadcast_in_dim3A_1107 = arith.constant 1.000000e+00 : f32
    %broadcast_in_dim3A_1108 = vector.broadcast %broadcast_in_dim3A_1107 : f32 to vector<16xf32>
    %swap3A_1109 = arith.constant 69 : i32
    %swap3A_1110 = arith.index_cast %swap3A_1109 : i32 to index
    %swap3A_1111 = arith.constant 0 : index
    %swap3A_1112 = tpu.vector_load %arg7[%swap3A_1110, %swap3A_1111] {strides = array<i32>} : memref<128x16xf32, #tpu.memory_space<vmem>>, vector<1x16xf32>,
    %swap3A_1113 = vector.shape_cast %swap3A_1112 : vector<1x16xf32> to vector<16xf32>
    %swap3A_1114 = vector.shape_cast %broadcast_in_dim3A_1108 : vector<16xf32> to vector<1x16xf32>
    tpu.vector_store %arg7[%swap3A_1110, %swap3A_1111], %swap3A_1114 {strides = array<i32>} : memref<128x16xf32, #tpu.memory_space<vmem>>, vector<1x16xf32>,
    %broadcast_in_dim3A_1115 = arith.constant 0.000000e+00 : f32
    %broadcast_in_dim3A_1116 = vector.broadcast %broadcast_in_dim3A_1115 : f32 to vector<16xf32>
    %swap3A_1117 = arith.constant 69 : i32
    %swap3A_1118 = arith.index_cast %swap3A_1117 : i32 to index
    %swap3A_1119 = arith.constant 0 : index
    %swap3A_1120 = tpu.vector_load %arg9[%swap3A_1118, %swap3A_1119] {strides = array<i32>} : memref<128x16xf32, #tpu.memory_space<vmem>>, vector<1x16xf32>,
    %swap3A_1121 = vector.shape_cast %swap3A_1120 : vector<1x16xf32> to vector<16xf32>
    %swap3A_1122 = vector.shape_cast %broadcast_in_dim3A_1116 : vector<16xf32> to vector<1x16xf32>
    tpu.vector_store %arg9[%swap3A_1118, %swap3A_1119], %swap3A_1122 {strides = array<i32>} : memref<128x16xf32, #tpu.memory_space<vmem>>, vector<1x16xf32>,
    %broadcast_in_dim3A_1123 = arith.constant 1.000000e+00 : f32
    %broadcast_in_dim3A_1124 = vector.broadcast %broadcast_in_dim3A_1123 : f32 to vector<16xf32>
    %swap3A_1125 = arith.constant 70 : i32
    %swap3A_1126 = arith.index_cast %swap3A_1125 : i32 to index
    %swap3A_1127 = arith.constant 0 : index
    %swap3A_1128 = tpu.vector_load %arg7[%swap3A_1126, %swap3A_1127] {strides = array<i32>} : memref<128x16xf32, #tpu.memory_space<vmem>>, vector<1x16xf32>,
    %swap3A_1129 = vector.shape_cast %swap3A_1128 : vector<1x16xf32> to vector<16xf32>
    %swap3A_1130 = vector.shape_cast %broadcast_in_dim3A_1124 : vector<16xf32> to vector<1x16xf32>
    tpu.vector_store %arg7[%swap3A_1126, %swap3A_1127], %swap3A_1130 {strides = array<i32>} : memref<128x16xf32, #tpu.memory_space<vmem>>, vector<1x16xf32>,
    %broadcast_in_dim3A_1131 = arith.constant 0.000000e+00 : f32
    %broadcast_in_dim3A_1132 = vector.broadcast %broadcast_in_dim3A_1131 : f32 to vector<16xf32>
    %swap3A_1133 = arith.constant 70 : i32
    %swap3A_1134 = arith.index_cast %swap3A_1133 : i32 to index
    %swap3A_1135 = arith.constant 0 : index
    %swap3A_1136 = tpu.vector_load %arg9[%swap3A_1134, %swap3A_1135] {strides = array<i32>} : memref<128x16xf32, #tpu.memory_space<vmem>>, vector<1x16xf32>,
    %swap3A_1137 = vector.shape_cast %swap3A_1136 : vector<1x16xf32> to vector<16xf32>
    %swap3A_1138 = vector.shape_cast %broadcast_in_dim3A_1132 : vector<16xf32> to vector<1x16xf32>
    tpu.vector_store %arg9[%swap3A_1134, %swap3A_1135], %swap3A_1138 {strides = array<i32>} : memref<128x16xf32, #tpu.memory_space<vmem>>, vector<1x16xf32>,
    %broadcast_in_dim3A_1139 = arith.constant 1.000000e+00 : f32
    %broadcast_in_dim3A_1140 = vector.broadcast %broadcast_in_dim3A_1139 : f32 to vector<16xf32>
    %swap3A_1141 = arith.constant 71 : i32
    %swap3A_1142 = arith.index_cast %swap3A_1141 : i32 to index
    %swap3A_1143 = arith.constant 0 : index
    %swap3A_1144 = tpu.vector_load %arg7[%swap3A_1142, %swap3A_1143] {strides = array<i32>} : memref<128x16xf32, #tpu.memory_space<vmem>>, vector<1x16xf32>,
    %swap3A_1145 = vector.shape_cast %swap3A_1144 : vector<1x16xf32> to vector<16xf32>
    %swap3A_1146 = vector.shape_cast %broadcast_in_dim3A_1140 : vector<16xf32> to vector<1x16xf32>
    tpu.vector_store %arg7[%swap3A_1142, %swap3A_1143], %swap3A_1146 {strides = array<i32>} : memref<128x16xf32, #tpu.memory_space<vmem>>, vector<1x16xf32>,
    %broadcast_in_dim3A_1147 = arith.constant 0.000000e+00 : f32
    %broadcast_in_dim3A_1148 = vector.broadcast %broadcast_in_dim3A_1147 : f32 to vector<16xf32>
    %swap3A_1149 = arith.constant 71 : i32
    %swap3A_1150 = arith.index_cast %swap3A_1149 : i32 to index
    %swap3A_1151 = arith.constant 0 : index
    %swap3A_1152 = tpu.vector_load %arg9[%swap3A_1150, %swap3A_1151] {strides = array<i32>} : memref<128x16xf32, #tpu.memory_space<vmem>>, vector<1x16xf32>,
    %swap3A_1153 = vector.shape_cast %swap3A_1152 : vector<1x16xf32> to vector<16xf32>
    %swap3A_1154 = vector.shape_cast %broadcast_in_dim3A_1148 : vector<16xf32> to vector<1x16xf32>
    tpu.vector_store %arg9[%swap3A_1150, %swap3A_1151], %swap3A_1154 {strides = array<i32>} : memref<128x16xf32, #tpu.memory_space<vmem>>, vector<1x16xf32>,
    %broadcast_in_dim3A_1155 = arith.constant 1.000000e+00 : f32
    %broadcast_in_dim3A_1156 = vector.broadcast %broadcast_in_dim3A_1155 : f32 to vector<16xf32>
    %swap3A_1157 = arith.constant 72 : i32
    %swap3A_1158 = arith.index_cast %swap3A_1157 : i32 to index
    %swap3A_1159 = arith.constant 0 : index
    %swap3A_1160 = tpu.vector_load %arg7[%swap3A_1158, %swap3A_1159] {strides = array<i32>} : memref<128x16xf32, #tpu.memory_space<vmem>>, vector<1x16xf32>,
    %swap3A_1161 = vector.shape_cast %swap3A_1160 : vector<1x16xf32> to vector<16xf32>
    %swap3A_1162 = vector.shape_cast %broadcast_in_dim3A_1156 : vector<16xf32> to vector<1x16xf32>
    tpu.vector_store %arg7[%swap3A_1158, %swap3A_1159], %swap3A_1162 {strides = array<i32>} : memref<128x16xf32, #tpu.memory_space<vmem>>, vector<1x16xf32>,
    %broadcast_in_dim3A_1163 = arith.constant 0.000000e+00 : f32
    %broadcast_in_dim3A_1164 = vector.broadcast %broadcast_in_dim3A_1163 : f32 to vector<16xf32>
    %swap3A_1165 = arith.constant 72 : i32
    %swap3A_1166 = arith.index_cast %swap3A_1165 : i32 to index
    %swap3A_1167 = arith.constant 0 : index
    %swap3A_1168 = tpu.vector_load %arg9[%swap3A_1166, %swap3A_1167] {strides = array<i32>} : memref<128x16xf32, #tpu.memory_space<vmem>>, vector<1x16xf32>,
    %swap3A_1169 = vector.shape_cast %swap3A_1168 : vector<1x16xf32> to vector<16xf32>
    %swap3A_1170 = vector.shape_cast %broadcast_in_dim3A_1164 : vector<16xf32> to vector<1x16xf32>
    tpu.vector_store %arg9[%swap3A_1166, %swap3A_1167], %swap3A_1170 {strides = array<i32>} : memref<128x16xf32, #tpu.memory_space<vmem>>, vector<1x16xf32>,
    %broadcast_in_dim3A_1171 = arith.constant 1.000000e+00 : f32
    %broadcast_in_dim3A_1172 = vector.broadcast %broadcast_in_dim3A_1171 : f32 to vector<16xf32>
    %swap3A_1173 = arith.constant 73 : i32
    %swap3A_1174 = arith.index_cast %swap3A_1173 : i32 to index
    %swap3A_1175 = arith.constant 0 : index
    %swap3A_1176 = tpu.vector_load %arg7[%swap3A_1174, %swap3A_1175] {strides = array<i32>} : memref<128x16xf32, #tpu.memory_space<vmem>>, vector<1x16xf32>,
    %swap3A_1177 = vector.shape_cast %swap3A_1176 : vector<1x16xf32> to vector<16xf32>
    %swap3A_1178 = vector.shape_cast %broadcast_in_dim3A_1172 : vector<16xf32> to vector<1x16xf32>
    tpu.vector_store %arg7[%swap3A_1174, %swap3A_1175], %swap3A_1178 {strides = array<i32>} : memref<128x16xf32, #tpu.memory_space<vmem>>, vector<1x16xf32>,
    %broadcast_in_dim3A_1179 = arith.constant 0.000000e+00 : f32
    %broadcast_in_dim3A_1180 = vector.broadcast %broadcast_in_dim3A_1179 : f32 to vector<16xf32>
    %swap3A_1181 = arith.constant 73 : i32
    %swap3A_1182 = arith.index_cast %swap3A_1181 : i32 to index
    %swap3A_1183 = arith.constant 0 : index
    %swap3A_1184 = tpu.vector_load %arg9[%swap3A_1182, %swap3A_1183] {strides = array<i32>} : memref<128x16xf32, #tpu.memory_space<vmem>>, vector<1x16xf32>,
    %swap3A_1185 = vector.shape_cast %swap3A_1184 : vector<1x16xf32> to vector<16xf32>
    %swap3A_1186 = vector.shape_cast %broadcast_in_dim3A_1180 : vector<16xf32> to vector<1x16xf32>
    tpu.vector_store %arg9[%swap3A_1182, %swap3A_1183], %swap3A_1186 {strides = array<i32>} : memref<128x16xf32, #tpu.memory_space<vmem>>, vector<1x16xf32>,
    %broadcast_in_dim3A_1187 = arith.constant 1.000000e+00 : f32
    %broadcast_in_dim3A_1188 = vector.broadcast %broadcast_in_dim3A_1187 : f32 to vector<16xf32>
    %swap3A_1189 = arith.constant 74 : i32
    %swap3A_1190 = arith.index_cast %swap3A_1189 : i32 to index
    %swap3A_1191 = arith.constant 0 : index
    %swap3A_1192 = tpu.vector_load %arg7[%swap3A_1190, %swap3A_1191] {strides = array<i32>} : memref<128x16xf32, #tpu.memory_space<vmem>>, vector<1x16xf32>,
    %swap3A_1193 = vector.shape_cast %swap3A_1192 : vector<1x16xf32> to vector<16xf32>
    %swap3A_1194 = vector.shape_cast %broadcast_in_dim3A_1188 : vector<16xf32> to vector<1x16xf32>
    tpu.vector_store %arg7[%swap3A_1190, %swap3A_1191], %swap3A_1194 {strides = array<i32>} : memref<128x16xf32, #tpu.memory_space<vmem>>, vector<1x16xf32>,
    %broadcast_in_dim3A_1195 = arith.constant 0.000000e+00 : f32
    %broadcast_in_dim3A_1196 = vector.broadcast %broadcast_in_dim3A_1195 : f32 to vector<16xf32>
    %swap3A_1197 = arith.constant 74 : i32
    %swap3A_1198 = arith.index_cast %swap3A_1197 : i32 to index
    %swap3A_1199 = arith.constant 0 : index
    %swap3A_1200 = tpu.vector_load %arg9[%swap3A_1198, %swap3A_1199] {strides = array<i32>} : memref<128x16xf32, #tpu.memory_space<vmem>>, vector<1x16xf32>,
    %swap3A_1201 = vector.shape_cast %swap3A_1200 : vector<1x16xf32> to vector<16xf32>
    %swap3A_1202 = vector.shape_cast %broadcast_in_dim3A_1196 : vector<16xf32> to vector<1x16xf32>
    tpu.vector_store %arg9[%swap3A_1198, %swap3A_1199], %swap3A_1202 {strides = array<i32>} : memref<128x16xf32, #tpu.memory_space<vmem>>, vector<1x16xf32>,
    %broadcast_in_dim3A_1203 = arith.constant 1.000000e+00 : f32
    %broadcast_in_dim3A_1204 = vector.broadcast %broadcast_in_dim3A_1203 : f32 to vector<16xf32>
    %swap3A_1205 = arith.constant 75 : i32
    %swap3A_1206 = arith.index_cast %swap3A_1205 : i32 to index
    %swap3A_1207 = arith.constant 0 : index
    %swap3A_1208 = tpu.vector_load %arg7[%swap3A_1206, %swap3A_1207] {strides = array<i32>} : memref<128x16xf32, #tpu.memory_space<vmem>>, vector<1x16xf32>,
    %swap3A_1209 = vector.shape_cast %swap3A_1208 : vector<1x16xf32> to vector<16xf32>
    %swap3A_1210 = vector.shape_cast %broadcast_in_dim3A_1204 : vector<16xf32> to vector<1x16xf32>
    tpu.vector_store %arg7[%swap3A_1206, %swap3A_1207], %swap3A_1210 {strides = array<i32>} : memref<128x16xf32, #tpu.memory_space<vmem>>, vector<1x16xf32>,
    %broadcast_in_dim3A_1211 = arith.constant 0.000000e+00 : f32
    %broadcast_in_dim3A_1212 = vector.broadcast %broadcast_in_dim3A_1211 : f32 to vector<16xf32>
    %swap3A_1213 = arith.constant 75 : i32
    %swap3A_1214 = arith.index_cast %swap3A_1213 : i32 to index
    %swap3A_1215 = arith.constant 0 : index
    %swap3A_1216 = tpu.vector_load %arg9[%swap3A_1214, %swap3A_1215] {strides = array<i32>} : memref<128x16xf32, #tpu.memory_space<vmem>>, vector<1x16xf32>,
    %swap3A_1217 = vector.shape_cast %swap3A_1216 : vector<1x16xf32> to vector<16xf32>
    %swap3A_1218 = vector.shape_cast %broadcast_in_dim3A_1212 : vector<16xf32> to vector<1x16xf32>
    tpu.vector_store %arg9[%swap3A_1214, %swap3A_1215], %swap3A_1218 {strides = array<i32>} : memref<128x16xf32, #tpu.memory_space<vmem>>, vector<1x16xf32>,
    %broadcast_in_dim3A_1219 = arith.constant 1.000000e+00 : f32
    %broadcast_in_dim3A_1220 = vector.broadcast %broadcast_in_dim3A_1219 : f32 to vector<16xf32>
    %swap3A_1221 = arith.constant 76 : i32
    %swap3A_1222 = arith.index_cast %swap3A_1221 : i32 to index
    %swap3A_1223 = arith.constant 0 : index
    %swap3A_1224 = tpu.vector_load %arg7[%swap3A_1222, %swap3A_1223] {strides = array<i32>} : memref<128x16xf32, #tpu.memory_space<vmem>>, vector<1x16xf32>,
    %swap3A_1225 = vector.shape_cast %swap3A_1224 : vector<1x16xf32> to vector<16xf32>
    %swap3A_1226 = vector.shape_cast %broadcast_in_dim3A_1220 : vector<16xf32> to vector<1x16xf32>
    tpu.vector_store %arg7[%swap3A_1222, %swap3A_1223], %swap3A_1226 {strides = array<i32>} : memref<128x16xf32, #tpu.memory_space<vmem>>, vector<1x16xf32>,
    %broadcast_in_dim3A_1227 = arith.constant 0.000000e+00 : f32
    %broadcast_in_dim3A_1228 = vector.broadcast %broadcast_in_dim3A_1227 : f32 to vector<16xf32>
    %swap3A_1229 = arith.constant 76 : i32
    %swap3A_1230 = arith.index_cast %swap3A_1229 : i32 to index
    %swap3A_1231 = arith.constant 0 : index
    %swap3A_1232 = tpu.vector_load %arg9[%swap3A_1230, %swap3A_1231] {strides = array<i32>} : memref<128x16xf32, #tpu.memory_space<vmem>>, vector<1x16xf32>,
    %swap3A_1233 = vector.shape_cast %swap3A_1232 : vector<1x16xf32> to vector<16xf32>
    %swap3A_1234 = vector.shape_cast %broadcast_in_dim3A_1228 : vector<16xf32> to vector<1x16xf32>
    tpu.vector_store %arg9[%swap3A_1230, %swap3A_1231], %swap3A_1234 {strides = array<i32>} : memref<128x16xf32, #tpu.memory_space<vmem>>, vector<1x16xf32>,
    %broadcast_in_dim3A_1235 = arith.constant 1.000000e+00 : f32
    %broadcast_in_dim3A_1236 = vector.broadcast %broadcast_in_dim3A_1235 : f32 to vector<16xf32>
    %swap3A_1237 = arith.constant 77 : i32
    %swap3A_1238 = arith.index_cast %swap3A_1237 : i32 to index
    %swap3A_1239 = arith.constant 0 : index
    %swap3A_1240 = tpu.vector_load %arg7[%swap3A_1238, %swap3A_1239] {strides = array<i32>} : memref<128x16xf32, #tpu.memory_space<vmem>>, vector<1x16xf32>,
    %swap3A_1241 = vector.shape_cast %swap3A_1240 : vector<1x16xf32> to vector<16xf32>
    %swap3A_1242 = vector.shape_cast %broadcast_in_dim3A_1236 : vector<16xf32> to vector<1x16xf32>
    tpu.vector_store %arg7[%swap3A_1238, %swap3A_1239], %swap3A_1242 {strides = array<i32>} : memref<128x16xf32, #tpu.memory_space<vmem>>, vector<1x16xf32>,
    %broadcast_in_dim3A_1243 = arith.constant 0.000000e+00 : f32
    %broadcast_in_dim3A_1244 = vector.broadcast %broadcast_in_dim3A_1243 : f32 to vector<16xf32>
    %swap3A_1245 = arith.constant 77 : i32
    %swap3A_1246 = arith.index_cast %swap3A_1245 : i32 to index
    %swap3A_1247 = arith.constant 0 : index
    %swap3A_1248 = tpu.vector_load %arg9[%swap3A_1246, %swap3A_1247] {strides = array<i32>} : memref<128x16xf32, #tpu.memory_space<vmem>>, vector<1x16xf32>,
    %swap3A_1249 = vector.shape_cast %swap3A_1248 : vector<1x16xf32> to vector<16xf32>
    %swap3A_1250 = vector.shape_cast %broadcast_in_dim3A_1244 : vector<16xf32> to vector<1x16xf32>
    tpu.vector_store %arg9[%swap3A_1246, %swap3A_1247], %swap3A_1250 {strides = array<i32>} : memref<128x16xf32, #tpu.memory_space<vmem>>, vector<1x16xf32>,
    %broadcast_in_dim3A_1251 = arith.constant 1.000000e+00 : f32
    %broadcast_in_dim3A_1252 = vector.broadcast %broadcast_in_dim3A_1251 : f32 to vector<16xf32>
    %swap3A_1253 = arith.constant 78 : i32
    %swap3A_1254 = arith.index_cast %swap3A_1253 : i32 to index
    %swap3A_1255 = arith.constant 0 : index
    %swap3A_1256 = tpu.vector_load %arg7[%swap3A_1254, %swap3A_1255] {strides = array<i32>} : memref<128x16xf32, #tpu.memory_space<vmem>>, vector<1x16xf32>,
    %swap3A_1257 = vector.shape_cast %swap3A_1256 : vector<1x16xf32> to vector<16xf32>
    %swap3A_1258 = vector.shape_cast %broadcast_in_dim3A_1252 : vector<16xf32> to vector<1x16xf32>
    tpu.vector_store %arg7[%swap3A_1254, %swap3A_1255], %swap3A_1258 {strides = array<i32>} : memref<128x16xf32, #tpu.memory_space<vmem>>, vector<1x16xf32>,
    %broadcast_in_dim3A_1259 = arith.constant 0.000000e+00 : f32
    %broadcast_in_dim3A_1260 = vector.broadcast %broadcast_in_dim3A_1259 : f32 to vector<16xf32>
    %swap3A_1261 = arith.constant 78 : i32
    %swap3A_1262 = arith.index_cast %swap3A_1261 : i32 to index
    %swap3A_1263 = arith.constant 0 : index
    %swap3A_1264 = tpu.vector_load %arg9[%swap3A_1262, %swap3A_1263] {strides = array<i32>} : memref<128x16xf32, #tpu.memory_space<vmem>>, vector<1x16xf32>,
    %swap3A_1265 = vector.shape_cast %swap3A_1264 : vector<1x16xf32> to vector<16xf32>
    %swap3A_1266 = vector.shape_cast %broadcast_in_dim3A_1260 : vector<16xf32> to vector<1x16xf32>
    tpu.vector_store %arg9[%swap3A_1262, %swap3A_1263], %swap3A_1266 {strides = array<i32>} : memref<128x16xf32, #tpu.memory_space<vmem>>, vector<1x16xf32>,
    %broadcast_in_dim3A_1267 = arith.constant 1.000000e+00 : f32
    %broadcast_in_dim3A_1268 = vector.broadcast %broadcast_in_dim3A_1267 : f32 to vector<16xf32>
    %swap3A_1269 = arith.constant 79 : i32
    %swap3A_1270 = arith.index_cast %swap3A_1269 : i32 to index
    %swap3A_1271 = arith.constant 0 : index
    %swap3A_1272 = tpu.vector_load %arg7[%swap3A_1270, %swap3A_1271] {strides = array<i32>} : memref<128x16xf32, #tpu.memory_space<vmem>>, vector<1x16xf32>,
    %swap3A_1273 = vector.shape_cast %swap3A_1272 : vector<1x16xf32> to vector<16xf32>
    %swap3A_1274 = vector.shape_cast %broadcast_in_dim3A_1268 : vector<16xf32> to vector<1x16xf32>
    tpu.vector_store %arg7[%swap3A_1270, %swap3A_1271], %swap3A_1274 {strides = array<i32>} : memref<128x16xf32, #tpu.memory_space<vmem>>, vector<1x16xf32>,
    %broadcast_in_dim3A_1275 = arith.constant 0.000000e+00 : f32
    %broadcast_in_dim3A_1276 = vector.broadcast %broadcast_in_dim3A_1275 : f32 to vector<16xf32>
    %swap3A_1277 = arith.constant 79 : i32
    %swap3A_1278 = arith.index_cast %swap3A_1277 : i32 to index
    %swap3A_1279 = arith.constant 0 : index
    %swap3A_1280 = tpu.vector_load %arg9[%swap3A_1278, %swap3A_1279] {strides = array<i32>} : memref<128x16xf32, #tpu.memory_space<vmem>>, vector<1x16xf32>,
    %swap3A_1281 = vector.shape_cast %swap3A_1280 : vector<1x16xf32> to vector<16xf32>
    %swap3A_1282 = vector.shape_cast %broadcast_in_dim3A_1276 : vector<16xf32> to vector<1x16xf32>
    tpu.vector_store %arg9[%swap3A_1278, %swap3A_1279], %swap3A_1282 {strides = array<i32>} : memref<128x16xf32, #tpu.memory_space<vmem>>, vector<1x16xf32>,
    %broadcast_in_dim3A_1283 = arith.constant 1.000000e+00 : f32
    %broadcast_in_dim3A_1284 = vector.broadcast %broadcast_in_dim3A_1283 : f32 to vector<16xf32>
    %swap3A_1285 = arith.constant 80 : i32
    %swap3A_1286 = arith.index_cast %swap3A_1285 : i32 to index
    %swap3A_1287 = arith.constant 0 : index
    %swap3A_1288 = tpu.vector_load %arg7[%swap3A_1286, %swap3A_1287] {strides = array<i32>} : memref<128x16xf32, #tpu.memory_space<vmem>>, vector<1x16xf32>,
    %swap3A_1289 = vector.shape_cast %swap3A_1288 : vector<1x16xf32> to vector<16xf32>
    %swap3A_1290 = vector.shape_cast %broadcast_in_dim3A_1284 : vector<16xf32> to vector<1x16xf32>
    tpu.vector_store %arg7[%swap3A_1286, %swap3A_1287], %swap3A_1290 {strides = array<i32>} : memref<128x16xf32, #tpu.memory_space<vmem>>, vector<1x16xf32>,
    %broadcast_in_dim3A_1291 = arith.constant 0.000000e+00 : f32
    %broadcast_in_dim3A_1292 = vector.broadcast %broadcast_in_dim3A_1291 : f32 to vector<16xf32>
    %swap3A_1293 = arith.constant 80 : i32
    %swap3A_1294 = arith.index_cast %swap3A_1293 : i32 to index
    %swap3A_1295 = arith.constant 0 : index
    %swap3A_1296 = tpu.vector_load %arg9[%swap3A_1294, %swap3A_1295] {strides = array<i32>} : memref<128x16xf32, #tpu.memory_space<vmem>>, vector<1x16xf32>,
    %swap3A_1297 = vector.shape_cast %swap3A_1296 : vector<1x16xf32> to vector<16xf32>
    %swap3A_1298 = vector.shape_cast %broadcast_in_dim3A_1292 : vector<16xf32> to vector<1x16xf32>
    tpu.vector_store %arg9[%swap3A_1294, %swap3A_1295], %swap3A_1298 {strides = array<i32>} : memref<128x16xf32, #tpu.memory_space<vmem>>, vector<1x16xf32>,
    %broadcast_in_dim3A_1299 = arith.constant 1.000000e+00 : f32
    %broadcast_in_dim3A_1300 = vector.broadcast %broadcast_in_dim3A_1299 : f32 to vector<16xf32>
    %swap3A_1301 = arith.constant 81 : i32
    %swap3A_1302 = arith.index_cast %swap3A_1301 : i32 to index
    %swap3A_1303 = arith.constant 0 : index
    %swap3A_1304 = tpu.vector_load %arg7[%swap3A_1302, %swap3A_1303] {strides = array<i32>} : memref<128x16xf32, #tpu.memory_space<vmem>>, vector<1x16xf32>,
    %swap3A_1305 = vector.shape_cast %swap3A_1304 : vector<1x16xf32> to vector<16xf32>
    %swap3A_1306 = vector.shape_cast %broadcast_in_dim3A_1300 : vector<16xf32> to vector<1x16xf32>
    tpu.vector_store %arg7[%swap3A_1302, %swap3A_1303], %swap3A_1306 {strides = array<i32>} : memref<128x16xf32, #tpu.memory_space<vmem>>, vector<1x16xf32>,
    %broadcast_in_dim3A_1307 = arith.constant 0.000000e+00 : f32
    %broadcast_in_dim3A_1308 = vector.broadcast %broadcast_in_dim3A_1307 : f32 to vector<16xf32>
    %swap3A_1309 = arith.constant 81 : i32
    %swap3A_1310 = arith.index_cast %swap3A_1309 : i32 to index
    %swap3A_1311 = arith.constant 0 : index
    %swap3A_1312 = tpu.vector_load %arg9[%swap3A_1310, %swap3A_1311] {strides = array<i32>} : memref<128x16xf32, #tpu.memory_space<vmem>>, vector<1x16xf32>,
    %swap3A_1313 = vector.shape_cast %swap3A_1312 : vector<1x16xf32> to vector<16xf32>
    %swap3A_1314 = vector.shape_cast %broadcast_in_dim3A_1308 : vector<16xf32> to vector<1x16xf32>
    tpu.vector_store %arg9[%swap3A_1310, %swap3A_1311], %swap3A_1314 {strides = array<i32>} : memref<128x16xf32, #tpu.memory_space<vmem>>, vector<1x16xf32>,
    %broadcast_in_dim3A_1315 = arith.constant 1.000000e+00 : f32
    %broadcast_in_dim3A_1316 = vector.broadcast %broadcast_in_dim3A_1315 : f32 to vector<16xf32>
    %swap3A_1317 = arith.constant 82 : i32
    %swap3A_1318 = arith.index_cast %swap3A_1317 : i32 to index
    %swap3A_1319 = arith.constant 0 : index
    %swap3A_1320 = tpu.vector_load %arg7[%swap3A_1318, %swap3A_1319] {strides = array<i32>} : memref<128x16xf32, #tpu.memory_space<vmem>>, vector<1x16xf32>,
    %swap3A_1321 = vector.shape_cast %swap3A_1320 : vector<1x16xf32> to vector<16xf32>
    %swap3A_1322 = vector.shape_cast %broadcast_in_dim3A_1316 : vector<16xf32> to vector<1x16xf32>
    tpu.vector_store %arg7[%swap3A_1318, %swap3A_1319], %swap3A_1322 {strides = array<i32>} : memref<128x16xf32, #tpu.memory_space<vmem>>, vector<1x16xf32>,
    %broadcast_in_dim3A_1323 = arith.constant 0.000000e+00 : f32
    %broadcast_in_dim3A_1324 = vector.broadcast %broadcast_in_dim3A_1323 : f32 to vector<16xf32>
    %swap3A_1325 = arith.constant 82 : i32
    %swap3A_1326 = arith.index_cast %swap3A_1325 : i32 to index
    %swap3A_1327 = arith.constant 0 : index
    %swap3A_1328 = tpu.vector_load %arg9[%swap3A_1326, %swap3A_1327] {strides = array<i32>} : memref<128x16xf32, #tpu.memory_space<vmem>>, vector<1x16xf32>,
    %swap3A_1329 = vector.shape_cast %swap3A_1328 : vector<1x16xf32> to vector<16xf32>
    %swap3A_1330 = vector.shape_cast %broadcast_in_dim3A_1324 : vector<16xf32> to vector<1x16xf32>
    tpu.vector_store %arg9[%swap3A_1326, %swap3A_1327], %swap3A_1330 {strides = array<i32>} : memref<128x16xf32, #tpu.memory_space<vmem>>, vector<1x16xf32>,
    %broadcast_in_dim3A_1331 = arith.constant 1.000000e+00 : f32
    %broadcast_in_dim3A_1332 = vector.broadcast %broadcast_in_dim3A_1331 : f32 to vector<16xf32>
    %swap3A_1333 = arith.constant 83 : i32
    %swap3A_1334 = arith.index_cast %swap3A_1333 : i32 to index
    %swap3A_1335 = arith.constant 0 : index
    %swap3A_1336 = tpu.vector_load %arg7[%swap3A_1334, %swap3A_1335] {strides = array<i32>} : memref<128x16xf32, #tpu.memory_space<vmem>>, vector<1x16xf32>,
    %swap3A_1337 = vector.shape_cast %swap3A_1336 : vector<1x16xf32> to vector<16xf32>
    %swap3A_1338 = vector.shape_cast %broadcast_in_dim3A_1332 : vector<16xf32> to vector<1x16xf32>
    tpu.vector_store %arg7[%swap3A_1334, %swap3A_1335], %swap3A_1338 {strides = array<i32>} : memref<128x16xf32, #tpu.memory_space<vmem>>, vector<1x16xf32>,
    %broadcast_in_dim3A_1339 = arith.constant 0.000000e+00 : f32
    %broadcast_in_dim3A_1340 = vector.broadcast %broadcast_in_dim3A_1339 : f32 to vector<16xf32>
    %swap3A_1341 = arith.constant 83 : i32
    %swap3A_1342 = arith.index_cast %swap3A_1341 : i32 to index
    %swap3A_1343 = arith.constant 0 : index
    %swap3A_1344 = tpu.vector_load %arg9[%swap3A_1342, %swap3A_1343] {strides = array<i32>} : memref<128x16xf32, #tpu.memory_space<vmem>>, vector<1x16xf32>,
    %swap3A_1345 = vector.shape_cast %swap3A_1344 : vector<1x16xf32> to vector<16xf32>
    %swap3A_1346 = vector.shape_cast %broadcast_in_dim3A_1340 : vector<16xf32> to vector<1x16xf32>
    tpu.vector_store %arg9[%swap3A_1342, %swap3A_1343], %swap3A_1346 {strides = array<i32>} : memref<128x16xf32, #tpu.memory_space<vmem>>, vector<1x16xf32>,
    %broadcast_in_dim3A_1347 = arith.constant 1.000000e+00 : f32
    %broadcast_in_dim3A_1348 = vector.broadcast %broadcast_in_dim3A_1347 : f32 to vector<16xf32>
    %swap3A_1349 = arith.constant 84 : i32
    %swap3A_1350 = arith.index_cast %swap3A_1349 : i32 to index
    %swap3A_1351 = arith.constant 0 : index
    %swap3A_1352 = tpu.vector_load %arg7[%swap3A_1350, %swap3A_1351] {strides = array<i32>} : memref<128x16xf32, #tpu.memory_space<vmem>>, vector<1x16xf32>,
    %swap3A_1353 = vector.shape_cast %swap3A_1352 : vector<1x16xf32> to vector<16xf32>
    %swap3A_1354 = vector.shape_cast %broadcast_in_dim3A_1348 : vector<16xf32> to vector<1x16xf32>
    tpu.vector_store %arg7[%swap3A_1350, %swap3A_1351], %swap3A_1354 {strides = array<i32>} : memref<128x16xf32, #tpu.memory_space<vmem>>, vector<1x16xf32>,
    %broadcast_in_dim3A_1355 = arith.constant 0.000000e+00 : f32
    %broadcast_in_dim3A_1356 = vector.broadcast %broadcast_in_dim3A_1355 : f32 to vector<16xf32>
    %swap3A_1357 = arith.constant 84 : i32
    %swap3A_1358 = arith.index_cast %swap3A_1357 : i32 to index
    %swap3A_1359 = arith.constant 0 : index
    %swap3A_1360 = tpu.vector_load %arg9[%swap3A_1358, %swap3A_1359] {strides = array<i32>} : memref<128x16xf32, #tpu.memory_space<vmem>>, vector<1x16xf32>,
    %swap3A_1361 = vector.shape_cast %swap3A_1360 : vector<1x16xf32> to vector<16xf32>
    %swap3A_1362 = vector.shape_cast %broadcast_in_dim3A_1356 : vector<16xf32> to vector<1x16xf32>
    tpu.vector_store %arg9[%swap3A_1358, %swap3A_1359], %swap3A_1362 {strides = array<i32>} : memref<128x16xf32, #tpu.memory_space<vmem>>, vector<1x16xf32>,
    %broadcast_in_dim3A_1363 = arith.constant 1.000000e+00 : f32
    %broadcast_in_dim3A_1364 = vector.broadcast %broadcast_in_dim3A_1363 : f32 to vector<16xf32>
    %swap3A_1365 = arith.constant 85 : i32
    %swap3A_1366 = arith.index_cast %swap3A_1365 : i32 to index
    %swap3A_1367 = arith.constant 0 : index
    %swap3A_1368 = tpu.vector_load %arg7[%swap3A_1366, %swap3A_1367] {strides = array<i32>} : memref<128x16xf32, #tpu.memory_space<vmem>>, vector<1x16xf32>,
    %swap3A_1369 = vector.shape_cast %swap3A_1368 : vector<1x16xf32> to vector<16xf32>
    %swap3A_1370 = vector.shape_cast %broadcast_in_dim3A_1364 : vector<16xf32> to vector<1x16xf32>
    tpu.vector_store %arg7[%swap3A_1366, %swap3A_1367], %swap3A_1370 {strides = array<i32>} : memref<128x16xf32, #tpu.memory_space<vmem>>, vector<1x16xf32>,
    %broadcast_in_dim3A_1371 = arith.constant 0.000000e+00 : f32
    %broadcast_in_dim3A_1372 = vector.broadcast %broadcast_in_dim3A_1371 : f32 to vector<16xf32>
    %swap3A_1373 = arith.constant 85 : i32
    %swap3A_1374 = arith.index_cast %swap3A_1373 : i32 to index
    %swap3A_1375 = arith.constant 0 : index
    %swap3A_1376 = tpu.vector_load %arg9[%swap3A_1374, %swap3A_1375] {strides = array<i32>} : memref<128x16xf32, #tpu.memory_space<vmem>>, vector<1x16xf32>,
    %swap3A_1377 = vector.shape_cast %swap3A_1376 : vector<1x16xf32> to vector<16xf32>
    %swap3A_1378 = vector.shape_cast %broadcast_in_dim3A_1372 : vector<16xf32> to vector<1x16xf32>
    tpu.vector_store %arg9[%swap3A_1374, %swap3A_1375], %swap3A_1378 {strides = array<i32>} : memref<128x16xf32, #tpu.memory_space<vmem>>, vector<1x16xf32>,
    %broadcast_in_dim3A_1379 = arith.constant 1.000000e+00 : f32
    %broadcast_in_dim3A_1380 = vector.broadcast %broadcast_in_dim3A_1379 : f32 to vector<16xf32>
    %swap3A_1381 = arith.constant 86 : i32
    %swap3A_1382 = arith.index_cast %swap3A_1381 : i32 to index
    %swap3A_1383 = arith.constant 0 : index
    %swap3A_1384 = tpu.vector_load %arg7[%swap3A_1382, %swap3A_1383] {strides = array<i32>} : memref<128x16xf32, #tpu.memory_space<vmem>>, vector<1x16xf32>,
    %swap3A_1385 = vector.shape_cast %swap3A_1384 : vector<1x16xf32> to vector<16xf32>
    %swap3A_1386 = vector.shape_cast %broadcast_in_dim3A_1380 : vector<16xf32> to vector<1x16xf32>
    tpu.vector_store %arg7[%swap3A_1382, %swap3A_1383], %swap3A_1386 {strides = array<i32>} : memref<128x16xf32, #tpu.memory_space<vmem>>, vector<1x16xf32>,
    %broadcast_in_dim3A_1387 = arith.constant 0.000000e+00 : f32
    %broadcast_in_dim3A_1388 = vector.broadcast %broadcast_in_dim3A_1387 : f32 to vector<16xf32>
    %swap3A_1389 = arith.constant 86 : i32
    %swap3A_1390 = arith.index_cast %swap3A_1389 : i32 to index
    %swap3A_1391 = arith.constant 0 : index
    %swap3A_1392 = tpu.vector_load %arg9[%swap3A_1390, %swap3A_1391] {strides = array<i32>} : memref<128x16xf32, #tpu.memory_space<vmem>>, vector<1x16xf32>,
    %swap3A_1393 = vector.shape_cast %swap3A_1392 : vector<1x16xf32> to vector<16xf32>
    %swap3A_1394 = vector.shape_cast %broadcast_in_dim3A_1388 : vector<16xf32> to vector<1x16xf32>
    tpu.vector_store %arg9[%swap3A_1390, %swap3A_1391], %swap3A_1394 {strides = array<i32>} : memref<128x16xf32, #tpu.memory_space<vmem>>, vector<1x16xf32>,
    %broadcast_in_dim3A_1395 = arith.constant 1.000000e+00 : f32
    %broadcast_in_dim3A_1396 = vector.broadcast %broadcast_in_dim3A_1395 : f32 to vector<16xf32>
    %swap3A_1397 = arith.constant 87 : i32
    %swap3A_1398 = arith.index_cast %swap3A_1397 : i32 to index
    %swap3A_1399 = arith.constant 0 : index
    %swap3A_1400 = tpu.vector_load %arg7[%swap3A_1398, %swap3A_1399] {strides = array<i32>} : memref<128x16xf32, #tpu.memory_space<vmem>>, vector<1x16xf32>,
    %swap3A_1401 = vector.shape_cast %swap3A_1400 : vector<1x16xf32> to vector<16xf32>
    %swap3A_1402 = vector.shape_cast %broadcast_in_dim3A_1396 : vector<16xf32> to vector<1x16xf32>
    tpu.vector_store %arg7[%swap3A_1398, %swap3A_1399], %swap3A_1402 {strides = array<i32>} : memref<128x16xf32, #tpu.memory_space<vmem>>, vector<1x16xf32>,
    %broadcast_in_dim3A_1403 = arith.constant 0.000000e+00 : f32
    %broadcast_in_dim3A_1404 = vector.broadcast %broadcast_in_dim3A_1403 : f32 to vector<16xf32>
    %swap3A_1405 = arith.constant 87 : i32
    %swap3A_1406 = arith.index_cast %swap3A_1405 : i32 to index
    %swap3A_1407 = arith.constant 0 : index
    %swap3A_1408 = tpu.vector_load %arg9[%swap3A_1406, %swap3A_1407] {strides = array<i32>} : memref<128x16xf32, #tpu.memory_space<vmem>>, vector<1x16xf32>,
    %swap3A_1409 = vector.shape_cast %swap3A_1408 : vector<1x16xf32> to vector<16xf32>
    %swap3A_1410 = vector.shape_cast %broadcast_in_dim3A_1404 : vector<16xf32> to vector<1x16xf32>
    tpu.vector_store %arg9[%swap3A_1406, %swap3A_1407], %swap3A_1410 {strides = array<i32>} : memref<128x16xf32, #tpu.memory_space<vmem>>, vector<1x16xf32>,
    %broadcast_in_dim3A_1411 = arith.constant 1.000000e+00 : f32
    %broadcast_in_dim3A_1412 = vector.broadcast %broadcast_in_dim3A_1411 : f32 to vector<16xf32>
    %swap3A_1413 = arith.constant 88 : i32
    %swap3A_1414 = arith.index_cast %swap3A_1413 : i32 to index
    %swap3A_1415 = arith.constant 0 : index
    %swap3A_1416 = tpu.vector_load %arg7[%swap3A_1414, %swap3A_1415] {strides = array<i32>} : memref<128x16xf32, #tpu.memory_space<vmem>>, vector<1x16xf32>,
    %swap3A_1417 = vector.shape_cast %swap3A_1416 : vector<1x16xf32> to vector<16xf32>
    %swap3A_1418 = vector.shape_cast %broadcast_in_dim3A_1412 : vector<16xf32> to vector<1x16xf32>
    tpu.vector_store %arg7[%swap3A_1414, %swap3A_1415], %swap3A_1418 {strides = array<i32>} : memref<128x16xf32, #tpu.memory_space<vmem>>, vector<1x16xf32>,
    %broadcast_in_dim3A_1419 = arith.constant 0.000000e+00 : f32
    %broadcast_in_dim3A_1420 = vector.broadcast %broadcast_in_dim3A_1419 : f32 to vector<16xf32>
    %swap3A_1421 = arith.constant 88 : i32
    %swap3A_1422 = arith.index_cast %swap3A_1421 : i32 to index
    %swap3A_1423 = arith.constant 0 : index
    %swap3A_1424 = tpu.vector_load %arg9[%swap3A_1422, %swap3A_1423] {strides = array<i32>} : memref<128x16xf32, #tpu.memory_space<vmem>>, vector<1x16xf32>,
    %swap3A_1425 = vector.shape_cast %swap3A_1424 : vector<1x16xf32> to vector<16xf32>
    %swap3A_1426 = vector.shape_cast %broadcast_in_dim3A_1420 : vector<16xf32> to vector<1x16xf32>
    tpu.vector_store %arg9[%swap3A_1422, %swap3A_1423], %swap3A_1426 {strides = array<i32>} : memref<128x16xf32, #tpu.memory_space<vmem>>, vector<1x16xf32>,
    %broadcast_in_dim3A_1427 = arith.constant 1.000000e+00 : f32
    %broadcast_in_dim3A_1428 = vector.broadcast %broadcast_in_dim3A_1427 : f32 to vector<16xf32>
    %swap3A_1429 = arith.constant 89 : i32
    %swap3A_1430 = arith.index_cast %swap3A_1429 : i32 to index
    %swap3A_1431 = arith.constant 0 : index
    %swap3A_1432 = tpu.vector_load %arg7[%swap3A_1430, %swap3A_1431] {strides = array<i32>} : memref<128x16xf32, #tpu.memory_space<vmem>>, vector<1x16xf32>,
    %swap3A_1433 = vector.shape_cast %swap3A_1432 : vector<1x16xf32> to vector<16xf32>
    %swap3A_1434 = vector.shape_cast %broadcast_in_dim3A_1428 : vector<16xf32> to vector<1x16xf32>
    tpu.vector_store %arg7[%swap3A_1430, %swap3A_1431], %swap3A_1434 {strides = array<i32>} : memref<128x16xf32, #tpu.memory_space<vmem>>, vector<1x16xf32>,
    %broadcast_in_dim3A_1435 = arith.constant 0.000000e+00 : f32
    %broadcast_in_dim3A_1436 = vector.broadcast %broadcast_in_dim3A_1435 : f32 to vector<16xf32>
    %swap3A_1437 = arith.constant 89 : i32
    %swap3A_1438 = arith.index_cast %swap3A_1437 : i32 to index
    %swap3A_1439 = arith.constant 0 : index
    %swap3A_1440 = tpu.vector_load %arg9[%swap3A_1438, %swap3A_1439] {strides = array<i32>} : memref<128x16xf32, #tpu.memory_space<vmem>>, vector<1x16xf32>,
    %swap3A_1441 = vector.shape_cast %swap3A_1440 : vector<1x16xf32> to vector<16xf32>
    %swap3A_1442 = vector.shape_cast %broadcast_in_dim3A_1436 : vector<16xf32> to vector<1x16xf32>
    tpu.vector_store %arg9[%swap3A_1438, %swap3A_1439], %swap3A_1442 {strides = array<i32>} : memref<128x16xf32, #tpu.memory_space<vmem>>, vector<1x16xf32>,
    %broadcast_in_dim3A_1443 = arith.constant 1.000000e+00 : f32
    %broadcast_in_dim3A_1444 = vector.broadcast %broadcast_in_dim3A_1443 : f32 to vector<16xf32>
    %swap3A_1445 = arith.constant 90 : i32
    %swap3A_1446 = arith.index_cast %swap3A_1445 : i32 to index
    %swap3A_1447 = arith.constant 0 : index
    %swap3A_1448 = tpu.vector_load %arg7[%swap3A_1446, %swap3A_1447] {strides = array<i32>} : memref<128x16xf32, #tpu.memory_space<vmem>>, vector<1x16xf32>,
    %swap3A_1449 = vector.shape_cast %swap3A_1448 : vector<1x16xf32> to vector<16xf32>
    %swap3A_1450 = vector.shape_cast %broadcast_in_dim3A_1444 : vector<16xf32> to vector<1x16xf32>
    tpu.vector_store %arg7[%swap3A_1446, %swap3A_1447], %swap3A_1450 {strides = array<i32>} : memref<128x16xf32, #tpu.memory_space<vmem>>, vector<1x16xf32>,
    %broadcast_in_dim3A_1451 = arith.constant 0.000000e+00 : f32
    %broadcast_in_dim3A_1452 = vector.broadcast %broadcast_in_dim3A_1451 : f32 to vector<16xf32>
    %swap3A_1453 = arith.constant 90 : i32
    %swap3A_1454 = arith.index_cast %swap3A_1453 : i32 to index
    %swap3A_1455 = arith.constant 0 : index
    %swap3A_1456 = tpu.vector_load %arg9[%swap3A_1454, %swap3A_1455] {strides = array<i32>} : memref<128x16xf32, #tpu.memory_space<vmem>>, vector<1x16xf32>,
    %swap3A_1457 = vector.shape_cast %swap3A_1456 : vector<1x16xf32> to vector<16xf32>
    %swap3A_1458 = vector.shape_cast %broadcast_in_dim3A_1452 : vector<16xf32> to vector<1x16xf32>
    tpu.vector_store %arg9[%swap3A_1454, %swap3A_1455], %swap3A_1458 {strides = array<i32>} : memref<128x16xf32, #tpu.memory_space<vmem>>, vector<1x16xf32>,
    %broadcast_in_dim3A_1459 = arith.constant 1.000000e+00 : f32
    %broadcast_in_dim3A_1460 = vector.broadcast %broadcast_in_dim3A_1459 : f32 to vector<16xf32>
    %swap3A_1461 = arith.constant 91 : i32
    %swap3A_1462 = arith.index_cast %swap3A_1461 : i32 to index
    %swap3A_1463 = arith.constant 0 : index
    %swap3A_1464 = tpu.vector_load %arg7[%swap3A_1462, %swap3A_1463] {strides = array<i32>} : memref<128x16xf32, #tpu.memory_space<vmem>>, vector<1x16xf32>,
    %swap3A_1465 = vector.shape_cast %swap3A_1464 : vector<1x16xf32> to vector<16xf32>
    %swap3A_1466 = vector.shape_cast %broadcast_in_dim3A_1460 : vector<16xf32> to vector<1x16xf32>
    tpu.vector_store %arg7[%swap3A_1462, %swap3A_1463], %swap3A_1466 {strides = array<i32>} : memref<128x16xf32, #tpu.memory_space<vmem>>, vector<1x16xf32>,
    %broadcast_in_dim3A_1467 = arith.constant 0.000000e+00 : f32
    %broadcast_in_dim3A_1468 = vector.broadcast %broadcast_in_dim3A_1467 : f32 to vector<16xf32>
    %swap3A_1469 = arith.constant 91 : i32
    %swap3A_1470 = arith.index_cast %swap3A_1469 : i32 to index
    %swap3A_1471 = arith.constant 0 : index
    %swap3A_1472 = tpu.vector_load %arg9[%swap3A_1470, %swap3A_1471] {strides = array<i32>} : memref<128x16xf32, #tpu.memory_space<vmem>>, vector<1x16xf32>,
    %swap3A_1473 = vector.shape_cast %swap3A_1472 : vector<1x16xf32> to vector<16xf32>
    %swap3A_1474 = vector.shape_cast %broadcast_in_dim3A_1468 : vector<16xf32> to vector<1x16xf32>
    tpu.vector_store %arg9[%swap3A_1470, %swap3A_1471], %swap3A_1474 {strides = array<i32>} : memref<128x16xf32, #tpu.memory_space<vmem>>, vector<1x16xf32>,
    %broadcast_in_dim3A_1475 = arith.constant 1.000000e+00 : f32
    %broadcast_in_dim3A_1476 = vector.broadcast %broadcast_in_dim3A_1475 : f32 to vector<16xf32>
    %swap3A_1477 = arith.constant 92 : i32
    %swap3A_1478 = arith.index_cast %swap3A_1477 : i32 to index
    %swap3A_1479 = arith.constant 0 : index
    %swap3A_1480 = tpu.vector_load %arg7[%swap3A_1478, %swap3A_1479] {strides = array<i32>} : memref<128x16xf32, #tpu.memory_space<vmem>>, vector<1x16xf32>,
    %swap3A_1481 = vector.shape_cast %swap3A_1480 : vector<1x16xf32> to vector<16xf32>
    %swap3A_1482 = vector.shape_cast %broadcast_in_dim3A_1476 : vector<16xf32> to vector<1x16xf32>
    tpu.vector_store %arg7[%swap3A_1478, %swap3A_1479], %swap3A_1482 {strides = array<i32>} : memref<128x16xf32, #tpu.memory_space<vmem>>, vector<1x16xf32>,
    %broadcast_in_dim3A_1483 = arith.constant 0.000000e+00 : f32
    %broadcast_in_dim3A_1484 = vector.broadcast %broadcast_in_dim3A_1483 : f32 to vector<16xf32>
    %swap3A_1485 = arith.constant 92 : i32
    %swap3A_1486 = arith.index_cast %swap3A_1485 : i32 to index
    %swap3A_1487 = arith.constant 0 : index
    %swap3A_1488 = tpu.vector_load %arg9[%swap3A_1486, %swap3A_1487] {strides = array<i32>} : memref<128x16xf32, #tpu.memory_space<vmem>>, vector<1x16xf32>,
    %swap3A_1489 = vector.shape_cast %swap3A_1488 : vector<1x16xf32> to vector<16xf32>
    %swap3A_1490 = vector.shape_cast %broadcast_in_dim3A_1484 : vector<16xf32> to vector<1x16xf32>
    tpu.vector_store %arg9[%swap3A_1486, %swap3A_1487], %swap3A_1490 {strides = array<i32>} : memref<128x16xf32, #tpu.memory_space<vmem>>, vector<1x16xf32>,
    %broadcast_in_dim3A_1491 = arith.constant 1.000000e+00 : f32
    %broadcast_in_dim3A_1492 = vector.broadcast %broadcast_in_dim3A_1491 : f32 to vector<16xf32>
    %swap3A_1493 = arith.constant 93 : i32
    %swap3A_1494 = arith.index_cast %swap3A_1493 : i32 to index
    %swap3A_1495 = arith.constant 0 : index
    %swap3A_1496 = tpu.vector_load %arg7[%swap3A_1494, %swap3A_1495] {strides = array<i32>} : memref<128x16xf32, #tpu.memory_space<vmem>>, vector<1x16xf32>,
    %swap3A_1497 = vector.shape_cast %swap3A_1496 : vector<1x16xf32> to vector<16xf32>
    %swap3A_1498 = vector.shape_cast %broadcast_in_dim3A_1492 : vector<16xf32> to vector<1x16xf32>
    tpu.vector_store %arg7[%swap3A_1494, %swap3A_1495], %swap3A_1498 {strides = array<i32>} : memref<128x16xf32, #tpu.memory_space<vmem>>, vector<1x16xf32>,
    %broadcast_in_dim3A_1499 = arith.constant 0.000000e+00 : f32
    %broadcast_in_dim3A_1500 = vector.broadcast %broadcast_in_dim3A_1499 : f32 to vector<16xf32>
    %swap3A_1501 = arith.constant 93 : i32
    %swap3A_1502 = arith.index_cast %swap3A_1501 : i32 to index
    %swap3A_1503 = arith.constant 0 : index
    %swap3A_1504 = tpu.vector_load %arg9[%swap3A_1502, %swap3A_1503] {strides = array<i32>} : memref<128x16xf32, #tpu.memory_space<vmem>>, vector<1x16xf32>,
    %swap3A_1505 = vector.shape_cast %swap3A_1504 : vector<1x16xf32> to vector<16xf32>
    %swap3A_1506 = vector.shape_cast %broadcast_in_dim3A_1500 : vector<16xf32> to vector<1x16xf32>
    tpu.vector_store %arg9[%swap3A_1502, %swap3A_1503], %swap3A_1506 {strides = array<i32>} : memref<128x16xf32, #tpu.memory_space<vmem>>, vector<1x16xf32>,
    %broadcast_in_dim3A_1507 = arith.constant 1.000000e+00 : f32
    %broadcast_in_dim3A_1508 = vector.broadcast %broadcast_in_dim3A_1507 : f32 to vector<16xf32>
    %swap3A_1509 = arith.constant 94 : i32
    %swap3A_1510 = arith.index_cast %swap3A_1509 : i32 to index
    %swap3A_1511 = arith.constant 0 : index
    %swap3A_1512 = tpu.vector_load %arg7[%swap3A_1510, %swap3A_1511] {strides = array<i32>} : memref<128x16xf32, #tpu.memory_space<vmem>>, vector<1x16xf32>,
    %swap3A_1513 = vector.shape_cast %swap3A_1512 : vector<1x16xf32> to vector<16xf32>
    %swap3A_1514 = vector.shape_cast %broadcast_in_dim3A_1508 : vector<16xf32> to vector<1x16xf32>
    tpu.vector_store %arg7[%swap3A_1510, %swap3A_1511], %swap3A_1514 {strides = array<i32>} : memref<128x16xf32, #tpu.memory_space<vmem>>, vector<1x16xf32>,
    %broadcast_in_dim3A_1515 = arith.constant 0.000000e+00 : f32
    %broadcast_in_dim3A_1516 = vector.broadcast %broadcast_in_dim3A_1515 : f32 to vector<16xf32>
    %swap3A_1517 = arith.constant 94 : i32
    %swap3A_1518 = arith.index_cast %swap3A_1517 : i32 to index
    %swap3A_1519 = arith.constant 0 : index
    %swap3A_1520 = tpu.vector_load %arg9[%swap3A_1518, %swap3A_1519] {strides = array<i32>} : memref<128x16xf32, #tpu.memory_space<vmem>>, vector<1x16xf32>,
    %swap3A_1521 = vector.shape_cast %swap3A_1520 : vector<1x16xf32> to vector<16xf32>
    %swap3A_1522 = vector.shape_cast %broadcast_in_dim3A_1516 : vector<16xf32> to vector<1x16xf32>
    tpu.vector_store %arg9[%swap3A_1518, %swap3A_1519], %swap3A_1522 {strides = array<i32>} : memref<128x16xf32, #tpu.memory_space<vmem>>, vector<1x16xf32>,
    %broadcast_in_dim3A_1523 = arith.constant 1.000000e+00 : f32
    %broadcast_in_dim3A_1524 = vector.broadcast %broadcast_in_dim3A_1523 : f32 to vector<16xf32>
    %swap3A_1525 = arith.constant 95 : i32
    %swap3A_1526 = arith.index_cast %swap3A_1525 : i32 to index
    %swap3A_1527 = arith.constant 0 : index
    %swap3A_1528 = tpu.vector_load %arg7[%swap3A_1526, %swap3A_1527] {strides = array<i32>} : memref<128x16xf32, #tpu.memory_space<vmem>>, vector<1x16xf32>,
    %swap3A_1529 = vector.shape_cast %swap3A_1528 : vector<1x16xf32> to vector<16xf32>
    %swap3A_1530 = vector.shape_cast %broadcast_in_dim3A_1524 : vector<16xf32> to vector<1x16xf32>
    tpu.vector_store %arg7[%swap3A_1526, %swap3A_1527], %swap3A_1530 {strides = array<i32>} : memref<128x16xf32, #tpu.memory_space<vmem>>, vector<1x16xf32>,
    %broadcast_in_dim3A_1531 = arith.constant 0.000000e+00 : f32
    %broadcast_in_dim3A_1532 = vector.broadcast %broadcast_in_dim3A_1531 : f32 to vector<16xf32>
    %swap3A_1533 = arith.constant 95 : i32
    %swap3A_1534 = arith.index_cast %swap3A_1533 : i32 to index
    %swap3A_1535 = arith.constant 0 : index
    %swap3A_1536 = tpu.vector_load %arg9[%swap3A_1534, %swap3A_1535] {strides = array<i32>} : memref<128x16xf32, #tpu.memory_space<vmem>>, vector<1x16xf32>,
    %swap3A_1537 = vector.shape_cast %swap3A_1536 : vector<1x16xf32> to vector<16xf32>
    %swap3A_1538 = vector.shape_cast %broadcast_in_dim3A_1532 : vector<16xf32> to vector<1x16xf32>
    tpu.vector_store %arg9[%swap3A_1534, %swap3A_1535], %swap3A_1538 {strides = array<i32>} : memref<128x16xf32, #tpu.memory_space<vmem>>, vector<1x16xf32>,
    %broadcast_in_dim3A_1539 = arith.constant 1.000000e+00 : f32
    %broadcast_in_dim3A_1540 = vector.broadcast %broadcast_in_dim3A_1539 : f32 to vector<16xf32>
    %swap3A_1541 = arith.constant 96 : i32
    %swap3A_1542 = arith.index_cast %swap3A_1541 : i32 to index
    %swap3A_1543 = arith.constant 0 : index
    %swap3A_1544 = tpu.vector_load %arg7[%swap3A_1542, %swap3A_1543] {strides = array<i32>} : memref<128x16xf32, #tpu.memory_space<vmem>>, vector<1x16xf32>,
    %swap3A_1545 = vector.shape_cast %swap3A_1544 : vector<1x16xf32> to vector<16xf32>
    %swap3A_1546 = vector.shape_cast %broadcast_in_dim3A_1540 : vector<16xf32> to vector<1x16xf32>
    tpu.vector_store %arg7[%swap3A_1542, %swap3A_1543], %swap3A_1546 {strides = array<i32>} : memref<128x16xf32, #tpu.memory_space<vmem>>, vector<1x16xf32>,
    %broadcast_in_dim3A_1547 = arith.constant 0.000000e+00 : f32
    %broadcast_in_dim3A_1548 = vector.broadcast %broadcast_in_dim3A_1547 : f32 to vector<16xf32>
    %swap3A_1549 = arith.constant 96 : i32
    %swap3A_1550 = arith.index_cast %swap3A_1549 : i32 to index
    %swap3A_1551 = arith.constant 0 : index
    %swap3A_1552 = tpu.vector_load %arg9[%swap3A_1550, %swap3A_1551] {strides = array<i32>} : memref<128x16xf32, #tpu.memory_space<vmem>>, vector<1x16xf32>,
    %swap3A_1553 = vector.shape_cast %swap3A_1552 : vector<1x16xf32> to vector<16xf32>
    %swap3A_1554 = vector.shape_cast %broadcast_in_dim3A_1548 : vector<16xf32> to vector<1x16xf32>
    tpu.vector_store %arg9[%swap3A_1550, %swap3A_1551], %swap3A_1554 {strides = array<i32>} : memref<128x16xf32, #tpu.memory_space<vmem>>, vector<1x16xf32>,
    %broadcast_in_dim3A_1555 = arith.constant 1.000000e+00 : f32
    %broadcast_in_dim3A_1556 = vector.broadcast %broadcast_in_dim3A_1555 : f32 to vector<16xf32>
    %swap3A_1557 = arith.constant 97 : i32
    %swap3A_1558 = arith.index_cast %swap3A_1557 : i32 to index
    %swap3A_1559 = arith.constant 0 : index
    %swap3A_1560 = tpu.vector_load %arg7[%swap3A_1558, %swap3A_1559] {strides = array<i32>} : memref<128x16xf32, #tpu.memory_space<vmem>>, vector<1x16xf32>,
    %swap3A_1561 = vector.shape_cast %swap3A_1560 : vector<1x16xf32> to vector<16xf32>
    %swap3A_1562 = vector.shape_cast %broadcast_in_dim3A_1556 : vector<16xf32> to vector<1x16xf32>
    tpu.vector_store %arg7[%swap3A_1558, %swap3A_1559], %swap3A_1562 {strides = array<i32>} : memref<128x16xf32, #tpu.memory_space<vmem>>, vector<1x16xf32>,
    %broadcast_in_dim3A_1563 = arith.constant 0.000000e+00 : f32
    %broadcast_in_dim3A_1564 = vector.broadcast %broadcast_in_dim3A_1563 : f32 to vector<16xf32>
    %swap3A_1565 = arith.constant 97 : i32
    %swap3A_1566 = arith.index_cast %swap3A_1565 : i32 to index
    %swap3A_1567 = arith.constant 0 : index
    %swap3A_1568 = tpu.vector_load %arg9[%swap3A_1566, %swap3A_1567] {strides = array<i32>} : memref<128x16xf32, #tpu.memory_space<vmem>>, vector<1x16xf32>,
    %swap3A_1569 = vector.shape_cast %swap3A_1568 : vector<1x16xf32> to vector<16xf32>
    %swap3A_1570 = vector.shape_cast %broadcast_in_dim3A_1564 : vector<16xf32> to vector<1x16xf32>
    tpu.vector_store %arg9[%swap3A_1566, %swap3A_1567], %swap3A_1570 {strides = array<i32>} : memref<128x16xf32, #tpu.memory_space<vmem>>, vector<1x16xf32>,
    %broadcast_in_dim3A_1571 = arith.constant 1.000000e+00 : f32
    %broadcast_in_dim3A_1572 = vector.broadcast %broadcast_in_dim3A_1571 : f32 to vector<16xf32>
    %swap3A_1573 = arith.constant 98 : i32
    %swap3A_1574 = arith.index_cast %swap3A_1573 : i32 to index
    %swap3A_1575 = arith.constant 0 : index
    %swap3A_1576 = tpu.vector_load %arg7[%swap3A_1574, %swap3A_1575] {strides = array<i32>} : memref<128x16xf32, #tpu.memory_space<vmem>>, vector<1x16xf32>,
    %swap3A_1577 = vector.shape_cast %swap3A_1576 : vector<1x16xf32> to vector<16xf32>
    %swap3A_1578 = vector.shape_cast %broadcast_in_dim3A_1572 : vector<16xf32> to vector<1x16xf32>
    tpu.vector_store %arg7[%swap3A_1574, %swap3A_1575], %swap3A_1578 {strides = array<i32>} : memref<128x16xf32, #tpu.memory_space<vmem>>, vector<1x16xf32>,
    %broadcast_in_dim3A_1579 = arith.constant 0.000000e+00 : f32
    %broadcast_in_dim3A_1580 = vector.broadcast %broadcast_in_dim3A_1579 : f32 to vector<16xf32>
    %swap3A_1581 = arith.constant 98 : i32
    %swap3A_1582 = arith.index_cast %swap3A_1581 : i32 to index
    %swap3A_1583 = arith.constant 0 : index
    %swap3A_1584 = tpu.vector_load %arg9[%swap3A_1582, %swap3A_1583] {strides = array<i32>} : memref<128x16xf32, #tpu.memory_space<vmem>>, vector<1x16xf32>,
    %swap3A_1585 = vector.shape_cast %swap3A_1584 : vector<1x16xf32> to vector<16xf32>
    %swap3A_1586 = vector.shape_cast %broadcast_in_dim3A_1580 : vector<16xf32> to vector<1x16xf32>
    tpu.vector_store %arg9[%swap3A_1582, %swap3A_1583], %swap3A_1586 {strides = array<i32>} : memref<128x16xf32, #tpu.memory_space<vmem>>, vector<1x16xf32>,
    %broadcast_in_dim3A_1587 = arith.constant 1.000000e+00 : f32
    %broadcast_in_dim3A_1588 = vector.broadcast %broadcast_in_dim3A_1587 : f32 to vector<16xf32>
    %swap3A_1589 = arith.constant 99 : i32
    %swap3A_1590 = arith.index_cast %swap3A_1589 : i32 to index
    %swap3A_1591 = arith.constant 0 : index
    %swap3A_1592 = tpu.vector_load %arg7[%swap3A_1590, %swap3A_1591] {strides = array<i32>} : memref<128x16xf32, #tpu.memory_space<vmem>>, vector<1x16xf32>,
    %swap3A_1593 = vector.shape_cast %swap3A_1592 : vector<1x16xf32> to vector<16xf32>
    %swap3A_1594 = vector.shape_cast %broadcast_in_dim3A_1588 : vector<16xf32> to vector<1x16xf32>
    tpu.vector_store %arg7[%swap3A_1590, %swap3A_1591], %swap3A_1594 {strides = array<i32>} : memref<128x16xf32, #tpu.memory_space<vmem>>, vector<1x16xf32>,
    %broadcast_in_dim3A_1595 = arith.constant 0.000000e+00 : f32
    %broadcast_in_dim3A_1596 = vector.broadcast %broadcast_in_dim3A_1595 : f32 to vector<16xf32>
    %swap3A_1597 = arith.constant 99 : i32
    %swap3A_1598 = arith.index_cast %swap3A_1597 : i32 to index
    %swap3A_1599 = arith.constant 0 : index
    %swap3A_1600 = tpu.vector_load %arg9[%swap3A_1598, %swap3A_1599] {strides = array<i32>} : memref<128x16xf32, #tpu.memory_space<vmem>>, vector<1x16xf32>,
    %swap3A_1601 = vector.shape_cast %swap3A_1600 : vector<1x16xf32> to vector<16xf32>
    %swap3A_1602 = vector.shape_cast %broadcast_in_dim3A_1596 : vector<16xf32> to vector<1x16xf32>
    tpu.vector_store %arg9[%swap3A_1598, %swap3A_1599], %swap3A_1602 {strides = array<i32>} : memref<128x16xf32, #tpu.memory_space<vmem>>, vector<1x16xf32>,
    %broadcast_in_dim3A_1603 = arith.constant 1.000000e+00 : f32
    %broadcast_in_dim3A_1604 = vector.broadcast %broadcast_in_dim3A_1603 : f32 to vector<16xf32>
    %swap3A_1605 = arith.constant 100 : i32
    %swap3A_1606 = arith.index_cast %swap3A_1605 : i32 to index
    %swap3A_1607 = arith.constant 0 : index
    %swap3A_1608 = tpu.vector_load %arg7[%swap3A_1606, %swap3A_1607] {strides = array<i32>} : memref<128x16xf32, #tpu.memory_space<vmem>>, vector<1x16xf32>,
    %swap3A_1609 = vector.shape_cast %swap3A_1608 : vector<1x16xf32> to vector<16xf32>
    %swap3A_1610 = vector.shape_cast %broadcast_in_dim3A_1604 : vector<16xf32> to vector<1x16xf32>
    tpu.vector_store %arg7[%swap3A_1606, %swap3A_1607], %swap3A_1610 {strides = array<i32>} : memref<128x16xf32, #tpu.memory_space<vmem>>, vector<1x16xf32>,
    %broadcast_in_dim3A_1611 = arith.constant 0.000000e+00 : f32
    %broadcast_in_dim3A_1612 = vector.broadcast %broadcast_in_dim3A_1611 : f32 to vector<16xf32>
    %swap3A_1613 = arith.constant 100 : i32
    %swap3A_1614 = arith.index_cast %swap3A_1613 : i32 to index
    %swap3A_1615 = arith.constant 0 : index
    %swap3A_1616 = tpu.vector_load %arg9[%swap3A_1614, %swap3A_1615] {strides = array<i32>} : memref<128x16xf32, #tpu.memory_space<vmem>>, vector<1x16xf32>,
    %swap3A_1617 = vector.shape_cast %swap3A_1616 : vector<1x16xf32> to vector<16xf32>
    %swap3A_1618 = vector.shape_cast %broadcast_in_dim3A_1612 : vector<16xf32> to vector<1x16xf32>
    tpu.vector_store %arg9[%swap3A_1614, %swap3A_1615], %swap3A_1618 {strides = array<i32>} : memref<128x16xf32, #tpu.memory_space<vmem>>, vector<1x16xf32>,
    %broadcast_in_dim3A_1619 = arith.constant 1.000000e+00 : f32
    %broadcast_in_dim3A_1620 = vector.broadcast %broadcast_in_dim3A_1619 : f32 to vector<16xf32>
    %swap3A_1621 = arith.constant 101 : i32
    %swap3A_1622 = arith.index_cast %swap3A_1621 : i32 to index
    %swap3A_1623 = arith.constant 0 : index
    %swap3A_1624 = tpu.vector_load %arg7[%swap3A_1622, %swap3A_1623] {strides = array<i32>} : memref<128x16xf32, #tpu.memory_space<vmem>>, vector<1x16xf32>,
    %swap3A_1625 = vector.shape_cast %swap3A_1624 : vector<1x16xf32> to vector<16xf32>
    %swap3A_1626 = vector.shape_cast %broadcast_in_dim3A_1620 : vector<16xf32> to vector<1x16xf32>
    tpu.vector_store %arg7[%swap3A_1622, %swap3A_1623], %swap3A_1626 {strides = array<i32>} : memref<128x16xf32, #tpu.memory_space<vmem>>, vector<1x16xf32>,
    %broadcast_in_dim3A_1627 = arith.constant 0.000000e+00 : f32
    %broadcast_in_dim3A_1628 = vector.broadcast %broadcast_in_dim3A_1627 : f32 to vector<16xf32>
    %swap3A_1629 = arith.constant 101 : i32
    %swap3A_1630 = arith.index_cast %swap3A_1629 : i32 to index
    %swap3A_1631 = arith.constant 0 : index
    %swap3A_1632 = tpu.vector_load %arg9[%swap3A_1630, %swap3A_1631] {strides = array<i32>} : memref<128x16xf32, #tpu.memory_space<vmem>>, vector<1x16xf32>,
    %swap3A_1633 = vector.shape_cast %swap3A_1632 : vector<1x16xf32> to vector<16xf32>
    %swap3A_1634 = vector.shape_cast %broadcast_in_dim3A_1628 : vector<16xf32> to vector<1x16xf32>
    tpu.vector_store %arg9[%swap3A_1630, %swap3A_1631], %swap3A_1634 {strides = array<i32>} : memref<128x16xf32, #tpu.memory_space<vmem>>, vector<1x16xf32>,
    %broadcast_in_dim3A_1635 = arith.constant 1.000000e+00 : f32
    %broadcast_in_dim3A_1636 = vector.broadcast %broadcast_in_dim3A_1635 : f32 to vector<16xf32>
    %swap3A_1637 = arith.constant 102 : i32
    %swap3A_1638 = arith.index_cast %swap3A_1637 : i32 to index
    %swap3A_1639 = arith.constant 0 : index
    %swap3A_1640 = tpu.vector_load %arg7[%swap3A_1638, %swap3A_1639] {strides = array<i32>} : memref<128x16xf32, #tpu.memory_space<vmem>>, vector<1x16xf32>,
    %swap3A_1641 = vector.shape_cast %swap3A_1640 : vector<1x16xf32> to vector<16xf32>
    %swap3A_1642 = vector.shape_cast %broadcast_in_dim3A_1636 : vector<16xf32> to vector<1x16xf32>
    tpu.vector_store %arg7[%swap3A_1638, %swap3A_1639], %swap3A_1642 {strides = array<i32>} : memref<128x16xf32, #tpu.memory_space<vmem>>, vector<1x16xf32>,
    %broadcast_in_dim3A_1643 = arith.constant 0.000000e+00 : f32
    %broadcast_in_dim3A_1644 = vector.broadcast %broadcast_in_dim3A_1643 : f32 to vector<16xf32>
    %swap3A_1645 = arith.constant 102 : i32
    %swap3A_1646 = arith.index_cast %swap3A_1645 : i32 to index
    %swap3A_1647 = arith.constant 0 : index
    %swap3A_1648 = tpu.vector_load %arg9[%swap3A_1646, %swap3A_1647] {strides = array<i32>} : memref<128x16xf32, #tpu.memory_space<vmem>>, vector<1x16xf32>,
    %swap3A_1649 = vector.shape_cast %swap3A_1648 : vector<1x16xf32> to vector<16xf32>
    %swap3A_1650 = vector.shape_cast %broadcast_in_dim3A_1644 : vector<16xf32> to vector<1x16xf32>
    tpu.vector_store %arg9[%swap3A_1646, %swap3A_1647], %swap3A_1650 {strides = array<i32>} : memref<128x16xf32, #tpu.memory_space<vmem>>, vector<1x16xf32>,
    %broadcast_in_dim3A_1651 = arith.constant 1.000000e+00 : f32
    %broadcast_in_dim3A_1652 = vector.broadcast %broadcast_in_dim3A_1651 : f32 to vector<16xf32>
    %swap3A_1653 = arith.constant 103 : i32
    %swap3A_1654 = arith.index_cast %swap3A_1653 : i32 to index
    %swap3A_1655 = arith.constant 0 : index
    %swap3A_1656 = tpu.vector_load %arg7[%swap3A_1654, %swap3A_1655] {strides = array<i32>} : memref<128x16xf32, #tpu.memory_space<vmem>>, vector<1x16xf32>,
    %swap3A_1657 = vector.shape_cast %swap3A_1656 : vector<1x16xf32> to vector<16xf32>
    %swap3A_1658 = vector.shape_cast %broadcast_in_dim3A_1652 : vector<16xf32> to vector<1x16xf32>
    tpu.vector_store %arg7[%swap3A_1654, %swap3A_1655], %swap3A_1658 {strides = array<i32>} : memref<128x16xf32, #tpu.memory_space<vmem>>, vector<1x16xf32>,
    %broadcast_in_dim3A_1659 = arith.constant 0.000000e+00 : f32
    %broadcast_in_dim3A_1660 = vector.broadcast %broadcast_in_dim3A_1659 : f32 to vector<16xf32>
    %swap3A_1661 = arith.constant 103 : i32
    %swap3A_1662 = arith.index_cast %swap3A_1661 : i32 to index
    %swap3A_1663 = arith.constant 0 : index
    %swap3A_1664 = tpu.vector_load %arg9[%swap3A_1662, %swap3A_1663] {strides = array<i32>} : memref<128x16xf32, #tpu.memory_space<vmem>>, vector<1x16xf32>,
    %swap3A_1665 = vector.shape_cast %swap3A_1664 : vector<1x16xf32> to vector<16xf32>
    %swap3A_1666 = vector.shape_cast %broadcast_in_dim3A_1660 : vector<16xf32> to vector<1x16xf32>
    tpu.vector_store %arg9[%swap3A_1662, %swap3A_1663], %swap3A_1666 {strides = array<i32>} : memref<128x16xf32, #tpu.memory_space<vmem>>, vector<1x16xf32>,
    %broadcast_in_dim3A_1667 = arith.constant 1.000000e+00 : f32
    %broadcast_in_dim3A_1668 = vector.broadcast %broadcast_in_dim3A_1667 : f32 to vector<16xf32>
    %swap3A_1669 = arith.constant 104 : i32
    %swap3A_1670 = arith.index_cast %swap3A_1669 : i32 to index
    %swap3A_1671 = arith.constant 0 : index
    %swap3A_1672 = tpu.vector_load %arg7[%swap3A_1670, %swap3A_1671] {strides = array<i32>} : memref<128x16xf32, #tpu.memory_space<vmem>>, vector<1x16xf32>,
    %swap3A_1673 = vector.shape_cast %swap3A_1672 : vector<1x16xf32> to vector<16xf32>
    %swap3A_1674 = vector.shape_cast %broadcast_in_dim3A_1668 : vector<16xf32> to vector<1x16xf32>
    tpu.vector_store %arg7[%swap3A_1670, %swap3A_1671], %swap3A_1674 {strides = array<i32>} : memref<128x16xf32, #tpu.memory_space<vmem>>, vector<1x16xf32>,
    %broadcast_in_dim3A_1675 = arith.constant 0.000000e+00 : f32
    %broadcast_in_dim3A_1676 = vector.broadcast %broadcast_in_dim3A_1675 : f32 to vector<16xf32>
    %swap3A_1677 = arith.constant 104 : i32
    %swap3A_1678 = arith.index_cast %swap3A_1677 : i32 to index
    %swap3A_1679 = arith.constant 0 : index
    %swap3A_1680 = tpu.vector_load %arg9[%swap3A_1678, %swap3A_1679] {strides = array<i32>} : memref<128x16xf32, #tpu.memory_space<vmem>>, vector<1x16xf32>,
    %swap3A_1681 = vector.shape_cast %swap3A_1680 : vector<1x16xf32> to vector<16xf32>
    %swap3A_1682 = vector.shape_cast %broadcast_in_dim3A_1676 : vector<16xf32> to vector<1x16xf32>
    tpu.vector_store %arg9[%swap3A_1678, %swap3A_1679], %swap3A_1682 {strides = array<i32>} : memref<128x16xf32, #tpu.memory_space<vmem>>, vector<1x16xf32>,
    %broadcast_in_dim3A_1683 = arith.constant 1.000000e+00 : f32
    %broadcast_in_dim3A_1684 = vector.broadcast %broadcast_in_dim3A_1683 : f32 to vector<16xf32>
    %swap3A_1685 = arith.constant 105 : i32
    %swap3A_1686 = arith.index_cast %swap3A_1685 : i32 to index
    %swap3A_1687 = arith.constant 0 : index
    %swap3A_1688 = tpu.vector_load %arg7[%swap3A_1686, %swap3A_1687] {strides = array<i32>} : memref<128x16xf32, #tpu.memory_space<vmem>>, vector<1x16xf32>,
    %swap3A_1689 = vector.shape_cast %swap3A_1688 : vector<1x16xf32> to vector<16xf32>
    %swap3A_1690 = vector.shape_cast %broadcast_in_dim3A_1684 : vector<16xf32> to vector<1x16xf32>
    tpu.vector_store %arg7[%swap3A_1686, %swap3A_1687], %swap3A_1690 {strides = array<i32>} : memref<128x16xf32, #tpu.memory_space<vmem>>, vector<1x16xf32>,
    %broadcast_in_dim3A_1691 = arith.constant 0.000000e+00 : f32
    %broadcast_in_dim3A_1692 = vector.broadcast %broadcast_in_dim3A_1691 : f32 to vector<16xf32>
    %swap3A_1693 = arith.constant 105 : i32
    %swap3A_1694 = arith.index_cast %swap3A_1693 : i32 to index
    %swap3A_1695 = arith.constant 0 : index
    %swap3A_1696 = tpu.vector_load %arg9[%swap3A_1694, %swap3A_1695] {strides = array<i32>} : memref<128x16xf32, #tpu.memory_space<vmem>>, vector<1x16xf32>,
    %swap3A_1697 = vector.shape_cast %swap3A_1696 : vector<1x16xf32> to vector<16xf32>
    %swap3A_1698 = vector.shape_cast %broadcast_in_dim3A_1692 : vector<16xf32> to vector<1x16xf32>
    tpu.vector_store %arg9[%swap3A_1694, %swap3A_1695], %swap3A_1698 {strides = array<i32>} : memref<128x16xf32, #tpu.memory_space<vmem>>, vector<1x16xf32>,
    %broadcast_in_dim3A_1699 = arith.constant 1.000000e+00 : f32
    %broadcast_in_dim3A_1700 = vector.broadcast %broadcast_in_dim3A_1699 : f32 to vector<16xf32>
    %swap3A_1701 = arith.constant 106 : i32
    %swap3A_1702 = arith.index_cast %swap3A_1701 : i32 to index
    %swap3A_1703 = arith.constant 0 : index
    %swap3A_1704 = tpu.vector_load %arg7[%swap3A_1702, %swap3A_1703] {strides = array<i32>} : memref<128x16xf32, #tpu.memory_space<vmem>>, vector<1x16xf32>,
    %swap3A_1705 = vector.shape_cast %swap3A_1704 : vector<1x16xf32> to vector<16xf32>
    %swap3A_1706 = vector.shape_cast %broadcast_in_dim3A_1700 : vector<16xf32> to vector<1x16xf32>
    tpu.vector_store %arg7[%swap3A_1702, %swap3A_1703], %swap3A_1706 {strides = array<i32>} : memref<128x16xf32, #tpu.memory_space<vmem>>, vector<1x16xf32>,
    %broadcast_in_dim3A_1707 = arith.constant 0.000000e+00 : f32
    %broadcast_in_dim3A_1708 = vector.broadcast %broadcast_in_dim3A_1707 : f32 to vector<16xf32>
    %swap3A_1709 = arith.constant 106 : i32
    %swap3A_1710 = arith.index_cast %swap3A_1709 : i32 to index
    %swap3A_1711 = arith.constant 0 : index
    %swap3A_1712 = tpu.vector_load %arg9[%swap3A_1710, %swap3A_1711] {strides = array<i32>} : memref<128x16xf32, #tpu.memory_space<vmem>>, vector<1x16xf32>,
    %swap3A_1713 = vector.shape_cast %swap3A_1712 : vector<1x16xf32> to vector<16xf32>
    %swap3A_1714 = vector.shape_cast %broadcast_in_dim3A_1708 : vector<16xf32> to vector<1x16xf32>
    tpu.vector_store %arg9[%swap3A_1710, %swap3A_1711], %swap3A_1714 {strides = array<i32>} : memref<128x16xf32, #tpu.memory_space<vmem>>, vector<1x16xf32>,
    %broadcast_in_dim3A_1715 = arith.constant 1.000000e+00 : f32
    %broadcast_in_dim3A_1716 = vector.broadcast %broadcast_in_dim3A_1715 : f32 to vector<16xf32>
    %swap3A_1717 = arith.constant 107 : i32
    %swap3A_1718 = arith.index_cast %swap3A_1717 : i32 to index
    %swap3A_1719 = arith.constant 0 : index
    %swap3A_1720 = tpu.vector_load %arg7[%swap3A_1718, %swap3A_1719] {strides = array<i32>} : memref<128x16xf32, #tpu.memory_space<vmem>>, vector<1x16xf32>,
    %swap3A_1721 = vector.shape_cast %swap3A_1720 : vector<1x16xf32> to vector<16xf32>
    %swap3A_1722 = vector.shape_cast %broadcast_in_dim3A_1716 : vector<16xf32> to vector<1x16xf32>
    tpu.vector_store %arg7[%swap3A_1718, %swap3A_1719], %swap3A_1722 {strides = array<i32>} : memref<128x16xf32, #tpu.memory_space<vmem>>, vector<1x16xf32>,
    %broadcast_in_dim3A_1723 = arith.constant 0.000000e+00 : f32
    %broadcast_in_dim3A_1724 = vector.broadcast %broadcast_in_dim3A_1723 : f32 to vector<16xf32>
    %swap3A_1725 = arith.constant 107 : i32
    %swap3A_1726 = arith.index_cast %swap3A_1725 : i32 to index
    %swap3A_1727 = arith.constant 0 : index
    %swap3A_1728 = tpu.vector_load %arg9[%swap3A_1726, %swap3A_1727] {strides = array<i32>} : memref<128x16xf32, #tpu.memory_space<vmem>>, vector<1x16xf32>,
    %swap3A_1729 = vector.shape_cast %swap3A_1728 : vector<1x16xf32> to vector<16xf32>
    %swap3A_1730 = vector.shape_cast %broadcast_in_dim3A_1724 : vector<16xf32> to vector<1x16xf32>
    tpu.vector_store %arg9[%swap3A_1726, %swap3A_1727], %swap3A_1730 {strides = array<i32>} : memref<128x16xf32, #tpu.memory_space<vmem>>, vector<1x16xf32>,
    %broadcast_in_dim3A_1731 = arith.constant 1.000000e+00 : f32
    %broadcast_in_dim3A_1732 = vector.broadcast %broadcast_in_dim3A_1731 : f32 to vector<16xf32>
    %swap3A_1733 = arith.constant 108 : i32
    %swap3A_1734 = arith.index_cast %swap3A_1733 : i32 to index
    %swap3A_1735 = arith.constant 0 : index
    %swap3A_1736 = tpu.vector_load %arg7[%swap3A_1734, %swap3A_1735] {strides = array<i32>} : memref<128x16xf32, #tpu.memory_space<vmem>>, vector<1x16xf32>,
    %swap3A_1737 = vector.shape_cast %swap3A_1736 : vector<1x16xf32> to vector<16xf32>
    %swap3A_1738 = vector.shape_cast %broadcast_in_dim3A_1732 : vector<16xf32> to vector<1x16xf32>
    tpu.vector_store %arg7[%swap3A_1734, %swap3A_1735], %swap3A_1738 {strides = array<i32>} : memref<128x16xf32, #tpu.memory_space<vmem>>, vector<1x16xf32>,
    %broadcast_in_dim3A_1739 = arith.constant 0.000000e+00 : f32
    %broadcast_in_dim3A_1740 = vector.broadcast %broadcast_in_dim3A_1739 : f32 to vector<16xf32>
    %swap3A_1741 = arith.constant 108 : i32
    %swap3A_1742 = arith.index_cast %swap3A_1741 : i32 to index
    %swap3A_1743 = arith.constant 0 : index
    %swap3A_1744 = tpu.vector_load %arg9[%swap3A_1742, %swap3A_1743] {strides = array<i32>} : memref<128x16xf32, #tpu.memory_space<vmem>>, vector<1x16xf32>,
    %swap3A_1745 = vector.shape_cast %swap3A_1744 : vector<1x16xf32> to vector<16xf32>
    %swap3A_1746 = vector.shape_cast %broadcast_in_dim3A_1740 : vector<16xf32> to vector<1x16xf32>
    tpu.vector_store %arg9[%swap3A_1742, %swap3A_1743], %swap3A_1746 {strides = array<i32>} : memref<128x16xf32, #tpu.memory_space<vmem>>, vector<1x16xf32>,
    %broadcast_in_dim3A_1747 = arith.constant 1.000000e+00 : f32
    %broadcast_in_dim3A_1748 = vector.broadcast %broadcast_in_dim3A_1747 : f32 to vector<16xf32>
    %swap3A_1749 = arith.constant 109 : i32
    %swap3A_1750 = arith.index_cast %swap3A_1749 : i32 to index
    %swap3A_1751 = arith.constant 0 : index
    %swap3A_1752 = tpu.vector_load %arg7[%swap3A_1750, %swap3A_1751] {strides = array<i32>} : memref<128x16xf32, #tpu.memory_space<vmem>>, vector<1x16xf32>,
    %swap3A_1753 = vector.shape_cast %swap3A_1752 : vector<1x16xf32> to vector<16xf32>
    %swap3A_1754 = vector.shape_cast %broadcast_in_dim3A_1748 : vector<16xf32> to vector<1x16xf32>
    tpu.vector_store %arg7[%swap3A_1750, %swap3A_1751], %swap3A_1754 {strides = array<i32>} : memref<128x16xf32, #tpu.memory_space<vmem>>, vector<1x16xf32>,
    %broadcast_in_dim3A_1755 = arith.constant 0.000000e+00 : f32
    %broadcast_in_dim3A_1756 = vector.broadcast %broadcast_in_dim3A_1755 : f32 to vector<16xf32>
    %swap3A_1757 = arith.constant 109 : i32
    %swap3A_1758 = arith.index_cast %swap3A_1757 : i32 to index
    %swap3A_1759 = arith.constant 0 : index
    %swap3A_1760 = tpu.vector_load %arg9[%swap3A_1758, %swap3A_1759] {strides = array<i32>} : memref<128x16xf32, #tpu.memory_space<vmem>>, vector<1x16xf32>,
    %swap3A_1761 = vector.shape_cast %swap3A_1760 : vector<1x16xf32> to vector<16xf32>
    %swap3A_1762 = vector.shape_cast %broadcast_in_dim3A_1756 : vector<16xf32> to vector<1x16xf32>
    tpu.vector_store %arg9[%swap3A_1758, %swap3A_1759], %swap3A_1762 {strides = array<i32>} : memref<128x16xf32, #tpu.memory_space<vmem>>, vector<1x16xf32>,
    %broadcast_in_dim3A_1763 = arith.constant 1.000000e+00 : f32
    %broadcast_in_dim3A_1764 = vector.broadcast %broadcast_in_dim3A_1763 : f32 to vector<16xf32>
    %swap3A_1765 = arith.constant 110 : i32
    %swap3A_1766 = arith.index_cast %swap3A_1765 : i32 to index
    %swap3A_1767 = arith.constant 0 : index
    %swap3A_1768 = tpu.vector_load %arg7[%swap3A_1766, %swap3A_1767] {strides = array<i32>} : memref<128x16xf32, #tpu.memory_space<vmem>>, vector<1x16xf32>,
    %swap3A_1769 = vector.shape_cast %swap3A_1768 : vector<1x16xf32> to vector<16xf32>
    %swap3A_1770 = vector.shape_cast %broadcast_in_dim3A_1764 : vector<16xf32> to vector<1x16xf32>
    tpu.vector_store %arg7[%swap3A_1766, %swap3A_1767], %swap3A_1770 {strides = array<i32>} : memref<128x16xf32, #tpu.memory_space<vmem>>, vector<1x16xf32>,
    %broadcast_in_dim3A_1771 = arith.constant 0.000000e+00 : f32
    %broadcast_in_dim3A_1772 = vector.broadcast %broadcast_in_dim3A_1771 : f32 to vector<16xf32>
    %swap3A_1773 = arith.constant 110 : i32
    %swap3A_1774 = arith.index_cast %swap3A_1773 : i32 to index
    %swap3A_1775 = arith.constant 0 : index
    %swap3A_1776 = tpu.vector_load %arg9[%swap3A_1774, %swap3A_1775] {strides = array<i32>} : memref<128x16xf32, #tpu.memory_space<vmem>>, vector<1x16xf32>,
    %swap3A_1777 = vector.shape_cast %swap3A_1776 : vector<1x16xf32> to vector<16xf32>
    %swap3A_1778 = vector.shape_cast %broadcast_in_dim3A_1772 : vector<16xf32> to vector<1x16xf32>
    tpu.vector_store %arg9[%swap3A_1774, %swap3A_1775], %swap3A_1778 {strides = array<i32>} : memref<128x16xf32, #tpu.memory_space<vmem>>, vector<1x16xf32>,
    %broadcast_in_dim3A_1779 = arith.constant 1.000000e+00 : f32
    %broadcast_in_dim3A_1780 = vector.broadcast %broadcast_in_dim3A_1779 : f32 to vector<16xf32>
    %swap3A_1781 = arith.constant 111 : i32
    %swap3A_1782 = arith.index_cast %swap3A_1781 : i32 to index
    %swap3A_1783 = arith.constant 0 : index
    %swap3A_1784 = tpu.vector_load %arg7[%swap3A_1782, %swap3A_1783] {strides = array<i32>} : memref<128x16xf32, #tpu.memory_space<vmem>>, vector<1x16xf32>,
    %swap3A_1785 = vector.shape_cast %swap3A_1784 : vector<1x16xf32> to vector<16xf32>
    %swap3A_1786 = vector.shape_cast %broadcast_in_dim3A_1780 : vector<16xf32> to vector<1x16xf32>
    tpu.vector_store %arg7[%swap3A_1782, %swap3A_1783], %swap3A_1786 {strides = array<i32>} : memref<128x16xf32, #tpu.memory_space<vmem>>, vector<1x16xf32>,
    %broadcast_in_dim3A_1787 = arith.constant 0.000000e+00 : f32
    %broadcast_in_dim3A_1788 = vector.broadcast %broadcast_in_dim3A_1787 : f32 to vector<16xf32>
    %swap3A_1789 = arith.constant 111 : i32
    %swap3A_1790 = arith.index_cast %swap3A_1789 : i32 to index
    %swap3A_1791 = arith.constant 0 : index
    %swap3A_1792 = tpu.vector_load %arg9[%swap3A_1790, %swap3A_1791] {strides = array<i32>} : memref<128x16xf32, #tpu.memory_space<vmem>>, vector<1x16xf32>,
    %swap3A_1793 = vector.shape_cast %swap3A_1792 : vector<1x16xf32> to vector<16xf32>
    %swap3A_1794 = vector.shape_cast %broadcast_in_dim3A_1788 : vector<16xf32> to vector<1x16xf32>
    tpu.vector_store %arg9[%swap3A_1790, %swap3A_1791], %swap3A_1794 {strides = array<i32>} : memref<128x16xf32, #tpu.memory_space<vmem>>, vector<1x16xf32>,
    %broadcast_in_dim3A_1795 = arith.constant 1.000000e+00 : f32
    %broadcast_in_dim3A_1796 = vector.broadcast %broadcast_in_dim3A_1795 : f32 to vector<16xf32>
    %swap3A_1797 = arith.constant 112 : i32
    %swap3A_1798 = arith.index_cast %swap3A_1797 : i32 to index
    %swap3A_1799 = arith.constant 0 : index
    %swap3A_1800 = tpu.vector_load %arg7[%swap3A_1798, %swap3A_1799] {strides = array<i32>} : memref<128x16xf32, #tpu.memory_space<vmem>>, vector<1x16xf32>,
    %swap3A_1801 = vector.shape_cast %swap3A_1800 : vector<1x16xf32> to vector<16xf32>
    %swap3A_1802 = vector.shape_cast %broadcast_in_dim3A_1796 : vector<16xf32> to vector<1x16xf32>
    tpu.vector_store %arg7[%swap3A_1798, %swap3A_1799], %swap3A_1802 {strides = array<i32>} : memref<128x16xf32, #tpu.memory_space<vmem>>, vector<1x16xf32>,
    %broadcast_in_dim3A_1803 = arith.constant 0.000000e+00 : f32
    %broadcast_in_dim3A_1804 = vector.broadcast %broadcast_in_dim3A_1803 : f32 to vector<16xf32>
    %swap3A_1805 = arith.constant 112 : i32
    %swap3A_1806 = arith.index_cast %swap3A_1805 : i32 to index
    %swap3A_1807 = arith.constant 0 : index
    %swap3A_1808 = tpu.vector_load %arg9[%swap3A_1806, %swap3A_1807] {strides = array<i32>} : memref<128x16xf32, #tpu.memory_space<vmem>>, vector<1x16xf32>,
    %swap3A_1809 = vector.shape_cast %swap3A_1808 : vector<1x16xf32> to vector<16xf32>
    %swap3A_1810 = vector.shape_cast %broadcast_in_dim3A_1804 : vector<16xf32> to vector<1x16xf32>
    tpu.vector_store %arg9[%swap3A_1806, %swap3A_1807], %swap3A_1810 {strides = array<i32>} : memref<128x16xf32, #tpu.memory_space<vmem>>, vector<1x16xf32>,
    %broadcast_in_dim3A_1811 = arith.constant 1.000000e+00 : f32
    %broadcast_in_dim3A_1812 = vector.broadcast %broadcast_in_dim3A_1811 : f32 to vector<16xf32>
    %swap3A_1813 = arith.constant 113 : i32
    %swap3A_1814 = arith.index_cast %swap3A_1813 : i32 to index
    %swap3A_1815 = arith.constant 0 : index
    %swap3A_1816 = tpu.vector_load %arg7[%swap3A_1814, %swap3A_1815] {strides = array<i32>} : memref<128x16xf32, #tpu.memory_space<vmem>>, vector<1x16xf32>,
    %swap3A_1817 = vector.shape_cast %swap3A_1816 : vector<1x16xf32> to vector<16xf32>
    %swap3A_1818 = vector.shape_cast %broadcast_in_dim3A_1812 : vector<16xf32> to vector<1x16xf32>
    tpu.vector_store %arg7[%swap3A_1814, %swap3A_1815], %swap3A_1818 {strides = array<i32>} : memref<128x16xf32, #tpu.memory_space<vmem>>, vector<1x16xf32>,
    %broadcast_in_dim3A_1819 = arith.constant 0.000000e+00 : f32
    %broadcast_in_dim3A_1820 = vector.broadcast %broadcast_in_dim3A_1819 : f32 to vector<16xf32>
    %swap3A_1821 = arith.constant 113 : i32
    %swap3A_1822 = arith.index_cast %swap3A_1821 : i32 to index
    %swap3A_1823 = arith.constant 0 : index
    %swap3A_1824 = tpu.vector_load %arg9[%swap3A_1822, %swap3A_1823] {strides = array<i32>} : memref<128x16xf32, #tpu.memory_space<vmem>>, vector<1x16xf32>,
    %swap3A_1825 = vector.shape_cast %swap3A_1824 : vector<1x16xf32> to vector<16xf32>
    %swap3A_1826 = vector.shape_cast %broadcast_in_dim3A_1820 : vector<16xf32> to vector<1x16xf32>
    tpu.vector_store %arg9[%swap3A_1822, %swap3A_1823], %swap3A_1826 {strides = array<i32>} : memref<128x16xf32, #tpu.memory_space<vmem>>, vector<1x16xf32>,
    %broadcast_in_dim3A_1827 = arith.constant 1.000000e+00 : f32
    %broadcast_in_dim3A_1828 = vector.broadcast %broadcast_in_dim3A_1827 : f32 to vector<16xf32>
    %swap3A_1829 = arith.constant 114 : i32
    %swap3A_1830 = arith.index_cast %swap3A_1829 : i32 to index
    %swap3A_1831 = arith.constant 0 : index
    %swap3A_1832 = tpu.vector_load %arg7[%swap3A_1830, %swap3A_1831] {strides = array<i32>} : memref<128x16xf32, #tpu.memory_space<vmem>>, vector<1x16xf32>,
    %swap3A_1833 = vector.shape_cast %swap3A_1832 : vector<1x16xf32> to vector<16xf32>
    %swap3A_1834 = vector.shape_cast %broadcast_in_dim3A_1828 : vector<16xf32> to vector<1x16xf32>
    tpu.vector_store %arg7[%swap3A_1830, %swap3A_1831], %swap3A_1834 {strides = array<i32>} : memref<128x16xf32, #tpu.memory_space<vmem>>, vector<1x16xf32>,
    %broadcast_in_dim3A_1835 = arith.constant 0.000000e+00 : f32
    %broadcast_in_dim3A_1836 = vector.broadcast %broadcast_in_dim3A_1835 : f32 to vector<16xf32>
    %swap3A_1837 = arith.constant 114 : i32
    %swap3A_1838 = arith.index_cast %swap3A_1837 : i32 to index
    %swap3A_1839 = arith.constant 0 : index
    %swap3A_1840 = tpu.vector_load %arg9[%swap3A_1838, %swap3A_1839] {strides = array<i32>} : memref<128x16xf32, #tpu.memory_space<vmem>>, vector<1x16xf32>,
    %swap3A_1841 = vector.shape_cast %swap3A_1840 : vector<1x16xf32> to vector<16xf32>
    %swap3A_1842 = vector.shape_cast %broadcast_in_dim3A_1836 : vector<16xf32> to vector<1x16xf32>
    tpu.vector_store %arg9[%swap3A_1838, %swap3A_1839], %swap3A_1842 {strides = array<i32>} : memref<128x16xf32, #tpu.memory_space<vmem>>, vector<1x16xf32>,
    %broadcast_in_dim3A_1843 = arith.constant 1.000000e+00 : f32
    %broadcast_in_dim3A_1844 = vector.broadcast %broadcast_in_dim3A_1843 : f32 to vector<16xf32>
    %swap3A_1845 = arith.constant 115 : i32
    %swap3A_1846 = arith.index_cast %swap3A_1845 : i32 to index
    %swap3A_1847 = arith.constant 0 : index
    %swap3A_1848 = tpu.vector_load %arg7[%swap3A_1846, %swap3A_1847] {strides = array<i32>} : memref<128x16xf32, #tpu.memory_space<vmem>>, vector<1x16xf32>,
    %swap3A_1849 = vector.shape_cast %swap3A_1848 : vector<1x16xf32> to vector<16xf32>
    %swap3A_1850 = vector.shape_cast %broadcast_in_dim3A_1844 : vector<16xf32> to vector<1x16xf32>
    tpu.vector_store %arg7[%swap3A_1846, %swap3A_1847], %swap3A_1850 {strides = array<i32>} : memref<128x16xf32, #tpu.memory_space<vmem>>, vector<1x16xf32>,
    %broadcast_in_dim3A_1851 = arith.constant 0.000000e+00 : f32
    %broadcast_in_dim3A_1852 = vector.broadcast %broadcast_in_dim3A_1851 : f32 to vector<16xf32>
    %swap3A_1853 = arith.constant 115 : i32
    %swap3A_1854 = arith.index_cast %swap3A_1853 : i32 to index
    %swap3A_1855 = arith.constant 0 : index
    %swap3A_1856 = tpu.vector_load %arg9[%swap3A_1854, %swap3A_1855] {strides = array<i32>} : memref<128x16xf32, #tpu.memory_space<vmem>>, vector<1x16xf32>,
    %swap3A_1857 = vector.shape_cast %swap3A_1856 : vector<1x16xf32> to vector<16xf32>
    %swap3A_1858 = vector.shape_cast %broadcast_in_dim3A_1852 : vector<16xf32> to vector<1x16xf32>
    tpu.vector_store %arg9[%swap3A_1854, %swap3A_1855], %swap3A_1858 {strides = array<i32>} : memref<128x16xf32, #tpu.memory_space<vmem>>, vector<1x16xf32>,
    %broadcast_in_dim3A_1859 = arith.constant 1.000000e+00 : f32
    %broadcast_in_dim3A_1860 = vector.broadcast %broadcast_in_dim3A_1859 : f32 to vector<16xf32>
    %swap3A_1861 = arith.constant 116 : i32
    %swap3A_1862 = arith.index_cast %swap3A_1861 : i32 to index
    %swap3A_1863 = arith.constant 0 : index
    %swap3A_1864 = tpu.vector_load %arg7[%swap3A_1862, %swap3A_1863] {strides = array<i32>} : memref<128x16xf32, #tpu.memory_space<vmem>>, vector<1x16xf32>,
    %swap3A_1865 = vector.shape_cast %swap3A_1864 : vector<1x16xf32> to vector<16xf32>
    %swap3A_1866 = vector.shape_cast %broadcast_in_dim3A_1860 : vector<16xf32> to vector<1x16xf32>
    tpu.vector_store %arg7[%swap3A_1862, %swap3A_1863], %swap3A_1866 {strides = array<i32>} : memref<128x16xf32, #tpu.memory_space<vmem>>, vector<1x16xf32>,
    %broadcast_in_dim3A_1867 = arith.constant 0.000000e+00 : f32
    %broadcast_in_dim3A_1868 = vector.broadcast %broadcast_in_dim3A_1867 : f32 to vector<16xf32>
    %swap3A_1869 = arith.constant 116 : i32
    %swap3A_1870 = arith.index_cast %swap3A_1869 : i32 to index
    %swap3A_1871 = arith.constant 0 : index
    %swap3A_1872 = tpu.vector_load %arg9[%swap3A_1870, %swap3A_1871] {strides = array<i32>} : memref<128x16xf32, #tpu.memory_space<vmem>>, vector<1x16xf32>,
    %swap3A_1873 = vector.shape_cast %swap3A_1872 : vector<1x16xf32> to vector<16xf32>
    %swap3A_1874 = vector.shape_cast %broadcast_in_dim3A_1868 : vector<16xf32> to vector<1x16xf32>
    tpu.vector_store %arg9[%swap3A_1870, %swap3A_1871], %swap3A_1874 {strides = array<i32>} : memref<128x16xf32, #tpu.memory_space<vmem>>, vector<1x16xf32>,
    %broadcast_in_dim3A_1875 = arith.constant 1.000000e+00 : f32
    %broadcast_in_dim3A_1876 = vector.broadcast %broadcast_in_dim3A_1875 : f32 to vector<16xf32>
    %swap3A_1877 = arith.constant 117 : i32
    %swap3A_1878 = arith.index_cast %swap3A_1877 : i32 to index
    %swap3A_1879 = arith.constant 0 : index
    %swap3A_1880 = tpu.vector_load %arg7[%swap3A_1878, %swap3A_1879] {strides = array<i32>} : memref<128x16xf32, #tpu.memory_space<vmem>>, vector<1x16xf32>,
    %swap3A_1881 = vector.shape_cast %swap3A_1880 : vector<1x16xf32> to vector<16xf32>
    %swap3A_1882 = vector.shape_cast %broadcast_in_dim3A_1876 : vector<16xf32> to vector<1x16xf32>
    tpu.vector_store %arg7[%swap3A_1878, %swap3A_1879], %swap3A_1882 {strides = array<i32>} : memref<128x16xf32, #tpu.memory_space<vmem>>, vector<1x16xf32>,
    %broadcast_in_dim3A_1883 = arith.constant 0.000000e+00 : f32
    %broadcast_in_dim3A_1884 = vector.broadcast %broadcast_in_dim3A_1883 : f32 to vector<16xf32>
    %swap3A_1885 = arith.constant 117 : i32
    %swap3A_1886 = arith.index_cast %swap3A_1885 : i32 to index
    %swap3A_1887 = arith.constant 0 : index
    %swap3A_1888 = tpu.vector_load %arg9[%swap3A_1886, %swap3A_1887] {strides = array<i32>} : memref<128x16xf32, #tpu.memory_space<vmem>>, vector<1x16xf32>,
    %swap3A_1889 = vector.shape_cast %swap3A_1888 : vector<1x16xf32> to vector<16xf32>
    %swap3A_1890 = vector.shape_cast %broadcast_in_dim3A_1884 : vector<16xf32> to vector<1x16xf32>
    tpu.vector_store %arg9[%swap3A_1886, %swap3A_1887], %swap3A_1890 {strides = array<i32>} : memref<128x16xf32, #tpu.memory_space<vmem>>, vector<1x16xf32>,
    %broadcast_in_dim3A_1891 = arith.constant 1.000000e+00 : f32
    %broadcast_in_dim3A_1892 = vector.broadcast %broadcast_in_dim3A_1891 : f32 to vector<16xf32>
    %swap3A_1893 = arith.constant 118 : i32
    %swap3A_1894 = arith.index_cast %swap3A_1893 : i32 to index
    %swap3A_1895 = arith.constant 0 : index
    %swap3A_1896 = tpu.vector_load %arg7[%swap3A_1894, %swap3A_1895] {strides = array<i32>} : memref<128x16xf32, #tpu.memory_space<vmem>>, vector<1x16xf32>,
    %swap3A_1897 = vector.shape_cast %swap3A_1896 : vector<1x16xf32> to vector<16xf32>
    %swap3A_1898 = vector.shape_cast %broadcast_in_dim3A_1892 : vector<16xf32> to vector<1x16xf32>
    tpu.vector_store %arg7[%swap3A_1894, %swap3A_1895], %swap3A_1898 {strides = array<i32>} : memref<128x16xf32, #tpu.memory_space<vmem>>, vector<1x16xf32>,
    %broadcast_in_dim3A_1899 = arith.constant 0.000000e+00 : f32
    %broadcast_in_dim3A_1900 = vector.broadcast %broadcast_in_dim3A_1899 : f32 to vector<16xf32>
    %swap3A_1901 = arith.constant 118 : i32
    %swap3A_1902 = arith.index_cast %swap3A_1901 : i32 to index
    %swap3A_1903 = arith.constant 0 : index
    %swap3A_1904 = tpu.vector_load %arg9[%swap3A_1902, %swap3A_1903] {strides = array<i32>} : memref<128x16xf32, #tpu.memory_space<vmem>>, vector<1x16xf32>,
    %swap3A_1905 = vector.shape_cast %swap3A_1904 : vector<1x16xf32> to vector<16xf32>
    %swap3A_1906 = vector.shape_cast %broadcast_in_dim3A_1900 : vector<16xf32> to vector<1x16xf32>
    tpu.vector_store %arg9[%swap3A_1902, %swap3A_1903], %swap3A_1906 {strides = array<i32>} : memref<128x16xf32, #tpu.memory_space<vmem>>, vector<1x16xf32>,
    %broadcast_in_dim3A_1907 = arith.constant 1.000000e+00 : f32
    %broadcast_in_dim3A_1908 = vector.broadcast %broadcast_in_dim3A_1907 : f32 to vector<16xf32>
    %swap3A_1909 = arith.constant 119 : i32
    %swap3A_1910 = arith.index_cast %swap3A_1909 : i32 to index
    %swap3A_1911 = arith.constant 0 : index
    %swap3A_1912 = tpu.vector_load %arg7[%swap3A_1910, %swap3A_1911] {strides = array<i32>} : memref<128x16xf32, #tpu.memory_space<vmem>>, vector<1x16xf32>,
    %swap3A_1913 = vector.shape_cast %swap3A_1912 : vector<1x16xf32> to vector<16xf32>
    %swap3A_1914 = vector.shape_cast %broadcast_in_dim3A_1908 : vector<16xf32> to vector<1x16xf32>
    tpu.vector_store %arg7[%swap3A_1910, %swap3A_1911], %swap3A_1914 {strides = array<i32>} : memref<128x16xf32, #tpu.memory_space<vmem>>, vector<1x16xf32>,
    %broadcast_in_dim3A_1915 = arith.constant 0.000000e+00 : f32
    %broadcast_in_dim3A_1916 = vector.broadcast %broadcast_in_dim3A_1915 : f32 to vector<16xf32>
    %swap3A_1917 = arith.constant 119 : i32
    %swap3A_1918 = arith.index_cast %swap3A_1917 : i32 to index
    %swap3A_1919 = arith.constant 0 : index
    %swap3A_1920 = tpu.vector_load %arg9[%swap3A_1918, %swap3A_1919] {strides = array<i32>} : memref<128x16xf32, #tpu.memory_space<vmem>>, vector<1x16xf32>,
    %swap3A_1921 = vector.shape_cast %swap3A_1920 : vector<1x16xf32> to vector<16xf32>
    %swap3A_1922 = vector.shape_cast %broadcast_in_dim3A_1916 : vector<16xf32> to vector<1x16xf32>
    tpu.vector_store %arg9[%swap3A_1918, %swap3A_1919], %swap3A_1922 {strides = array<i32>} : memref<128x16xf32, #tpu.memory_space<vmem>>, vector<1x16xf32>,
    %broadcast_in_dim3A_1923 = arith.constant 1.000000e+00 : f32
    %broadcast_in_dim3A_1924 = vector.broadcast %broadcast_in_dim3A_1923 : f32 to vector<16xf32>
    %swap3A_1925 = arith.constant 120 : i32
    %swap3A_1926 = arith.index_cast %swap3A_1925 : i32 to index
    %swap3A_1927 = arith.constant 0 : index
    %swap3A_1928 = tpu.vector_load %arg7[%swap3A_1926, %swap3A_1927] {strides = array<i32>} : memref<128x16xf32, #tpu.memory_space<vmem>>, vector<1x16xf32>,
    %swap3A_1929 = vector.shape_cast %swap3A_1928 : vector<1x16xf32> to vector<16xf32>
    %swap3A_1930 = vector.shape_cast %broadcast_in_dim3A_1924 : vector<16xf32> to vector<1x16xf32>
    tpu.vector_store %arg7[%swap3A_1926, %swap3A_1927], %swap3A_1930 {strides = array<i32>} : memref<128x16xf32, #tpu.memory_space<vmem>>, vector<1x16xf32>,
    %broadcast_in_dim3A_1931 = arith.constant 0.000000e+00 : f32
    %broadcast_in_dim3A_1932 = vector.broadcast %broadcast_in_dim3A_1931 : f32 to vector<16xf32>
    %swap3A_1933 = arith.constant 120 : i32
    %swap3A_1934 = arith.index_cast %swap3A_1933 : i32 to index
    %swap3A_1935 = arith.constant 0 : index
    %swap3A_1936 = tpu.vector_load %arg9[%swap3A_1934, %swap3A_1935] {strides = array<i32>} : memref<128x16xf32, #tpu.memory_space<vmem>>, vector<1x16xf32>,
    %swap3A_1937 = vector.shape_cast %swap3A_1936 : vector<1x16xf32> to vector<16xf32>
    %swap3A_1938 = vector.shape_cast %broadcast_in_dim3A_1932 : vector<16xf32> to vector<1x16xf32>
    tpu.vector_store %arg9[%swap3A_1934, %swap3A_1935], %swap3A_1938 {strides = array<i32>} : memref<128x16xf32, #tpu.memory_space<vmem>>, vector<1x16xf32>,
    %broadcast_in_dim3A_1939 = arith.constant 1.000000e+00 : f32
    %broadcast_in_dim3A_1940 = vector.broadcast %broadcast_in_dim3A_1939 : f32 to vector<16xf32>
    %swap3A_1941 = arith.constant 121 : i32
    %swap3A_1942 = arith.index_cast %swap3A_1941 : i32 to index
    %swap3A_1943 = arith.constant 0 : index
    %swap3A_1944 = tpu.vector_load %arg7[%swap3A_1942, %swap3A_1943] {strides = array<i32>} : memref<128x16xf32, #tpu.memory_space<vmem>>, vector<1x16xf32>,
    %swap3A_1945 = vector.shape_cast %swap3A_1944 : vector<1x16xf32> to vector<16xf32>
    %swap3A_1946 = vector.shape_cast %broadcast_in_dim3A_1940 : vector<16xf32> to vector<1x16xf32>
    tpu.vector_store %arg7[%swap3A_1942, %swap3A_1943], %swap3A_1946 {strides = array<i32>} : memref<128x16xf32, #tpu.memory_space<vmem>>, vector<1x16xf32>,
    %broadcast_in_dim3A_1947 = arith.constant 0.000000e+00 : f32
    %broadcast_in_dim3A_1948 = vector.broadcast %broadcast_in_dim3A_1947 : f32 to vector<16xf32>
    %swap3A_1949 = arith.constant 121 : i32
    %swap3A_1950 = arith.index_cast %swap3A_1949 : i32 to index
    %swap3A_1951 = arith.constant 0 : index
    %swap3A_1952 = tpu.vector_load %arg9[%swap3A_1950, %swap3A_1951] {strides = array<i32>} : memref<128x16xf32, #tpu.memory_space<vmem>>, vector<1x16xf32>,
    %swap3A_1953 = vector.shape_cast %swap3A_1952 : vector<1x16xf32> to vector<16xf32>
    %swap3A_1954 = vector.shape_cast %broadcast_in_dim3A_1948 : vector<16xf32> to vector<1x16xf32>
    tpu.vector_store %arg9[%swap3A_1950, %swap3A_1951], %swap3A_1954 {strides = array<i32>} : memref<128x16xf32, #tpu.memory_space<vmem>>, vector<1x16xf32>,
    %broadcast_in_dim3A_1955 = arith.constant 1.000000e+00 : f32
    %broadcast_in_dim3A_1956 = vector.broadcast %broadcast_in_dim3A_1955 : f32 to vector<16xf32>
    %swap3A_1957 = arith.constant 122 : i32
    %swap3A_1958 = arith.index_cast %swap3A_1957 : i32 to index
    %swap3A_1959 = arith.constant 0 : index
    %swap3A_1960 = tpu.vector_load %arg7[%swap3A_1958, %swap3A_1959] {strides = array<i32>} : memref<128x16xf32, #tpu.memory_space<vmem>>, vector<1x16xf32>,
    %swap3A_1961 = vector.shape_cast %swap3A_1960 : vector<1x16xf32> to vector<16xf32>
    %swap3A_1962 = vector.shape_cast %broadcast_in_dim3A_1956 : vector<16xf32> to vector<1x16xf32>
    tpu.vector_store %arg7[%swap3A_1958, %swap3A_1959], %swap3A_1962 {strides = array<i32>} : memref<128x16xf32, #tpu.memory_space<vmem>>, vector<1x16xf32>,
    %broadcast_in_dim3A_1963 = arith.constant 0.000000e+00 : f32
    %broadcast_in_dim3A_1964 = vector.broadcast %broadcast_in_dim3A_1963 : f32 to vector<16xf32>
    %swap3A_1965 = arith.constant 122 : i32
    %swap3A_1966 = arith.index_cast %swap3A_1965 : i32 to index
    %swap3A_1967 = arith.constant 0 : index
    %swap3A_1968 = tpu.vector_load %arg9[%swap3A_1966, %swap3A_1967] {strides = array<i32>} : memref<128x16xf32, #tpu.memory_space<vmem>>, vector<1x16xf32>,
    %swap3A_1969 = vector.shape_cast %swap3A_1968 : vector<1x16xf32> to vector<16xf32>
    %swap3A_1970 = vector.shape_cast %broadcast_in_dim3A_1964 : vector<16xf32> to vector<1x16xf32>
    tpu.vector_store %arg9[%swap3A_1966, %swap3A_1967], %swap3A_1970 {strides = array<i32>} : memref<128x16xf32, #tpu.memory_space<vmem>>, vector<1x16xf32>,
    %broadcast_in_dim3A_1971 = arith.constant 1.000000e+00 : f32
    %broadcast_in_dim3A_1972 = vector.broadcast %broadcast_in_dim3A_1971 : f32 to vector<16xf32>
    %swap3A_1973 = arith.constant 123 : i32
    %swap3A_1974 = arith.index_cast %swap3A_1973 : i32 to index
    %swap3A_1975 = arith.constant 0 : index
    %swap3A_1976 = tpu.vector_load %arg7[%swap3A_1974, %swap3A_1975] {strides = array<i32>} : memref<128x16xf32, #tpu.memory_space<vmem>>, vector<1x16xf32>,
    %swap3A_1977 = vector.shape_cast %swap3A_1976 : vector<1x16xf32> to vector<16xf32>
    %swap3A_1978 = vector.shape_cast %broadcast_in_dim3A_1972 : vector<16xf32> to vector<1x16xf32>
    tpu.vector_store %arg7[%swap3A_1974, %swap3A_1975], %swap3A_1978 {strides = array<i32>} : memref<128x16xf32, #tpu.memory_space<vmem>>, vector<1x16xf32>,
    %broadcast_in_dim3A_1979 = arith.constant 0.000000e+00 : f32
    %broadcast_in_dim3A_1980 = vector.broadcast %broadcast_in_dim3A_1979 : f32 to vector<16xf32>
    %swap3A_1981 = arith.constant 123 : i32
    %swap3A_1982 = arith.index_cast %swap3A_1981 : i32 to index
    %swap3A_1983 = arith.constant 0 : index
    %swap3A_1984 = tpu.vector_load %arg9[%swap3A_1982, %swap3A_1983] {strides = array<i32>} : memref<128x16xf32, #tpu.memory_space<vmem>>, vector<1x16xf32>,
    %swap3A_1985 = vector.shape_cast %swap3A_1984 : vector<1x16xf32> to vector<16xf32>
    %swap3A_1986 = vector.shape_cast %broadcast_in_dim3A_1980 : vector<16xf32> to vector<1x16xf32>
    tpu.vector_store %arg9[%swap3A_1982, %swap3A_1983], %swap3A_1986 {strides = array<i32>} : memref<128x16xf32, #tpu.memory_space<vmem>>, vector<1x16xf32>,
    %broadcast_in_dim3A_1987 = arith.constant 1.000000e+00 : f32
    %broadcast_in_dim3A_1988 = vector.broadcast %broadcast_in_dim3A_1987 : f32 to vector<16xf32>
    %swap3A_1989 = arith.constant 124 : i32
    %swap3A_1990 = arith.index_cast %swap3A_1989 : i32 to index
    %swap3A_1991 = arith.constant 0 : index
    %swap3A_1992 = tpu.vector_load %arg7[%swap3A_1990, %swap3A_1991] {strides = array<i32>} : memref<128x16xf32, #tpu.memory_space<vmem>>, vector<1x16xf32>,
    %swap3A_1993 = vector.shape_cast %swap3A_1992 : vector<1x16xf32> to vector<16xf32>
    %swap3A_1994 = vector.shape_cast %broadcast_in_dim3A_1988 : vector<16xf32> to vector<1x16xf32>
    tpu.vector_store %arg7[%swap3A_1990, %swap3A_1991], %swap3A_1994 {strides = array<i32>} : memref<128x16xf32, #tpu.memory_space<vmem>>, vector<1x16xf32>,
    %broadcast_in_dim3A_1995 = arith.constant 0.000000e+00 : f32
    %broadcast_in_dim3A_1996 = vector.broadcast %broadcast_in_dim3A_1995 : f32 to vector<16xf32>
    %swap3A_1997 = arith.constant 124 : i32
    %swap3A_1998 = arith.index_cast %swap3A_1997 : i32 to index
    %swap3A_1999 = arith.constant 0 : index
    %swap3A_2000 = tpu.vector_load %arg9[%swap3A_1998, %swap3A_1999] {strides = array<i32>} : memref<128x16xf32, #tpu.memory_space<vmem>>, vector<1x16xf32>,
    %swap3A_2001 = vector.shape_cast %swap3A_2000 : vector<1x16xf32> to vector<16xf32>
    %swap3A_2002 = vector.shape_cast %broadcast_in_dim3A_1996 : vector<16xf32> to vector<1x16xf32>
    tpu.vector_store %arg9[%swap3A_1998, %swap3A_1999], %swap3A_2002 {strides = array<i32>} : memref<128x16xf32, #tpu.memory_space<vmem>>, vector<1x16xf32>,
    %broadcast_in_dim3A_2003 = arith.constant 1.000000e+00 : f32
    %broadcast_in_dim3A_2004 = vector.broadcast %broadcast_in_dim3A_2003 : f32 to vector<16xf32>
    %swap3A_2005 = arith.constant 125 : i32
    %swap3A_2006 = arith.index_cast %swap3A_2005 : i32 to index
    %swap3A_2007 = arith.constant 0 : index
    %swap3A_2008 = tpu.vector_load %arg7[%swap3A_2006, %swap3A_2007] {strides = array<i32>} : memref<128x16xf32, #tpu.memory_space<vmem>>, vector<1x16xf32>,
    %swap3A_2009 = vector.shape_cast %swap3A_2008 : vector<1x16xf32> to vector<16xf32>
    %swap3A_2010 = vector.shape_cast %broadcast_in_dim3A_2004 : vector<16xf32> to vector<1x16xf32>
    tpu.vector_store %arg7[%swap3A_2006, %swap3A_2007], %swap3A_2010 {strides = array<i32>} : memref<128x16xf32, #tpu.memory_space<vmem>>, vector<1x16xf32>,
    %broadcast_in_dim3A_2011 = arith.constant 0.000000e+00 : f32
    %broadcast_in_dim3A_2012 = vector.broadcast %broadcast_in_dim3A_2011 : f32 to vector<16xf32>
    %swap3A_2013 = arith.constant 125 : i32
    %swap3A_2014 = arith.index_cast %swap3A_2013 : i32 to index
    %swap3A_2015 = arith.constant 0 : index
    %swap3A_2016 = tpu.vector_load %arg9[%swap3A_2014, %swap3A_2015] {strides = array<i32>} : memref<128x16xf32, #tpu.memory_space<vmem>>, vector<1x16xf32>,
    %swap3A_2017 = vector.shape_cast %swap3A_2016 : vector<1x16xf32> to vector<16xf32>
    %swap3A_2018 = vector.shape_cast %broadcast_in_dim3A_2012 : vector<16xf32> to vector<1x16xf32>
    tpu.vector_store %arg9[%swap3A_2014, %swap3A_2015], %swap3A_2018 {strides = array<i32>} : memref<128x16xf32, #tpu.memory_space<vmem>>, vector<1x16xf32>,
    %broadcast_in_dim3A_2019 = arith.constant 1.000000e+00 : f32
    %broadcast_in_dim3A_2020 = vector.broadcast %broadcast_in_dim3A_2019 : f32 to vector<16xf32>
    %swap3A_2021 = arith.constant 126 : i32
    %swap3A_2022 = arith.index_cast %swap3A_2021 : i32 to index
    %swap3A_2023 = arith.constant 0 : index
    %swap3A_2024 = tpu.vector_load %arg7[%swap3A_2022, %swap3A_2023] {strides = array<i32>} : memref<128x16xf32, #tpu.memory_space<vmem>>, vector<1x16xf32>,
    %swap3A_2025 = vector.shape_cast %swap3A_2024 : vector<1x16xf32> to vector<16xf32>
    %swap3A_2026 = vector.shape_cast %broadcast_in_dim3A_2020 : vector<16xf32> to vector<1x16xf32>
    tpu.vector_store %arg7[%swap3A_2022, %swap3A_2023], %swap3A_2026 {strides = array<i32>} : memref<128x16xf32, #tpu.memory_space<vmem>>, vector<1x16xf32>,
    %broadcast_in_dim3A_2027 = arith.constant 0.000000e+00 : f32
    %broadcast_in_dim3A_2028 = vector.broadcast %broadcast_in_dim3A_2027 : f32 to vector<16xf32>
    %swap3A_2029 = arith.constant 126 : i32
    %swap3A_2030 = arith.index_cast %swap3A_2029 : i32 to index
    %swap3A_2031 = arith.constant 0 : index
    %swap3A_2032 = tpu.vector_load %arg9[%swap3A_2030, %swap3A_2031] {strides = array<i32>} : memref<128x16xf32, #tpu.memory_space<vmem>>, vector<1x16xf32>,
    %swap3A_2033 = vector.shape_cast %swap3A_2032 : vector<1x16xf32> to vector<16xf32>
    %swap3A_2034 = vector.shape_cast %broadcast_in_dim3A_2028 : vector<16xf32> to vector<1x16xf32>
    tpu.vector_store %arg9[%swap3A_2030, %swap3A_2031], %swap3A_2034 {strides = array<i32>} : memref<128x16xf32, #tpu.memory_space<vmem>>, vector<1x16xf32>,
    %broadcast_in_dim3A_2035 = arith.constant 1.000000e+00 : f32
    %broadcast_in_dim3A_2036 = vector.broadcast %broadcast_in_dim3A_2035 : f32 to vector<16xf32>
    %swap3A_2037 = arith.constant 127 : i32
    %swap3A_2038 = arith.index_cast %swap3A_2037 : i32 to index
    %swap3A_2039 = arith.constant 0 : index
    %swap3A_2040 = tpu.vector_load %arg7[%swap3A_2038, %swap3A_2039] {strides = array<i32>} : memref<128x16xf32, #tpu.memory_space<vmem>>, vector<1x16xf32>,
    %swap3A_2041 = vector.shape_cast %swap3A_2040 : vector<1x16xf32> to vector<16xf32>
    %swap3A_2042 = vector.shape_cast %broadcast_in_dim3A_2036 : vector<16xf32> to vector<1x16xf32>
    tpu.vector_store %arg7[%swap3A_2038, %swap3A_2039], %swap3A_2042 {strides = array<i32>} : memref<128x16xf32, #tpu.memory_space<vmem>>, vector<1x16xf32>,
    %broadcast_in_dim3A_2043 = arith.constant 0.000000e+00 : f32
    %broadcast_in_dim3A_2044 = vector.broadcast %broadcast_in_dim3A_2043 : f32 to vector<16xf32>
    %swap3A_2045 = arith.constant 127 : i32
    %swap3A_2046 = arith.index_cast %swap3A_2045 : i32 to index
    %swap3A_2047 = arith.constant 0 : index
    %swap3A_2048 = tpu.vector_load %arg9[%swap3A_2046, %swap3A_2047] {strides = array<i32>} : memref<128x16xf32, #tpu.memory_space<vmem>>, vector<1x16xf32>,
    %swap3A_2049 = vector.shape_cast %swap3A_2048 : vector<1x16xf32> to vector<16xf32>
    %swap3A_2050 = vector.shape_cast %broadcast_in_dim3A_2044 : vector<16xf32> to vector<1x16xf32>
    tpu.vector_store %arg9[%swap3A_2046, %swap3A_2047], %swap3A_2050 {strides = array<i32>} : memref<128x16xf32, #tpu.memory_space<vmem>>, vector<1x16xf32>,
    %mul3A_2051 = arith.constant 640 : i32
    %mul3A_2052 = arith.muli %arg1, %mul3A_2051 : i32
    %add3A_2053 = arith.constant 0 : i32
    %add3A_2054 = arith.addi %mul3A_2052, %add3A_2053 : i32
    "tpu.region"() ({
      %run_scoped3A_2106 = tpu.sem_alloc : memref<!tpu.dma_semaphore, #tpu.memory_space<semaphore_mem>>
      %dma_start3A = arith.constant 0 : i32
      %dma_start3A_2107 = tpu.memref_slice %arg5[%add3A_2054, %dma_start3A] : memref<10240x16xf32, #tpu.memory_space<vmem_shared>> -> memref<128x16xf32, #tpu.memory_space<vmem_shared>>
      %dma_start3A_2108 = arith.constant 0 : i32
      %dma_start3A_2109 = tpu.memref_slice %arg5[%add3A_2054, %dma_start3A_2108] : memref<10240x16xf32, #tpu.memory_space<vmem_shared>> -> memref<128x16xf32, #tpu.memory_space<vmem_shared>>
      tpu.enqueue_dma source(%arg9 : memref<128x16xf32, #tpu.memory_space<vmem>>) target(%dma_start3A_2109 : memref<128x16xf32, #tpu.memory_space<vmem_shared>>) target_semaphore(%run_scoped3A_2106 : memref<!tpu.dma_semaphore, #tpu.memory_space<semaphore_mem>>)
      %dma_wait3A = arith.constant 0 : i32
      %dma_wait3A_2110 = tpu.memref_slice %arg5[%add3A_2054, %dma_wait3A] : memref<10240x16xf32, #tpu.memory_space<vmem_shared>> -> memref<128x16xf32, #tpu.memory_space<vmem_shared>>
      %dma_wait3A_2111 = arith.constant 0 : i32
      %dma_wait3A_2112 = tpu.memref_slice %arg5[%add3A_2054, %dma_wait3A_2111] : memref<10240x16xf32, #tpu.memory_space<vmem_shared>> -> memref<128x16xf32, #tpu.memory_space<vmem_shared>>
      tpu.wait_dma2 semaphore(%run_scoped3A_2106 : memref<!tpu.dma_semaphore, #tpu.memory_space<semaphore_mem>>) src(%arg9 : memref<128x16xf32, #tpu.memory_space<vmem>>) dst(%dma_wait3A_2112 : memref<128x16xf32, #tpu.memory_space<vmem_shared>>)
      tpu.yield
    }) : () -> ()
    "tpu.region"() ({
      %run_scoped3A_2106 = tpu.sem_alloc : memref<!tpu.dma_semaphore, #tpu.memory_space<semaphore_mem>>
      %dma_start3A = arith.constant 0 : i32
      %dma_start3A_2107 = tpu.memref_slice %arg6[%add3A_2054, %dma_start3A] : memref<10240x16xf32, #tpu.memory_space<vmem_shared>> -> memref<128x16xf32, #tpu.memory_space<vmem_shared>>
      %dma_start3A_2108 = arith.constant 0 : i32
      %dma_start3A_2109 = tpu.memref_slice %arg6[%add3A_2054, %dma_start3A_2108] : memref<10240x16xf32, #tpu.memory_space<vmem_shared>> -> memref<128x16xf32, #tpu.memory_space<vmem_shared>>
      tpu.enqueue_dma source(%arg9 : memref<128x16xf32, #tpu.memory_space<vmem>>) target(%dma_start3A_2109 : memref<128x16xf32, #tpu.memory_space<vmem_shared>>) target_semaphore(%run_scoped3A_2106 : memref<!tpu.dma_semaphore, #tpu.memory_space<semaphore_mem>>)
      %dma_wait3A = arith.constant 0 : i32
      %dma_wait3A_2110 = tpu.memref_slice %arg6[%add3A_2054, %dma_wait3A] : memref<10240x16xf32, #tpu.memory_space<vmem_shared>> -> memref<128x16xf32, #tpu.memory_space<vmem_shared>>
      %dma_wait3A_2111 = arith.constant 0 : i32
      %dma_wait3A_2112 = tpu.memref_slice %arg6[%add3A_2054, %dma_wait3A_2111] : memref<10240x16xf32, #tpu.memory_space<vmem_shared>> -> memref<128x16xf32, #tpu.memory_space<vmem_shared>>
      tpu.wait_dma2 semaphore(%run_scoped3A_2106 : memref<!tpu.dma_semaphore, #tpu.memory_space<semaphore_mem>>) src(%arg9 : memref<128x16xf32, #tpu.memory_space<vmem>>) dst(%dma_wait3A_2112 : memref<128x16xf32, #tpu.memory_space<vmem_shared>>)
      tpu.yield
    }) : () -> ()
    %mul3A_2055 = arith.constant 640 : i32
    %mul3A_2056 = arith.muli %arg1, %mul3A_2055 : i32
    %add3A_2057 = arith.constant 128 : i32
    %add3A_2058 = arith.addi %mul3A_2056, %add3A_2057 : i32
    "tpu.region"() ({
      %run_scoped3A_2106 = tpu.sem_alloc : memref<!tpu.dma_semaphore, #tpu.memory_space<semaphore_mem>>
      %dma_start3A = arith.constant 0 : i32
      %dma_start3A_2107 = tpu.memref_slice %arg5[%add3A_2058, %dma_start3A] : memref<10240x16xf32, #tpu.memory_space<vmem_shared>> -> memref<128x16xf32, #tpu.memory_space<vmem_shared>>
      %dma_start3A_2108 = arith.constant 0 : i32
      %dma_start3A_2109 = tpu.memref_slice %arg5[%add3A_2058, %dma_start3A_2108] : memref<10240x16xf32, #tpu.memory_space<vmem_shared>> -> memref<128x16xf32, #tpu.memory_space<vmem_shared>>
      tpu.enqueue_dma source(%arg9 : memref<128x16xf32, #tpu.memory_space<vmem>>) target(%dma_start3A_2109 : memref<128x16xf32, #tpu.memory_space<vmem_shared>>) target_semaphore(%run_scoped3A_2106 : memref<!tpu.dma_semaphore, #tpu.memory_space<semaphore_mem>>)
      %dma_wait3A = arith.constant 0 : i32
      %dma_wait3A_2110 = tpu.memref_slice %arg5[%add3A_2058, %dma_wait3A] : memref<10240x16xf32, #tpu.memory_space<vmem_shared>> -> memref<128x16xf32, #tpu.memory_space<vmem_shared>>
      %dma_wait3A_2111 = arith.constant 0 : i32
      %dma_wait3A_2112 = tpu.memref_slice %arg5[%add3A_2058, %dma_wait3A_2111] : memref<10240x16xf32, #tpu.memory_space<vmem_shared>> -> memref<128x16xf32, #tpu.memory_space<vmem_shared>>
      tpu.wait_dma2 semaphore(%run_scoped3A_2106 : memref<!tpu.dma_semaphore, #tpu.memory_space<semaphore_mem>>) src(%arg9 : memref<128x16xf32, #tpu.memory_space<vmem>>) dst(%dma_wait3A_2112 : memref<128x16xf32, #tpu.memory_space<vmem_shared>>)
      tpu.yield
    }) : () -> ()
    "tpu.region"() ({
      %run_scoped3A_2106 = tpu.sem_alloc : memref<!tpu.dma_semaphore, #tpu.memory_space<semaphore_mem>>
      %dma_start3A = arith.constant 0 : i32
      %dma_start3A_2107 = tpu.memref_slice %arg6[%add3A_2058, %dma_start3A] : memref<10240x16xf32, #tpu.memory_space<vmem_shared>> -> memref<128x16xf32, #tpu.memory_space<vmem_shared>>
      %dma_start3A_2108 = arith.constant 0 : i32
      %dma_start3A_2109 = tpu.memref_slice %arg6[%add3A_2058, %dma_start3A_2108] : memref<10240x16xf32, #tpu.memory_space<vmem_shared>> -> memref<128x16xf32, #tpu.memory_space<vmem_shared>>
      tpu.enqueue_dma source(%arg9 : memref<128x16xf32, #tpu.memory_space<vmem>>) target(%dma_start3A_2109 : memref<128x16xf32, #tpu.memory_space<vmem_shared>>) target_semaphore(%run_scoped3A_2106 : memref<!tpu.dma_semaphore, #tpu.memory_space<semaphore_mem>>)
      %dma_wait3A = arith.constant 0 : i32
      %dma_wait3A_2110 = tpu.memref_slice %arg6[%add3A_2058, %dma_wait3A] : memref<10240x16xf32, #tpu.memory_space<vmem_shared>> -> memref<128x16xf32, #tpu.memory_space<vmem_shared>>
      %dma_wait3A_2111 = arith.constant 0 : i32
      %dma_wait3A_2112 = tpu.memref_slice %arg6[%add3A_2058, %dma_wait3A_2111] : memref<10240x16xf32, #tpu.memory_space<vmem_shared>> -> memref<128x16xf32, #tpu.memory_space<vmem_shared>>
      tpu.wait_dma2 semaphore(%run_scoped3A_2106 : memref<!tpu.dma_semaphore, #tpu.memory_space<semaphore_mem>>) src(%arg9 : memref<128x16xf32, #tpu.memory_space<vmem>>) dst(%dma_wait3A_2112 : memref<128x16xf32, #tpu.memory_space<vmem_shared>>)
      tpu.yield
    }) : () -> ()
    %mul3A_2059 = arith.constant 640 : i32
    %mul3A_2060 = arith.muli %arg1, %mul3A_2059 : i32
    %add3A_2061 = arith.constant 256 : i32
    %add3A_2062 = arith.addi %mul3A_2060, %add3A_2061 : i32
    "tpu.region"() ({
      %run_scoped3A_2106 = tpu.sem_alloc : memref<!tpu.dma_semaphore, #tpu.memory_space<semaphore_mem>>
      %dma_start3A = arith.constant 0 : i32
      %dma_start3A_2107 = tpu.memref_slice %arg5[%add3A_2062, %dma_start3A] : memref<10240x16xf32, #tpu.memory_space<vmem_shared>> -> memref<128x16xf32, #tpu.memory_space<vmem_shared>>
      %dma_start3A_2108 = arith.constant 0 : i32
      %dma_start3A_2109 = tpu.memref_slice %arg5[%add3A_2062, %dma_start3A_2108] : memref<10240x16xf32, #tpu.memory_space<vmem_shared>> -> memref<128x16xf32, #tpu.memory_space<vmem_shared>>
      tpu.enqueue_dma source(%arg9 : memref<128x16xf32, #tpu.memory_space<vmem>>) target(%dma_start3A_2109 : memref<128x16xf32, #tpu.memory_space<vmem_shared>>) target_semaphore(%run_scoped3A_2106 : memref<!tpu.dma_semaphore, #tpu.memory_space<semaphore_mem>>)
      %dma_wait3A = arith.constant 0 : i32
      %dma_wait3A_2110 = tpu.memref_slice %arg5[%add3A_2062, %dma_wait3A] : memref<10240x16xf32, #tpu.memory_space<vmem_shared>> -> memref<128x16xf32, #tpu.memory_space<vmem_shared>>
      %dma_wait3A_2111 = arith.constant 0 : i32
      %dma_wait3A_2112 = tpu.memref_slice %arg5[%add3A_2062, %dma_wait3A_2111] : memref<10240x16xf32, #tpu.memory_space<vmem_shared>> -> memref<128x16xf32, #tpu.memory_space<vmem_shared>>
      tpu.wait_dma2 semaphore(%run_scoped3A_2106 : memref<!tpu.dma_semaphore, #tpu.memory_space<semaphore_mem>>) src(%arg9 : memref<128x16xf32, #tpu.memory_space<vmem>>) dst(%dma_wait3A_2112 : memref<128x16xf32, #tpu.memory_space<vmem_shared>>)
      tpu.yield
    }) : () -> ()
    "tpu.region"() ({
      %run_scoped3A_2106 = tpu.sem_alloc : memref<!tpu.dma_semaphore, #tpu.memory_space<semaphore_mem>>
      %dma_start3A = arith.constant 0 : i32
      %dma_start3A_2107 = tpu.memref_slice %arg6[%add3A_2062, %dma_start3A] : memref<10240x16xf32, #tpu.memory_space<vmem_shared>> -> memref<128x16xf32, #tpu.memory_space<vmem_shared>>
      %dma_start3A_2108 = arith.constant 0 : i32
      %dma_start3A_2109 = tpu.memref_slice %arg6[%add3A_2062, %dma_start3A_2108] : memref<10240x16xf32, #tpu.memory_space<vmem_shared>> -> memref<128x16xf32, #tpu.memory_space<vmem_shared>>
      tpu.enqueue_dma source(%arg9 : memref<128x16xf32, #tpu.memory_space<vmem>>) target(%dma_start3A_2109 : memref<128x16xf32, #tpu.memory_space<vmem_shared>>) target_semaphore(%run_scoped3A_2106 : memref<!tpu.dma_semaphore, #tpu.memory_space<semaphore_mem>>)
      %dma_wait3A = arith.constant 0 : i32
      %dma_wait3A_2110 = tpu.memref_slice %arg6[%add3A_2062, %dma_wait3A] : memref<10240x16xf32, #tpu.memory_space<vmem_shared>> -> memref<128x16xf32, #tpu.memory_space<vmem_shared>>
      %dma_wait3A_2111 = arith.constant 0 : i32
      %dma_wait3A_2112 = tpu.memref_slice %arg6[%add3A_2062, %dma_wait3A_2111] : memref<10240x16xf32, #tpu.memory_space<vmem_shared>> -> memref<128x16xf32, #tpu.memory_space<vmem_shared>>
      tpu.wait_dma2 semaphore(%run_scoped3A_2106 : memref<!tpu.dma_semaphore, #tpu.memory_space<semaphore_mem>>) src(%arg9 : memref<128x16xf32, #tpu.memory_space<vmem>>) dst(%dma_wait3A_2112 : memref<128x16xf32, #tpu.memory_space<vmem_shared>>)
      tpu.yield
    }) : () -> ()
    %mul3A_2063 = arith.constant 640 : i32
    %mul3A_2064 = arith.muli %arg1, %mul3A_2063 : i32
    %add3A_2065 = arith.constant 384 : i32
    %add3A_2066 = arith.addi %mul3A_2064, %add3A_2065 : i32
    "tpu.region"() ({
      %run_scoped3A_2106 = tpu.sem_alloc : memref<!tpu.dma_semaphore, #tpu.memory_space<semaphore_mem>>
      %dma_start3A = arith.constant 0 : i32
      %dma_start3A_2107 = tpu.memref_slice %arg5[%add3A_2066, %dma_start3A] : memref<10240x16xf32, #tpu.memory_space<vmem_shared>> -> memref<128x16xf32, #tpu.memory_space<vmem_shared>>
      %dma_start3A_2108 = arith.constant 0 : i32
      %dma_start3A_2109 = tpu.memref_slice %arg5[%add3A_2066, %dma_start3A_2108] : memref<10240x16xf32, #tpu.memory_space<vmem_shared>> -> memref<128x16xf32, #tpu.memory_space<vmem_shared>>
      tpu.enqueue_dma source(%arg9 : memref<128x16xf32, #tpu.memory_space<vmem>>) target(%dma_start3A_2109 : memref<128x16xf32, #tpu.memory_space<vmem_shared>>) target_semaphore(%run_scoped3A_2106 : memref<!tpu.dma_semaphore, #tpu.memory_space<semaphore_mem>>)
      %dma_wait3A = arith.constant 0 : i32
      %dma_wait3A_2110 = tpu.memref_slice %arg5[%add3A_2066, %dma_wait3A] : memref<10240x16xf32, #tpu.memory_space<vmem_shared>> -> memref<128x16xf32, #tpu.memory_space<vmem_shared>>
      %dma_wait3A_2111 = arith.constant 0 : i32
      %dma_wait3A_2112 = tpu.memref_slice %arg5[%add3A_2066, %dma_wait3A_2111] : memref<10240x16xf32, #tpu.memory_space<vmem_shared>> -> memref<128x16xf32, #tpu.memory_space<vmem_shared>>
      tpu.wait_dma2 semaphore(%run_scoped3A_2106 : memref<!tpu.dma_semaphore, #tpu.memory_space<semaphore_mem>>) src(%arg9 : memref<128x16xf32, #tpu.memory_space<vmem>>) dst(%dma_wait3A_2112 : memref<128x16xf32, #tpu.memory_space<vmem_shared>>)
      tpu.yield
    }) : () -> ()
    "tpu.region"() ({
      %run_scoped3A_2106 = tpu.sem_alloc : memref<!tpu.dma_semaphore, #tpu.memory_space<semaphore_mem>>
      %dma_start3A = arith.constant 0 : i32
      %dma_start3A_2107 = tpu.memref_slice %arg6[%add3A_2066, %dma_start3A] : memref<10240x16xf32, #tpu.memory_space<vmem_shared>> -> memref<128x16xf32, #tpu.memory_space<vmem_shared>>
      %dma_start3A_2108 = arith.constant 0 : i32
      %dma_start3A_2109 = tpu.memref_slice %arg6[%add3A_2066, %dma_start3A_2108] : memref<10240x16xf32, #tpu.memory_space<vmem_shared>> -> memref<128x16xf32, #tpu.memory_space<vmem_shared>>
      tpu.enqueue_dma source(%arg9 : memref<128x16xf32, #tpu.memory_space<vmem>>) target(%dma_start3A_2109 : memref<128x16xf32, #tpu.memory_space<vmem_shared>>) target_semaphore(%run_scoped3A_2106 : memref<!tpu.dma_semaphore, #tpu.memory_space<semaphore_mem>>)
      %dma_wait3A = arith.constant 0 : i32
      %dma_wait3A_2110 = tpu.memref_slice %arg6[%add3A_2066, %dma_wait3A] : memref<10240x16xf32, #tpu.memory_space<vmem_shared>> -> memref<128x16xf32, #tpu.memory_space<vmem_shared>>
      %dma_wait3A_2111 = arith.constant 0 : i32
      %dma_wait3A_2112 = tpu.memref_slice %arg6[%add3A_2066, %dma_wait3A_2111] : memref<10240x16xf32, #tpu.memory_space<vmem_shared>> -> memref<128x16xf32, #tpu.memory_space<vmem_shared>>
      tpu.wait_dma2 semaphore(%run_scoped3A_2106 : memref<!tpu.dma_semaphore, #tpu.memory_space<semaphore_mem>>) src(%arg9 : memref<128x16xf32, #tpu.memory_space<vmem>>) dst(%dma_wait3A_2112 : memref<128x16xf32, #tpu.memory_space<vmem_shared>>)
      tpu.yield
    }) : () -> ()
    %mul3A_2067 = arith.constant 640 : i32
    %mul3A_2068 = arith.muli %arg1, %mul3A_2067 : i32
    %add3A_2069 = arith.constant 512 : i32
    %add3A_2070 = arith.addi %mul3A_2068, %add3A_2069 : i32
    "tpu.region"() ({
      %run_scoped3A_2106 = tpu.sem_alloc : memref<!tpu.dma_semaphore, #tpu.memory_space<semaphore_mem>>
      %dma_start3A = arith.constant 0 : i32
      %dma_start3A_2107 = tpu.memref_slice %arg5[%add3A_2070, %dma_start3A] : memref<10240x16xf32, #tpu.memory_space<vmem_shared>> -> memref<128x16xf32, #tpu.memory_space<vmem_shared>>
      %dma_start3A_2108 = arith.constant 0 : i32
      %dma_start3A_2109 = tpu.memref_slice %arg5[%add3A_2070, %dma_start3A_2108] : memref<10240x16xf32, #tpu.memory_space<vmem_shared>> -> memref<128x16xf32, #tpu.memory_space<vmem_shared>>
      tpu.enqueue_dma source(%arg9 : memref<128x16xf32, #tpu.memory_space<vmem>>) target(%dma_start3A_2109 : memref<128x16xf32, #tpu.memory_space<vmem_shared>>) target_semaphore(%run_scoped3A_2106 : memref<!tpu.dma_semaphore, #tpu.memory_space<semaphore_mem>>)
      %dma_wait3A = arith.constant 0 : i32
      %dma_wait3A_2110 = tpu.memref_slice %arg5[%add3A_2070, %dma_wait3A] : memref<10240x16xf32, #tpu.memory_space<vmem_shared>> -> memref<128x16xf32, #tpu.memory_space<vmem_shared>>
      %dma_wait3A_2111 = arith.constant 0 : i32
      %dma_wait3A_2112 = tpu.memref_slice %arg5[%add3A_2070, %dma_wait3A_2111] : memref<10240x16xf32, #tpu.memory_space<vmem_shared>> -> memref<128x16xf32, #tpu.memory_space<vmem_shared>>
      tpu.wait_dma2 semaphore(%run_scoped3A_2106 : memref<!tpu.dma_semaphore, #tpu.memory_space<semaphore_mem>>) src(%arg9 : memref<128x16xf32, #tpu.memory_space<vmem>>) dst(%dma_wait3A_2112 : memref<128x16xf32, #tpu.memory_space<vmem_shared>>)
      tpu.yield
    }) : () -> ()
    "tpu.region"() ({
      %run_scoped3A_2106 = tpu.sem_alloc : memref<!tpu.dma_semaphore, #tpu.memory_space<semaphore_mem>>
      %dma_start3A = arith.constant 0 : i32
      %dma_start3A_2107 = tpu.memref_slice %arg6[%add3A_2070, %dma_start3A] : memref<10240x16xf32, #tpu.memory_space<vmem_shared>> -> memref<128x16xf32, #tpu.memory_space<vmem_shared>>
      %dma_start3A_2108 = arith.constant 0 : i32
      %dma_start3A_2109 = tpu.memref_slice %arg6[%add3A_2070, %dma_start3A_2108] : memref<10240x16xf32, #tpu.memory_space<vmem_shared>> -> memref<128x16xf32, #tpu.memory_space<vmem_shared>>
      tpu.enqueue_dma source(%arg9 : memref<128x16xf32, #tpu.memory_space<vmem>>) target(%dma_start3A_2109 : memref<128x16xf32, #tpu.memory_space<vmem_shared>>) target_semaphore(%run_scoped3A_2106 : memref<!tpu.dma_semaphore, #tpu.memory_space<semaphore_mem>>)
      %dma_wait3A = arith.constant 0 : i32
      %dma_wait3A_2110 = tpu.memref_slice %arg6[%add3A_2070, %dma_wait3A] : memref<10240x16xf32, #tpu.memory_space<vmem_shared>> -> memref<128x16xf32, #tpu.memory_space<vmem_shared>>
      %dma_wait3A_2111 = arith.constant 0 : i32
      %dma_wait3A_2112 = tpu.memref_slice %arg6[%add3A_2070, %dma_wait3A_2111] : memref<10240x16xf32, #tpu.memory_space<vmem_shared>> -> memref<128x16xf32, #tpu.memory_space<vmem_shared>>
      tpu.wait_dma2 semaphore(%run_scoped3A_2106 : memref<!tpu.dma_semaphore, #tpu.memory_space<semaphore_mem>>) src(%arg9 : memref<128x16xf32, #tpu.memory_space<vmem>>) dst(%dma_wait3A_2112 : memref<128x16xf32, #tpu.memory_space<vmem_shared>>)
      tpu.yield
    }) : () -> ()
    "tpu.region"() ({
      %run_scoped3A_2106 = tpu.sem_alloc : memref<!tpu.dma_semaphore, #tpu.memory_space<semaphore_mem>>
      %dma_start3A = tpu.memref_slice %arg2[%mul3A_4] : memref<327680xi32, #tpu.memory_space<hbm>> -> memref<10240xi32, #tpu.memory_space<hbm>>
      %dma_start3A_2107 = tpu.memref_slice %arg2[%mul3A_4] : memref<327680xi32, #tpu.memory_space<hbm>> -> memref<10240xi32, #tpu.memory_space<hbm>>
      tpu.enqueue_dma source(%dma_start3A_2107 : memref<10240xi32, #tpu.memory_space<hbm>>) target(%arg10 : memref<10240xi32, #tpu.memory_space<vmem>>) target_semaphore(%run_scoped3A_2106 : memref<!tpu.dma_semaphore, #tpu.memory_space<semaphore_mem>>)
      %dma_wait3A = tpu.memref_slice %arg2[%mul3A_4] : memref<327680xi32, #tpu.memory_space<hbm>> -> memref<10240xi32, #tpu.memory_space<hbm>>
      %dma_wait3A_2108 = tpu.memref_slice %arg2[%mul3A_4] : memref<327680xi32, #tpu.memory_space<hbm>> -> memref<10240xi32, #tpu.memory_space<hbm>>
      tpu.wait_dma2 semaphore(%run_scoped3A_2106 : memref<!tpu.dma_semaphore, #tpu.memory_space<semaphore_mem>>) src(%dma_wait3A_2108 : memref<10240xi32, #tpu.memory_space<hbm>>) dst(%arg10 : memref<10240xi32, #tpu.memory_space<vmem>>)
      tpu.yield
    }) : () -> ()
    "tpu.region"() ({
      %run_scoped3A_2106 = tpu.sem_alloc : memref<!tpu.dma_semaphore, #tpu.memory_space<semaphore_mem>>
      %dma_start3A = tpu.memref_slice %arg3[%mul3A_4] : memref<327680xi32, #tpu.memory_space<hbm>> -> memref<10240xi32, #tpu.memory_space<hbm>>
      %dma_start3A_2107 = tpu.memref_slice %arg3[%mul3A_4] : memref<327680xi32, #tpu.memory_space<hbm>> -> memref<10240xi32, #tpu.memory_space<hbm>>
      tpu.enqueue_dma source(%dma_start3A_2107 : memref<10240xi32, #tpu.memory_space<hbm>>) target(%arg11 : memref<10240xi32, #tpu.memory_space<vmem>>) target_semaphore(%run_scoped3A_2106 : memref<!tpu.dma_semaphore, #tpu.memory_space<semaphore_mem>>)
      %dma_wait3A = tpu.memref_slice %arg3[%mul3A_4] : memref<327680xi32, #tpu.memory_space<hbm>> -> memref<10240xi32, #tpu.memory_space<hbm>>
      %dma_wait3A_2108 = tpu.memref_slice %arg3[%mul3A_4] : memref<327680xi32, #tpu.memory_space<hbm>> -> memref<10240xi32, #tpu.memory_space<hbm>>
      tpu.wait_dma2 semaphore(%run_scoped3A_2106 : memref<!tpu.dma_semaphore, #tpu.memory_space<semaphore_mem>>) src(%dma_wait3A_2108 : memref<10240xi32, #tpu.memory_space<hbm>>) dst(%arg11 : memref<10240xi32, #tpu.memory_space<vmem>>)
      tpu.yield
    }) : () -> ()
    %barrier3A = arith.constant 0 : index
    tpu.barrier barrier_id(%barrier3A)
    %scan3A = arith.constant 0 : i32
    %scan3A_2071 = arith.constant 0 : i32
    %scan3A_2072 = arith.constant 80 : i32
    %scan3A_2073 = arith.addi %scan3A_2071, %scan3A_2072 : i32
    %scan3A_2074 = arith.constant 1 : i32
    scf.for %scan3A_2106 = %scan3A_2071 to %scan3A_2073 step %scan3A_2074  : i32 {
      %mul3A_2107 = arith.constant 128 : i32
      %mul3A_2108 = arith.muli %scan3A_2106, %mul3A_2107 : i32
      %add3A_2109 = arith.constant 0 : i32
      %add3A_2110 = arith.addi %mul3A_2108, %add3A_2109 : i32
      %get3A = arith.index_cast %add3A_2110 : i32 to index
      %get3A_2111 = tpu.vector_load %arg10[%get3A] {strides = array<i32>} : memref<10240xi32, #tpu.memory_space<vmem>>, vector<16xi32>,
      %get3A_2112 = vector.shape_cast %get3A_2111 : vector<16xi32> to vector<16xi32>
      %swap3A_2113 = arith.constant 0 : index
      %swap3A_2114 = tpu.vector_load %arg8[%swap3A_2113] {strides = array<i32>} : memref<128xi32, #tpu.memory_space<vmem>>, vector<16xi32>,
      %swap3A_2115 = vector.shape_cast %swap3A_2114 : vector<16xi32> to vector<16xi32>
      %swap3A_2116 = vector.shape_cast %get3A_2112 : vector<16xi32> to vector<16xi32>
      tpu.vector_store %arg8[%swap3A_2113], %swap3A_2116 {strides = array<i32>} : memref<128xi32, #tpu.memory_space<vmem>>, vector<16xi32>,
      %mul3A_2117 = arith.constant 128 : i32
      %mul3A_2118 = arith.muli %scan3A_2106, %mul3A_2117 : i32
      %add3A_2119 = arith.constant 16 : i32
      %add3A_2120 = arith.addi %mul3A_2118, %add3A_2119 : i32
      %get3A_2121 = arith.index_cast %add3A_2120 : i32 to index
      %get3A_2122 = tpu.vector_load %arg10[%get3A_2121] {strides = array<i32>} : memref<10240xi32, #tpu.memory_space<vmem>>, vector<16xi32>,
      %get3A_2123 = vector.shape_cast %get3A_2122 : vector<16xi32> to vector<16xi32>
      %swap3A_2124 = arith.constant 16 : index
      %swap3A_2125 = tpu.vector_load %arg8[%swap3A_2124] {strides = array<i32>} : memref<128xi32, #tpu.memory_space<vmem>>, vector<16xi32>,
      %swap3A_2126 = vector.shape_cast %swap3A_2125 : vector<16xi32> to vector<16xi32>
      %swap3A_2127 = vector.shape_cast %get3A_2123 : vector<16xi32> to vector<16xi32>
      tpu.vector_store %arg8[%swap3A_2124], %swap3A_2127 {strides = array<i32>} : memref<128xi32, #tpu.memory_space<vmem>>, vector<16xi32>,
      %mul3A_2128 = arith.constant 128 : i32
      %mul3A_2129 = arith.muli %scan3A_2106, %mul3A_2128 : i32
      %add3A_2130 = arith.constant 32 : i32
      %add3A_2131 = arith.addi %mul3A_2129, %add3A_2130 : i32
      %get3A_2132 = arith.index_cast %add3A_2131 : i32 to index
      %get3A_2133 = tpu.vector_load %arg10[%get3A_2132] {strides = array<i32>} : memref<10240xi32, #tpu.memory_space<vmem>>, vector<16xi32>,
      %get3A_2134 = vector.shape_cast %get3A_2133 : vector<16xi32> to vector<16xi32>
      %swap3A_2135 = arith.constant 32 : index
      %swap3A_2136 = tpu.vector_load %arg8[%swap3A_2135] {strides = array<i32>} : memref<128xi32, #tpu.memory_space<vmem>>, vector<16xi32>,
      %swap3A_2137 = vector.shape_cast %swap3A_2136 : vector<16xi32> to vector<16xi32>
      %swap3A_2138 = vector.shape_cast %get3A_2134 : vector<16xi32> to vector<16xi32>
      tpu.vector_store %arg8[%swap3A_2135], %swap3A_2138 {strides = array<i32>} : memref<128xi32, #tpu.memory_space<vmem>>, vector<16xi32>,
      %mul3A_2139 = arith.constant 128 : i32
      %mul3A_2140 = arith.muli %scan3A_2106, %mul3A_2139 : i32
      %add3A_2141 = arith.constant 48 : i32
      %add3A_2142 = arith.addi %mul3A_2140, %add3A_2141 : i32
      %get3A_2143 = arith.index_cast %add3A_2142 : i32 to index
      %get3A_2144 = tpu.vector_load %arg10[%get3A_2143] {strides = array<i32>} : memref<10240xi32, #tpu.memory_space<vmem>>, vector<16xi32>,
      %get3A_2145 = vector.shape_cast %get3A_2144 : vector<16xi32> to vector<16xi32>
      %swap3A_2146 = arith.constant 48 : index
      %swap3A_2147 = tpu.vector_load %arg8[%swap3A_2146] {strides = array<i32>} : memref<128xi32, #tpu.memory_space<vmem>>, vector<16xi32>,
      %swap3A_2148 = vector.shape_cast %swap3A_2147 : vector<16xi32> to vector<16xi32>
      %swap3A_2149 = vector.shape_cast %get3A_2145 : vector<16xi32> to vector<16xi32>
      tpu.vector_store %arg8[%swap3A_2146], %swap3A_2149 {strides = array<i32>} : memref<128xi32, #tpu.memory_space<vmem>>, vector<16xi32>,
      %mul3A_2150 = arith.constant 128 : i32
      %mul3A_2151 = arith.muli %scan3A_2106, %mul3A_2150 : i32
      %add3A_2152 = arith.constant 64 : i32
      %add3A_2153 = arith.addi %mul3A_2151, %add3A_2152 : i32
      %get3A_2154 = arith.index_cast %add3A_2153 : i32 to index
      %get3A_2155 = tpu.vector_load %arg10[%get3A_2154] {strides = array<i32>} : memref<10240xi32, #tpu.memory_space<vmem>>, vector<16xi32>,
      %get3A_2156 = vector.shape_cast %get3A_2155 : vector<16xi32> to vector<16xi32>
      %swap3A_2157 = arith.constant 64 : index
      %swap3A_2158 = tpu.vector_load %arg8[%swap3A_2157] {strides = array<i32>} : memref<128xi32, #tpu.memory_space<vmem>>, vector<16xi32>,
      %swap3A_2159 = vector.shape_cast %swap3A_2158 : vector<16xi32> to vector<16xi32>
      %swap3A_2160 = vector.shape_cast %get3A_2156 : vector<16xi32> to vector<16xi32>
      tpu.vector_store %arg8[%swap3A_2157], %swap3A_2160 {strides = array<i32>} : memref<128xi32, #tpu.memory_space<vmem>>, vector<16xi32>,
      %mul3A_2161 = arith.constant 128 : i32
      %mul3A_2162 = arith.muli %scan3A_2106, %mul3A_2161 : i32
      %add3A_2163 = arith.constant 80 : i32
      %add3A_2164 = arith.addi %mul3A_2162, %add3A_2163 : i32
      %get3A_2165 = arith.index_cast %add3A_2164 : i32 to index
      %get3A_2166 = tpu.vector_load %arg10[%get3A_2165] {strides = array<i32>} : memref<10240xi32, #tpu.memory_space<vmem>>, vector<16xi32>,
      %get3A_2167 = vector.shape_cast %get3A_2166 : vector<16xi32> to vector<16xi32>
      %swap3A_2168 = arith.constant 80 : index
      %swap3A_2169 = tpu.vector_load %arg8[%swap3A_2168] {strides = array<i32>} : memref<128xi32, #tpu.memory_space<vmem>>, vector<16xi32>,
      %swap3A_2170 = vector.shape_cast %swap3A_2169 : vector<16xi32> to vector<16xi32>
      %swap3A_2171 = vector.shape_cast %get3A_2167 : vector<16xi32> to vector<16xi32>
      tpu.vector_store %arg8[%swap3A_2168], %swap3A_2171 {strides = array<i32>} : memref<128xi32, #tpu.memory_space<vmem>>, vector<16xi32>,
      %mul3A_2172 = arith.constant 128 : i32
      %mul3A_2173 = arith.muli %scan3A_2106, %mul3A_2172 : i32
      %add3A_2174 = arith.constant 96 : i32
      %add3A_2175 = arith.addi %mul3A_2173, %add3A_2174 : i32
      %get3A_2176 = arith.index_cast %add3A_2175 : i32 to index
      %get3A_2177 = tpu.vector_load %arg10[%get3A_2176] {strides = array<i32>} : memref<10240xi32, #tpu.memory_space<vmem>>, vector<16xi32>,
      %get3A_2178 = vector.shape_cast %get3A_2177 : vector<16xi32> to vector<16xi32>
      %swap3A_2179 = arith.constant 96 : index
      %swap3A_2180 = tpu.vector_load %arg8[%swap3A_2179] {strides = array<i32>} : memref<128xi32, #tpu.memory_space<vmem>>, vector<16xi32>,
      %swap3A_2181 = vector.shape_cast %swap3A_2180 : vector<16xi32> to vector<16xi32>
      %swap3A_2182 = vector.shape_cast %get3A_2178 : vector<16xi32> to vector<16xi32>
      tpu.vector_store %arg8[%swap3A_2179], %swap3A_2182 {strides = array<i32>} : memref<128xi32, #tpu.memory_space<vmem>>, vector<16xi32>,
      %mul3A_2183 = arith.constant 128 : i32
      %mul3A_2184 = arith.muli %scan3A_2106, %mul3A_2183 : i32
      %add3A_2185 = arith.constant 112 : i32
      %add3A_2186 = arith.addi %mul3A_2184, %add3A_2185 : i32
      %get3A_2187 = arith.index_cast %add3A_2186 : i32 to index
      %get3A_2188 = tpu.vector_load %arg10[%get3A_2187] {strides = array<i32>} : memref<10240xi32, #tpu.memory_space<vmem>>, vector<16xi32>,
      %get3A_2189 = vector.shape_cast %get3A_2188 : vector<16xi32> to vector<16xi32>
      %swap3A_2190 = arith.constant 112 : index
      %swap3A_2191 = tpu.vector_load %arg8[%swap3A_2190] {strides = array<i32>} : memref<128xi32, #tpu.memory_space<vmem>>, vector<16xi32>,
      %swap3A_2192 = vector.shape_cast %swap3A_2191 : vector<16xi32> to vector<16xi32>
      %swap3A_2193 = vector.shape_cast %get3A_2189 : vector<16xi32> to vector<16xi32>
      tpu.vector_store %arg8[%swap3A_2190], %swap3A_2193 {strides = array<i32>} : memref<128xi32, #tpu.memory_space<vmem>>, vector<16xi32>,
      "tpu.region"() ({
        %run_scoped3A_2282 = tpu.sem_alloc : memref<!tpu.dma_semaphore, #tpu.memory_space<semaphore_mem>>
        %dma_start3A = arith.constant 0 : i32
        %dma_start3A_2283 = arith.constant 0 : i32
        %dma_start3A_2284 = tpu.memref_slice %arg5[%dma_start3A, %dma_start3A_2283] : memref<10240x16xf32, #tpu.memory_space<vmem_shared>> -> memref<10240x16xf32, #tpu.memory_space<vmem_shared>>
        tpu.enqueue_indirect_dma source(%arg7 : memref<128x16xf32, #tpu.memory_space<vmem>>) target(%dma_start3A_2284 : memref<10240x16xf32, #tpu.memory_space<vmem_shared>>) offsets(%arg8 : memref<128xi32, #tpu.memory_space<vmem>>) semaphore(%run_scoped3A_2282 : memref<!tpu.dma_semaphore, #tpu.memory_space<semaphore_mem>>) {add = true}
        %dma_wait3A = arith.constant 0 : i32
        %dma_wait3A_2285 = arith.constant 0 : i32
        %dma_wait3A_2286 = tpu.memref_slice %arg5[%dma_wait3A, %dma_wait3A_2285] : memref<10240x16xf32, #tpu.memory_space<vmem_shared>> -> memref<10240x16xf32, #tpu.memory_space<vmem_shared>>
        tpu.wait_indirect_dma semaphore(%run_scoped3A_2282 : memref<!tpu.dma_semaphore, #tpu.memory_space<semaphore_mem>>) src(%arg7 : memref<128x16xf32, #tpu.memory_space<vmem>>) dst(%dma_wait3A_2286 : memref<10240x16xf32, #tpu.memory_space<vmem_shared>>)
        tpu.yield
      }) : () -> ()
      %mul3A_2194 = arith.constant 128 : i32
      %mul3A_2195 = arith.muli %scan3A_2106, %mul3A_2194 : i32
      %add3A_2196 = arith.constant 0 : i32
      %add3A_2197 = arith.addi %mul3A_2195, %add3A_2196 : i32
      %get3A_2198 = arith.index_cast %add3A_2197 : i32 to index
      %get3A_2199 = tpu.vector_load %arg11[%get3A_2198] {strides = array<i32>} : memref<10240xi32, #tpu.memory_space<vmem>>, vector<16xi32>,
      %get3A_2200 = vector.shape_cast %get3A_2199 : vector<16xi32> to vector<16xi32>
      %swap3A_2201 = arith.constant 0 : index
      %swap3A_2202 = tpu.vector_load %arg8[%swap3A_2201] {strides = array<i32>} : memref<128xi32, #tpu.memory_space<vmem>>, vector<16xi32>,
      %swap3A_2203 = vector.shape_cast %swap3A_2202 : vector<16xi32> to vector<16xi32>
      %swap3A_2204 = vector.shape_cast %get3A_2200 : vector<16xi32> to vector<16xi32>
      tpu.vector_store %arg8[%swap3A_2201], %swap3A_2204 {strides = array<i32>} : memref<128xi32, #tpu.memory_space<vmem>>, vector<16xi32>,
      %mul3A_2205 = arith.constant 128 : i32
      %mul3A_2206 = arith.muli %scan3A_2106, %mul3A_2205 : i32
      %add3A_2207 = arith.constant 16 : i32
      %add3A_2208 = arith.addi %mul3A_2206, %add3A_2207 : i32
      %get3A_2209 = arith.index_cast %add3A_2208 : i32 to index
      %get3A_2210 = tpu.vector_load %arg11[%get3A_2209] {strides = array<i32>} : memref<10240xi32, #tpu.memory_space<vmem>>, vector<16xi32>,
      %get3A_2211 = vector.shape_cast %get3A_2210 : vector<16xi32> to vector<16xi32>
      %swap3A_2212 = arith.constant 16 : index
      %swap3A_2213 = tpu.vector_load %arg8[%swap3A_2212] {strides = array<i32>} : memref<128xi32, #tpu.memory_space<vmem>>, vector<16xi32>,
      %swap3A_2214 = vector.shape_cast %swap3A_2213 : vector<16xi32> to vector<16xi32>
      %swap3A_2215 = vector.shape_cast %get3A_2211 : vector<16xi32> to vector<16xi32>
      tpu.vector_store %arg8[%swap3A_2212], %swap3A_2215 {strides = array<i32>} : memref<128xi32, #tpu.memory_space<vmem>>, vector<16xi32>,
      %mul3A_2216 = arith.constant 128 : i32
      %mul3A_2217 = arith.muli %scan3A_2106, %mul3A_2216 : i32
      %add3A_2218 = arith.constant 32 : i32
      %add3A_2219 = arith.addi %mul3A_2217, %add3A_2218 : i32
      %get3A_2220 = arith.index_cast %add3A_2219 : i32 to index
      %get3A_2221 = tpu.vector_load %arg11[%get3A_2220] {strides = array<i32>} : memref<10240xi32, #tpu.memory_space<vmem>>, vector<16xi32>,
      %get3A_2222 = vector.shape_cast %get3A_2221 : vector<16xi32> to vector<16xi32>
      %swap3A_2223 = arith.constant 32 : index
      %swap3A_2224 = tpu.vector_load %arg8[%swap3A_2223] {strides = array<i32>} : memref<128xi32, #tpu.memory_space<vmem>>, vector<16xi32>,
      %swap3A_2225 = vector.shape_cast %swap3A_2224 : vector<16xi32> to vector<16xi32>
      %swap3A_2226 = vector.shape_cast %get3A_2222 : vector<16xi32> to vector<16xi32>
      tpu.vector_store %arg8[%swap3A_2223], %swap3A_2226 {strides = array<i32>} : memref<128xi32, #tpu.memory_space<vmem>>, vector<16xi32>,
      %mul3A_2227 = arith.constant 128 : i32
      %mul3A_2228 = arith.muli %scan3A_2106, %mul3A_2227 : i32
      %add3A_2229 = arith.constant 48 : i32
      %add3A_2230 = arith.addi %mul3A_2228, %add3A_2229 : i32
      %get3A_2231 = arith.index_cast %add3A_2230 : i32 to index
      %get3A_2232 = tpu.vector_load %arg11[%get3A_2231] {strides = array<i32>} : memref<10240xi32, #tpu.memory_space<vmem>>, vector<16xi32>,
      %get3A_2233 = vector.shape_cast %get3A_2232 : vector<16xi32> to vector<16xi32>
      %swap3A_2234 = arith.constant 48 : index
      %swap3A_2235 = tpu.vector_load %arg8[%swap3A_2234] {strides = array<i32>} : memref<128xi32, #tpu.memory_space<vmem>>, vector<16xi32>,
      %swap3A_2236 = vector.shape_cast %swap3A_2235 : vector<16xi32> to vector<16xi32>
      %swap3A_2237 = vector.shape_cast %get3A_2233 : vector<16xi32> to vector<16xi32>
      tpu.vector_store %arg8[%swap3A_2234], %swap3A_2237 {strides = array<i32>} : memref<128xi32, #tpu.memory_space<vmem>>, vector<16xi32>,
      %mul3A_2238 = arith.constant 128 : i32
      %mul3A_2239 = arith.muli %scan3A_2106, %mul3A_2238 : i32
      %add3A_2240 = arith.constant 64 : i32
      %add3A_2241 = arith.addi %mul3A_2239, %add3A_2240 : i32
      %get3A_2242 = arith.index_cast %add3A_2241 : i32 to index
      %get3A_2243 = tpu.vector_load %arg11[%get3A_2242] {strides = array<i32>} : memref<10240xi32, #tpu.memory_space<vmem>>, vector<16xi32>,
      %get3A_2244 = vector.shape_cast %get3A_2243 : vector<16xi32> to vector<16xi32>
      %swap3A_2245 = arith.constant 64 : index
      %swap3A_2246 = tpu.vector_load %arg8[%swap3A_2245] {strides = array<i32>} : memref<128xi32, #tpu.memory_space<vmem>>, vector<16xi32>,
      %swap3A_2247 = vector.shape_cast %swap3A_2246 : vector<16xi32> to vector<16xi32>
      %swap3A_2248 = vector.shape_cast %get3A_2244 : vector<16xi32> to vector<16xi32>
      tpu.vector_store %arg8[%swap3A_2245], %swap3A_2248 {strides = array<i32>} : memref<128xi32, #tpu.memory_space<vmem>>, vector<16xi32>,
      %mul3A_2249 = arith.constant 128 : i32
      %mul3A_2250 = arith.muli %scan3A_2106, %mul3A_2249 : i32
      %add3A_2251 = arith.constant 80 : i32
      %add3A_2252 = arith.addi %mul3A_2250, %add3A_2251 : i32
      %get3A_2253 = arith.index_cast %add3A_2252 : i32 to index
      %get3A_2254 = tpu.vector_load %arg11[%get3A_2253] {strides = array<i32>} : memref<10240xi32, #tpu.memory_space<vmem>>, vector<16xi32>,
      %get3A_2255 = vector.shape_cast %get3A_2254 : vector<16xi32> to vector<16xi32>
      %swap3A_2256 = arith.constant 80 : index
      %swap3A_2257 = tpu.vector_load %arg8[%swap3A_2256] {strides = array<i32>} : memref<128xi32, #tpu.memory_space<vmem>>, vector<16xi32>,
      %swap3A_2258 = vector.shape_cast %swap3A_2257 : vector<16xi32> to vector<16xi32>
      %swap3A_2259 = vector.shape_cast %get3A_2255 : vector<16xi32> to vector<16xi32>
      tpu.vector_store %arg8[%swap3A_2256], %swap3A_2259 {strides = array<i32>} : memref<128xi32, #tpu.memory_space<vmem>>, vector<16xi32>,
      %mul3A_2260 = arith.constant 128 : i32
      %mul3A_2261 = arith.muli %scan3A_2106, %mul3A_2260 : i32
      %add3A_2262 = arith.constant 96 : i32
      %add3A_2263 = arith.addi %mul3A_2261, %add3A_2262 : i32
      %get3A_2264 = arith.index_cast %add3A_2263 : i32 to index
      %get3A_2265 = tpu.vector_load %arg11[%get3A_2264] {strides = array<i32>} : memref<10240xi32, #tpu.memory_space<vmem>>, vector<16xi32>,
      %get3A_2266 = vector.shape_cast %get3A_2265 : vector<16xi32> to vector<16xi32>
      %swap3A_2267 = arith.constant 96 : index
      %swap3A_2268 = tpu.vector_load %arg8[%swap3A_2267] {strides = array<i32>} : memref<128xi32, #tpu.memory_space<vmem>>, vector<16xi32>,
      %swap3A_2269 = vector.shape_cast %swap3A_2268 : vector<16xi32> to vector<16xi32>
      %swap3A_2270 = vector.shape_cast %get3A_2266 : vector<16xi32> to vector<16xi32>
      tpu.vector_store %arg8[%swap3A_2267], %swap3A_2270 {strides = array<i32>} : memref<128xi32, #tpu.memory_space<vmem>>, vector<16xi32>,
      %mul3A_2271 = arith.constant 128 : i32
      %mul3A_2272 = arith.muli %scan3A_2106, %mul3A_2271 : i32
      %add3A_2273 = arith.constant 112 : i32
      %add3A_2274 = arith.addi %mul3A_2272, %add3A_2273 : i32
      %get3A_2275 = arith.index_cast %add3A_2274 : i32 to index
      %get3A_2276 = tpu.vector_load %arg11[%get3A_2275] {strides = array<i32>} : memref<10240xi32, #tpu.memory_space<vmem>>, vector<16xi32>,
      %get3A_2277 = vector.shape_cast %get3A_2276 : vector<16xi32> to vector<16xi32>
      %swap3A_2278 = arith.constant 112 : index
      %swap3A_2279 = tpu.vector_load %arg8[%swap3A_2278] {strides = array<i32>} : memref<128xi32, #tpu.memory_space<vmem>>, vector<16xi32>,
      %swap3A_2280 = vector.shape_cast %swap3A_2279 : vector<16xi32> to vector<16xi32>
      %swap3A_2281 = vector.shape_cast %get3A_2277 : vector<16xi32> to vector<16xi32>
      tpu.vector_store %arg8[%swap3A_2278], %swap3A_2281 {strides = array<i32>} : memref<128xi32, #tpu.memory_space<vmem>>, vector<16xi32>,
      "tpu.region"() ({
        %run_scoped3A_2282 = tpu.sem_alloc : memref<!tpu.dma_semaphore, #tpu.memory_space<semaphore_mem>>
        %dma_start3A = arith.constant 0 : i32
        %dma_start3A_2283 = arith.constant 0 : i32
        %dma_start3A_2284 = tpu.memref_slice %arg6[%dma_start3A, %dma_start3A_2283] : memref<10240x16xf32, #tpu.memory_space<vmem_shared>> -> memref<10240x16xf32, #tpu.memory_space<vmem_shared>>
        tpu.enqueue_indirect_dma source(%arg7 : memref<128x16xf32, #tpu.memory_space<vmem>>) target(%dma_start3A_2284 : memref<10240x16xf32, #tpu.memory_space<vmem_shared>>) offsets(%arg8 : memref<128xi32, #tpu.memory_space<vmem>>) semaphore(%run_scoped3A_2282 : memref<!tpu.dma_semaphore, #tpu.memory_space<semaphore_mem>>) {add = true}
        %dma_wait3A = arith.constant 0 : i32
        %dma_wait3A_2285 = arith.constant 0 : i32
        %dma_wait3A_2286 = tpu.memref_slice %arg6[%dma_wait3A, %dma_wait3A_2285] : memref<10240x16xf32, #tpu.memory_space<vmem_shared>> -> memref<10240x16xf32, #tpu.memory_space<vmem_shared>>
        tpu.wait_indirect_dma semaphore(%run_scoped3A_2282 : memref<!tpu.dma_semaphore, #tpu.memory_space<semaphore_mem>>) src(%arg7 : memref<128x16xf32, #tpu.memory_space<vmem>>) dst(%dma_wait3A_2286 : memref<10240x16xf32, #tpu.memory_space<vmem_shared>>)
        tpu.yield
      }) : () -> ()
    }
    %scan3A_2075 = arith.constant 80 : i32
    %barrier3A_2076 = arith.constant 0 : index
    tpu.barrier barrier_id(%barrier3A_2076)
    %mul3A_2077 = arith.constant 640 : i32
    %mul3A_2078 = arith.muli %arg1, %mul3A_2077 : i32
    %add3A_2079 = arith.constant 0 : i32
    %add3A_2080 = arith.addi %mul3A_2078, %add3A_2079 : i32
    "tpu.region"() ({
      %run_scoped3A_2106 = tpu.sem_alloc : memref<!tpu.dma_semaphore, #tpu.memory_space<semaphore_mem>>
      %dma_start3A = arith.constant 0 : i32
      %dma_start3A_2107 = tpu.memref_slice %arg5[%add3A_2080, %dma_start3A] : memref<10240x16xf32, #tpu.memory_space<vmem_shared>> -> memref<128x16xf32, #tpu.memory_space<vmem_shared>>
      %dma_start3A_2108 = arith.constant 0 : i32
      %dma_start3A_2109 = tpu.memref_slice %arg5[%add3A_2080, %dma_start3A_2108] : memref<10240x16xf32, #tpu.memory_space<vmem_shared>> -> memref<128x16xf32, #tpu.memory_space<vmem_shared>>
      tpu.enqueue_dma source(%dma_start3A_2109 : memref<128x16xf32, #tpu.memory_space<vmem_shared>>) target(%arg9 : memref<128x16xf32, #tpu.memory_space<vmem>>) target_semaphore(%run_scoped3A_2106 : memref<!tpu.dma_semaphore, #tpu.memory_space<semaphore_mem>>)
      %dma_wait3A = arith.constant 0 : i32
      %dma_wait3A_2110 = tpu.memref_slice %arg5[%add3A_2080, %dma_wait3A] : memref<10240x16xf32, #tpu.memory_space<vmem_shared>> -> memref<128x16xf32, #tpu.memory_space<vmem_shared>>
      %dma_wait3A_2111 = arith.constant 0 : i32
      %dma_wait3A_2112 = tpu.memref_slice %arg5[%add3A_2080, %dma_wait3A_2111] : memref<10240x16xf32, #tpu.memory_space<vmem_shared>> -> memref<128x16xf32, #tpu.memory_space<vmem_shared>>
      tpu.wait_dma2 semaphore(%run_scoped3A_2106 : memref<!tpu.dma_semaphore, #tpu.memory_space<semaphore_mem>>) src(%dma_wait3A_2112 : memref<128x16xf32, #tpu.memory_space<vmem_shared>>) dst(%arg9 : memref<128x16xf32, #tpu.memory_space<vmem>>)
      tpu.yield
    }) : () -> ()
    %run_scoped3A = arith.constant 0 : i32
    "tpu.region"() ({
      %run_scoped3A_2106 = tpu.sem_alloc : memref<!tpu.dma_semaphore, #tpu.memory_space<semaphore_mem>>
      %dma_start3A = arith.constant 0 : i32
      %dma_start3A_2107 = tpu.memref_slice %arg4[%arg0, %run_scoped3A, %add3A_2080, %dma_start3A] : memref<2x2x10240x16xf32, #tpu.memory_space<hbm>> -> memref<1x1x128x16xf32, #tpu.memory_space<hbm>>
      %dma_start3A_2108 = tpu.memref_squeeze %dma_start3A_2107 : memref<1x1x128x16xf32, #tpu.memory_space<hbm>> -> memref<128x16xf32, #tpu.memory_space<hbm>>
      %dma_start3A_2109 = arith.constant 0 : i32
      %dma_start3A_2110 = tpu.memref_slice %arg4[%arg0, %run_scoped3A, %add3A_2080, %dma_start3A_2109] : memref<2x2x10240x16xf32, #tpu.memory_space<hbm>> -> memref<1x1x128x16xf32, #tpu.memory_space<hbm>>
      %dma_start3A_2111 = tpu.memref_squeeze %dma_start3A_2110 : memref<1x1x128x16xf32, #tpu.memory_space<hbm>> -> memref<128x16xf32, #tpu.memory_space<hbm>>
      tpu.enqueue_dma source(%arg9 : memref<128x16xf32, #tpu.memory_space<vmem>>) target(%dma_start3A_2111 : memref<128x16xf32, #tpu.memory_space<hbm>>) target_semaphore(%run_scoped3A_2106 : memref<!tpu.dma_semaphore, #tpu.memory_space<semaphore_mem>>)
      %dma_wait3A = arith.constant 0 : i32
      %dma_wait3A_2112 = tpu.memref_slice %arg4[%arg0, %run_scoped3A, %add3A_2080, %dma_wait3A] : memref<2x2x10240x16xf32, #tpu.memory_space<hbm>> -> memref<1x1x128x16xf32, #tpu.memory_space<hbm>>
      %dma_wait3A_2113 = tpu.memref_squeeze %dma_wait3A_2112 : memref<1x1x128x16xf32, #tpu.memory_space<hbm>> -> memref<128x16xf32, #tpu.memory_space<hbm>>
      %dma_wait3A_2114 = arith.constant 0 : i32
      %dma_wait3A_2115 = tpu.memref_slice %arg4[%arg0, %run_scoped3A, %add3A_2080, %dma_wait3A_2114] : memref<2x2x10240x16xf32, #tpu.memory_space<hbm>> -> memref<1x1x128x16xf32, #tpu.memory_space<hbm>>
      %dma_wait3A_2116 = tpu.memref_squeeze %dma_wait3A_2115 : memref<1x1x128x16xf32, #tpu.memory_space<hbm>> -> memref<128x16xf32, #tpu.memory_space<hbm>>
      tpu.wait_dma2 semaphore(%run_scoped3A_2106 : memref<!tpu.dma_semaphore, #tpu.memory_space<semaphore_mem>>) src(%arg9 : memref<128x16xf32, #tpu.memory_space<vmem>>) dst(%dma_wait3A_2116 : memref<128x16xf32, #tpu.memory_space<hbm>>)
      tpu.yield
    }) : () -> ()
    "tpu.region"() ({
      %run_scoped3A_2106 = tpu.sem_alloc : memref<!tpu.dma_semaphore, #tpu.memory_space<semaphore_mem>>
      %dma_start3A = arith.constant 0 : i32
      %dma_start3A_2107 = tpu.memref_slice %arg6[%add3A_2080, %dma_start3A] : memref<10240x16xf32, #tpu.memory_space<vmem_shared>> -> memref<128x16xf32, #tpu.memory_space<vmem_shared>>
      %dma_start3A_2108 = arith.constant 0 : i32
      %dma_start3A_2109 = tpu.memref_slice %arg6[%add3A_2080, %dma_start3A_2108] : memref<10240x16xf32, #tpu.memory_space<vmem_shared>> -> memref<128x16xf32, #tpu.memory_space<vmem_shared>>
      tpu.enqueue_dma source(%dma_start3A_2109 : memref<128x16xf32, #tpu.memory_space<vmem_shared>>) target(%arg9 : memref<128x16xf32, #tpu.memory_space<vmem>>) target_semaphore(%run_scoped3A_2106 : memref<!tpu.dma_semaphore, #tpu.memory_space<semaphore_mem>>)
      %dma_wait3A = arith.constant 0 : i32
      %dma_wait3A_2110 = tpu.memref_slice %arg6[%add3A_2080, %dma_wait3A] : memref<10240x16xf32, #tpu.memory_space<vmem_shared>> -> memref<128x16xf32, #tpu.memory_space<vmem_shared>>
      %dma_wait3A_2111 = arith.constant 0 : i32
      %dma_wait3A_2112 = tpu.memref_slice %arg6[%add3A_2080, %dma_wait3A_2111] : memref<10240x16xf32, #tpu.memory_space<vmem_shared>> -> memref<128x16xf32, #tpu.memory_space<vmem_shared>>
      tpu.wait_dma2 semaphore(%run_scoped3A_2106 : memref<!tpu.dma_semaphore, #tpu.memory_space<semaphore_mem>>) src(%dma_wait3A_2112 : memref<128x16xf32, #tpu.memory_space<vmem_shared>>) dst(%arg9 : memref<128x16xf32, #tpu.memory_space<vmem>>)
      tpu.yield
    }) : () -> ()
    %run_scoped3A_2081 = arith.constant 1 : i32
    "tpu.region"() ({
      %run_scoped3A_2106 = tpu.sem_alloc : memref<!tpu.dma_semaphore, #tpu.memory_space<semaphore_mem>>
      %dma_start3A = arith.constant 0 : i32
      %dma_start3A_2107 = tpu.memref_slice %arg4[%arg0, %run_scoped3A_2081, %add3A_2080, %dma_start3A] : memref<2x2x10240x16xf32, #tpu.memory_space<hbm>> -> memref<1x1x128x16xf32, #tpu.memory_space<hbm>>
      %dma_start3A_2108 = tpu.memref_squeeze %dma_start3A_2107 : memref<1x1x128x16xf32, #tpu.memory_space<hbm>> -> memref<128x16xf32, #tpu.memory_space<hbm>>
      %dma_start3A_2109 = arith.constant 0 : i32
      %dma_start3A_2110 = tpu.memref_slice %arg4[%arg0, %run_scoped3A_2081, %add3A_2080, %dma_start3A_2109] : memref<2x2x10240x16xf32, #tpu.memory_space<hbm>> -> memref<1x1x128x16xf32, #tpu.memory_space<hbm>>
      %dma_start3A_2111 = tpu.memref_squeeze %dma_start3A_2110 : memref<1x1x128x16xf32, #tpu.memory_space<hbm>> -> memref<128x16xf32, #tpu.memory_space<hbm>>
      tpu.enqueue_dma source(%arg9 : memref<128x16xf32, #tpu.memory_space<vmem>>) target(%dma_start3A_2111 : memref<128x16xf32, #tpu.memory_space<hbm>>) target_semaphore(%run_scoped3A_2106 : memref<!tpu.dma_semaphore, #tpu.memory_space<semaphore_mem>>)
      %dma_wait3A = arith.constant 0 : i32
      %dma_wait3A_2112 = tpu.memref_slice %arg4[%arg0, %run_scoped3A_2081, %add3A_2080, %dma_wait3A] : memref<2x2x10240x16xf32, #tpu.memory_space<hbm>> -> memref<1x1x128x16xf32, #tpu.memory_space<hbm>>
      %dma_wait3A_2113 = tpu.memref_squeeze %dma_wait3A_2112 : memref<1x1x128x16xf32, #tpu.memory_space<hbm>> -> memref<128x16xf32, #tpu.memory_space<hbm>>
      %dma_wait3A_2114 = arith.constant 0 : i32
      %dma_wait3A_2115 = tpu.memref_slice %arg4[%arg0, %run_scoped3A_2081, %add3A_2080, %dma_wait3A_2114] : memref<2x2x10240x16xf32, #tpu.memory_space<hbm>> -> memref<1x1x128x16xf32, #tpu.memory_space<hbm>>
      %dma_wait3A_2116 = tpu.memref_squeeze %dma_wait3A_2115 : memref<1x1x128x16xf32, #tpu.memory_space<hbm>> -> memref<128x16xf32, #tpu.memory_space<hbm>>
      tpu.wait_dma2 semaphore(%run_scoped3A_2106 : memref<!tpu.dma_semaphore, #tpu.memory_space<semaphore_mem>>) src(%arg9 : memref<128x16xf32, #tpu.memory_space<vmem>>) dst(%dma_wait3A_2116 : memref<128x16xf32, #tpu.memory_space<hbm>>)
      tpu.yield
    }) : () -> ()
    %mul3A_2082 = arith.constant 640 : i32
    %mul3A_2083 = arith.muli %arg1, %mul3A_2082 : i32
    %add3A_2084 = arith.constant 128 : i32
    %add3A_2085 = arith.addi %mul3A_2083, %add3A_2084 : i32
    "tpu.region"() ({
      %run_scoped3A_2106 = tpu.sem_alloc : memref<!tpu.dma_semaphore, #tpu.memory_space<semaphore_mem>>
      %dma_start3A = arith.constant 0 : i32
      %dma_start3A_2107 = tpu.memref_slice %arg5[%add3A_2085, %dma_start3A] : memref<10240x16xf32, #tpu.memory_space<vmem_shared>> -> memref<128x16xf32, #tpu.memory_space<vmem_shared>>
      %dma_start3A_2108 = arith.constant 0 : i32
      %dma_start3A_2109 = tpu.memref_slice %arg5[%add3A_2085, %dma_start3A_2108] : memref<10240x16xf32, #tpu.memory_space<vmem_shared>> -> memref<128x16xf32, #tpu.memory_space<vmem_shared>>
      tpu.enqueue_dma source(%dma_start3A_2109 : memref<128x16xf32, #tpu.memory_space<vmem_shared>>) target(%arg9 : memref<128x16xf32, #tpu.memory_space<vmem>>) target_semaphore(%run_scoped3A_2106 : memref<!tpu.dma_semaphore, #tpu.memory_space<semaphore_mem>>)
      %dma_wait3A = arith.constant 0 : i32
      %dma_wait3A_2110 = tpu.memref_slice %arg5[%add3A_2085, %dma_wait3A] : memref<10240x16xf32, #tpu.memory_space<vmem_shared>> -> memref<128x16xf32, #tpu.memory_space<vmem_shared>>
      %dma_wait3A_2111 = arith.constant 0 : i32
      %dma_wait3A_2112 = tpu.memref_slice %arg5[%add3A_2085, %dma_wait3A_2111] : memref<10240x16xf32, #tpu.memory_space<vmem_shared>> -> memref<128x16xf32, #tpu.memory_space<vmem_shared>>
      tpu.wait_dma2 semaphore(%run_scoped3A_2106 : memref<!tpu.dma_semaphore, #tpu.memory_space<semaphore_mem>>) src(%dma_wait3A_2112 : memref<128x16xf32, #tpu.memory_space<vmem_shared>>) dst(%arg9 : memref<128x16xf32, #tpu.memory_space<vmem>>)
      tpu.yield
    }) : () -> ()
    %run_scoped3A_2086 = arith.constant 0 : i32
    "tpu.region"() ({
      %run_scoped3A_2106 = tpu.sem_alloc : memref<!tpu.dma_semaphore, #tpu.memory_space<semaphore_mem>>
      %dma_start3A = arith.constant 0 : i32
      %dma_start3A_2107 = tpu.memref_slice %arg4[%arg0, %run_scoped3A_2086, %add3A_2085, %dma_start3A] : memref<2x2x10240x16xf32, #tpu.memory_space<hbm>> -> memref<1x1x128x16xf32, #tpu.memory_space<hbm>>
      %dma_start3A_2108 = tpu.memref_squeeze %dma_start3A_2107 : memref<1x1x128x16xf32, #tpu.memory_space<hbm>> -> memref<128x16xf32, #tpu.memory_space<hbm>>
      %dma_start3A_2109 = arith.constant 0 : i32
      %dma_start3A_2110 = tpu.memref_slice %arg4[%arg0, %run_scoped3A_2086, %add3A_2085, %dma_start3A_2109] : memref<2x2x10240x16xf32, #tpu.memory_space<hbm>> -> memref<1x1x128x16xf32, #tpu.memory_space<hbm>>
      %dma_start3A_2111 = tpu.memref_squeeze %dma_start3A_2110 : memref<1x1x128x16xf32, #tpu.memory_space<hbm>> -> memref<128x16xf32, #tpu.memory_space<hbm>>
      tpu.enqueue_dma source(%arg9 : memref<128x16xf32, #tpu.memory_space<vmem>>) target(%dma_start3A_2111 : memref<128x16xf32, #tpu.memory_space<hbm>>) target_semaphore(%run_scoped3A_2106 : memref<!tpu.dma_semaphore, #tpu.memory_space<semaphore_mem>>)
      %dma_wait3A = arith.constant 0 : i32
      %dma_wait3A_2112 = tpu.memref_slice %arg4[%arg0, %run_scoped3A_2086, %add3A_2085, %dma_wait3A] : memref<2x2x10240x16xf32, #tpu.memory_space<hbm>> -> memref<1x1x128x16xf32, #tpu.memory_space<hbm>>
      %dma_wait3A_2113 = tpu.memref_squeeze %dma_wait3A_2112 : memref<1x1x128x16xf32, #tpu.memory_space<hbm>> -> memref<128x16xf32, #tpu.memory_space<hbm>>
      %dma_wait3A_2114 = arith.constant 0 : i32
      %dma_wait3A_2115 = tpu.memref_slice %arg4[%arg0, %run_scoped3A_2086, %add3A_2085, %dma_wait3A_2114] : memref<2x2x10240x16xf32, #tpu.memory_space<hbm>> -> memref<1x1x128x16xf32, #tpu.memory_space<hbm>>
      %dma_wait3A_2116 = tpu.memref_squeeze %dma_wait3A_2115 : memref<1x1x128x16xf32, #tpu.memory_space<hbm>> -> memref<128x16xf32, #tpu.memory_space<hbm>>
      tpu.wait_dma2 semaphore(%run_scoped3A_2106 : memref<!tpu.dma_semaphore, #tpu.memory_space<semaphore_mem>>) src(%arg9 : memref<128x16xf32, #tpu.memory_space<vmem>>) dst(%dma_wait3A_2116 : memref<128x16xf32, #tpu.memory_space<hbm>>)
      tpu.yield
    }) : () -> ()
    "tpu.region"() ({
      %run_scoped3A_2106 = tpu.sem_alloc : memref<!tpu.dma_semaphore, #tpu.memory_space<semaphore_mem>>
      %dma_start3A = arith.constant 0 : i32
      %dma_start3A_2107 = tpu.memref_slice %arg6[%add3A_2085, %dma_start3A] : memref<10240x16xf32, #tpu.memory_space<vmem_shared>> -> memref<128x16xf32, #tpu.memory_space<vmem_shared>>
      %dma_start3A_2108 = arith.constant 0 : i32
      %dma_start3A_2109 = tpu.memref_slice %arg6[%add3A_2085, %dma_start3A_2108] : memref<10240x16xf32, #tpu.memory_space<vmem_shared>> -> memref<128x16xf32, #tpu.memory_space<vmem_shared>>
      tpu.enqueue_dma source(%dma_start3A_2109 : memref<128x16xf32, #tpu.memory_space<vmem_shared>>) target(%arg9 : memref<128x16xf32, #tpu.memory_space<vmem>>) target_semaphore(%run_scoped3A_2106 : memref<!tpu.dma_semaphore, #tpu.memory_space<semaphore_mem>>)
      %dma_wait3A = arith.constant 0 : i32
      %dma_wait3A_2110 = tpu.memref_slice %arg6[%add3A_2085, %dma_wait3A] : memref<10240x16xf32, #tpu.memory_space<vmem_shared>> -> memref<128x16xf32, #tpu.memory_space<vmem_shared>>
      %dma_wait3A_2111 = arith.constant 0 : i32
      %dma_wait3A_2112 = tpu.memref_slice %arg6[%add3A_2085, %dma_wait3A_2111] : memref<10240x16xf32, #tpu.memory_space<vmem_shared>> -> memref<128x16xf32, #tpu.memory_space<vmem_shared>>
      tpu.wait_dma2 semaphore(%run_scoped3A_2106 : memref<!tpu.dma_semaphore, #tpu.memory_space<semaphore_mem>>) src(%dma_wait3A_2112 : memref<128x16xf32, #tpu.memory_space<vmem_shared>>) dst(%arg9 : memref<128x16xf32, #tpu.memory_space<vmem>>)
      tpu.yield
    }) : () -> ()
    %run_scoped3A_2087 = arith.constant 1 : i32
    "tpu.region"() ({
      %run_scoped3A_2106 = tpu.sem_alloc : memref<!tpu.dma_semaphore, #tpu.memory_space<semaphore_mem>>
      %dma_start3A = arith.constant 0 : i32
      %dma_start3A_2107 = tpu.memref_slice %arg4[%arg0, %run_scoped3A_2087, %add3A_2085, %dma_start3A] : memref<2x2x10240x16xf32, #tpu.memory_space<hbm>> -> memref<1x1x128x16xf32, #tpu.memory_space<hbm>>
      %dma_start3A_2108 = tpu.memref_squeeze %dma_start3A_2107 : memref<1x1x128x16xf32, #tpu.memory_space<hbm>> -> memref<128x16xf32, #tpu.memory_space<hbm>>
      %dma_start3A_2109 = arith.constant 0 : i32
      %dma_start3A_2110 = tpu.memref_slice %arg4[%arg0, %run_scoped3A_2087, %add3A_2085, %dma_start3A_2109] : memref<2x2x10240x16xf32, #tpu.memory_space<hbm>> -> memref<1x1x128x16xf32, #tpu.memory_space<hbm>>
      %dma_start3A_2111 = tpu.memref_squeeze %dma_start3A_2110 : memref<1x1x128x16xf32, #tpu.memory_space<hbm>> -> memref<128x16xf32, #tpu.memory_space<hbm>>
      tpu.enqueue_dma source(%arg9 : memref<128x16xf32, #tpu.memory_space<vmem>>) target(%dma_start3A_2111 : memref<128x16xf32, #tpu.memory_space<hbm>>) target_semaphore(%run_scoped3A_2106 : memref<!tpu.dma_semaphore, #tpu.memory_space<semaphore_mem>>)
      %dma_wait3A = arith.constant 0 : i32
      %dma_wait3A_2112 = tpu.memref_slice %arg4[%arg0, %run_scoped3A_2087, %add3A_2085, %dma_wait3A] : memref<2x2x10240x16xf32, #tpu.memory_space<hbm>> -> memref<1x1x128x16xf32, #tpu.memory_space<hbm>>
      %dma_wait3A_2113 = tpu.memref_squeeze %dma_wait3A_2112 : memref<1x1x128x16xf32, #tpu.memory_space<hbm>> -> memref<128x16xf32, #tpu.memory_space<hbm>>
      %dma_wait3A_2114 = arith.constant 0 : i32
      %dma_wait3A_2115 = tpu.memref_slice %arg4[%arg0, %run_scoped3A_2087, %add3A_2085, %dma_wait3A_2114] : memref<2x2x10240x16xf32, #tpu.memory_space<hbm>> -> memref<1x1x128x16xf32, #tpu.memory_space<hbm>>
      %dma_wait3A_2116 = tpu.memref_squeeze %dma_wait3A_2115 : memref<1x1x128x16xf32, #tpu.memory_space<hbm>> -> memref<128x16xf32, #tpu.memory_space<hbm>>
      tpu.wait_dma2 semaphore(%run_scoped3A_2106 : memref<!tpu.dma_semaphore, #tpu.memory_space<semaphore_mem>>) src(%arg9 : memref<128x16xf32, #tpu.memory_space<vmem>>) dst(%dma_wait3A_2116 : memref<128x16xf32, #tpu.memory_space<hbm>>)
      tpu.yield
    }) : () -> ()
    %mul3A_2088 = arith.constant 640 : i32
    %mul3A_2089 = arith.muli %arg1, %mul3A_2088 : i32
    %add3A_2090 = arith.constant 256 : i32
    %add3A_2091 = arith.addi %mul3A_2089, %add3A_2090 : i32
    "tpu.region"() ({
      %run_scoped3A_2106 = tpu.sem_alloc : memref<!tpu.dma_semaphore, #tpu.memory_space<semaphore_mem>>
      %dma_start3A = arith.constant 0 : i32
      %dma_start3A_2107 = tpu.memref_slice %arg5[%add3A_2091, %dma_start3A] : memref<10240x16xf32, #tpu.memory_space<vmem_shared>> -> memref<128x16xf32, #tpu.memory_space<vmem_shared>>
      %dma_start3A_2108 = arith.constant 0 : i32
      %dma_start3A_2109 = tpu.memref_slice %arg5[%add3A_2091, %dma_start3A_2108] : memref<10240x16xf32, #tpu.memory_space<vmem_shared>> -> memref<128x16xf32, #tpu.memory_space<vmem_shared>>
      tpu.enqueue_dma source(%dma_start3A_2109 : memref<128x16xf32, #tpu.memory_space<vmem_shared>>) target(%arg9 : memref<128x16xf32, #tpu.memory_space<vmem>>) target_semaphore(%run_scoped3A_2106 : memref<!tpu.dma_semaphore, #tpu.memory_space<semaphore_mem>>)
      %dma_wait3A = arith.constant 0 : i32
      %dma_wait3A_2110 = tpu.memref_slice %arg5[%add3A_2091, %dma_wait3A] : memref<10240x16xf32, #tpu.memory_space<vmem_shared>> -> memref<128x16xf32, #tpu.memory_space<vmem_shared>>
      %dma_wait3A_2111 = arith.constant 0 : i32
      %dma_wait3A_2112 = tpu.memref_slice %arg5[%add3A_2091, %dma_wait3A_2111] : memref<10240x16xf32, #tpu.memory_space<vmem_shared>> -> memref<128x16xf32, #tpu.memory_space<vmem_shared>>
      tpu.wait_dma2 semaphore(%run_scoped3A_2106 : memref<!tpu.dma_semaphore, #tpu.memory_space<semaphore_mem>>) src(%dma_wait3A_2112 : memref<128x16xf32, #tpu.memory_space<vmem_shared>>) dst(%arg9 : memref<128x16xf32, #tpu.memory_space<vmem>>)
      tpu.yield
    }) : () -> ()
    %run_scoped3A_2092 = arith.constant 0 : i32
    "tpu.region"() ({
      %run_scoped3A_2106 = tpu.sem_alloc : memref<!tpu.dma_semaphore, #tpu.memory_space<semaphore_mem>>
      %dma_start3A = arith.constant 0 : i32
      %dma_start3A_2107 = tpu.memref_slice %arg4[%arg0, %run_scoped3A_2092, %add3A_2091, %dma_start3A] : memref<2x2x10240x16xf32, #tpu.memory_space<hbm>> -> memref<1x1x128x16xf32, #tpu.memory_space<hbm>>
      %dma_start3A_2108 = tpu.memref_squeeze %dma_start3A_2107 : memref<1x1x128x16xf32, #tpu.memory_space<hbm>> -> memref<128x16xf32, #tpu.memory_space<hbm>>
      %dma_start3A_2109 = arith.constant 0 : i32
      %dma_start3A_2110 = tpu.memref_slice %arg4[%arg0, %run_scoped3A_2092, %add3A_2091, %dma_start3A_2109] : memref<2x2x10240x16xf32, #tpu.memory_space<hbm>> -> memref<1x1x128x16xf32, #tpu.memory_space<hbm>>
      %dma_start3A_2111 = tpu.memref_squeeze %dma_start3A_2110 : memref<1x1x128x16xf32, #tpu.memory_space<hbm>> -> memref<128x16xf32, #tpu.memory_space<hbm>>
      tpu.enqueue_dma source(%arg9 : memref<128x16xf32, #tpu.memory_space<vmem>>) target(%dma_start3A_2111 : memref<128x16xf32, #tpu.memory_space<hbm>>) target_semaphore(%run_scoped3A_2106 : memref<!tpu.dma_semaphore, #tpu.memory_space<semaphore_mem>>)
      %dma_wait3A = arith.constant 0 : i32
      %dma_wait3A_2112 = tpu.memref_slice %arg4[%arg0, %run_scoped3A_2092, %add3A_2091, %dma_wait3A] : memref<2x2x10240x16xf32, #tpu.memory_space<hbm>> -> memref<1x1x128x16xf32, #tpu.memory_space<hbm>>
      %dma_wait3A_2113 = tpu.memref_squeeze %dma_wait3A_2112 : memref<1x1x128x16xf32, #tpu.memory_space<hbm>> -> memref<128x16xf32, #tpu.memory_space<hbm>>
      %dma_wait3A_2114 = arith.constant 0 : i32
      %dma_wait3A_2115 = tpu.memref_slice %arg4[%arg0, %run_scoped3A_2092, %add3A_2091, %dma_wait3A_2114] : memref<2x2x10240x16xf32, #tpu.memory_space<hbm>> -> memref<1x1x128x16xf32, #tpu.memory_space<hbm>>
      %dma_wait3A_2116 = tpu.memref_squeeze %dma_wait3A_2115 : memref<1x1x128x16xf32, #tpu.memory_space<hbm>> -> memref<128x16xf32, #tpu.memory_space<hbm>>
      tpu.wait_dma2 semaphore(%run_scoped3A_2106 : memref<!tpu.dma_semaphore, #tpu.memory_space<semaphore_mem>>) src(%arg9 : memref<128x16xf32, #tpu.memory_space<vmem>>) dst(%dma_wait3A_2116 : memref<128x16xf32, #tpu.memory_space<hbm>>)
      tpu.yield
    }) : () -> ()
    "tpu.region"() ({
      %run_scoped3A_2106 = tpu.sem_alloc : memref<!tpu.dma_semaphore, #tpu.memory_space<semaphore_mem>>
      %dma_start3A = arith.constant 0 : i32
      %dma_start3A_2107 = tpu.memref_slice %arg6[%add3A_2091, %dma_start3A] : memref<10240x16xf32, #tpu.memory_space<vmem_shared>> -> memref<128x16xf32, #tpu.memory_space<vmem_shared>>
      %dma_start3A_2108 = arith.constant 0 : i32
      %dma_start3A_2109 = tpu.memref_slice %arg6[%add3A_2091, %dma_start3A_2108] : memref<10240x16xf32, #tpu.memory_space<vmem_shared>> -> memref<128x16xf32, #tpu.memory_space<vmem_shared>>
      tpu.enqueue_dma source(%dma_start3A_2109 : memref<128x16xf32, #tpu.memory_space<vmem_shared>>) target(%arg9 : memref<128x16xf32, #tpu.memory_space<vmem>>) target_semaphore(%run_scoped3A_2106 : memref<!tpu.dma_semaphore, #tpu.memory_space<semaphore_mem>>)
      %dma_wait3A = arith.constant 0 : i32
      %dma_wait3A_2110 = tpu.memref_slice %arg6[%add3A_2091, %dma_wait3A] : memref<10240x16xf32, #tpu.memory_space<vmem_shared>> -> memref<128x16xf32, #tpu.memory_space<vmem_shared>>
      %dma_wait3A_2111 = arith.constant 0 : i32
      %dma_wait3A_2112 = tpu.memref_slice %arg6[%add3A_2091, %dma_wait3A_2111] : memref<10240x16xf32, #tpu.memory_space<vmem_shared>> -> memref<128x16xf32, #tpu.memory_space<vmem_shared>>
      tpu.wait_dma2 semaphore(%run_scoped3A_2106 : memref<!tpu.dma_semaphore, #tpu.memory_space<semaphore_mem>>) src(%dma_wait3A_2112 : memref<128x16xf32, #tpu.memory_space<vmem_shared>>) dst(%arg9 : memref<128x16xf32, #tpu.memory_space<vmem>>)
      tpu.yield
    }) : () -> ()
    %run_scoped3A_2093 = arith.constant 1 : i32
    "tpu.region"() ({
      %run_scoped3A_2106 = tpu.sem_alloc : memref<!tpu.dma_semaphore, #tpu.memory_space<semaphore_mem>>
      %dma_start3A = arith.constant 0 : i32
      %dma_start3A_2107 = tpu.memref_slice %arg4[%arg0, %run_scoped3A_2093, %add3A_2091, %dma_start3A] : memref<2x2x10240x16xf32, #tpu.memory_space<hbm>> -> memref<1x1x128x16xf32, #tpu.memory_space<hbm>>
      %dma_start3A_2108 = tpu.memref_squeeze %dma_start3A_2107 : memref<1x1x128x16xf32, #tpu.memory_space<hbm>> -> memref<128x16xf32, #tpu.memory_space<hbm>>
      %dma_start3A_2109 = arith.constant 0 : i32
      %dma_start3A_2110 = tpu.memref_slice %arg4[%arg0, %run_scoped3A_2093, %add3A_2091, %dma_start3A_2109] : memref<2x2x10240x16xf32, #tpu.memory_space<hbm>> -> memref<1x1x128x16xf32, #tpu.memory_space<hbm>>
      %dma_start3A_2111 = tpu.memref_squeeze %dma_start3A_2110 : memref<1x1x128x16xf32, #tpu.memory_space<hbm>> -> memref<128x16xf32, #tpu.memory_space<hbm>>
      tpu.enqueue_dma source(%arg9 : memref<128x16xf32, #tpu.memory_space<vmem>>) target(%dma_start3A_2111 : memref<128x16xf32, #tpu.memory_space<hbm>>) target_semaphore(%run_scoped3A_2106 : memref<!tpu.dma_semaphore, #tpu.memory_space<semaphore_mem>>)
      %dma_wait3A = arith.constant 0 : i32
      %dma_wait3A_2112 = tpu.memref_slice %arg4[%arg0, %run_scoped3A_2093, %add3A_2091, %dma_wait3A] : memref<2x2x10240x16xf32, #tpu.memory_space<hbm>> -> memref<1x1x128x16xf32, #tpu.memory_space<hbm>>
      %dma_wait3A_2113 = tpu.memref_squeeze %dma_wait3A_2112 : memref<1x1x128x16xf32, #tpu.memory_space<hbm>> -> memref<128x16xf32, #tpu.memory_space<hbm>>
      %dma_wait3A_2114 = arith.constant 0 : i32
      %dma_wait3A_2115 = tpu.memref_slice %arg4[%arg0, %run_scoped3A_2093, %add3A_2091, %dma_wait3A_2114] : memref<2x2x10240x16xf32, #tpu.memory_space<hbm>> -> memref<1x1x128x16xf32, #tpu.memory_space<hbm>>
      %dma_wait3A_2116 = tpu.memref_squeeze %dma_wait3A_2115 : memref<1x1x128x16xf32, #tpu.memory_space<hbm>> -> memref<128x16xf32, #tpu.memory_space<hbm>>
      tpu.wait_dma2 semaphore(%run_scoped3A_2106 : memref<!tpu.dma_semaphore, #tpu.memory_space<semaphore_mem>>) src(%arg9 : memref<128x16xf32, #tpu.memory_space<vmem>>) dst(%dma_wait3A_2116 : memref<128x16xf32, #tpu.memory_space<hbm>>)
      tpu.yield
    }) : () -> ()
    %mul3A_2094 = arith.constant 640 : i32
    %mul3A_2095 = arith.muli %arg1, %mul3A_2094 : i32
    %add3A_2096 = arith.constant 384 : i32
    %add3A_2097 = arith.addi %mul3A_2095, %add3A_2096 : i32
    "tpu.region"() ({
      %run_scoped3A_2106 = tpu.sem_alloc : memref<!tpu.dma_semaphore, #tpu.memory_space<semaphore_mem>>
      %dma_start3A = arith.constant 0 : i32
      %dma_start3A_2107 = tpu.memref_slice %arg5[%add3A_2097, %dma_start3A] : memref<10240x16xf32, #tpu.memory_space<vmem_shared>> -> memref<128x16xf32, #tpu.memory_space<vmem_shared>>
      %dma_start3A_2108 = arith.constant 0 : i32
      %dma_start3A_2109 = tpu.memref_slice %arg5[%add3A_2097, %dma_start3A_2108] : memref<10240x16xf32, #tpu.memory_space<vmem_shared>> -> memref<128x16xf32, #tpu.memory_space<vmem_shared>>
      tpu.enqueue_dma source(%dma_start3A_2109 : memref<128x16xf32, #tpu.memory_space<vmem_shared>>) target(%arg9 : memref<128x16xf32, #tpu.memory_space<vmem>>) target_semaphore(%run_scoped3A_2106 : memref<!tpu.dma_semaphore, #tpu.memory_space<semaphore_mem>>)
      %dma_wait3A = arith.constant 0 : i32
      %dma_wait3A_2110 = tpu.memref_slice %arg5[%add3A_2097, %dma_wait3A] : memref<10240x16xf32, #tpu.memory_space<vmem_shared>> -> memref<128x16xf32, #tpu.memory_space<vmem_shared>>
      %dma_wait3A_2111 = arith.constant 0 : i32
      %dma_wait3A_2112 = tpu.memref_slice %arg5[%add3A_2097, %dma_wait3A_2111] : memref<10240x16xf32, #tpu.memory_space<vmem_shared>> -> memref<128x16xf32, #tpu.memory_space<vmem_shared>>
      tpu.wait_dma2 semaphore(%run_scoped3A_2106 : memref<!tpu.dma_semaphore, #tpu.memory_space<semaphore_mem>>) src(%dma_wait3A_2112 : memref<128x16xf32, #tpu.memory_space<vmem_shared>>) dst(%arg9 : memref<128x16xf32, #tpu.memory_space<vmem>>)
      tpu.yield
    }) : () -> ()
    %run_scoped3A_2098 = arith.constant 0 : i32
    "tpu.region"() ({
      %run_scoped3A_2106 = tpu.sem_alloc : memref<!tpu.dma_semaphore, #tpu.memory_space<semaphore_mem>>
      %dma_start3A = arith.constant 0 : i32
      %dma_start3A_2107 = tpu.memref_slice %arg4[%arg0, %run_scoped3A_2098, %add3A_2097, %dma_start3A] : memref<2x2x10240x16xf32, #tpu.memory_space<hbm>> -> memref<1x1x128x16xf32, #tpu.memory_space<hbm>>
      %dma_start3A_2108 = tpu.memref_squeeze %dma_start3A_2107 : memref<1x1x128x16xf32, #tpu.memory_space<hbm>> -> memref<128x16xf32, #tpu.memory_space<hbm>>
      %dma_start3A_2109 = arith.constant 0 : i32
      %dma_start3A_2110 = tpu.memref_slice %arg4[%arg0, %run_scoped3A_2098, %add3A_2097, %dma_start3A_2109] : memref<2x2x10240x16xf32, #tpu.memory_space<hbm>> -> memref<1x1x128x16xf32, #tpu.memory_space<hbm>>
      %dma_start3A_2111 = tpu.memref_squeeze %dma_start3A_2110 : memref<1x1x128x16xf32, #tpu.memory_space<hbm>> -> memref<128x16xf32, #tpu.memory_space<hbm>>
      tpu.enqueue_dma source(%arg9 : memref<128x16xf32, #tpu.memory_space<vmem>>) target(%dma_start3A_2111 : memref<128x16xf32, #tpu.memory_space<hbm>>) target_semaphore(%run_scoped3A_2106 : memref<!tpu.dma_semaphore, #tpu.memory_space<semaphore_mem>>)
      %dma_wait3A = arith.constant 0 : i32
      %dma_wait3A_2112 = tpu.memref_slice %arg4[%arg0, %run_scoped3A_2098, %add3A_2097, %dma_wait3A] : memref<2x2x10240x16xf32, #tpu.memory_space<hbm>> -> memref<1x1x128x16xf32, #tpu.memory_space<hbm>>
      %dma_wait3A_2113 = tpu.memref_squeeze %dma_wait3A_2112 : memref<1x1x128x16xf32, #tpu.memory_space<hbm>> -> memref<128x16xf32, #tpu.memory_space<hbm>>
      %dma_wait3A_2114 = arith.constant 0 : i32
      %dma_wait3A_2115 = tpu.memref_slice %arg4[%arg0, %run_scoped3A_2098, %add3A_2097, %dma_wait3A_2114] : memref<2x2x10240x16xf32, #tpu.memory_space<hbm>> -> memref<1x1x128x16xf32, #tpu.memory_space<hbm>>
      %dma_wait3A_2116 = tpu.memref_squeeze %dma_wait3A_2115 : memref<1x1x128x16xf32, #tpu.memory_space<hbm>> -> memref<128x16xf32, #tpu.memory_space<hbm>>
      tpu.wait_dma2 semaphore(%run_scoped3A_2106 : memref<!tpu.dma_semaphore, #tpu.memory_space<semaphore_mem>>) src(%arg9 : memref<128x16xf32, #tpu.memory_space<vmem>>) dst(%dma_wait3A_2116 : memref<128x16xf32, #tpu.memory_space<hbm>>)
      tpu.yield
    }) : () -> ()
    "tpu.region"() ({
      %run_scoped3A_2106 = tpu.sem_alloc : memref<!tpu.dma_semaphore, #tpu.memory_space<semaphore_mem>>
      %dma_start3A = arith.constant 0 : i32
      %dma_start3A_2107 = tpu.memref_slice %arg6[%add3A_2097, %dma_start3A] : memref<10240x16xf32, #tpu.memory_space<vmem_shared>> -> memref<128x16xf32, #tpu.memory_space<vmem_shared>>
      %dma_start3A_2108 = arith.constant 0 : i32
      %dma_start3A_2109 = tpu.memref_slice %arg6[%add3A_2097, %dma_start3A_2108] : memref<10240x16xf32, #tpu.memory_space<vmem_shared>> -> memref<128x16xf32, #tpu.memory_space<vmem_shared>>
      tpu.enqueue_dma source(%dma_start3A_2109 : memref<128x16xf32, #tpu.memory_space<vmem_shared>>) target(%arg9 : memref<128x16xf32, #tpu.memory_space<vmem>>) target_semaphore(%run_scoped3A_2106 : memref<!tpu.dma_semaphore, #tpu.memory_space<semaphore_mem>>)
      %dma_wait3A = arith.constant 0 : i32
      %dma_wait3A_2110 = tpu.memref_slice %arg6[%add3A_2097, %dma_wait3A] : memref<10240x16xf32, #tpu.memory_space<vmem_shared>> -> memref<128x16xf32, #tpu.memory_space<vmem_shared>>
      %dma_wait3A_2111 = arith.constant 0 : i32
      %dma_wait3A_2112 = tpu.memref_slice %arg6[%add3A_2097, %dma_wait3A_2111] : memref<10240x16xf32, #tpu.memory_space<vmem_shared>> -> memref<128x16xf32, #tpu.memory_space<vmem_shared>>
      tpu.wait_dma2 semaphore(%run_scoped3A_2106 : memref<!tpu.dma_semaphore, #tpu.memory_space<semaphore_mem>>) src(%dma_wait3A_2112 : memref<128x16xf32, #tpu.memory_space<vmem_shared>>) dst(%arg9 : memref<128x16xf32, #tpu.memory_space<vmem>>)
      tpu.yield
    }) : () -> ()
    %run_scoped3A_2099 = arith.constant 1 : i32
    "tpu.region"() ({
      %run_scoped3A_2106 = tpu.sem_alloc : memref<!tpu.dma_semaphore, #tpu.memory_space<semaphore_mem>>
      %dma_start3A = arith.constant 0 : i32
      %dma_start3A_2107 = tpu.memref_slice %arg4[%arg0, %run_scoped3A_2099, %add3A_2097, %dma_start3A] : memref<2x2x10240x16xf32, #tpu.memory_space<hbm>> -> memref<1x1x128x16xf32, #tpu.memory_space<hbm>>
      %dma_start3A_2108 = tpu.memref_squeeze %dma_start3A_2107 : memref<1x1x128x16xf32, #tpu.memory_space<hbm>> -> memref<128x16xf32, #tpu.memory_space<hbm>>
      %dma_start3A_2109 = arith.constant 0 : i32
      %dma_start3A_2110 = tpu.memref_slice %arg4[%arg0, %run_scoped3A_2099, %add3A_2097, %dma_start3A_2109] : memref<2x2x10240x16xf32, #tpu.memory_space<hbm>> -> memref<1x1x128x16xf32, #tpu.memory_space<hbm>>
      %dma_start3A_2111 = tpu.memref_squeeze %dma_start3A_2110 : memref<1x1x128x16xf32, #tpu.memory_space<hbm>> -> memref<128x16xf32, #tpu.memory_space<hbm>>
      tpu.enqueue_dma source(%arg9 : memref<128x16xf32, #tpu.memory_space<vmem>>) target(%dma_start3A_2111 : memref<128x16xf32, #tpu.memory_space<hbm>>) target_semaphore(%run_scoped3A_2106 : memref<!tpu.dma_semaphore, #tpu.memory_space<semaphore_mem>>)
      %dma_wait3A = arith.constant 0 : i32
      %dma_wait3A_2112 = tpu.memref_slice %arg4[%arg0, %run_scoped3A_2099, %add3A_2097, %dma_wait3A] : memref<2x2x10240x16xf32, #tpu.memory_space<hbm>> -> memref<1x1x128x16xf32, #tpu.memory_space<hbm>>
      %dma_wait3A_2113 = tpu.memref_squeeze %dma_wait3A_2112 : memref<1x1x128x16xf32, #tpu.memory_space<hbm>> -> memref<128x16xf32, #tpu.memory_space<hbm>>
      %dma_wait3A_2114 = arith.constant 0 : i32
      %dma_wait3A_2115 = tpu.memref_slice %arg4[%arg0, %run_scoped3A_2099, %add3A_2097, %dma_wait3A_2114] : memref<2x2x10240x16xf32, #tpu.memory_space<hbm>> -> memref<1x1x128x16xf32, #tpu.memory_space<hbm>>
      %dma_wait3A_2116 = tpu.memref_squeeze %dma_wait3A_2115 : memref<1x1x128x16xf32, #tpu.memory_space<hbm>> -> memref<128x16xf32, #tpu.memory_space<hbm>>
      tpu.wait_dma2 semaphore(%run_scoped3A_2106 : memref<!tpu.dma_semaphore, #tpu.memory_space<semaphore_mem>>) src(%arg9 : memref<128x16xf32, #tpu.memory_space<vmem>>) dst(%dma_wait3A_2116 : memref<128x16xf32, #tpu.memory_space<hbm>>)
      tpu.yield
    }) : () -> ()
    %mul3A_2100 = arith.constant 640 : i32
    %mul3A_2101 = arith.muli %arg1, %mul3A_2100 : i32
    %add3A_2102 = arith.constant 512 : i32
    %add3A_2103 = arith.addi %mul3A_2101, %add3A_2102 : i32
    "tpu.region"() ({
      %run_scoped3A_2106 = tpu.sem_alloc : memref<!tpu.dma_semaphore, #tpu.memory_space<semaphore_mem>>
      %dma_start3A = arith.constant 0 : i32
      %dma_start3A_2107 = tpu.memref_slice %arg5[%add3A_2103, %dma_start3A] : memref<10240x16xf32, #tpu.memory_space<vmem_shared>> -> memref<128x16xf32, #tpu.memory_space<vmem_shared>>
      %dma_start3A_2108 = arith.constant 0 : i32
      %dma_start3A_2109 = tpu.memref_slice %arg5[%add3A_2103, %dma_start3A_2108] : memref<10240x16xf32, #tpu.memory_space<vmem_shared>> -> memref<128x16xf32, #tpu.memory_space<vmem_shared>>
      tpu.enqueue_dma source(%dma_start3A_2109 : memref<128x16xf32, #tpu.memory_space<vmem_shared>>) target(%arg9 : memref<128x16xf32, #tpu.memory_space<vmem>>) target_semaphore(%run_scoped3A_2106 : memref<!tpu.dma_semaphore, #tpu.memory_space<semaphore_mem>>)
      %dma_wait3A = arith.constant 0 : i32
      %dma_wait3A_2110 = tpu.memref_slice %arg5[%add3A_2103, %dma_wait3A] : memref<10240x16xf32, #tpu.memory_space<vmem_shared>> -> memref<128x16xf32, #tpu.memory_space<vmem_shared>>
      %dma_wait3A_2111 = arith.constant 0 : i32
      %dma_wait3A_2112 = tpu.memref_slice %arg5[%add3A_2103, %dma_wait3A_2111] : memref<10240x16xf32, #tpu.memory_space<vmem_shared>> -> memref<128x16xf32, #tpu.memory_space<vmem_shared>>
      tpu.wait_dma2 semaphore(%run_scoped3A_2106 : memref<!tpu.dma_semaphore, #tpu.memory_space<semaphore_mem>>) src(%dma_wait3A_2112 : memref<128x16xf32, #tpu.memory_space<vmem_shared>>) dst(%arg9 : memref<128x16xf32, #tpu.memory_space<vmem>>)
      tpu.yield
    }) : () -> ()
    %run_scoped3A_2104 = arith.constant 0 : i32
    "tpu.region"() ({
      %run_scoped3A_2106 = tpu.sem_alloc : memref<!tpu.dma_semaphore, #tpu.memory_space<semaphore_mem>>
      %dma_start3A = arith.constant 0 : i32
      %dma_start3A_2107 = tpu.memref_slice %arg4[%arg0, %run_scoped3A_2104, %add3A_2103, %dma_start3A] : memref<2x2x10240x16xf32, #tpu.memory_space<hbm>> -> memref<1x1x128x16xf32, #tpu.memory_space<hbm>>
      %dma_start3A_2108 = tpu.memref_squeeze %dma_start3A_2107 : memref<1x1x128x16xf32, #tpu.memory_space<hbm>> -> memref<128x16xf32, #tpu.memory_space<hbm>>
      %dma_start3A_2109 = arith.constant 0 : i32
      %dma_start3A_2110 = tpu.memref_slice %arg4[%arg0, %run_scoped3A_2104, %add3A_2103, %dma_start3A_2109] : memref<2x2x10240x16xf32, #tpu.memory_space<hbm>> -> memref<1x1x128x16xf32, #tpu.memory_space<hbm>>
      %dma_start3A_2111 = tpu.memref_squeeze %dma_start3A_2110 : memref<1x1x128x16xf32, #tpu.memory_space<hbm>> -> memref<128x16xf32, #tpu.memory_space<hbm>>
      tpu.enqueue_dma source(%arg9 : memref<128x16xf32, #tpu.memory_space<vmem>>) target(%dma_start3A_2111 : memref<128x16xf32, #tpu.memory_space<hbm>>) target_semaphore(%run_scoped3A_2106 : memref<!tpu.dma_semaphore, #tpu.memory_space<semaphore_mem>>)
      %dma_wait3A = arith.constant 0 : i32
      %dma_wait3A_2112 = tpu.memref_slice %arg4[%arg0, %run_scoped3A_2104, %add3A_2103, %dma_wait3A] : memref<2x2x10240x16xf32, #tpu.memory_space<hbm>> -> memref<1x1x128x16xf32, #tpu.memory_space<hbm>>
      %dma_wait3A_2113 = tpu.memref_squeeze %dma_wait3A_2112 : memref<1x1x128x16xf32, #tpu.memory_space<hbm>> -> memref<128x16xf32, #tpu.memory_space<hbm>>
      %dma_wait3A_2114 = arith.constant 0 : i32
      %dma_wait3A_2115 = tpu.memref_slice %arg4[%arg0, %run_scoped3A_2104, %add3A_2103, %dma_wait3A_2114] : memref<2x2x10240x16xf32, #tpu.memory_space<hbm>> -> memref<1x1x128x16xf32, #tpu.memory_space<hbm>>
      %dma_wait3A_2116 = tpu.memref_squeeze %dma_wait3A_2115 : memref<1x1x128x16xf32, #tpu.memory_space<hbm>> -> memref<128x16xf32, #tpu.memory_space<hbm>>
      tpu.wait_dma2 semaphore(%run_scoped3A_2106 : memref<!tpu.dma_semaphore, #tpu.memory_space<semaphore_mem>>) src(%arg9 : memref<128x16xf32, #tpu.memory_space<vmem>>) dst(%dma_wait3A_2116 : memref<128x16xf32, #tpu.memory_space<hbm>>)
      tpu.yield
    }) : () -> ()
    "tpu.region"() ({
      %run_scoped3A_2106 = tpu.sem_alloc : memref<!tpu.dma_semaphore, #tpu.memory_space<semaphore_mem>>
      %dma_start3A = arith.constant 0 : i32
      %dma_start3A_2107 = tpu.memref_slice %arg6[%add3A_2103, %dma_start3A] : memref<10240x16xf32, #tpu.memory_space<vmem_shared>> -> memref<128x16xf32, #tpu.memory_space<vmem_shared>>
      %dma_start3A_2108 = arith.constant 0 : i32
      %dma_start3A_2109 = tpu.memref_slice %arg6[%add3A_2103, %dma_start3A_2108] : memref<10240x16xf32, #tpu.memory_space<vmem_shared>> -> memref<128x16xf32, #tpu.memory_space<vmem_shared>>
      tpu.enqueue_dma source(%dma_start3A_2109 : memref<128x16xf32, #tpu.memory_space<vmem_shared>>) target(%arg9 : memref<128x16xf32, #tpu.memory_space<vmem>>) target_semaphore(%run_scoped3A_2106 : memref<!tpu.dma_semaphore, #tpu.memory_space<semaphore_mem>>)
      %dma_wait3A = arith.constant 0 : i32
      %dma_wait3A_2110 = tpu.memref_slice %arg6[%add3A_2103, %dma_wait3A] : memref<10240x16xf32, #tpu.memory_space<vmem_shared>> -> memref<128x16xf32, #tpu.memory_space<vmem_shared>>
      %dma_wait3A_2111 = arith.constant 0 : i32
      %dma_wait3A_2112 = tpu.memref_slice %arg6[%add3A_2103, %dma_wait3A_2111] : memref<10240x16xf32, #tpu.memory_space<vmem_shared>> -> memref<128x16xf32, #tpu.memory_space<vmem_shared>>
      tpu.wait_dma2 semaphore(%run_scoped3A_2106 : memref<!tpu.dma_semaphore, #tpu.memory_space<semaphore_mem>>) src(%dma_wait3A_2112 : memref<128x16xf32, #tpu.memory_space<vmem_shared>>) dst(%arg9 : memref<128x16xf32, #tpu.memory_space<vmem>>)
      tpu.yield
    }) : () -> ()
    %run_scoped3A_2105 = arith.constant 1 : i32
    "tpu.region"() ({
      %run_scoped3A_2106 = tpu.sem_alloc : memref<!tpu.dma_semaphore, #tpu.memory_space<semaphore_mem>>
      %dma_start3A = arith.constant 0 : i32
      %dma_start3A_2107 = tpu.memref_slice %arg4[%arg0, %run_scoped3A_2105, %add3A_2103, %dma_start3A] : memref<2x2x10240x16xf32, #tpu.memory_space<hbm>> -> memref<1x1x128x16xf32, #tpu.memory_space<hbm>>
      %dma_start3A_2108 = tpu.memref_squeeze %dma_start3A_2107 : memref<1x1x128x16xf32, #tpu.memory_space<hbm>> -> memref<128x16xf32, #tpu.memory_space<hbm>>
      %dma_start3A_2109 = arith.constant 0 : i32
      %dma_start3A_2110 = tpu.memref_slice %arg4[%arg0, %run_scoped3A_2105, %add3A_2103, %dma_start3A_2109] : memref<2x2x10240x16xf32, #tpu.memory_space<hbm>> -> memref<1x1x128x16xf32, #tpu.memory_space<hbm>>
      %dma_start3A_2111 = tpu.memref_squeeze %dma_start3A_2110 : memref<1x1x128x16xf32, #tpu.memory_space<hbm>> -> memref<128x16xf32, #tpu.memory_space<hbm>>
      tpu.enqueue_dma source(%arg9 : memref<128x16xf32, #tpu.memory_space<vmem>>) target(%dma_start3A_2111 : memref<128x16xf32, #tpu.memory_space<hbm>>) target_semaphore(%run_scoped3A_2106 : memref<!tpu.dma_semaphore, #tpu.memory_space<semaphore_mem>>)
      %dma_wait3A = arith.constant 0 : i32
      %dma_wait3A_2112 = tpu.memref_slice %arg4[%arg0, %run_scoped3A_2105, %add3A_2103, %dma_wait3A] : memref<2x2x10240x16xf32, #tpu.memory_space<hbm>> -> memref<1x1x128x16xf32, #tpu.memory_space<hbm>>
      %dma_wait3A_2113 = tpu.memref_squeeze %dma_wait3A_2112 : memref<1x1x128x16xf32, #tpu.memory_space<hbm>> -> memref<128x16xf32, #tpu.memory_space<hbm>>
      %dma_wait3A_2114 = arith.constant 0 : i32
      %dma_wait3A_2115 = tpu.memref_slice %arg4[%arg0, %run_scoped3A_2105, %add3A_2103, %dma_wait3A_2114] : memref<2x2x10240x16xf32, #tpu.memory_space<hbm>> -> memref<1x1x128x16xf32, #tpu.memory_space<hbm>>
      %dma_wait3A_2116 = tpu.memref_squeeze %dma_wait3A_2115 : memref<1x1x128x16xf32, #tpu.memory_space<hbm>> -> memref<128x16xf32, #tpu.memory_space<hbm>>
      tpu.wait_dma2 semaphore(%run_scoped3A_2106 : memref<!tpu.dma_semaphore, #tpu.memory_space<semaphore_mem>>) src(%arg9 : memref<128x16xf32, #tpu.memory_space<vmem>>) dst(%dma_wait3A_2116 : memref<128x16xf32, #tpu.memory_space<hbm>>)
      tpu.yield
    }) : () -> ()
    return
  }
}

</mosaic_0001>

<sc_bundles>
// kernel: _deg_sc.3.cloned.1.call-start
scs
__scs_entry_jumppad:
0x0: {  	(pc) =	sbr.rel $0x88, $3  }
0x1: {  	(tag) =	ssettag $0x0;
	lr =	simm.s32 $0x1  }
0x2: {  	[smem:$0x3F9F] =	sst lr;
	_ =	strace $0xD0000000  }
0x3: {  	_ = 	snop  }
0x4: {  	_ = 	snop  }
0x5: {  	_ = 	snop  }
0x6: {  	_ = 	snop  }
0x7: {  	_ = 	snop  }
__scs_overlays_trampoline_lowered:
0x8: {  	[smem:$0x3FAE] =	sst s0  }
0x9: {  	[smem:$0x3FAF] =	sst s1  }
0xa: {  	[smem:$0x3FB0] =	sst s2  }
0xb: {  	[smem:$0x3FB1] =	sst s3  }
0xc: {  	[smem:$0x3FB2] =	sst s4  }
0xd: {  	[smem:$0x3FB3] =	sst s5  }
0xe: {  	[smem:$0x3FB4] =	sst s6  }
0xf: {  	[smem:$0x3FB5] =	sst s7  }
0x10: {  	[smem:$0x3FB6] =	sst s8  }
0x11: {  	[smem:$0x3FB7] =	sst s9;
	s0 =	simm.s32 @!p0 $0x0  }
0x12: {  	s1 =	sld [smem:$0x3F9D];
	s0 =	simm.s32 @p0 $0x1  }
0x13: {  	[smem:$0x3FB8] =	sst s0;
	s0 =	simm.s32 @!p1 $0x0  }
0x14: {  	s2 =	sld [smem:$0x3F9C];
	s0 =	simm.s32 @p1 $0x1  }
0x15: {  	[smem:$0x3FB9] =	sst s0;
	s0 =	simm.s32 @!p2 $0x0  }
0x16: {  	s3 =	sld [smem:$0x3FDB];
	s0 =	simm.s32 @p2 $0x1  }
0x17: {  	s4 =	simm.s32 $0x1BF5;
	[smem:$0x3FBB] =	sst s0  }
0x18: {  	s0 =	sld [smem:$0x3F9E];
	_ =	swait.ge [sflag:s4], $0x0  }
0x19: {  	s7 =	sld [smem:$0x3F9F]  }
0x1a: {  	s8 =	sadd.s32 $0xFFFFE003, lr  }
0x1b: {  	s9 =	sadd.s32 $0xFFFFFEF7, lr;
	s5 =	simm.s32 $0xFFFFFFFF;
	p2 =	slt.u32 s8, $0xFFFFF086  }
0x1c: {  	p1 =	slt.u32 s9, $0xF7A;
	s5 =	simm.s32 @!p2 $0x0  }
0x1d: {  	s5 =	simm.s32 @p1 $0x1;
	p0 =	seq.s32 s7, s2  }
0x1e: {  	s7 =	smul.u32 @!p0 $0xF7A, s2;
	p2 =	seq.s32 @!p0 s5, $0x0  }
0x1f: {  	s9 =	smul.u32 $0xF7A, s1;
	s8 =	simm.s32 @!p0 $0x1BF5;
	p2 =	por !p2, p0  }
0x20: {  	[sflag:s8] =	ssyncset.s32 @!p0 $0xFFFFF086;
	s6 =	sadd.s32 @!p0 s3, s7;
	s7 =	simm.s32 @!p0 $0x108  }
0x21: {  	s3 =	sadd.s32 s3, s9;
	s6 =	sadd.s32 @!p0 $0x88, s6;
	s7 =	simm.s32 @p2 $0x1082  }
0x22: {  	[simem:s7], [sflag:s8] =	dma.local @!p0 [hbm:s6], $0xF7A  }
0x23: {  	s9 =	sor.u32 $0xD0000000, s2;
	s6 =	simm.s32 $0x108;
	_ =	swait.ge @!p0 [sflag:s8], $0x0  }
0x24: {  	s3 =	sadd.s32 $0x88, s3;
	s6 =	simm.s32 @!p1 $0x1082;
	[sflag:s4] =	ssyncset.s32 $0xFFFFF086  }
0x25: {  	[simem:s6], [sflag:s4] =	dma.local [hbm:s3], $0xF7A  }
0x26: {  	[smem:$0x3F9F] =	sst s1;
	(tag) =	ssettag s2;
	_ =	strace s9  }
0x27: {  	s1 =	sld [smem:$0x3FAF]  }
0x28: {  	s2 =	sld [smem:$0x3FB0]  }
0x29: {  	s4 =	sld [smem:$0x3FB2]  }
0x2a: {  	p0 =	seq.s32 s5, $0x0;
	s5 =	sld [smem:$0x3FB3]  }
0x2b: {  	s6 =	sld [smem:$0x3FB4]  }
0x2c: {  	s7 =	sld [smem:$0x3FB5]  }
0x2d: {  	s3 =	simm.s32 $0x108;
	s8 =	sld [smem:$0x3FB6]  }
0x2e: {  	s3 =	simm.s32 @!p0 $0x1082;
	s9 =	sld [smem:$0x3FB7]  }
0x2f: {  	lr =	sadd.s32 s0, s3;
	s0 =	sld [smem:$0x3FAE]  }
0x30: {  	s3 =	sld [smem:$0x3FB1]  }
0x31: {  	[smem:$0x3FBA] =	sst s10  }
0x32: {  	s10 =	sld [smem:$0x3FB8];
	_ =	sdelay $0x3  }
0x33: {  	p0 =	seq.s32 s10, $0x1;
	s10 =	sld [smem:$0x3FBA];
	_ =	sdelay $0x3  }
0x34: {  	[smem:$0x3FBA] =	sst s10  }
0x35: {  	s10 =	sld [smem:$0x3FB9];
	_ =	sdelay $0x3  }
0x36: {  	p1 =	seq.s32 s10, $0x1;
	s10 =	sld [smem:$0x3FBA];
	_ =	sdelay $0x3  }
0x37: {  	[smem:$0x3FBA] =	sst s10  }
0x38: {  	s10 =	sld [smem:$0x3FBB]  }
0x39: {  	_ = 	snop;
	(pc) =	sbr.ind lr, $3  }
0x3a: {  	_ = 	snop  }
0x3b: {  	_ = 	snop  }
0x3c: {  	p2 =	seq.s32 s10, $0x1;
	s10 =	sld [smem:$0x3FBA]  }
0x3d: {  	_ =	shalt  }
0x3e: {  	_ =	shalt  }
0x3f: {  	_ =	shalt  }
0x40: {  	_ =	shalt  }
0x41: {  	_ =	shalt  }
0x42: {  	_ =	shalt  }
0x43: {  	_ =	shalt  }
0x44: {  	_ =	shalt  }
0x45: {  	_ =	shalt  }
0x46: {  	_ =	shalt  }
0x47: {  	_ =	shalt  }
0x48: {  	_ =	shalt  }
0x49: {  	_ =	shalt  }
0x4a: {  	_ =	shalt  }
0x4b: {  	_ =	shalt  }
0x4c: {  	_ =	shalt  }
0x4d: {  	_ =	shalt  }
0x4e: {  	_ =	shalt  }
0x4f: {  	_ =	shalt  }
0x50: {  	_ =	shalt  }
0x51: {  	_ =	shalt  }
0x52: {  	_ =	shalt  }
0x53: {  	_ =	shalt  }
0x54: {  	_ =	shalt  }
0x55: {  	_ =	shalt  }
0x56: {  	_ =	shalt  }
0x57: {  	_ =	shalt  }
0x58: {  	_ =	shalt  }
0x59: {  	_ =	shalt  }
0x5a: {  	_ =	shalt  }
0x5b: {  	_ =	shalt  }
0x5c: {  	_ =	shalt  }
0x5d: {  	_ =	shalt  }
0x5e: {  	_ =	shalt  }
0x5f: {  	_ =	shalt  }
0x60: {  	_ =	shalt  }
0x61: {  	_ =	shalt  }
0x62: {  	_ =	shalt  }
0x63: {  	_ =	shalt  }
0x64: {  	_ =	shalt  }
0x65: {  	_ =	shalt  }
0x66: {  	_ =	shalt  }
0x67: {  	_ =	shalt  }
0x68: {  	_ =	shalt  }
0x69: {  	_ =	shalt  }
0x6a: {  	_ =	shalt  }
0x6b: {  	_ =	shalt  }
0x6c: {  	_ =	shalt  }
0x6d: {  	_ =	shalt  }
0x6e: {  	_ =	shalt  }
0x6f: {  	_ =	shalt  }
0x70: {  	_ =	shalt  }
0x71: {  	_ =	shalt  }
0x72: {  	_ =	shalt  }
0x73: {  	_ =	shalt  }
0x74: {  	_ =	shalt  }
0x75: {  	_ =	shalt  }
0x76: {  	_ =	shalt  }
0x77: {  	_ =	shalt  }
0x78: {  	_ =	shalt  }
0x79: {  	_ =	shalt  }
0x7a: {  	_ =	shalt  }
0x7b: {  	_ =	shalt  }
0x7c: {  	_ =	shalt  }
0x7d: {  	_ =	shalt  }
0x7e: {  	_ =	shalt  }
0x7f: {  	_ =	shalt  }
0x80: {  	_ =	shalt  }
0x81: {  	_ =	shalt  }
0x82: {  	_ =	shalt  }
0x83: {  	_ =	shalt  }
0x84: {  	_ =	shalt  }
0x85: {  	_ =	shalt  }
0x86: {  	_ =	shalt  }
0x87: {  	_ =	shalt  }
.Lfunc_end0:
.L_simem_size_0:
called_computation_lowered:
.L_overlay_start_0:
0x88: {  	s2 =	sld [smem:$0x3FD9]  }
0x89: {  	s3 =	sld [smem:$0x3FFE];
	_ =	sdelay $0x1  }
0x8a: {  	s1 =	srdreg.scid  }
0x8b: {  	s0 =	sand.u32 $0x1, s1  }
0x8c: {  	s17 =	sshll.u32 s0, $0xA;
	s2 =	sadd.s32 s3, s2  }
0x8d: {  	s2 =	sadd.s32 s2, s17  }
0x8e: {  	[smem:$0x3FC6] =	sst s2  }
0x8f: {  	_ = 	snop  }
0x90: {  	s2 =	sld [smem:$0x3FC9]  }
0x91: {  	s18 =	sld [smem:$0x3FC8];
	(tm) =	ssettm $0x1  }
0x92: {  	s4 =	sld [smem:$0x3FFB];
	_ =	sdelay $0x3  }
0x93: {  	_ =	strace s4  }
0x94: {  	s4 =	sld [smem:$0x3FFC];
	_ =	sdelay $0x3  }
0x95: {  	_ =	strace s4  }
0x96: {  	s4 =	sld [smem:$0x3FFD];
	_ =	sdelay $0x3  }
0x97: {  	_ =	strace s4  }
0x98: {  	_ =	strace $0x8FFFFFFF  }
0x99: {  	s19 =	sld [smem:$0x3FDB];
	_ =	sdelay $0x1  }
0x9a: {  	s5 =	simm.s32 $_scs_section_size  }
0x9b: {  	s6 =	simm.s32 $_size__tile_overlayer_lowered;
	s7 =	simm.s32 $_tile_overlayer_lowered  }
0x9c: {  	s22 =	simm.s32 $0x1BFF;
	s21 =	sshll.u32 s7, $0x1;
	s4 =	sadd.s32 s5, s19  }
0x9d: {  	s8 =	simm.s32 $0x0;
	s20 =	sshll.u32 s6, $0x1;
	s6 =	sadd.s32 s21, s4  }
0x9e: {  	[timem:s8], [sflag:s22] =	dma.local [hbm:s6], s20  }
0x9f: {  	_ =	swait.ge [sflag:s22], s20  }
0xa0: {  	s5 =	ssub.s32 $0x0, s20;
	[sflag:s22] =	ssyncset.done $0x0  }
0xa1: {  	[sflag:s22] =	ssyncadd.s32 s5;
	_ =	sdelay $0x1  }
0xa2: {  	s23 =	simm.s32 $0x1B8B  }
0xa3: {  	_ =	swait.ge [sflag:s23], $0x1  }
0xa4: {  	[sflag:s23] =	ssyncset.done $0x0  }
0xa5: {  	s25 =	simm.s32 $0x1B8E;
	s24 =	sld [smem:$0x3FFE];
	[sflag:s23] =	ssyncadd.s32 $0xFFFFFFFF  }
0xa6: {  	s26 =	simm.s32 $execute0_lowered;
	[smem:$0x3FD2] =	sst s25  }
0xa7: {  	s6 =	sshll.u32 s26, $0x1;
	_ =	strace $0x80000046;
	[dreg:$0x1] =	wrdreg $0xFFFFFFFF  }
0xa8: {  	s28 =	simm.s32 $_size_execute0_lowered;
	s4 =	sadd.s32 s4, s6;
	[dreg:$0x0] =	wrdreg $0x0  }
0xa9: {  	s6 =	sshll.u32 s28, $0x1;
	[dreg:$0x2] =	wrdreg s4  }
0xaa: {  	[dreg:$0x3] =	wrdreg s6  }
0xab: {  	[dreg:$0x4] =	wrdreg $0xC0  }
0xac: {  	_ =	task [dreg:s8], $0x5FFFF  }
0xad: {  	[dreg:$0x1] =	wrdreg $0xFFFFFFFF  }
0xae: {  	[dreg:$0x0] =	wrdreg $0x60  }
0xaf: {  	[dreg:$0x2] =	wrdreg s2  }
0xb0: {  	[dreg:$0x3] =	wrdreg s18  }
0xb1: {  	[dreg:$0x4] =	wrdreg s24  }
0xb2: {  	[dreg:$0x5] =	wrdreg $0x0  }
0xb3: {  	[dreg:$0x6] =	wrdreg $0x28000  }
0xb4: {  	[dreg:$0x7] =	wrdreg $0x9  }
0xb5: {  	_ =	task.clear_ibuf [dreg:s8], $0x8FFFF;
	_ =	strace $0x90000046  }
0xb6: {  	s29 =	simm.s32 $0x9;
	_ =	strace $0x80000048  }
0xb7: {  	_ =	swait.ge [sflag:s29], $0x1  }
0xb8: {  	[sflag:s29] =	ssyncadd.s32 $0xFFFFFFFF  }
0xb9: {  	_ =	strace $0x90000048  }
0xba: {  	_ =	sfence  }
0xbb: {  	s30 =	sld [smem:$0x0];
	_ =	sdelay $0x2  }
0xbc: {  	s31 =	sshll.u32 s1, $0xD;
	s1 =	sshrl.u32 s1, $0x2  }
0xbd: {  	s3 =	sand.u32 $0x4000, s31;
	s1 =	sadd.s32 s1, s30  }
0xbe: {  	s0 =	sor.u32 s3, s0;
	s1 =	sshll.u32 s1, $0x11  }
0xbf: {  	s0 =	sor.u32 s1, s0  }
0xc0: {  	s0 =	sadd.s32 $0x8F2B, s0  }
0xc1: {  	[sflag:s0] =	ssyncadd.remote.s32 $0x1  }
0xc2: {  	_ =	sfence.sel $0xFFFF  }
0xc3: {  	[dreg:$0x0] =	wrdreg $0xFFFFFFFF;
	(pc) =	sbr.abs _section_cstart, $3  }
0xc4: {  	[dreg:$0x1] =	wrdreg $0xFFFFFFFF  }
0xc5: {  	_ =	task.clear_ibuf [dreg:s8], $0x2FFFF;
	_ =	strace $0x9FFFFFFF  }
0xc6: {  	(tm) =	ssettm $0x7FFFFFFF  }
0xc7: {  	_ =	shalt  }
tec
execute0_lowered:
.L_overlay_start_1:
0x0: {  	(tag) =	ssettag $0x1  }
0x1: {  	s0 =	rddreg [dreg:$0x0]  }
0x2: {  	s2 =	rddreg [dreg:$0x1]  }
0x3: {  	s5 =	rddreg [dreg:$0x2]  }
0x4: {  	s1 =	rddreg [dreg:$0x3]  }
0x5: {  	s3 =	rddreg [dreg:$0x4]  }
0x6: {  	s6 =	srdreg.scid;
	s4 =	simm.s32 $0x0;
	s14 =	stileid.u32  }
0x7: {  	s29 =	simm.s32 $0x9080;
	s30 =	simm.s32 $0x1;
	s31 =	simm.s32 $0x9000  }
0x8: {  	s12 =	sand.u32 $0x1, s6;
	[smem:$0x7FF] =	sst s4;
	s15 =	smul.u32 $0x14000, s14  }
0x9: {  	s16 =	sadd.s32 $0x400, s5;
	s6 =	ssub.s32 $0x2, s12;
	_ =	strace $0x80000047  }
0xa: {  	s13 =	sshll.u32 s12, $0x4;
	s22 =	smul.u32 $0x280000, s12;
	s7 =	sshrl.u32 s6, $0x1  }
0xb: {  	s5 =	sadd.s32 s15, s1;
	s17 =	sadd.s32 $0x4000, s15;
	s20 =	sadd.s32 $0x8000, s15  }
0xc: {  	s21 =	sadd.s32 $0xC000, s15;
	s13 =	sor.u32 s14, s13;
	s23 =	sadd.s32 $0x10000, s15  }
0xd: {  	s18 =	ssub.s32 s6, s7;
	s6 =	sadd.s32 s15, s3;
	s7 =	sadd.s32 s17, s1  }
0xe: {  	s8 =	sadd.s32 s17, s3;
	s9 =	sadd.s32 s20, s1;
	s10 =	sadd.s32 s20, s3  }
0xf: {  	s11 =	sadd.s32 s21, s1;
	s12 =	sadd.s32 s21, s3;
	s19 =	smul.u32 $0x500, s13  }
0x10: {  	s13 =	sadd.s32 s23, s1;
	s15 =	sadd.s32 s15, s22;
	s24 =	sadd.s32 s22, s17  }
0x11: {  	s14 =	sadd.s32 s23, s3;
	s15 =	sshrl.u32 s15, $0x3;
	s25 =	sshrl.u32 s24, $0x3  }
0x12: {  	s24 =	sadd.s32 s22, s21;
	s0 =	sadd.s32 s0, s19;
	s2 =	sadd.s32 s2, s19  }
0x13: {  	s17 =	sadd.s32 s16, s15;
	s19 =	sadd.s32 s16, s25;
	[dreg:$0x6] =	wrdreg s0  }
0x14: {  	s15 =	sadd.s32 s22, s20;
	s25 =	sadd.s32 s22, s23;
	[dreg:$0x7] =	wrdreg s2  }
0x15: {  	s26 =	sadd.s32 $0x28000, s17;
	s0 =	sshrl.u32 s15, $0x3;
	s2 =	sshrl.u32 s24, $0x3  }
0x16: {  	s15 =	sshrl.u32 s25, $0x3;
	s25 =	smax.u32 s18, $0x1;
	[dreg:$0x8] =	wrdreg s26  }
0x17: {  	s26 =	sadd.s32 $0x28000, s19;
	s21 =	sadd.s32 s16, s0;
	s22 =	sadd.s32 s16, s2  }
0x18: {  	s23 =	sadd.s32 s16, s15;
	s2 =	simm.s32 $0x80;
	s15 =	simm.s32 $0x0  }
0x19: {  	[dreg:$0x9] =	wrdreg s26;
	s0 =	sadd.s32 $0x28000, s21;
	s26 =	sadd.s32 $0x28000, s22  }
0x1a: {  	v0 =	vimm.f32 $1.000000000e+00;
	v1 =	vimm.f32 $0.0e+00;
	s28 =	sadd.s32 $0x28000, s23;
	[dreg:$0xa] =	wrdreg s0;
	s0 =	simm.s32 $0x5000  }
.LBB2_1:
0x1b: {  	[tilespmem:$0x5000] =	vst v0  }
0x1c: {  	[tilespmem:$0x9080] =	vst v1  }
0x1d: {  	[tilespmem:$0x5080] =	vst v0  }
0x1e: {  	[tilespmem:$0x9100] =	vst v1  }
0x1f: {  	[tilespmem:$0x5100] =	vst v0  }
0x20: {  	[tilespmem:$0x9180] =	vst v1  }
0x21: {  	[tilespmem:$0x5180] =	vst v0  }
0x22: {  	[tilespmem:$0x9200] =	vst v1  }
0x23: {  	[tilespmem:$0x5200] =	vst v0  }
0x24: {  	[tilespmem:$0x9280] =	vst v1  }
0x25: {  	[tilespmem:$0x5280] =	vst v0  }
0x26: {  	[tilespmem:$0x9300] =	vst v1  }
0x27: {  	[tilespmem:$0x5300] =	vst v0  }
0x28: {  	[tilespmem:$0x9380] =	vst v1  }
0x29: {  	[tilespmem:$0x5380] =	vst v0  }
0x2a: {  	[tilespmem:$0x9400] =	vst v1  }
0x2b: {  	[tilespmem:$0x5400] =	vst v0  }
0x2c: {  	[tilespmem:$0x9480] =	vst v1  }
0x2d: {  	[tilespmem:$0x5480] =	vst v0  }
0x2e: {  	[tilespmem:$0x9500] =	vst v1  }
0x2f: {  	[tilespmem:$0x5500] =	vst v0  }
0x30: {  	[tilespmem:$0x9580] =	vst v1  }
0x31: {  	[tilespmem:$0x5580] =	vst v0  }
0x32: {  	[tilespmem:$0x9600] =	vst v1  }
0x33: {  	[tilespmem:$0x5600] =	vst v0  }
0x34: {  	[tilespmem:$0x9680] =	vst v1  }
0x35: {  	[tilespmem:$0x5680] =	vst v0  }
0x36: {  	[tilespmem:$0x9700] =	vst v1  }
0x37: {  	[tilespmem:$0x5700] =	vst v0  }
0x38: {  	[tilespmem:$0x9780] =	vst v1  }
0x39: {  	[tilespmem:$0x5780] =	vst v0  }
0x3a: {  	[tilespmem:$0x9800] =	vst v1  }
0x3b: {  	[tilespmem:$0x5800] =	vst v0  }
0x3c: {  	[tilespmem:$0x9880] =	vst v1  }
0x3d: {  	[tilespmem:$0x5880] =	vst v0  }
0x3e: {  	[tilespmem:$0x9900] =	vst v1  }
0x3f: {  	[tilespmem:$0x5900] =	vst v0  }
0x40: {  	[tilespmem:$0x9980] =	vst v1  }
0x41: {  	[tilespmem:$0x5980] =	vst v0  }
0x42: {  	[tilespmem:$0x9A00] =	vst v1  }
0x43: {  	[tilespmem:$0x5A00] =	vst v0  }
0x44: {  	[tilespmem:$0x9A80] =	vst v1  }
0x45: {  	[tilespmem:$0x5A80] =	vst v0  }
0x46: {  	[tilespmem:$0x9B00] =	vst v1  }
0x47: {  	[tilespmem:$0x5B00] =	vst v0  }
0x48: {  	[tilespmem:$0x9B80] =	vst v1  }
0x49: {  	[tilespmem:$0x5B80] =	vst v0  }
0x4a: {  	[tilespmem:$0x9C00] =	vst v1  }
0x4b: {  	[tilespmem:$0x5C00] =	vst v0  }
0x4c: {  	[tilespmem:$0x9C80] =	vst v1  }
0x4d: {  	[tilespmem:$0x5C80] =	vst v0  }
0x4e: {  	[tilespmem:$0x9D00] =	vst v1  }
0x4f: {  	[tilespmem:$0x5D00] =	vst v0  }
0x50: {  	[tilespmem:$0x9D80] =	vst v1  }
0x51: {  	[tilespmem:$0x5D80] =	vst v0  }
0x52: {  	[tilespmem:$0x9E00] =	vst v1  }
0x53: {  	[tilespmem:$0x5E00] =	vst v0  }
0x54: {  	[tilespmem:$0x9E80] =	vst v1  }
0x55: {  	[tilespmem:$0x5E80] =	vst v0  }
0x56: {  	[tilespmem:$0x9F00] =	vst v1  }
0x57: {  	[tilespmem:$0x5F00] =	vst v0  }
0x58: {  	[tilespmem:$0x9F80] =	vst v1  }
0x59: {  	[tilespmem:$0x5F80] =	vst v0  }
0x5a: {  	[tilespmem:$0xA000] =	vst v1  }
0x5b: {  	[tilespmem:$0x6000] =	vst v0  }
0x5c: {  	[tilespmem:$0xA080] =	vst v1  }
0x5d: {  	[tilespmem:$0x6080] =	vst v0  }
0x5e: {  	[tilespmem:$0xA100] =	vst v1  }
0x5f: {  	[tilespmem:$0x6100] =	vst v0  }
0x60: {  	[tilespmem:$0xA180] =	vst v1  }
0x61: {  	[tilespmem:$0x6180] =	vst v0  }
0x62: {  	[tilespmem:$0xA200] =	vst v1  }
0x63: {  	[tilespmem:$0x6200] =	vst v0  }
0x64: {  	[tilespmem:$0xA280] =	vst v1  }
0x65: {  	[tilespmem:$0x6280] =	vst v0  }
0x66: {  	[tilespmem:$0xA300] =	vst v1  }
0x67: {  	[tilespmem:$0x6300] =	vst v0  }
0x68: {  	[tilespmem:$0xA380] =	vst v1  }
0x69: {  	[tilespmem:$0x6380] =	vst v0  }
0x6a: {  	[tilespmem:$0xA400] =	vst v1  }
0x6b: {  	[tilespmem:$0x6400] =	vst v0  }
0x6c: {  	[tilespmem:$0xA480] =	vst v1  }
0x6d: {  	[tilespmem:$0x6480] =	vst v0  }
0x6e: {  	[tilespmem:$0xA500] =	vst v1  }
0x6f: {  	[tilespmem:$0x6500] =	vst v0  }
0x70: {  	[tilespmem:$0xA580] =	vst v1  }
0x71: {  	[tilespmem:$0x6580] =	vst v0  }
0x72: {  	[tilespmem:$0xA600] =	vst v1  }
0x73: {  	[tilespmem:$0x6600] =	vst v0  }
0x74: {  	[tilespmem:$0xA680] =	vst v1  }
0x75: {  	[tilespmem:$0x6680] =	vst v0  }
0x76: {  	[tilespmem:$0xA700] =	vst v1  }
0x77: {  	[tilespmem:$0x6700] =	vst v0  }
0x78: {  	[tilespmem:$0xA780] =	vst v1  }
0x79: {  	[tilespmem:$0x6780] =	vst v0  }
0x7a: {  	[tilespmem:$0xA800] =	vst v1  }
0x7b: {  	[tilespmem:$0x6800] =	vst v0  }
0x7c: {  	[tilespmem:$0xA880] =	vst v1  }
0x7d: {  	[tilespmem:$0x6880] =	vst v0  }
0x7e: {  	[tilespmem:$0xA900] =	vst v1  }
0x7f: {  	[tilespmem:$0x6900] =	vst v0  }
0x80: {  	[tilespmem:$0xA980] =	vst v1  }
0x81: {  	[tilespmem:$0x6980] =	vst v0  }
0x82: {  	[tilespmem:$0xAA00] =	vst v1  }
0x83: {  	[tilespmem:$0x6A00] =	vst v0  }
0x84: {  	[tilespmem:$0xAA80] =	vst v1  }
0x85: {  	[tilespmem:$0x6A80] =	vst v0  }
0x86: {  	[tilespmem:$0xAB00] =	vst v1  }
0x87: {  	[tilespmem:$0x6B00] =	vst v0  }
0x88: {  	[tilespmem:$0xAB80] =	vst v1  }
0x89: {  	[tilespmem:$0x6B80] =	vst v0  }
0x8a: {  	[tilespmem:$0xAC00] =	vst v1  }
0x8b: {  	[tilespmem:$0x6C00] =	vst v0  }
0x8c: {  	[tilespmem:$0xAC80] =	vst v1  }
0x8d: {  	[tilespmem:$0x6C80] =	vst v0  }
0x8e: {  	[tilespmem:$0xAD00] =	vst v1  }
0x8f: {  	[tilespmem:$0x6D00] =	vst v0  }
0x90: {  	[tilespmem:$0xAD80] =	vst v1  }
0x91: {  	[tilespmem:$0x6D80] =	vst v0  }
0x92: {  	[tilespmem:$0xAE00] =	vst v1  }
0x93: {  	[tilespmem:$0x6E00] =	vst v0  }
0x94: {  	[tilespmem:$0xAE80] =	vst v1  }
0x95: {  	[tilespmem:$0x6E80] =	vst v0  }
0x96: {  	[tilespmem:$0xAF00] =	vst v1  }
0x97: {  	[tilespmem:$0x6F00] =	vst v0  }
0x98: {  	[tilespmem:$0xAF80] =	vst v1  }
0x99: {  	[tilespmem:$0x6F80] =	vst v0  }
0x9a: {  	[tilespmem:$0xB000] =	vst v1  }
0x9b: {  	[tilespmem:$0x7000] =	vst v0  }
0x9c: {  	[tilespmem:$0xB080] =	vst v1  }
0x9d: {  	[tilespmem:$0x7080] =	vst v0  }
0x9e: {  	[tilespmem:$0xB100] =	vst v1  }
0x9f: {  	[tilespmem:$0x7100] =	vst v0  }
0xa0: {  	[tilespmem:$0xB180] =	vst v1  }
0xa1: {  	[tilespmem:$0x7180] =	vst v0  }
0xa2: {  	[tilespmem:$0xB200] =	vst v1  }
0xa3: {  	[tilespmem:$0x7200] =	vst v0  }
0xa4: {  	[tilespmem:$0xB280] =	vst v1  }
0xa5: {  	[tilespmem:$0x7280] =	vst v0  }
0xa6: {  	[tilespmem:$0xB300] =	vst v1  }
0xa7: {  	[tilespmem:$0x7300] =	vst v0  }
0xa8: {  	[tilespmem:$0xB380] =	vst v1  }
0xa9: {  	[tilespmem:$0x7380] =	vst v0  }
0xaa: {  	[tilespmem:$0xB400] =	vst v1  }
0xab: {  	[tilespmem:$0x7400] =	vst v0  }
0xac: {  	[tilespmem:$0xB480] =	vst v1  }
0xad: {  	[tilespmem:$0x7480] =	vst v0  }
0xae: {  	[tilespmem:$0xB500] =	vst v1  }
0xaf: {  	[tilespmem:$0x7500] =	vst v0  }
0xb0: {  	[tilespmem:$0xB580] =	vst v1  }
0xb1: {  	[tilespmem:$0x7580] =	vst v0  }
0xb2: {  	[tilespmem:$0xB600] =	vst v1  }
0xb3: {  	[tilespmem:$0x7600] =	vst v0  }
0xb4: {  	[tilespmem:$0xB680] =	vst v1  }
0xb5: {  	[tilespmem:$0x7680] =	vst v0  }
0xb6: {  	[tilespmem:$0xB700] =	vst v1  }
0xb7: {  	[tilespmem:$0x7700] =	vst v0  }
0xb8: {  	[tilespmem:$0xB780] =	vst v1  }
0xb9: {  	[tilespmem:$0x7780] =	vst v0  }
0xba: {  	[tilespmem:$0xB800] =	vst v1  }
0xbb: {  	[tilespmem:$0x7800] =	vst v0  }
0xbc: {  	[tilespmem:$0xB880] =	vst v1  }
0xbd: {  	[tilespmem:$0x7880] =	vst v0  }
0xbe: {  	[tilespmem:$0xB900] =	vst v1  }
0xbf: {  	[tilespmem:$0x7900] =	vst v0  }
0xc0: {  	[tilespmem:$0xB980] =	vst v1  }
0xc1: {  	[tilespmem:$0x7980] =	vst v0  }
0xc2: {  	[tilespmem:$0xBA00] =	vst v1  }
0xc3: {  	[tilespmem:$0x7A00] =	vst v0  }
0xc4: {  	[tilespmem:$0xBA80] =	vst v1  }
0xc5: {  	[tilespmem:$0x7A80] =	vst v0  }
0xc6: {  	[tilespmem:$0xBB00] =	vst v1  }
0xc7: {  	[tilespmem:$0x7B00] =	vst v0  }
0xc8: {  	[tilespmem:$0xBB80] =	vst v1  }
0xc9: {  	[tilespmem:$0x7B80] =	vst v0  }
0xca: {  	[tilespmem:$0xBC00] =	vst v1  }
0xcb: {  	[tilespmem:$0x7C00] =	vst v0  }
0xcc: {  	[tilespmem:$0xBC80] =	vst v1  }
0xcd: {  	[tilespmem:$0x7C80] =	vst v0  }
0xce: {  	[tilespmem:$0xBD00] =	vst v1  }
0xcf: {  	[tilespmem:$0x7D00] =	vst v0  }
0xd0: {  	[tilespmem:$0xBD80] =	vst v1  }
0xd1: {  	[tilespmem:$0x7D80] =	vst v0  }
0xd2: {  	[tilespmem:$0xBE00] =	vst v1  }
0xd3: {  	[tilespmem:$0x7E00] =	vst v0  }
0xd4: {  	[tilespmem:$0xBE80] =	vst v1  }
0xd5: {  	[tilespmem:$0x7E80] =	vst v0  }
0xd6: {  	[tilespmem:$0xBF00] =	vst v1  }
0xd7: {  	[tilespmem:$0x7F00] =	vst v0  }
0xd8: {  	[tilespmem:$0xBF80] =	vst v1  }
0xd9: {  	[tilespmem:$0x7F80] =	vst v0  }
0xda: {  	[tilespmem:$0xC000] =	vst v1  }
0xdb: {  	[tilespmem:$0x8000] =	vst v0  }
0xdc: {  	[tilespmem:$0xC080] =	vst v1  }
0xdd: {  	[tilespmem:$0x8080] =	vst v0  }
0xde: {  	[tilespmem:$0xC100] =	vst v1  }
0xdf: {  	[tilespmem:$0x8100] =	vst v0  }
0xe0: {  	[tilespmem:$0xC180] =	vst v1  }
0xe1: {  	[tilespmem:$0x8180] =	vst v0  }
0xe2: {  	[tilespmem:$0xC200] =	vst v1  }
0xe3: {  	[tilespmem:$0x8200] =	vst v0  }
0xe4: {  	[tilespmem:$0xC280] =	vst v1  }
0xe5: {  	[tilespmem:$0x8280] =	vst v0  }
0xe6: {  	[tilespmem:$0xC300] =	vst v1  }
0xe7: {  	[tilespmem:$0x8300] =	vst v0  }
0xe8: {  	[tilespmem:$0xC380] =	vst v1  }
0xe9: {  	[tilespmem:$0x8380] =	vst v0  }
0xea: {  	[tilespmem:$0xC400] =	vst v1  }
0xeb: {  	[tilespmem:$0x8400] =	vst v0  }
0xec: {  	[tilespmem:$0xC480] =	vst v1  }
0xed: {  	[tilespmem:$0x8480] =	vst v0  }
0xee: {  	[tilespmem:$0xC500] =	vst v1  }
0xef: {  	[tilespmem:$0x8500] =	vst v0  }
0xf0: {  	[tilespmem:$0xC580] =	vst v1  }
0xf1: {  	[tilespmem:$0x8580] =	vst v0  }
0xf2: {  	[tilespmem:$0xC600] =	vst v1  }
0xf3: {  	[tilespmem:$0x8600] =	vst v0  }
0xf4: {  	[tilespmem:$0xC680] =	vst v1  }
0xf5: {  	[tilespmem:$0x8680] =	vst v0  }
0xf6: {  	[tilespmem:$0xC700] =	vst v1  }
0xf7: {  	[tilespmem:$0x8700] =	vst v0  }
0xf8: {  	[tilespmem:$0xC780] =	vst v1  }
0xf9: {  	[tilespmem:$0x8780] =	vst v0  }
0xfa: {  	[tilespmem:$0xC800] =	vst v1  }
0xfb: {  	[tilespmem:$0x8800] =	vst v0  }
0xfc: {  	[tilespmem:$0xC880] =	vst v1  }
0xfd: {  	[tilespmem:$0x8880] =	vst v0  }
0xfe: {  	[tilespmem:$0xC900] =	vst v1  }
0xff: {  	[tilespmem:$0x8900] =	vst v0  }
0x100: {  	[tilespmem:$0xC980] =	vst v1  }
0x101: {  	[tilespmem:$0x8980] =	vst v0  }
0x102: {  	[tilespmem:$0xCA00] =	vst v1  }
0x103: {  	[tilespmem:$0x8A00] =	vst v0  }
0x104: {  	[tilespmem:$0xCA80] =	vst v1  }
0x105: {  	[tilespmem:$0x8A80] =	vst v0  }
0x106: {  	[tilespmem:$0xCB00] =	vst v1  }
0x107: {  	[tilespmem:$0x8B00] =	vst v0  }
0x108: {  	[tilespmem:$0xCB80] =	vst v1  }
0x109: {  	[tilespmem:$0x8B80] =	vst v0  }
0x10a: {  	[tilespmem:$0xCC00] =	vst v1  }
0x10b: {  	[tilespmem:$0x8C00] =	vst v0  }
0x10c: {  	[tilespmem:$0xCC80] =	vst v1  }
0x10d: {  	[tilespmem:$0x8C80] =	vst v0  }
0x10e: {  	[tilespmem:$0xCD00] =	vst v1  }
0x10f: {  	[tilespmem:$0x8D00] =	vst v0  }
0x110: {  	[tilespmem:$0xCD80] =	vst v1  }
0x111: {  	[tilespmem:$0x8D80] =	vst v0  }
0x112: {  	[tilespmem:$0xCE00] =	vst v1  }
0x113: {  	[tilespmem:$0x8E00] =	vst v0  }
0x114: {  	[tilespmem:$0xCE80] =	vst v1  }
0x115: {  	[tilespmem:$0x8E80] =	vst v0  }
0x116: {  	[tilespmem:$0xCF00] =	vst v1  }
0x117: {  	[tilespmem:$0x8F00] =	vst v0  }
0x118: {  	[tilespmem:$0xCF80] =	vst v1  }
0x119: {  	[tilespmem:$0x8F80] =	vst v0  }
0x11a: {  	[tilespmem:$0xD000] =	vst v1  }
0x11b: {  	[spmem:s5] =	stream.linear.scatter [tilespmem:s29], [sflag:$0x1], $0x4000, $0x38;
	[tilespmem:$0x12080] =	vst v63  }
0x11c: {  	_ =	swait.ge [sflag:s30], $0x4000  }
0x11d: {  	[sflag:s30] =	ssyncset.done $0x0  }
0x11e: {  	[sflag:s30] =	ssyncadd.s32 $0xFFFFC000  }
0x11f: {  	[spmem:s6] =	stream.linear.scatter [tilespmem:s29], [sflag:$0x1], $0x4000, $0x38;
	[tilespmem:$0x12080] =	vst v63  }
0x120: {  	_ =	swait.ge [sflag:s30], $0x4000  }
0x121: {  	[sflag:s30] =	ssyncset.done $0x0  }
0x122: {  	[sflag:s30] =	ssyncadd.s32 $0xFFFFC000  }
0x123: {  	[spmem:s7] =	stream.linear.scatter [tilespmem:s29], [sflag:$0x1], $0x4000, $0x38;
	[tilespmem:$0x12080] =	vst v63  }
0x124: {  	_ =	swait.ge [sflag:s30], $0x4000  }
0x125: {  	[sflag:s30] =	ssyncset.done $0x0  }
0x126: {  	[sflag:s30] =	ssyncadd.s32 $0xFFFFC000  }
0x127: {  	[spmem:s8] =	stream.linear.scatter [tilespmem:s29], [sflag:$0x1], $0x4000, $0x38;
	[tilespmem:$0x12080] =	vst v63  }
0x128: {  	_ =	swait.ge [sflag:s30], $0x4000  }
0x129: {  	[sflag:s30] =	ssyncset.done $0x0  }
0x12a: {  	[sflag:s30] =	ssyncadd.s32 $0xFFFFC000  }
0x12b: {  	[spmem:s9] =	stream.linear.scatter [tilespmem:s29], [sflag:$0x1], $0x4000, $0x38;
	[tilespmem:$0x12080] =	vst v63  }
0x12c: {  	_ =	swait.ge [sflag:s30], $0x4000  }
0x12d: {  	[sflag:s30] =	ssyncset.done $0x0  }
0x12e: {  	[sflag:s30] =	ssyncadd.s32 $0xFFFFC000  }
0x12f: {  	[spmem:s10] =	stream.linear.scatter [tilespmem:s29], [sflag:$0x1], $0x4000, $0x38;
	[tilespmem:$0x12080] =	vst v63  }
0x130: {  	_ =	swait.ge [sflag:s30], $0x4000  }
0x131: {  	[sflag:s30] =	ssyncset.done $0x0  }
0x132: {  	[sflag:s30] =	ssyncadd.s32 $0xFFFFC000  }
0x133: {  	[spmem:s11] =	stream.linear.scatter [tilespmem:s29], [sflag:$0x1], $0x4000, $0x38;
	[tilespmem:$0x12080] =	vst v63  }
0x134: {  	_ =	swait.ge [sflag:s30], $0x4000  }
0x135: {  	[sflag:s30] =	ssyncset.done $0x0  }
0x136: {  	[sflag:s30] =	ssyncadd.s32 $0xFFFFC000  }
0x137: {  	[spmem:s12] =	stream.linear.scatter [tilespmem:s29], [sflag:$0x1], $0x4000, $0x38;
	[tilespmem:$0x12080] =	vst v63  }
0x138: {  	_ =	swait.ge [sflag:s30], $0x4000  }
0x139: {  	[sflag:s30] =	ssyncset.done $0x0  }
0x13a: {  	[sflag:s30] =	ssyncadd.s32 $0xFFFFC000  }
0x13b: {  	[spmem:s13] =	stream.linear.scatter [tilespmem:s29], [sflag:$0x1], $0x4000, $0x38;
	[tilespmem:$0x12080] =	vst v63  }
0x13c: {  	_ =	swait.ge [sflag:s30], $0x4000  }
0x13d: {  	[sflag:s30] =	ssyncset.done $0x0  }
0x13e: {  	[sflag:s30] =	ssyncadd.s32 $0xFFFFC000  }
0x13f: {  	[spmem:s14] =	stream.linear.scatter [tilespmem:s29], [sflag:$0x1], $0x4000, $0x38;
	[tilespmem:$0x12080] =	vst v63  }
0x140: {  	_ =	swait.ge [sflag:s30], $0x4000  }
0x141: {  	[sflag:s30] =	ssyncset.done $0x0  }
0x142: {  	s18 =	simm.s32 $0xD080;
	s16 =	rddreg [dreg:$0x6];
	[sflag:s30] =	ssyncadd.s32 $0xFFFFC000  }
0x143: {  	[tilespmem:s18], [sflag:$0x1] =	stream.linear.gather [hbm4b:s16+s4], $0x2800, $0x38;
	[tilespmem:$0x12080] =	vst v63  }
0x144: {  	_ =	swait.ge [sflag:s30], $0x2800  }
0x145: {  	[sflag:s30] =	ssyncset.done $0x0  }
0x146: {  	s20 =	simm.s32 $0xF880;
	s18 =	rddreg [dreg:$0x7];
	[sflag:s30] =	ssyncadd.s32 $0xFFFFD800  }
0x147: {  	[tilespmem:s20], [sflag:$0x1] =	stream.linear.gather [hbm4b:s18+s4], $0x2800, $0x38;
	[tilespmem:$0x12080] =	vst v63  }
0x148: {  	_ =	swait.ge [sflag:s30], $0x2800  }
0x149: {  	[sflag:s30] =	ssyncset.done $0x0  }
0x14a: {  	[sflag:s30] =	ssyncadd.s32 $0xFFFFD800  }
0x14b: {  	s24 =	simm.s32 $0x0;
	[bflag:$0x0] =	sbarrier.arrive $0xFFFF  }
0x14c: {  	v2 =	vld [tilespmem:s24+$0xD080];
	_ =	sdelay $0x4  }
0x14d: {  	[tilespmem:$0x9000] =	vst v2  }
0x14e: {  	v2 =	vld [tilespmem:s24+$0xD090];
	_ =	sdelay $0x4  }
0x14f: {  	[tilespmem:$0x9010] =	vst v2  }
0x150: {  	v2 =	vld [tilespmem:s24+$0xD0A0];
	_ =	sdelay $0x4  }
0x151: {  	[tilespmem:$0x9020] =	vst v2  }
0x152: {  	v2 =	vld [tilespmem:s24+$0xD0B0];
	_ =	sdelay $0x4  }
0x153: {  	[tilespmem:$0x9030] =	vst v2  }
0x154: {  	v2 =	vld [tilespmem:s24+$0xD0C0];
	_ =	sdelay $0x4  }
0x155: {  	[tilespmem:$0x9040] =	vst v2  }
0x156: {  	v2 =	vld [tilespmem:s24+$0xD0D0];
	_ =	sdelay $0x4  }
0x157: {  	[tilespmem:$0x9050] =	vst v2  }
0x158: {  	v2 =	vld [tilespmem:s24+$0xD0E0];
	_ =	sdelay $0x4  }
0x159: {  	[tilespmem:$0x9060] =	vst v2  }
0x15a: {  	v2 =	vld [tilespmem:s24+$0xD0F0];
	_ =	sdelay $0x4  }
0x15b: {  	[tilespmem:$0x9070] =	vst v2  }
0x15c: {  	[spmem:s1] =	stream.indirect.scatter.add.f32 [tilespmem:s0], [sflag:$0x1], $0x10, s31, s2, $0xb8;
	[tilespmem:$0x12080] =	vst v63  }
0x15d: {  	_ =	swait.ge [sflag:s30], $0x800  }
0x15e: {  	[sflag:s30] =	ssyncset.done $0x0  }
0x15f: {  	[sflag:s30] =	ssyncadd.s32 $0xFFFFF800  }
0x160: {  	v2 =	vld [tilespmem:s24+$0xF880];
	_ =	sdelay $0x4  }
0x161: {  	[tilespmem:$0x9000] =	vst v2  }
0x162: {  	v2 =	vld [tilespmem:s24+$0xF890];
	_ =	sdelay $0x4  }
0x163: {  	[tilespmem:$0x9010] =	vst v2  }
0x164: {  	v2 =	vld [tilespmem:s24+$0xF8A0];
	_ =	sdelay $0x4  }
0x165: {  	[tilespmem:$0x9020] =	vst v2  }
0x166: {  	v2 =	vld [tilespmem:s24+$0xF8B0];
	_ =	sdelay $0x4  }
0x167: {  	[tilespmem:$0x9030] =	vst v2  }
0x168: {  	v2 =	vld [tilespmem:s24+$0xF8C0];
	_ =	sdelay $0x4  }
0x169: {  	[tilespmem:$0x9040] =	vst v2  }
0x16a: {  	v2 =	vld [tilespmem:s24+$0xF8D0];
	_ =	sdelay $0x4  }
0x16b: {  	[tilespmem:$0x9050] =	vst v2  }
0x16c: {  	v2 =	vld [tilespmem:s24+$0xF8E0];
	_ =	sdelay $0x4  }
0x16d: {  	[tilespmem:$0x9060] =	vst v2  }
0x16e: {  	v2 =	vld [tilespmem:s24+$0xF8F0];
	_ =	sdelay $0x4  }
0x16f: {  	[tilespmem:$0x9070] =	vst v2  }
0x170: {  	[spmem:s3] =	stream.indirect.scatter.add.f32 [tilespmem:s0], [sflag:$0x1], $0x10, s31, s2, $0xb8;
	[tilespmem:$0x12080] =	vst v63  }
0x171: {  	_ =	swait.ge [sflag:s30], $0x800  }
0x172: {  	s16 =	simm.s32 $0x200;
	s18 =	simm.s32 $0x400;
	[sflag:s30] =	ssyncset.done $0x0  }
.LBB2_2:
0x173: {  	s20 =	sshra.s32 s16, $0x2  }
0x174: {  	[sflag:s30] =	ssyncadd.s32 $0xFFFFF800;
	s16 =	smov.u32 s18;
	s24 =	sadd.s32 $0x200, s18  }
0x175: {  	p0 =	sne.s32 s18, $0x9E00;
	v2 =	vld [tilespmem:s20+$0xD080];
	_ =	sdelay $0x4  }
0x176: {  	[tilespmem:$0x9000] =	vst v2  }
0x177: {  	v2 =	vld [tilespmem:s20+$0xD090];
	_ =	sdelay $0x4  }
0x178: {  	[tilespmem:$0x9010] =	vst v2  }
0x179: {  	v2 =	vld [tilespmem:s20+$0xD0A0];
	_ =	sdelay $0x4  }
0x17a: {  	[tilespmem:$0x9020] =	vst v2  }
0x17b: {  	v2 =	vld [tilespmem:s20+$0xD0B0];
	_ =	sdelay $0x4  }
0x17c: {  	[tilespmem:$0x9030] =	vst v2  }
0x17d: {  	v2 =	vld [tilespmem:s20+$0xD0C0];
	_ =	sdelay $0x4  }
0x17e: {  	[tilespmem:$0x9040] =	vst v2  }
0x17f: {  	v2 =	vld [tilespmem:s20+$0xD0D0];
	_ =	sdelay $0x4  }
0x180: {  	[tilespmem:$0x9050] =	vst v2  }
0x181: {  	v2 =	vld [tilespmem:s20+$0xD0E0];
	_ =	sdelay $0x4  }
0x182: {  	[tilespmem:$0x9060] =	vst v2  }
0x183: {  	v2 =	vld [tilespmem:s20+$0xD0F0];
	_ =	sdelay $0x4  }
0x184: {  	[tilespmem:$0x9070] =	vst v2  }
0x185: {  	[spmem:s1] =	stream.indirect.scatter.add.f32 [tilespmem:s0], [sflag:$0x1], $0x10, s31, s2, $0xb8;
	[tilespmem:$0x12080] =	vst v63  }
0x186: {  	_ =	swait.ge [sflag:s30], $0x800  }
0x187: {  	[sflag:s30] =	ssyncset.done $0x0  }
0x188: {  	[sflag:s30] =	ssyncadd.s32 $0xFFFFF800  }
0x189: {  	v2 =	vld [tilespmem:s20+$0xF880];
	_ =	sdelay $0x4  }
0x18a: {  	[tilespmem:$0x9000] =	vst v2  }
0x18b: {  	v2 =	vld [tilespmem:s20+$0xF890];
	_ =	sdelay $0x4  }
0x18c: {  	[tilespmem:$0x9010] =	vst v2  }
0x18d: {  	v2 =	vld [tilespmem:s20+$0xF8A0];
	_ =	sdelay $0x4  }
0x18e: {  	[tilespmem:$0x9020] =	vst v2  }
0x18f: {  	v2 =	vld [tilespmem:s20+$0xF8B0];
	_ =	sdelay $0x4  }
0x190: {  	[tilespmem:$0x9030] =	vst v2  }
0x191: {  	v2 =	vld [tilespmem:s20+$0xF8C0];
	_ =	sdelay $0x4  }
0x192: {  	[tilespmem:$0x9040] =	vst v2  }
0x193: {  	v2 =	vld [tilespmem:s20+$0xF8D0];
	_ =	sdelay $0x4  }
0x194: {  	[tilespmem:$0x9050] =	vst v2  }
0x195: {  	v2 =	vld [tilespmem:s20+$0xF8E0];
	_ =	sdelay $0x4  }
0x196: {  	[tilespmem:$0x9060] =	vst v2  }
0x197: {  	v2 =	vld [tilespmem:s20+$0xF8F0];
	_ =	sdelay $0x3  }
.Ltmp0:
0x198: {  	(pc) =	sbr.rel @p0 .LBB2_2-.Ltmp0, $4  }
0x199: {  	[tilespmem:$0x9070] =	vst v2  }
0x19a: {  	[spmem:s3] =	stream.indirect.scatter.add.f32 [tilespmem:s0], [sflag:$0x1], $0x10, s31, s2, $0xb8;
	[tilespmem:$0x12080] =	vst v63  }
0x19b: {  	_ =	swait.ge [sflag:s30], $0x800  }
0x19c: {  	s18 =	smov.u32 s24;
	[sflag:s30] =	ssyncset.done $0x0  }
0x19d: {  	s16 =	sshra.s32 s16, $0x2;
	[sflag:s30] =	ssyncadd.s32 $0xFFFFF800  }
0x19e: {  	v2 =	vld [tilespmem:s16+$0xD080];
	_ =	sdelay $0x4  }
0x19f: {  	[tilespmem:$0x9000] =	vst v2  }
0x1a0: {  	v2 =	vld [tilespmem:s16+$0xD090];
	_ =	sdelay $0x4  }
0x1a1: {  	[tilespmem:$0x9010] =	vst v2  }
0x1a2: {  	v2 =	vld [tilespmem:s16+$0xD0A0];
	_ =	sdelay $0x4  }
0x1a3: {  	[tilespmem:$0x9020] =	vst v2  }
0x1a4: {  	v2 =	vld [tilespmem:s16+$0xD0B0];
	_ =	sdelay $0x4  }
0x1a5: {  	[tilespmem:$0x9030] =	vst v2  }
0x1a6: {  	v2 =	vld [tilespmem:s16+$0xD0C0];
	_ =	sdelay $0x4  }
0x1a7: {  	[tilespmem:$0x9040] =	vst v2  }
0x1a8: {  	v2 =	vld [tilespmem:s16+$0xD0D0];
	_ =	sdelay $0x4  }
0x1a9: {  	[tilespmem:$0x9050] =	vst v2  }
0x1aa: {  	v2 =	vld [tilespmem:s16+$0xD0E0];
	_ =	sdelay $0x4  }
0x1ab: {  	[tilespmem:$0x9060] =	vst v2  }
0x1ac: {  	v2 =	vld [tilespmem:s16+$0xD0F0];
	_ =	sdelay $0x4  }
0x1ad: {  	[tilespmem:$0x9070] =	vst v2  }
0x1ae: {  	[spmem:s1] =	stream.indirect.scatter.add.f32 [tilespmem:s0], [sflag:$0x1], $0x10, s31, s2, $0xb8;
	[tilespmem:$0x12080] =	vst v63  }
0x1af: {  	_ =	swait.ge [sflag:s30], $0x800  }
0x1b0: {  	[sflag:s30] =	ssyncset.done $0x0  }
0x1b1: {  	[sflag:s30] =	ssyncadd.s32 $0xFFFFF800  }
0x1b2: {  	v2 =	vld [tilespmem:s16+$0xF880];
	_ =	sdelay $0x4  }
0x1b3: {  	[tilespmem:$0x9000] =	vst v2  }
0x1b4: {  	v2 =	vld [tilespmem:s16+$0xF890];
	_ =	sdelay $0x4  }
0x1b5: {  	[tilespmem:$0x9010] =	vst v2  }
0x1b6: {  	v2 =	vld [tilespmem:s16+$0xF8A0];
	_ =	sdelay $0x4  }
0x1b7: {  	[tilespmem:$0x9020] =	vst v2  }
0x1b8: {  	v2 =	vld [tilespmem:s16+$0xF8B0];
	_ =	sdelay $0x4  }
0x1b9: {  	[tilespmem:$0x9030] =	vst v2  }
0x1ba: {  	v2 =	vld [tilespmem:s16+$0xF8C0];
	_ =	sdelay $0x4  }
0x1bb: {  	[tilespmem:$0x9040] =	vst v2  }
0x1bc: {  	v2 =	vld [tilespmem:s16+$0xF8D0];
	_ =	sdelay $0x4  }
0x1bd: {  	[tilespmem:$0x9050] =	vst v2  }
0x1be: {  	v2 =	vld [tilespmem:s16+$0xF8E0];
	_ =	sdelay $0x4  }
0x1bf: {  	[tilespmem:$0x9060] =	vst v2  }
0x1c0: {  	v2 =	vld [tilespmem:s16+$0xF8F0];
	_ =	sdelay $0x4  }
0x1c1: {  	[tilespmem:$0x9070] =	vst v2  }
0x1c2: {  	[spmem:s3] =	stream.indirect.scatter.add.f32 [tilespmem:s0], [sflag:$0x1], $0x10, s31, s2, $0xb8;
	[tilespmem:$0x12080] =	vst v63  }
0x1c3: {  	_ =	swait.ge [sflag:s30], $0x800  }
0x1c4: {  	[sflag:s30] =	ssyncset.done $0x0  }
0x1c5: {  	[sflag:s30] =	ssyncadd.s32 $0xFFFFF800  }
0x1c6: {  	[bflag:$0x0] =	sbarrier.arrive $0xFFFF  }
0x1c7: {  	[tilespmem:s29], [sflag:$0x1] =	stream.linear.gather [spmem:s5], $0x4000, $0x38;
	[tilespmem:$0x12080] =	vst v63  }
0x1c8: {  	_ =	swait.ge [sflag:s30], $0x4000  }
0x1c9: {  	[sflag:s30] =	ssyncset.done $0x0  }
0x1ca: {  	[sflag:s30] =	ssyncadd.s32 $0xFFFFC000  }
0x1cb: {  	[hbm4b:s17+s4] =	stream.linear.scatter [tilespmem:s29], [sflag:$0x1], $0x4000, $0x38;
	[tilespmem:$0x12080] =	vst v63  }
0x1cc: {  	_ =	swait.ge [sflag:s30], $0x4000  }
0x1cd: {  	[sflag:s30] =	ssyncset.done $0x0  }
0x1ce: {  	[sflag:s30] =	ssyncadd.s32 $0xFFFFC000  }
0x1cf: {  	[tilespmem:s29], [sflag:$0x1] =	stream.linear.gather [spmem:s6], $0x4000, $0x38;
	[tilespmem:$0x12080] =	vst v63  }
0x1d0: {  	_ =	swait.ge [sflag:s30], $0x4000  }
0x1d1: {  	[sflag:s30] =	ssyncset.done $0x0  }
0x1d2: {  	s18 =	rddreg [dreg:$0x8];
	[sflag:s30] =	ssyncadd.s32 $0xFFFFC000  }
0x1d3: {  	[hbm4b:s18+s4] =	stream.linear.scatter [tilespmem:s29], [sflag:$0x1], $0x4000, $0x38;
	[tilespmem:$0x12080] =	vst v63  }
0x1d4: {  	_ =	swait.ge [sflag:s30], $0x4000  }
0x1d5: {  	[sflag:s30] =	ssyncset.done $0x0  }
0x1d6: {  	[sflag:s30] =	ssyncadd.s32 $0xFFFFC000  }
0x1d7: {  	[tilespmem:s29], [sflag:$0x1] =	stream.linear.gather [spmem:s7], $0x4000, $0x38;
	[tilespmem:$0x12080] =	vst v63  }
0x1d8: {  	_ =	swait.ge [sflag:s30], $0x4000  }
0x1d9: {  	[sflag:s30] =	ssyncset.done $0x0  }
0x1da: {  	[sflag:s30] =	ssyncadd.s32 $0xFFFFC000  }
0x1db: {  	[hbm4b:s19+s4] =	stream.linear.scatter [tilespmem:s29], [sflag:$0x1], $0x4000, $0x38;
	[tilespmem:$0x12080] =	vst v63  }
0x1dc: {  	_ =	swait.ge [sflag:s30], $0x4000  }
0x1dd: {  	[sflag:s30] =	ssyncset.done $0x0  }
0x1de: {  	[sflag:s30] =	ssyncadd.s32 $0xFFFFC000  }
0x1df: {  	[tilespmem:s29], [sflag:$0x1] =	stream.linear.gather [spmem:s8], $0x4000, $0x38;
	[tilespmem:$0x12080] =	vst v63  }
0x1e0: {  	_ =	swait.ge [sflag:s30], $0x4000  }
0x1e1: {  	[sflag:s30] =	ssyncset.done $0x0  }
0x1e2: {  	s20 =	rddreg [dreg:$0x9];
	[sflag:s30] =	ssyncadd.s32 $0xFFFFC000  }
0x1e3: {  	[hbm4b:s20+s4] =	stream.linear.scatter [tilespmem:s29], [sflag:$0x1], $0x4000, $0x38;
	[tilespmem:$0x12080] =	vst v63  }
0x1e4: {  	_ =	swait.ge [sflag:s30], $0x4000  }
0x1e5: {  	[sflag:s30] =	ssyncset.done $0x0  }
0x1e6: {  	[sflag:s30] =	ssyncadd.s32 $0xFFFFC000  }
0x1e7: {  	[tilespmem:s29], [sflag:$0x1] =	stream.linear.gather [spmem:s9], $0x4000, $0x38;
	[tilespmem:$0x12080] =	vst v63  }
0x1e8: {  	_ =	swait.ge [sflag:s30], $0x4000  }
0x1e9: {  	[sflag:s30] =	ssyncset.done $0x0  }
0x1ea: {  	[sflag:s30] =	ssyncadd.s32 $0xFFFFC000  }
0x1eb: {  	[hbm4b:s21+s4] =	stream.linear.scatter [tilespmem:s29], [sflag:$0x1], $0x4000, $0x38;
	[tilespmem:$0x12080] =	vst v63  }
0x1ec: {  	_ =	swait.ge [sflag:s30], $0x4000  }
0x1ed: {  	[sflag:s30] =	ssyncset.done $0x0  }
0x1ee: {  	[sflag:s30] =	ssyncadd.s32 $0xFFFFC000  }
0x1ef: {  	[tilespmem:s29], [sflag:$0x1] =	stream.linear.gather [spmem:s10], $0x4000, $0x38;
	[tilespmem:$0x12080] =	vst v63  }
0x1f0: {  	_ =	swait.ge [sflag:s30], $0x4000  }
0x1f1: {  	[sflag:s30] =	ssyncset.done $0x0  }
0x1f2: {  	s24 =	rddreg [dreg:$0xa];
	[sflag:s30] =	ssyncadd.s32 $0xFFFFC000  }
0x1f3: {  	[hbm4b:s24+s4] =	stream.linear.scatter [tilespmem:s29], [sflag:$0x1], $0x4000, $0x38;
	[tilespmem:$0x12080] =	vst v63  }
0x1f4: {  	_ =	swait.ge [sflag:s30], $0x4000  }
0x1f5: {  	[sflag:s30] =	ssyncset.done $0x0  }
0x1f6: {  	[sflag:s30] =	ssyncadd.s32 $0xFFFFC000  }
0x1f7: {  	[tilespmem:s29], [sflag:$0x1] =	stream.linear.gather [spmem:s11], $0x4000, $0x38;
	[tilespmem:$0x12080] =	vst v63  }
0x1f8: {  	_ =	swait.ge [sflag:s30], $0x4000  }
0x1f9: {  	[sflag:s30] =	ssyncset.done $0x0  }
0x1fa: {  	[sflag:s30] =	ssyncadd.s32 $0xFFFFC000  }
0x1fb: {  	[hbm4b:s22+s4] =	stream.linear.scatter [tilespmem:s29], [sflag:$0x1], $0x4000, $0x38;
	[tilespmem:$0x12080] =	vst v63  }
0x1fc: {  	_ =	swait.ge [sflag:s30], $0x4000  }
0x1fd: {  	[sflag:s30] =	ssyncset.done $0x0  }
0x1fe: {  	[sflag:s30] =	ssyncadd.s32 $0xFFFFC000  }
0x1ff: {  	[tilespmem:s29], [sflag:$0x1] =	stream.linear.gather [spmem:s12], $0x4000, $0x38;
	[tilespmem:$0x12080] =	vst v63  }
0x200: {  	_ =	swait.ge [sflag:s30], $0x4000  }
0x201: {  	[sflag:s30] =	ssyncset.done $0x0  }
0x202: {  	[sflag:s30] =	ssyncadd.s32 $0xFFFFC000  }
0x203: {  	[hbm4b:s26+s4] =	stream.linear.scatter [tilespmem:s29], [sflag:$0x1], $0x4000, $0x38;
	[tilespmem:$0x12080] =	vst v63  }
0x204: {  	_ =	swait.ge [sflag:s30], $0x4000  }
0x205: {  	[sflag:s30] =	ssyncset.done $0x0  }
0x206: {  	[sflag:s30] =	ssyncadd.s32 $0xFFFFC000  }
0x207: {  	[tilespmem:s29], [sflag:$0x1] =	stream.linear.gather [spmem:s13], $0x4000, $0x38;
	[tilespmem:$0x12080] =	vst v63  }
0x208: {  	_ =	swait.ge [sflag:s30], $0x4000  }
0x209: {  	[sflag:s30] =	ssyncset.done $0x0  }
0x20a: {  	[sflag:s30] =	ssyncadd.s32 $0xFFFFC000  }
0x20b: {  	[hbm4b:s23+s4] =	stream.linear.scatter [tilespmem:s29], [sflag:$0x1], $0x4000, $0x38;
	[tilespmem:$0x12080] =	vst v63  }
0x20c: {  	_ =	swait.ge [sflag:s30], $0x4000  }
0x20d: {  	[sflag:s30] =	ssyncset.done $0x0  }
0x20e: {  	[sflag:s30] =	ssyncadd.s32 $0xFFFFC000  }
0x20f: {  	[tilespmem:s29], [sflag:$0x1] =	stream.linear.gather [spmem:s14], $0x4000, $0x38;
	[tilespmem:$0x12080] =	vst v63  }
0x210: {  	s15 =	sadd.s32 $0x1, s15;
	_ =	swait.ge [sflag:s30], $0x4000  }
0x211: {  	p0 =	sne.s32 s15, s25;
	[sflag:s30] =	ssyncset.done $0x0  }
.Ltmp1:
0x212: {  	[sflag:s30] =	ssyncadd.s32 $0xFFFFC000;
	(pc) =	sbr.rel @p0 .LBB2_1-.Ltmp1, $4  }
0x213: {  	[hbm4b:s28+s4] =	stream.linear.scatter [tilespmem:s29], [sflag:$0x1], $0x4000, $0x38;
	[tilespmem:$0x12080] =	vst v63  }
0x214: {  	_ =	swait.ge [sflag:s30], $0x4000  }
0x215: {  	[sflag:s30] =	ssyncset.done $0x0  }
0x216: {  	[sflag:s30] =	ssyncadd.s32 $0xFFFFC000  }
0x217: {  	_ =	sfence.sel $0x180000  }
0x218: {  	[bflag:$0x0] =	sbarrier.arrive $0xFFFF  }
0x219: {  	_ =	strace $0x90000047  }
0x21a: {  	s0 =	stileid.u32;
	[bflag:$0x2] =	sbarrier.arrive $0xFFFF  }
0x21b: {  	p0 =	sne.s32 s0, $0x0;
	s0 =	rddreg [dreg:$0x5]  }
0x21c: {  	s0 =	sadd.s32 @!p0 $0x100000, s0  }
0x21d: {  	[sflag:s0] =	ssyncadd.tile.s32 @!p0 $0x1;
	_ =	shalt  }
.Lfunc_end2:
_tile_overlayer_lowered:
.L_overlay_start_2:
0x21e: {  	(tag) =	ssettag $0x2  }
0x21f: {  	s0 =	rddreg [dreg:$0x0];
	s2 =	stileid.u32  }
0x220: {  	s1 =	rddreg [dreg:$0x1];
	p0 =	sne.s32 s2, $0x0  }
0x221: {  	s3 =	rddreg [dreg:$0x2];
	[bflag:$0x3] =	sbarrier.arrive $0xFFFF;
	s2 =	simm.s32 @!p0 $0x1C01  }
0x222: {  	[timem:s3], [sflag:s2] =	dma.local @!p0 [hbm:s0], s1  }
0x223: {  	s0 =	simm.s32 @!p0 $0x1  }
0x224: {  	_ =	swait.ge @!p0 [sflag:s0], s1  }
0x225: {  	s1 =	ssub.s32 @!p0 $0x0, s1;
	[sflag:s0] =	ssyncset.done @!p0 $0x0  }
0x226: {  	[sflag:s0] =	ssyncadd.s32 @!p0 s1  }
0x227: {  	[bflag:$0x3] =	sbarrier.arrive $0xFFFF  }
0x228: {  	_ =	shalt  }

</sc_bundles>
